<compile_context>
chip_gen: v7x
topology: tpu7x:2x2x1
jax: 0.10.2.dev20260603
libtpu: 0.0.44.dev20260713+nightly
codegen_flags: <defaults>
</compile_context>

<pallas_src>
import functools

import jax
import jax.numpy as jnp
from jax import lax
from jax.experimental import pallas as pl
from jax.experimental.pallas import tpu as pltpu
from jax.experimental.pallas import tpu_sc as plsc

_N = 10000
_E = 320000
_D = 128
_DOUT = 64
_G = 64
_L = 64

_NC = 2
_NS = 16
_NW = _NC * _NS
_EPW = _E // _NW
_K = 80
_CH = _EPW // _K
_WIN = 25
_NWIN = _CH // _WIN
_KD = 125
_CHD = _EPW // _KD
_NP = 10240
_RPT = _NP // _NS
_ZR = 32



def _zero_zbuf(zbuf, width):
  zv = jnp.zeros((16,), jnp.float32)
  def body(i, _):
    r = i // (width // 16)
    l = i % (width // 16)
    zbuf[r, pl.ds(l * 16, 16)] = zv
    return 0
  lax.fori_loop(0, _ZR * (width // 16), body, 0)


def _zero_acc_slice(acc, zbuf, tile):
  def body(j, _):
    pltpu.sync_copy(zbuf, acc.at[pl.ds(tile * _RPT + j * _ZR, _ZR)])
    return 0
  lax.fori_loop(0, _RPT // _ZR, body, 0)


def _sc_deg_kernel(e3_hbm, ones_hbm, out_hbm, dst_v, ones_v, slice_v, acc,
                   sem):
  c = lax.axis_index("c")
  s = lax.axis_index("s")
  w = s * _NC + c
  pltpu.sync_copy(e3_hbm.at[1, w], dst_v)
  pltpu.sync_copy(ones_hbm, ones_v)
  zv = jnp.zeros((16,), jnp.float32)
  def zb(j, _):
    slice_v[pl.ds(j * 16, 16)] = zv
    return 0
  lax.fori_loop(0, _RPT // 16, zb, 0)
  pltpu.sync_copy(slice_v, acc.at[pl.ds(s * _RPT, _RPT)])
  plsc.subcore_barrier()
  def edge(i, _):
    pltpu.async_copy(ones_v, acc.at[dst_v.at[i]], sem, add=True)
    return 0
  lax.fori_loop(0, _CHD, edge, 0)
  def drain(i, _):
    pltpu.make_async_copy(ones_v, acc.at[dst_v.at[i]], sem).wait()
    return 0
  lax.fori_loop(0, _CHD, drain, 0)
  plsc.subcore_barrier()
  pltpu.sync_copy(acc.at[pl.ds(s * _RPT, _RPT)],
                  out_hbm.at[pl.ds(c * _NP + s * _RPT, _RPT)])


def _sc_agg_kernel(h_hbm, e4_hbm, out_hbm,
                   src_v, dst_v, rows0, rows1, rows2, rows3, acc,
                   sem0, sem1, sem2, sem3, ssem0, ssem1, ssem2, ssem3):
  c = lax.axis_index("c")
  s = lax.axis_index("s")
  w = s * _NC + c
  zv = jnp.zeros((16,), jnp.float32)
  def zb(i, _):
    rows0[i // 8, pl.ds((i % 8) * 16, 16)] = zv
    return 0
  lax.fori_loop(0, _K * 8, zb, 0)
  def za(j, _):
    pltpu.async_copy(rows0, acc.at[pl.ds(s * _RPT + j * _K, _K)], sem0)
    return 0
  lax.fori_loop(0, _RPT // _K, za, 0)
  def zd(j, _):
    pltpu.make_async_copy(rows0, acc.at[pl.ds(s * _RPT + j * _K, _K)],
                          sem0).wait()
    return 0
  lax.fori_loop(0, _RPT // _K, zd, 0)
  plsc.subcore_barrier()
  bufs = (rows0, rows1, rows2, rows3)
  sems = (sem0, sem1, sem2, sem3)
  ssems = (ssem0, ssem1, ssem2, ssem3)

  def wait_sc(t, b):
    pltpu.make_async_copy(bufs[b], acc.at[dst_v.at[t]], ssems[b]).wait()

  def step(t, b, do_issue, pre_wait):
    if do_issue:
      bi = (b + 3) % 4
      if pre_wait:
        wait_sc(t - 1, bi)
      pltpu.async_copy(h_hbm.at[src_v.at[t + 3]], bufs[bi], sems[bi])
    pltpu.make_async_copy(h_hbm.at[src_v.at[t]], bufs[b], sems[b]).wait()
    pltpu.async_copy(bufs[b], acc.at[dst_v.at[t]], ssems[b], add=True)

  def window(g, _):
    pltpu.sync_copy(e4_hbm.at[0, w, g], src_v)
    pltpu.sync_copy(e4_hbm.at[1, w, g], dst_v)
    pltpu.async_copy(h_hbm.at[src_v.at[0]], bufs[0], sems[0])
    pltpu.async_copy(h_hbm.at[src_v.at[1]], bufs[1], sems[1])
    pltpu.async_copy(h_hbm.at[src_v.at[2]], bufs[2], sems[2])
    step(0, 0, True, False)
    def body(j, _):
      base = 4 * j + 1
      for k in range(4):
        step(base + k, (1 + k) % 4, True, True)
      return 0
    lax.fori_loop(0, (_WIN - 5) // 4, body, 0)
    for t in range(_WIN - 4, _WIN):
      step(t, t % 4, t + 3 < _WIN, t + 3 < _WIN)
    for t in range(_WIN - 4, _WIN):
      wait_sc(t, t % 4)
    return 0
  lax.fori_loop(0, _NWIN, window, 0)
  plsc.subcore_barrier()
  pltpu.sync_copy(acc.at[pl.ds(s * _RPT, _RPT)],
                  out_hbm.at[c, pl.ds(s * _RPT, _RPT)])


@functools.cache
def _sc_calls():
  mesh = plsc.VectorSubcoreMesh(core_axis_name="c", subcore_axis_name="s",
                                num_cores=_NC, num_subcores=_NS)
  deg_call = pl.kernel(
      _sc_deg_kernel,
      out_type=jax.ShapeDtypeStruct((_NC * _NP,), jnp.float32),
      mesh=mesh,
      scratch_types=[
          pltpu.VMEM((_CHD, _KD), jnp.int32),
          pltpu.VMEM((_KD,), jnp.float32),
          pltpu.VMEM((_RPT,), jnp.float32),
          pltpu.VMEM_SHARED((_NP,), jnp.float32),
          pltpu.SemaphoreType.DMA,
      ],
  )
  agg_call = pl.kernel(
      _sc_agg_kernel,
      out_type=jax.ShapeDtypeStruct((_NC, _NP, _D), jnp.float32),
      mesh=mesh,
      scratch_types=[
          pltpu.VMEM((_WIN, _K), jnp.int32),
          pltpu.VMEM((_WIN, _K), jnp.int32),
          pltpu.VMEM((_K, _D), jnp.float32),
          pltpu.VMEM((_K, _D), jnp.float32),
          pltpu.VMEM((_K, _D), jnp.float32),
          pltpu.VMEM((_K, _D), jnp.float32),
          pltpu.VMEM_SHARED((_NP, _D), jnp.float32),
          pltpu.SemaphoreType.DMA,
          pltpu.SemaphoreType.DMA,
          pltpu.SemaphoreType.DMA,
          pltpu.SemaphoreType.DMA,
          pltpu.SemaphoreType.DMA,
          pltpu.SemaphoreType.DMA,
          pltpu.SemaphoreType.DMA,
          pltpu.SemaphoreType.DMA,
      ],
  )
  return deg_call, agg_call


_BN = 5000
_NB = _N // _BN


def _tc_b_kernel(x_ref, w1_ref, d0_ref, d1_ref, h1p_ref, dinv_ref):
  deg = d0_ref[0] + d1_ref[0] + 1.0
  dinv = lax.rsqrt(jnp.maximum(deg, 1.0))
  z1 = jnp.dot(x_ref[...], w1_ref[...], preferred_element_type=jnp.float32)
  h1p_ref[...] = z1 * dinv
  dinv_ref[...] = dinv


def _tc_d_kernel(p0_ref, p1_ref, h1p_ref, dinv_ref, b1_ref, w2_ref,
                 h2p_ref):
  dinv = dinv_ref[...]
  h1 = jnp.maximum(
      dinv * (p0_ref[0] + p1_ref[0] + h1p_ref[...]) + b1_ref[...], 0.0)
  z2 = jnp.dot(h1, w2_ref[...], preferred_element_type=jnp.float32)
  h2p_ref[...] = z2 * dinv


def _tc_f_kernel(p0_ref, p1_ref, h2p_ref, dinv_ref, b2_ref, wp_ref, bp_ref,
                 batch_ref, nli_ref, out_ref, acc_ref):
  i = pl.program_id(0)

  @pl.when(i == 0)
  def _():
    acc_ref[...] = jnp.zeros((_G, _D), jnp.float32)

  dinv = dinv_ref[...]
  h2 = jnp.maximum(
      dinv * (p0_ref[0] + p1_ref[0] + h2p_ref[...]) + b2_ref[...], 0.0)
  gids = lax.broadcasted_iota(jnp.int32, (_BN, _G), 1)
  onehot = (batch_ref[...] == gids).astype(jnp.float32)
  acc_ref[...] += lax.dot_general(
      onehot, h2, (((0,), (0,)), ((), ())),
      preferred_element_type=jnp.float32)

  @pl.when(i == _NB - 1)
  def _():
    pooled = acc_ref[...]
    feat = jnp.dot(pooled, wp_ref[...],
                   preferred_element_type=jnp.float32) + bp_ref[...]
    lids = lax.broadcasted_iota(jnp.int32, (_L, _G), 1)
    sel = (nli_ref[...] == lids).astype(jnp.float32)
    pred = jnp.dot(sel, feat, preferred_element_type=jnp.float32)
    m = jnp.max(pred, axis=1, keepdims=True)
    ex = jnp.exp(pred - m)
    lse = jnp.log(jnp.sum(ex, axis=1, keepdims=True)) + m
    out_ref[...] = pred - lse


def _row_block(width):
  return pl.BlockSpec((_BN, width), lambda i: (i, 0))


def _part_block(width, core):
  return pl.BlockSpec((1, _BN, width), lambda i, c=core: (c, i, 0))


def _full(shape):
  return pl.BlockSpec(shape, lambda i: tuple(0 for _ in shape))


_tc_b_call = pl.pallas_call(
    _tc_b_kernel,
    grid=(_NB,),
    in_specs=[_row_block(_D), _full((_D, _D)), _part_block(1, 0),
              _part_block(1, 1)],
    out_specs=[_row_block(_D), _row_block(1)],
    out_shape=[
        jax.ShapeDtypeStruct((_N, _D), jnp.float32),
        jax.ShapeDtypeStruct((_N, 1), jnp.float32),
    ],
)

_tc_d_call = pl.pallas_call(
    _tc_d_kernel,
    grid=(_NB,),
    in_specs=[_part_block(_D, 0), _part_block(_D, 1), _row_block(_D),
              _row_block(1), _full((1, _D)), _full((_D, _D))],
    out_specs=_row_block(_D),
    out_shape=jax.ShapeDtypeStruct((_N, _D), jnp.float32),
)

_tc_f_call = pl.pallas_call(
    _tc_f_kernel,
    grid=(_NB,),
    in_specs=[_part_block(_D, 0), _part_block(_D, 1), _row_block(_D),
              _row_block(1), _full((1, _D)), _full((_D, _DOUT)),
              _full((1, _DOUT)), _row_block(1), _full((_L, 1))],
    out_specs=_full((_L, _DOUT)),
    out_shape=jax.ShapeDtypeStruct((_L, _DOUT), jnp.float32),
    scratch_shapes=[pltpu.VMEM((_G, _D), jnp.float32)],
    compiler_params=pltpu.CompilerParams(
        dimension_semantics=("arbitrary",)),
)


@jax.jit
def kernel(x, edge_index, batch_vec, node_label_index, node_label,
           W1, b1, W2, b2, Wp, bp):
  deg_call, agg_call = _sc_calls()
  e3 = edge_index.reshape(2, _NW, _CHD, _KD)
  e4 = edge_index.reshape(2, _NW, _NWIN, _WIN, _K)

  degf = deg_call(e3, jnp.ones((_KD,), jnp.float32))
  degp = degf.reshape(_NC, _NP, 1)
  h1p, dinv = _tc_b_call(x, W1, degp, degp)

  p1 = agg_call(h1p, e4)
  h2p = _tc_d_call(p1, p1, h1p, dinv, b1.reshape(1, _D), W2)

  p2 = agg_call(h2p, e4)
  out = _tc_f_call(p2, p2, h2p, dinv, b2.reshape(1, _D),
                   Wp, bp.reshape(1, _DOUT),
                   batch_vec.reshape(_N, 1),
                   node_label_index.reshape(_L, 1))
  return (out, node_label)

# --- scband reference (transcript-rebuilt; emitter-appended) ---
"""Pipeline reference for scband-example-gnn-91319594647808 (READ-ONLY COPY).

The authoritative reference and input builder live on the scoring server;
editing this copy changes nothing except your own understanding.
"""

import jax, jax.numpy as jnp
import numpy as np

N = 10000
E = 320000
D_IN = 128
D_OUT = 64
G = 64
L = 64


def setup_inputs(seed: int = 0) -> dict:
    key = jax.random.key(seed)
    ks = jax.random.split(key, 12)
    x = jax.random.normal(ks[0], (N, D_IN), dtype=jnp.float32)
    edge_index = jax.random.randint(ks[1], (2, E), 0, N, dtype=jnp.int32)
    batch_vec = jnp.sort(jax.random.randint(ks[2], (N,), 0, G, dtype=jnp.int32))
    node_label_index = jax.random.randint(ks[3], (L,), 0, G, dtype=jnp.int32)
    node_label = jax.random.randint(ks[4], (L,), 0, D_OUT, dtype=jnp.int32)
    s = 1.0 / np.sqrt(D_IN)
    W1 = jax.random.normal(ks[5], (D_IN, D_IN), dtype=jnp.float32) * s
    b1 = jnp.zeros((D_IN,), dtype=jnp.float32)
    W2 = jax.random.normal(ks[6], (D_IN, D_IN), dtype=jnp.float32) * s
    b2 = jnp.zeros((D_IN,), dtype=jnp.float32)
    Wp = jax.random.normal(ks[7], (D_IN, D_OUT), dtype=jnp.float32) * s
    bp = jnp.zeros((D_OUT,), dtype=jnp.float32)
    return {"x": x, "edge_index": edge_index, "batch_vec": batch_vec,
            "node_label_index": node_label_index, "node_label": node_label,
            "W1": W1, "b1": b1, "W2": W2, "b2": b2, "Wp": Wp, "bp": bp}


def _gcn_conv(x, edge_index, W, b):
    # GCNConv with symmetric normalization and self loops:
    # out = D^{-1/2} (A + I) D^{-1/2} X W + b
    loop = jnp.arange(N, dtype=edge_index.dtype)
    src = jnp.concatenate([edge_index[0], loop])
    dst = jnp.concatenate([edge_index[1], loop])
    deg = jax.ops.segment_sum(jnp.ones_like(src, dtype=x.dtype), dst, num_segments=N)
    dinv = jax.lax.rsqrt(jnp.clip(deg, 1.0, None))
    norm = dinv[src] * dinv[dst]
    h = x @ W
    msg = h[src] * norm[:, None]
    out = jax.ops.segment_sum(msg, dst, num_segments=N)
    return out + b


def reference(x, edge_index, batch_vec, node_label_index, node_label,
              W1, b1, W2, b2, Wp, bp):
    h = jax.nn.relu(_gcn_conv(x, edge_index, W1, b1))
    # dropout is identity in eval mode
    h = jax.nn.relu(_gcn_conv(h, edge_index, W2, b2))
    # global_add_pool over graph-membership ids
    pooled = jax.ops.segment_sum(h, batch_vec, num_segments=G)
    # post-MP head MLP (single linear layer, layers_post_mp=1)
    feat = pooled @ Wp + bp
    # _apply_index: node_label_index.shape[0] == node_label.shape[0] -> first branch
    pred = feat[node_label_index]
    label = node_label
    out = jax.nn.log_softmax(pred, axis=1)
    return (out, label)

if __name__ == "__main__":
    import jax
    _d = setup_inputs()
    print(jax.jit(kernel)(*tuple(_d.values())))

</pallas_src>

<mosaic_0001>
#map = affine_map<(d0, d1) -> (0, 0)>
#map1 = affine_map<(d0, d1) -> (0, 0, 0, 0, 0)>
#map2 = affine_map<(d0, d1) -> (0, 0, 0)>
module attributes {stable_mosaic.version = 14 : i64} {
  func.func @_sc_agg_kernel(%arg0: i32, %arg1: i32, %arg2: memref<10000x128xf32, #tpu.memory_space<hbm>>, %arg3: memref<2x32x5x25x80xi32, #tpu.memory_space<hbm>>, %arg4: memref<2x10240x128xf32, #tpu.memory_space<hbm>>, %arg5: memref<25x80xi32, #tpu.memory_space<vmem>>, %arg6: memref<25x80xi32, #tpu.memory_space<vmem>>, %arg7: memref<80x128xf32, #tpu.memory_space<vmem>>, %arg8: memref<80x128xf32, #tpu.memory_space<vmem>>, %arg9: memref<80x128xf32, #tpu.memory_space<vmem>>, %arg10: memref<80x128xf32, #tpu.memory_space<vmem>>, %arg11: memref<10240x128xf32, #tpu.memory_space<vmem_shared>>, %arg12: memref<!tpu.dma_semaphore, #tpu.memory_space<semaphore_mem>>, %arg13: memref<!tpu.dma_semaphore, #tpu.memory_space<semaphore_mem>>, %arg14: memref<!tpu.dma_semaphore, #tpu.memory_space<semaphore_mem>>, %arg15: memref<!tpu.dma_semaphore, #tpu.memory_space<semaphore_mem>>, %arg16: memref<!tpu.dma_semaphore, #tpu.memory_space<semaphore_mem>>, %arg17: memref<!tpu.dma_semaphore, #tpu.memory_space<semaphore_mem>>, %arg18: memref<!tpu.dma_semaphore, #tpu.memory_space<semaphore_mem>>, %arg19: memref<!tpu.dma_semaphore, #tpu.memory_space<semaphore_mem>>) attributes {dimension_semantics = [#tpu.dimension_semantics<core_parallel>, #tpu.dimension_semantics<subcore_parallel>], iteration_bounds = array<i64: 2, 16>, scalar_prefetch = 0 : i64, scratch_operands = 15 : i64, tpu.core_type = #tpu.core_type<sc_vector_subcore>, window_params = [{transform_indices = #map}, {transform_indices = #map1}, {transform_indices = #map2}]} {
    %mul3A = arith.constant 2 : i32
    %mul3A_0 = arith.muli %arg1, %mul3A : i32
    %add3A = arith.addi %mul3A_0, %arg0 : i32
    %broadcast_in_dim3A = arith.constant 0.000000e+00 : f32
    %broadcast_in_dim3A_1 = vector.broadcast %broadcast_in_dim3A : f32 to vector<16xf32>
    %scan3A = arith.constant 0 : i32
    %scan3A_2 = arith.constant 0 : i32
    %scan3A_3 = arith.constant 640 : i32
    %scan3A_4 = arith.addi %scan3A_2, %scan3A_3 : i32
    %scan3A_5 = arith.constant 1 : i32
    %scan3A_6 = scf.for %scan3A_34 = %scan3A_2 to %scan3A_4 step %scan3A_5 iter_args(%scan3A_35 = %scan3A) -> (i32)  : i32 {
      %jit3A = arith.constant 8 : i32
      %div3A = arith.divsi %scan3A_34, %jit3A : i32
      %sign3A = arith.constant 0 : i32
      %sign3A_36 = arith.cmpi sgt, %scan3A_34, %sign3A : i32
      %sign3A_37 = arith.extui %sign3A_36 : i1 to i32
      %sign3A_38 = arith.constant 0 : i32
      %sign3A_39 = arith.cmpi slt, %scan3A_34, %sign3A_38 : i32
      %sign3A_40 = arith.extui %sign3A_39 : i1 to i32
      %sign3A_41 = arith.subi %sign3A_37, %sign3A_40 : i32
      %sign3A_42 = arith.constant 0 : i32
      %sign3A_43 = arith.cmpi sgt, %jit3A, %sign3A_42 : i32
      %sign3A_44 = arith.extui %sign3A_43 : i1 to i32
      %sign3A_45 = arith.constant 0 : i32
      %sign3A_46 = arith.cmpi slt, %jit3A, %sign3A_45 : i32
      %sign3A_47 = arith.extui %sign3A_46 : i1 to i32
      %sign3A_48 = arith.subi %sign3A_44, %sign3A_47 : i32
      %ne3A = arith.cmpi ne, %sign3A_41, %sign3A_48 : i32
      %rem3A = arith.remsi %scan3A_34, %jit3A : i32
      %ne3A_49 = arith.constant 0 : i32
      %ne3A_50 = arith.cmpi ne, %rem3A, %ne3A_49 : i32
      %and3A = arith.andi %ne3A, %ne3A_50 : i1
      %sub3A = arith.constant 1 : i32
      %sub3A_51 = arith.subi %div3A, %sub3A : i32
      %select_n3A = arith.select %and3A, %sub3A_51, %div3A : i32
      %jit3A_52 = arith.constant 8 : i32
      %eq3A = arith.constant 0 : i32
      %eq3A_53 = arith.cmpi eq, %jit3A_52, %eq3A : i32
      %jit3A_54 = arith.constant 1 : i32
      %select_n3A_55 = arith.select %eq3A_53, %jit3A_54, %jit3A_52 : i32
      %rem3A_56 = arith.remsi %scan3A_34, %select_n3A_55 : i32
      %ne3A_57 = arith.constant 0 : i32
      %ne3A_58 = arith.cmpi ne, %rem3A_56, %ne3A_57 : i32
      %lt3A = arith.constant 0 : i32
      %lt3A_59 = arith.cmpi slt, %rem3A_56, %lt3A : i32
      %lt3A_60 = arith.constant 0 : i32
      %lt3A_61 = arith.cmpi slt, %select_n3A_55, %lt3A_60 : i32
      %ne3A_62 = arith.xori %lt3A_59, %lt3A_61 : i1
      %and3A_63 = arith.andi %ne3A_62, %ne3A_58 : i1
      %add3A_64 = arith.addi %rem3A_56, %select_n3A_55 : i32
      %select_n3A_65 = arith.select %and3A_63, %add3A_64, %rem3A_56 : i32
      %mul3A_66 = arith.constant 16 : i32
      %mul3A_67 = arith.muli %select_n3A_65, %mul3A_66 : i32
      %swap3A = arith.index_cast %select_n3A : i32 to index
      %swap3A_68 = arith.index_cast %mul3A_67 : i32 to index
      %swap3A_69 = tpu.vector_load %arg7[%swap3A, %swap3A_68] {strides = array<i32>} : memref<80x128xf32, #tpu.memory_space<vmem>>, vector<1x16xf32>,
      %swap3A_70 = vector.shape_cast %swap3A_69 : vector<1x16xf32> to vector<16xf32>
      %swap3A_71 = vector.shape_cast %broadcast_in_dim3A_1 : vector<16xf32> to vector<1x16xf32>
      tpu.vector_store %arg7[%swap3A, %swap3A_68], %swap3A_71 {strides = array<i32>} : memref<80x128xf32, #tpu.memory_space<vmem>>, vector<1x16xf32>,
      %scan3A_72 = arith.constant 0 : i32
      scf.yield %scan3A_72 : i32
    }
    %scan3A_7 = arith.constant 640 : i32
    %scan3A_8 = arith.constant 0 : i32
    %scan3A_9 = arith.constant 0 : i32
    %scan3A_10 = arith.constant 8 : i32
    %scan3A_11 = arith.addi %scan3A_9, %scan3A_10 : i32
    %scan3A_12 = arith.constant 1 : i32
    %scan3A_13 = scf.for %scan3A_34 = %scan3A_9 to %scan3A_11 step %scan3A_12 iter_args(%scan3A_35 = %scan3A_8) -> (i32)  : i32 {
      %mul3A_36 = arith.constant 640 : i32
      %mul3A_37 = arith.muli %arg1, %mul3A_36 : i32
      %mul3A_38 = arith.constant 80 : i32
      %mul3A_39 = arith.muli %scan3A_34, %mul3A_38 : i32
      %add3A_40 = arith.addi %mul3A_37, %mul3A_39 : i32
      %dma_start3A = arith.constant 0 : i32
      %dma_start3A_41 = tpu.memref_slice %arg11[%add3A_40, %dma_start3A] : memref<10240x128xf32, #tpu.memory_space<vmem_shared>> -> memref<80x128xf32, #tpu.memory_space<vmem_shared>>
      %dma_start3A_42 = arith.constant 0 : i32
      %dma_start3A_43 = tpu.memref_slice %arg11[%add3A_40, %dma_start3A_42] : memref<10240x128xf32, #tpu.memory_space<vmem_shared>> -> memref<80x128xf32, #tpu.memory_space<vmem_shared>>
      tpu.enqueue_dma source(%arg7 : memref<80x128xf32, #tpu.memory_space<vmem>>) target(%dma_start3A_43 : memref<80x128xf32, #tpu.memory_space<vmem_shared>>) target_semaphore(%arg12 : memref<!tpu.dma_semaphore, #tpu.memory_space<semaphore_mem>>)
      %scan3A_44 = arith.constant 0 : i32
      scf.yield %scan3A_44 : i32
    }
    %scan3A_14 = arith.constant 8 : i32
    %scan3A_15 = arith.constant 0 : i32
    %scan3A_16 = arith.constant 0 : i32
    %scan3A_17 = arith.constant 8 : i32
    %scan3A_18 = arith.addi %scan3A_16, %scan3A_17 : i32
    %scan3A_19 = arith.constant 1 : i32
    %scan3A_20 = scf.for %scan3A_34 = %scan3A_16 to %scan3A_18 step %scan3A_19 iter_args(%scan3A_35 = %scan3A_15) -> (i32)  : i32 {
      %mul3A_36 = arith.constant 640 : i32
      %mul3A_37 = arith.muli %arg1, %mul3A_36 : i32
      %mul3A_38 = arith.constant 80 : i32
      %mul3A_39 = arith.muli %scan3A_34, %mul3A_38 : i32
      %add3A_40 = arith.addi %mul3A_37, %mul3A_39 : i32
      %dma_wait3A = arith.constant 0 : i32
      %dma_wait3A_41 = tpu.memref_slice %arg11[%add3A_40, %dma_wait3A] : memref<10240x128xf32, #tpu.memory_space<vmem_shared>> -> memref<80x128xf32, #tpu.memory_space<vmem_shared>>
      %dma_wait3A_42 = arith.constant 0 : i32
      %dma_wait3A_43 = tpu.memref_slice %arg11[%add3A_40, %dma_wait3A_42] : memref<10240x128xf32, #tpu.memory_space<vmem_shared>> -> memref<80x128xf32, #tpu.memory_space<vmem_shared>>
      tpu.wait_dma2 semaphore(%arg12 : memref<!tpu.dma_semaphore, #tpu.memory_space<semaphore_mem>>) src(%arg7 : memref<80x128xf32, #tpu.memory_space<vmem>>) dst(%dma_wait3A_43 : memref<80x128xf32, #tpu.memory_space<vmem_shared>>)
      %scan3A_44 = arith.constant 0 : i32
      scf.yield %scan3A_44 : i32
    }
    %scan3A_21 = arith.constant 8 : i32
    %barrier3A = arith.constant 0 : index
    tpu.barrier barrier_id(%barrier3A)
    %scan3A_22 = arith.constant 0 : i32
    %scan3A_23 = arith.constant 0 : i32
    %scan3A_24 = arith.constant 5 : i32
    %scan3A_25 = arith.addi %scan3A_23, %scan3A_24 : i32
    %scan3A_26 = arith.constant 1 : i32
    %scan3A_27 = scf.for %scan3A_34 = %scan3A_23 to %scan3A_25 step %scan3A_26 iter_args(%scan3A_35 = %scan3A_22) -> (i32)  : i32 {
      %run_scoped3A = arith.constant 0 : i32
      "tpu.region"() ({
        %run_scoped3A_183 = tpu.sem_alloc : memref<!tpu.dma_semaphore, #tpu.memory_space<semaphore_mem>>
        %dma_start3A_184 = arith.constant 0 : i32
        %dma_start3A_185 = arith.constant 0 : i32
        %dma_start3A_186 = tpu.memref_slice %arg3[%run_scoped3A, %add3A, %scan3A_34, %dma_start3A_184, %dma_start3A_185] : memref<2x32x5x25x80xi32, #tpu.memory_space<hbm>> -> memref<1x1x1x25x80xi32, #tpu.memory_space<hbm>>
        %dma_start3A_187 = tpu.memref_squeeze %dma_start3A_186 : memref<1x1x1x25x80xi32, #tpu.memory_space<hbm>> -> memref<25x80xi32, #tpu.memory_space<hbm>>
        %dma_start3A_188 = arith.constant 0 : i32
        %dma_start3A_189 = arith.constant 0 : i32
        %dma_start3A_190 = tpu.memref_slice %arg3[%run_scoped3A, %add3A, %scan3A_34, %dma_start3A_188, %dma_start3A_189] : memref<2x32x5x25x80xi32, #tpu.memory_space<hbm>> -> memref<1x1x1x25x80xi32, #tpu.memory_space<hbm>>
        %dma_start3A_191 = tpu.memref_squeeze %dma_start3A_190 : memref<1x1x1x25x80xi32, #tpu.memory_space<hbm>> -> memref<25x80xi32, #tpu.memory_space<hbm>>
        tpu.enqueue_dma source(%dma_start3A_191 : memref<25x80xi32, #tpu.memory_space<hbm>>) target(%arg5 : memref<25x80xi32, #tpu.memory_space<vmem>>) target_semaphore(%run_scoped3A_183 : memref<!tpu.dma_semaphore, #tpu.memory_space<semaphore_mem>>)
        %dma_wait3A_192 = arith.constant 0 : i32
        %dma_wait3A_193 = arith.constant 0 : i32
        %dma_wait3A_194 = tpu.memref_slice %arg3[%run_scoped3A, %add3A, %scan3A_34, %dma_wait3A_192, %dma_wait3A_193] : memref<2x32x5x25x80xi32, #tpu.memory_space<hbm>> -> memref<1x1x1x25x80xi32, #tpu.memory_space<hbm>>
        %dma_wait3A_195 = tpu.memref_squeeze %dma_wait3A_194 : memref<1x1x1x25x80xi32, #tpu.memory_space<hbm>> -> memref<25x80xi32, #tpu.memory_space<hbm>>
        %dma_wait3A_196 = arith.constant 0 : i32
        %dma_wait3A_197 = arith.constant 0 : i32
        %dma_wait3A_198 = tpu.memref_slice %arg3[%run_scoped3A, %add3A, %scan3A_34, %dma_wait3A_196, %dma_wait3A_197] : memref<2x32x5x25x80xi32, #tpu.memory_space<hbm>> -> memref<1x1x1x25x80xi32, #tpu.memory_space<hbm>>
        %dma_wait3A_199 = tpu.memref_squeeze %dma_wait3A_198 : memref<1x1x1x25x80xi32, #tpu.memory_space<hbm>> -> memref<25x80xi32, #tpu.memory_space<hbm>>
        tpu.wait_dma2 semaphore(%run_scoped3A_183 : memref<!tpu.dma_semaphore, #tpu.memory_space<semaphore_mem>>) src(%dma_wait3A_199 : memref<25x80xi32, #tpu.memory_space<hbm>>) dst(%arg5 : memref<25x80xi32, #tpu.memory_space<vmem>>)
        tpu.yield
      }) : () -> ()
      %run_scoped3A_36 = arith.constant 1 : i32
      "tpu.region"() ({
        %run_scoped3A_183 = tpu.sem_alloc : memref<!tpu.dma_semaphore, #tpu.memory_space<semaphore_mem>>
        %dma_start3A_184 = arith.constant 0 : i32
        %dma_start3A_185 = arith.constant 0 : i32
        %dma_start3A_186 = tpu.memref_slice %arg3[%run_scoped3A_36, %add3A, %scan3A_34, %dma_start3A_184, %dma_start3A_185] : memref<2x32x5x25x80xi32, #tpu.memory_space<hbm>> -> memref<1x1x1x25x80xi32, #tpu.memory_space<hbm>>
        %dma_start3A_187 = tpu.memref_squeeze %dma_start3A_186 : memref<1x1x1x25x80xi32, #tpu.memory_space<hbm>> -> memref<25x80xi32, #tpu.memory_space<hbm>>
        %dma_start3A_188 = arith.constant 0 : i32
        %dma_start3A_189 = arith.constant 0 : i32
        %dma_start3A_190 = tpu.memref_slice %arg3[%run_scoped3A_36, %add3A, %scan3A_34, %dma_start3A_188, %dma_start3A_189] : memref<2x32x5x25x80xi32, #tpu.memory_space<hbm>> -> memref<1x1x1x25x80xi32, #tpu.memory_space<hbm>>
        %dma_start3A_191 = tpu.memref_squeeze %dma_start3A_190 : memref<1x1x1x25x80xi32, #tpu.memory_space<hbm>> -> memref<25x80xi32, #tpu.memory_space<hbm>>
        tpu.enqueue_dma source(%dma_start3A_191 : memref<25x80xi32, #tpu.memory_space<hbm>>) target(%arg6 : memref<25x80xi32, #tpu.memory_space<vmem>>) target_semaphore(%run_scoped3A_183 : memref<!tpu.dma_semaphore, #tpu.memory_space<semaphore_mem>>)
        %dma_wait3A_192 = arith.constant 0 : i32
        %dma_wait3A_193 = arith.constant 0 : i32
        %dma_wait3A_194 = tpu.memref_slice %arg3[%run_scoped3A_36, %add3A, %scan3A_34, %dma_wait3A_192, %dma_wait3A_193] : memref<2x32x5x25x80xi32, #tpu.memory_space<hbm>> -> memref<1x1x1x25x80xi32, #tpu.memory_space<hbm>>
        %dma_wait3A_195 = tpu.memref_squeeze %dma_wait3A_194 : memref<1x1x1x25x80xi32, #tpu.memory_space<hbm>> -> memref<25x80xi32, #tpu.memory_space<hbm>>
        %dma_wait3A_196 = arith.constant 0 : i32
        %dma_wait3A_197 = arith.constant 0 : i32
        %dma_wait3A_198 = tpu.memref_slice %arg3[%run_scoped3A_36, %add3A, %scan3A_34, %dma_wait3A_196, %dma_wait3A_197] : memref<2x32x5x25x80xi32, #tpu.memory_space<hbm>> -> memref<1x1x1x25x80xi32, #tpu.memory_space<hbm>>
        %dma_wait3A_199 = tpu.memref_squeeze %dma_wait3A_198 : memref<1x1x1x25x80xi32, #tpu.memory_space<hbm>> -> memref<25x80xi32, #tpu.memory_space<hbm>>
        tpu.wait_dma2 semaphore(%run_scoped3A_183 : memref<!tpu.dma_semaphore, #tpu.memory_space<semaphore_mem>>) src(%dma_wait3A_199 : memref<25x80xi32, #tpu.memory_space<hbm>>) dst(%arg6 : memref<25x80xi32, #tpu.memory_space<vmem>>)
        tpu.yield
      }) : () -> ()
      %dma_start3A = arith.constant 0 : i32
      %dma_start3A_37 = arith.constant 0 : i32
      %dma_start3A_38 = tpu.memref_slice %arg5[%dma_start3A, %dma_start3A_37] : memref<25x80xi32, #tpu.memory_space<vmem>> -> memref<1x80xi32, #tpu.memory_space<vmem>>
      %dma_start3A_39 = tpu.memref_squeeze %dma_start3A_38 : memref<1x80xi32, #tpu.memory_space<vmem>> -> memref<80xi32, #tpu.memory_space<vmem>>
      %dma_start3A_40 = arith.constant 0 : i32
      %dma_start3A_41 = arith.constant 0 : i32
      %dma_start3A_42 = tpu.memref_slice %arg2[%dma_start3A_40, %dma_start3A_41] : memref<10000x128xf32, #tpu.memory_space<hbm>> -> memref<10000x128xf32, #tpu.memory_space<hbm>>
      tpu.enqueue_indirect_dma source(%dma_start3A_42 : memref<10000x128xf32, #tpu.memory_space<hbm>>) target(%arg7 : memref<80x128xf32, #tpu.memory_space<vmem>>) offsets(%dma_start3A_39 : memref<80xi32, #tpu.memory_space<vmem>>) semaphore(%arg12 : memref<!tpu.dma_semaphore, #tpu.memory_space<semaphore_mem>>)
      %dma_start3A_43 = arith.constant 1 : i32
      %dma_start3A_44 = arith.constant 0 : i32
      %dma_start3A_45 = tpu.memref_slice %arg5[%dma_start3A_43, %dma_start3A_44] : memref<25x80xi32, #tpu.memory_space<vmem>> -> memref<1x80xi32, #tpu.memory_space<vmem>>
      %dma_start3A_46 = tpu.memref_squeeze %dma_start3A_45 : memref<1x80xi32, #tpu.memory_space<vmem>> -> memref<80xi32, #tpu.memory_space<vmem>>
      %dma_start3A_47 = arith.constant 0 : i32
      %dma_start3A_48 = arith.constant 0 : i32
      %dma_start3A_49 = tpu.memref_slice %arg2[%dma_start3A_47, %dma_start3A_48] : memref<10000x128xf32, #tpu.memory_space<hbm>> -> memref<10000x128xf32, #tpu.memory_space<hbm>>
      tpu.enqueue_indirect_dma source(%dma_start3A_49 : memref<10000x128xf32, #tpu.memory_space<hbm>>) target(%arg8 : memref<80x128xf32, #tpu.memory_space<vmem>>) offsets(%dma_start3A_46 : memref<80xi32, #tpu.memory_space<vmem>>) semaphore(%arg13 : memref<!tpu.dma_semaphore, #tpu.memory_space<semaphore_mem>>)
      %dma_start3A_50 = arith.constant 2 : i32
      %dma_start3A_51 = arith.constant 0 : i32
      %dma_start3A_52 = tpu.memref_slice %arg5[%dma_start3A_50, %dma_start3A_51] : memref<25x80xi32, #tpu.memory_space<vmem>> -> memref<1x80xi32, #tpu.memory_space<vmem>>
      %dma_start3A_53 = tpu.memref_squeeze %dma_start3A_52 : memref<1x80xi32, #tpu.memory_space<vmem>> -> memref<80xi32, #tpu.memory_space<vmem>>
      %dma_start3A_54 = arith.constant 0 : i32
      %dma_start3A_55 = arith.constant 0 : i32
      %dma_start3A_56 = tpu.memref_slice %arg2[%dma_start3A_54, %dma_start3A_55] : memref<10000x128xf32, #tpu.memory_space<hbm>> -> memref<10000x128xf32, #tpu.memory_space<hbm>>
      tpu.enqueue_indirect_dma source(%dma_start3A_56 : memref<10000x128xf32, #tpu.memory_space<hbm>>) target(%arg9 : memref<80x128xf32, #tpu.memory_space<vmem>>) offsets(%dma_start3A_53 : memref<80xi32, #tpu.memory_space<vmem>>) semaphore(%arg14 : memref<!tpu.dma_semaphore, #tpu.memory_space<semaphore_mem>>)
      %dma_start3A_57 = arith.constant 3 : i32
      %dma_start3A_58 = arith.constant 0 : i32
      %dma_start3A_59 = tpu.memref_slice %arg5[%dma_start3A_57, %dma_start3A_58] : memref<25x80xi32, #tpu.memory_space<vmem>> -> memref<1x80xi32, #tpu.memory_space<vmem>>
      %dma_start3A_60 = tpu.memref_squeeze %dma_start3A_59 : memref<1x80xi32, #tpu.memory_space<vmem>> -> memref<80xi32, #tpu.memory_space<vmem>>
      %dma_start3A_61 = arith.constant 0 : i32
      %dma_start3A_62 = arith.constant 0 : i32
      %dma_start3A_63 = tpu.memref_slice %arg2[%dma_start3A_61, %dma_start3A_62] : memref<10000x128xf32, #tpu.memory_space<hbm>> -> memref<10000x128xf32, #tpu.memory_space<hbm>>
      tpu.enqueue_indirect_dma source(%dma_start3A_63 : memref<10000x128xf32, #tpu.memory_space<hbm>>) target(%arg10 : memref<80x128xf32, #tpu.memory_space<vmem>>) offsets(%dma_start3A_60 : memref<80xi32, #tpu.memory_space<vmem>>) semaphore(%arg15 : memref<!tpu.dma_semaphore, #tpu.memory_space<semaphore_mem>>)
      %dma_wait3A = arith.constant 0 : i32
      %dma_wait3A_64 = arith.constant 0 : i32
      %dma_wait3A_65 = tpu.memref_slice %arg5[%dma_wait3A, %dma_wait3A_64] : memref<25x80xi32, #tpu.memory_space<vmem>> -> memref<1x80xi32, #tpu.memory_space<vmem>>
      %dma_wait3A_66 = tpu.memref_squeeze %dma_wait3A_65 : memref<1x80xi32, #tpu.memory_space<vmem>> -> memref<80xi32, #tpu.memory_space<vmem>>
      %dma_wait3A_67 = arith.constant 0 : i32
      %dma_wait3A_68 = arith.constant 0 : i32
      %dma_wait3A_69 = tpu.memref_slice %arg2[%dma_wait3A_67, %dma_wait3A_68] : memref<10000x128xf32, #tpu.memory_space<hbm>> -> memref<10000x128xf32, #tpu.memory_space<hbm>>
      tpu.wait_indirect_dma semaphore(%arg12 : memref<!tpu.dma_semaphore, #tpu.memory_space<semaphore_mem>>) src(%dma_wait3A_69 : memref<10000x128xf32, #tpu.memory_space<hbm>>) dst(%arg7 : memref<80x128xf32, #tpu.memory_space<vmem>>)
      %dma_start3A_70 = arith.constant 0 : i32
      %dma_start3A_71 = arith.constant 0 : i32
      %dma_start3A_72 = tpu.memref_slice %arg6[%dma_start3A_70, %dma_start3A_71] : memref<25x80xi32, #tpu.memory_space<vmem>> -> memref<1x80xi32, #tpu.memory_space<vmem>>
      %dma_start3A_73 = tpu.memref_squeeze %dma_start3A_72 : memref<1x80xi32, #tpu.memory_space<vmem>> -> memref<80xi32, #tpu.memory_space<vmem>>
      %dma_start3A_74 = arith.constant 0 : i32
      %dma_start3A_75 = arith.constant 0 : i32
      %dma_start3A_76 = tpu.memref_slice %arg11[%dma_start3A_74, %dma_start3A_75] : memref<10240x128xf32, #tpu.memory_space<vmem_shared>> -> memref<10240x128xf32, #tpu.memory_space<vmem_shared>>
      tpu.enqueue_indirect_dma source(%arg7 : memref<80x128xf32, #tpu.memory_space<vmem>>) target(%dma_start3A_76 : memref<10240x128xf32, #tpu.memory_space<vmem_shared>>) offsets(%dma_start3A_73 : memref<80xi32, #tpu.memory_space<vmem>>) semaphore(%arg16 : memref<!tpu.dma_semaphore, #tpu.memory_space<semaphore_mem>>) {add = true}
      %scan3A_77 = arith.constant 0 : i32
      %scan3A_78 = arith.constant 0 : i32
      %scan3A_79 = arith.constant 5 : i32
      %scan3A_80 = arith.addi %scan3A_78, %scan3A_79 : i32
      %scan3A_81 = arith.constant 1 : i32
      %scan3A_82 = scf.for %scan3A_183 = %scan3A_78 to %scan3A_80 step %scan3A_81 iter_args(%scan3A_184 = %scan3A_77) -> (i32)  : i32 {
        %mul3A_185 = arith.constant 4 : i32
        %mul3A_186 = arith.muli %mul3A_185, %scan3A_183 : i32
        %add3A_187 = arith.constant 1 : i32
        %add3A_188 = arith.addi %mul3A_186, %add3A_187 : i32
        %add3A_189 = arith.constant 0 : i32
        %add3A_190 = arith.addi %add3A_188, %add3A_189 : i32
        %sub3A = arith.constant 1 : i32
        %sub3A_191 = arith.subi %add3A_190, %sub3A : i32
        %dma_wait3A_192 = arith.constant 0 : i32
        %dma_wait3A_193 = tpu.memref_slice %arg6[%sub3A_191, %dma_wait3A_192] : memref<25x80xi32, #tpu.memory_space<vmem>> -> memref<1x80xi32, #tpu.memory_space<vmem>>
        %dma_wait3A_194 = tpu.memref_squeeze %dma_wait3A_193 : memref<1x80xi32, #tpu.memory_space<vmem>> -> memref<80xi32, #tpu.memory_space<vmem>>
        %dma_wait3A_195 = arith.constant 0 : i32
        %dma_wait3A_196 = arith.constant 0 : i32
        %dma_wait3A_197 = tpu.memref_slice %arg11[%dma_wait3A_195, %dma_wait3A_196] : memref<10240x128xf32, #tpu.memory_space<vmem_shared>> -> memref<10240x128xf32, #tpu.memory_space<vmem_shared>>
        tpu.wait_indirect_dma semaphore(%arg16 : memref<!tpu.dma_semaphore, #tpu.memory_space<semaphore_mem>>) src(%arg7 : memref<80x128xf32, #tpu.memory_space<vmem>>) dst(%dma_wait3A_197 : memref<10240x128xf32, #tpu.memory_space<vmem_shared>>)
        %add3A_198 = arith.constant 3 : i32
        %add3A_199 = arith.addi %add3A_190, %add3A_198 : i32
        %dma_start3A_200 = arith.constant 0 : i32
        %dma_start3A_201 = tpu.memref_slice %arg5[%add3A_199, %dma_start3A_200] : memref<25x80xi32, #tpu.memory_space<vmem>> -> memref<1x80xi32, #tpu.memory_space<vmem>>
        %dma_start3A_202 = tpu.memref_squeeze %dma_start3A_201 : memref<1x80xi32, #tpu.memory_space<vmem>> -> memref<80xi32, #tpu.memory_space<vmem>>
        %dma_start3A_203 = arith.constant 0 : i32
        %dma_start3A_204 = arith.constant 0 : i32
        %dma_start3A_205 = tpu.memref_slice %arg2[%dma_start3A_203, %dma_start3A_204] : memref<10000x128xf32, #tpu.memory_space<hbm>> -> memref<10000x128xf32, #tpu.memory_space<hbm>>
        tpu.enqueue_indirect_dma source(%dma_start3A_205 : memref<10000x128xf32, #tpu.memory_space<hbm>>) target(%arg7 : memref<80x128xf32, #tpu.memory_space<vmem>>) offsets(%dma_start3A_202 : memref<80xi32, #tpu.memory_space<vmem>>) semaphore(%arg12 : memref<!tpu.dma_semaphore, #tpu.memory_space<semaphore_mem>>)
        %dma_wait3A_206 = arith.constant 0 : i32
        %dma_wait3A_207 = tpu.memref_slice %arg5[%add3A_190, %dma_wait3A_206] : memref<25x80xi32, #tpu.memory_space<vmem>> -> memref<1x80xi32, #tpu.memory_space<vmem>>
        %dma_wait3A_208 = tpu.memref_squeeze %dma_wait3A_207 : memref<1x80xi32, #tpu.memory_space<vmem>> -> memref<80xi32, #tpu.memory_space<vmem>>
        %dma_wait3A_209 = arith.constant 0 : i32
        %dma_wait3A_210 = arith.constant 0 : i32
        %dma_wait3A_211 = tpu.memref_slice %arg2[%dma_wait3A_209, %dma_wait3A_210] : memref<10000x128xf32, #tpu.memory_space<hbm>> -> memref<10000x128xf32, #tpu.memory_space<hbm>>
        tpu.wait_indirect_dma semaphore(%arg13 : memref<!tpu.dma_semaphore, #tpu.memory_space<semaphore_mem>>) src(%dma_wait3A_211 : memref<10000x128xf32, #tpu.memory_space<hbm>>) dst(%arg8 : memref<80x128xf32, #tpu.memory_space<vmem>>)
        %dma_start3A_212 = arith.constant 0 : i32
        %dma_start3A_213 = tpu.memref_slice %arg6[%add3A_190, %dma_start3A_212] : memref<25x80xi32, #tpu.memory_space<vmem>> -> memref<1x80xi32, #tpu.memory_space<vmem>>
        %dma_start3A_214 = tpu.memref_squeeze %dma_start3A_213 : memref<1x80xi32, #tpu.memory_space<vmem>> -> memref<80xi32, #tpu.memory_space<vmem>>
        %dma_start3A_215 = arith.constant 0 : i32
        %dma_start3A_216 = arith.constant 0 : i32
        %dma_start3A_217 = tpu.memref_slice %arg11[%dma_start3A_215, %dma_start3A_216] : memref<10240x128xf32, #tpu.memory_space<vmem_shared>> -> memref<10240x128xf32, #tpu.memory_space<vmem_shared>>
        tpu.enqueue_indirect_dma source(%arg8 : memref<80x128xf32, #tpu.memory_space<vmem>>) target(%dma_start3A_217 : memref<10240x128xf32, #tpu.memory_space<vmem_shared>>) offsets(%dma_start3A_214 : memref<80xi32, #tpu.memory_space<vmem>>) semaphore(%arg17 : memref<!tpu.dma_semaphore, #tpu.memory_space<semaphore_mem>>) {add = true}
        %add3A_218 = arith.constant 1 : i32
        %add3A_219 = arith.addi %add3A_188, %add3A_218 : i32
        %sub3A_220 = arith.constant 1 : i32
        %sub3A_221 = arith.subi %add3A_219, %sub3A_220 : i32
        %dma_wait3A_222 = arith.constant 0 : i32
        %dma_wait3A_223 = tpu.memref_slice %arg6[%sub3A_221, %dma_wait3A_222] : memref<25x80xi32, #tpu.memory_space<vmem>> -> memref<1x80xi32, #tpu.memory_space<vmem>>
        %dma_wait3A_224 = tpu.memref_squeeze %dma_wait3A_223 : memref<1x80xi32, #tpu.memory_space<vmem>> -> memref<80xi32, #tpu.memory_space<vmem>>
        %dma_wait3A_225 = arith.constant 0 : i32
        %dma_wait3A_226 = arith.constant 0 : i32
        %dma_wait3A_227 = tpu.memref_slice %arg11[%dma_wait3A_225, %dma_wait3A_226] : memref<10240x128xf32, #tpu.memory_space<vmem_shared>> -> memref<10240x128xf32, #tpu.memory_space<vmem_shared>>
        tpu.wait_indirect_dma semaphore(%arg17 : memref<!tpu.dma_semaphore, #tpu.memory_space<semaphore_mem>>) src(%arg8 : memref<80x128xf32, #tpu.memory_space<vmem>>) dst(%dma_wait3A_227 : memref<10240x128xf32, #tpu.memory_space<vmem_shared>>)
        %add3A_228 = arith.constant 3 : i32
        %add3A_229 = arith.addi %add3A_219, %add3A_228 : i32
        %dma_start3A_230 = arith.constant 0 : i32
        %dma_start3A_231 = tpu.memref_slice %arg5[%add3A_229, %dma_start3A_230] : memref<25x80xi32, #tpu.memory_space<vmem>> -> memref<1x80xi32, #tpu.memory_space<vmem>>
        %dma_start3A_232 = tpu.memref_squeeze %dma_start3A_231 : memref<1x80xi32, #tpu.memory_space<vmem>> -> memref<80xi32, #tpu.memory_space<vmem>>
        %dma_start3A_233 = arith.constant 0 : i32
        %dma_start3A_234 = arith.constant 0 : i32
        %dma_start3A_235 = tpu.memref_slice %arg2[%dma_start3A_233, %dma_start3A_234] : memref<10000x128xf32, #tpu.memory_space<hbm>> -> memref<10000x128xf32, #tpu.memory_space<hbm>>
        tpu.enqueue_indirect_dma source(%dma_start3A_235 : memref<10000x128xf32, #tpu.memory_space<hbm>>) target(%arg8 : memref<80x128xf32, #tpu.memory_space<vmem>>) offsets(%dma_start3A_232 : memref<80xi32, #tpu.memory_space<vmem>>) semaphore(%arg13 : memref<!tpu.dma_semaphore, #tpu.memory_space<semaphore_mem>>)
        %dma_wait3A_236 = arith.constant 0 : i32
        %dma_wait3A_237 = tpu.memref_slice %arg5[%add3A_219, %dma_wait3A_236] : memref<25x80xi32, #tpu.memory_space<vmem>> -> memref<1x80xi32, #tpu.memory_space<vmem>>
        %dma_wait3A_238 = tpu.memref_squeeze %dma_wait3A_237 : memref<1x80xi32, #tpu.memory_space<vmem>> -> memref<80xi32, #tpu.memory_space<vmem>>
        %dma_wait3A_239 = arith.constant 0 : i32
        %dma_wait3A_240 = arith.constant 0 : i32
        %dma_wait3A_241 = tpu.memref_slice %arg2[%dma_wait3A_239, %dma_wait3A_240] : memref<10000x128xf32, #tpu.memory_space<hbm>> -> memref<10000x128xf32, #tpu.memory_space<hbm>>
        tpu.wait_indirect_dma semaphore(%arg14 : memref<!tpu.dma_semaphore, #tpu.memory_space<semaphore_mem>>) src(%dma_wait3A_241 : memref<10000x128xf32, #tpu.memory_space<hbm>>) dst(%arg9 : memref<80x128xf32, #tpu.memory_space<vmem>>)
        %dma_start3A_242 = arith.constant 0 : i32
        %dma_start3A_243 = tpu.memref_slice %arg6[%add3A_219, %dma_start3A_242] : memref<25x80xi32, #tpu.memory_space<vmem>> -> memref<1x80xi32, #tpu.memory_space<vmem>>
        %dma_start3A_244 = tpu.memref_squeeze %dma_start3A_243 : memref<1x80xi32, #tpu.memory_space<vmem>> -> memref<80xi32, #tpu.memory_space<vmem>>
        %dma_start3A_245 = arith.constant 0 : i32
        %dma_start3A_246 = arith.constant 0 : i32
        %dma_start3A_247 = tpu.memref_slice %arg11[%dma_start3A_245, %dma_start3A_246] : memref<10240x128xf32, #tpu.memory_space<vmem_shared>> -> memref<10240x128xf32, #tpu.memory_space<vmem_shared>>
        tpu.enqueue_indirect_dma source(%arg9 : memref<80x128xf32, #tpu.memory_space<vmem>>) target(%dma_start3A_247 : memref<10240x128xf32, #tpu.memory_space<vmem_shared>>) offsets(%dma_start3A_244 : memref<80xi32, #tpu.memory_space<vmem>>) semaphore(%arg18 : memref<!tpu.dma_semaphore, #tpu.memory_space<semaphore_mem>>) {add = true}
        %add3A_248 = arith.constant 2 : i32
        %add3A_249 = arith.addi %add3A_188, %add3A_248 : i32
        %sub3A_250 = arith.constant 1 : i32
        %sub3A_251 = arith.subi %add3A_249, %sub3A_250 : i32
        %dma_wait3A_252 = arith.constant 0 : i32
        %dma_wait3A_253 = tpu.memref_slice %arg6[%sub3A_251, %dma_wait3A_252] : memref<25x80xi32, #tpu.memory_space<vmem>> -> memref<1x80xi32, #tpu.memory_space<vmem>>
        %dma_wait3A_254 = tpu.memref_squeeze %dma_wait3A_253 : memref<1x80xi32, #tpu.memory_space<vmem>> -> memref<80xi32, #tpu.memory_space<vmem>>
        %dma_wait3A_255 = arith.constant 0 : i32
        %dma_wait3A_256 = arith.constant 0 : i32
        %dma_wait3A_257 = tpu.memref_slice %arg11[%dma_wait3A_255, %dma_wait3A_256] : memref<10240x128xf32, #tpu.memory_space<vmem_shared>> -> memref<10240x128xf32, #tpu.memory_space<vmem_shared>>
        tpu.wait_indirect_dma semaphore(%arg18 : memref<!tpu.dma_semaphore, #tpu.memory_space<semaphore_mem>>) src(%arg9 : memref<80x128xf32, #tpu.memory_space<vmem>>) dst(%dma_wait3A_257 : memref<10240x128xf32, #tpu.memory_space<vmem_shared>>)
        %add3A_258 = arith.constant 3 : i32
        %add3A_259 = arith.addi %add3A_249, %add3A_258 : i32
        %dma_start3A_260 = arith.constant 0 : i32
        %dma_start3A_261 = tpu.memref_slice %arg5[%add3A_259, %dma_start3A_260] : memref<25x80xi32, #tpu.memory_space<vmem>> -> memref<1x80xi32, #tpu.memory_space<vmem>>
        %dma_start3A_262 = tpu.memref_squeeze %dma_start3A_261 : memref<1x80xi32, #tpu.memory_space<vmem>> -> memref<80xi32, #tpu.memory_space<vmem>>
        %dma_start3A_263 = arith.constant 0 : i32
        %dma_start3A_264 = arith.constant 0 : i32
        %dma_start3A_265 = tpu.memref_slice %arg2[%dma_start3A_263, %dma_start3A_264] : memref<10000x128xf32, #tpu.memory_space<hbm>> -> memref<10000x128xf32, #tpu.memory_space<hbm>>
        tpu.enqueue_indirect_dma source(%dma_start3A_265 : memref<10000x128xf32, #tpu.memory_space<hbm>>) target(%arg9 : memref<80x128xf32, #tpu.memory_space<vmem>>) offsets(%dma_start3A_262 : memref<80xi32, #tpu.memory_space<vmem>>) semaphore(%arg14 : memref<!tpu.dma_semaphore, #tpu.memory_space<semaphore_mem>>)
        %dma_wait3A_266 = arith.constant 0 : i32
        %dma_wait3A_267 = tpu.memref_slice %arg5[%add3A_249, %dma_wait3A_266] : memref<25x80xi32, #tpu.memory_space<vmem>> -> memref<1x80xi32, #tpu.memory_space<vmem>>
        %dma_wait3A_268 = tpu.memref_squeeze %dma_wait3A_267 : memref<1x80xi32, #tpu.memory_space<vmem>> -> memref<80xi32, #tpu.memory_space<vmem>>
        %dma_wait3A_269 = arith.constant 0 : i32
        %dma_wait3A_270 = arith.constant 0 : i32
        %dma_wait3A_271 = tpu.memref_slice %arg2[%dma_wait3A_269, %dma_wait3A_270] : memref<10000x128xf32, #tpu.memory_space<hbm>> -> memref<10000x128xf32, #tpu.memory_space<hbm>>
        tpu.wait_indirect_dma semaphore(%arg15 : memref<!tpu.dma_semaphore, #tpu.memory_space<semaphore_mem>>) src(%dma_wait3A_271 : memref<10000x128xf32, #tpu.memory_space<hbm>>) dst(%arg10 : memref<80x128xf32, #tpu.memory_space<vmem>>)
        %dma_start3A_272 = arith.constant 0 : i32
        %dma_start3A_273 = tpu.memref_slice %arg6[%add3A_249, %dma_start3A_272] : memref<25x80xi32, #tpu.memory_space<vmem>> -> memref<1x80xi32, #tpu.memory_space<vmem>>
        %dma_start3A_274 = tpu.memref_squeeze %dma_start3A_273 : memref<1x80xi32, #tpu.memory_space<vmem>> -> memref<80xi32, #tpu.memory_space<vmem>>
        %dma_start3A_275 = arith.constant 0 : i32
        %dma_start3A_276 = arith.constant 0 : i32
        %dma_start3A_277 = tpu.memref_slice %arg11[%dma_start3A_275, %dma_start3A_276] : memref<10240x128xf32, #tpu.memory_space<vmem_shared>> -> memref<10240x128xf32, #tpu.memory_space<vmem_shared>>
        tpu.enqueue_indirect_dma source(%arg10 : memref<80x128xf32, #tpu.memory_space<vmem>>) target(%dma_start3A_277 : memref<10240x128xf32, #tpu.memory_space<vmem_shared>>) offsets(%dma_start3A_274 : memref<80xi32, #tpu.memory_space<vmem>>) semaphore(%arg19 : memref<!tpu.dma_semaphore, #tpu.memory_space<semaphore_mem>>) {add = true}
        %add3A_278 = arith.constant 3 : i32
        %add3A_279 = arith.addi %add3A_188, %add3A_278 : i32
        %sub3A_280 = arith.constant 1 : i32
        %sub3A_281 = arith.subi %add3A_279, %sub3A_280 : i32
        %dma_wait3A_282 = arith.constant 0 : i32
        %dma_wait3A_283 = tpu.memref_slice %arg6[%sub3A_281, %dma_wait3A_282] : memref<25x80xi32, #tpu.memory_space<vmem>> -> memref<1x80xi32, #tpu.memory_space<vmem>>
        %dma_wait3A_284 = tpu.memref_squeeze %dma_wait3A_283 : memref<1x80xi32, #tpu.memory_space<vmem>> -> memref<80xi32, #tpu.memory_space<vmem>>
        %dma_wait3A_285 = arith.constant 0 : i32
        %dma_wait3A_286 = arith.constant 0 : i32
        %dma_wait3A_287 = tpu.memref_slice %arg11[%dma_wait3A_285, %dma_wait3A_286] : memref<10240x128xf32, #tpu.memory_space<vmem_shared>> -> memref<10240x128xf32, #tpu.memory_space<vmem_shared>>
        tpu.wait_indirect_dma semaphore(%arg19 : memref<!tpu.dma_semaphore, #tpu.memory_space<semaphore_mem>>) src(%arg10 : memref<80x128xf32, #tpu.memory_space<vmem>>) dst(%dma_wait3A_287 : memref<10240x128xf32, #tpu.memory_space<vmem_shared>>)
        %add3A_288 = arith.constant 3 : i32
        %add3A_289 = arith.addi %add3A_279, %add3A_288 : i32
        %dma_start3A_290 = arith.constant 0 : i32
        %dma_start3A_291 = tpu.memref_slice %arg5[%add3A_289, %dma_start3A_290] : memref<25x80xi32, #tpu.memory_space<vmem>> -> memref<1x80xi32, #tpu.memory_space<vmem>>
        %dma_start3A_292 = tpu.memref_squeeze %dma_start3A_291 : memref<1x80xi32, #tpu.memory_space<vmem>> -> memref<80xi32, #tpu.memory_space<vmem>>
        %dma_start3A_293 = arith.constant 0 : i32
        %dma_start3A_294 = arith.constant 0 : i32
        %dma_start3A_295 = tpu.memref_slice %arg2[%dma_start3A_293, %dma_start3A_294] : memref<10000x128xf32, #tpu.memory_space<hbm>> -> memref<10000x128xf32, #tpu.memory_space<hbm>>
        tpu.enqueue_indirect_dma source(%dma_start3A_295 : memref<10000x128xf32, #tpu.memory_space<hbm>>) target(%arg10 : memref<80x128xf32, #tpu.memory_space<vmem>>) offsets(%dma_start3A_292 : memref<80xi32, #tpu.memory_space<vmem>>) semaphore(%arg15 : memref<!tpu.dma_semaphore, #tpu.memory_space<semaphore_mem>>)
        %dma_wait3A_296 = arith.constant 0 : i32
        %dma_wait3A_297 = tpu.memref_slice %arg5[%add3A_279, %dma_wait3A_296] : memref<25x80xi32, #tpu.memory_space<vmem>> -> memref<1x80xi32, #tpu.memory_space<vmem>>
        %dma_wait3A_298 = tpu.memref_squeeze %dma_wait3A_297 : memref<1x80xi32, #tpu.memory_space<vmem>> -> memref<80xi32, #tpu.memory_space<vmem>>
        %dma_wait3A_299 = arith.constant 0 : i32
        %dma_wait3A_300 = arith.constant 0 : i32
        %dma_wait3A_301 = tpu.memref_slice %arg2[%dma_wait3A_299, %dma_wait3A_300] : memref<10000x128xf32, #tpu.memory_space<hbm>> -> memref<10000x128xf32, #tpu.memory_space<hbm>>
        tpu.wait_indirect_dma semaphore(%arg12 : memref<!tpu.dma_semaphore, #tpu.memory_space<semaphore_mem>>) src(%dma_wait3A_301 : memref<10000x128xf32, #tpu.memory_space<hbm>>) dst(%arg7 : memref<80x128xf32, #tpu.memory_space<vmem>>)
        %dma_start3A_302 = arith.constant 0 : i32
        %dma_start3A_303 = tpu.memref_slice %arg6[%add3A_279, %dma_start3A_302] : memref<25x80xi32, #tpu.memory_space<vmem>> -> memref<1x80xi32, #tpu.memory_space<vmem>>
        %dma_start3A_304 = tpu.memref_squeeze %dma_start3A_303 : memref<1x80xi32, #tpu.memory_space<vmem>> -> memref<80xi32, #tpu.memory_space<vmem>>
        %dma_start3A_305 = arith.constant 0 : i32
        %dma_start3A_306 = arith.constant 0 : i32
        %dma_start3A_307 = tpu.memref_slice %arg11[%dma_start3A_305, %dma_start3A_306] : memref<10240x128xf32, #tpu.memory_space<vmem_shared>> -> memref<10240x128xf32, #tpu.memory_space<vmem_shared>>
        tpu.enqueue_indirect_dma source(%arg7 : memref<80x128xf32, #tpu.memory_space<vmem>>) target(%dma_start3A_307 : memref<10240x128xf32, #tpu.memory_space<vmem_shared>>) offsets(%dma_start3A_304 : memref<80xi32, #tpu.memory_space<vmem>>) semaphore(%arg16 : memref<!tpu.dma_semaphore, #tpu.memory_space<semaphore_mem>>) {add = true}
        %scan3A_308 = arith.constant 0 : i32
        scf.yield %scan3A_308 : i32
      }
      %scan3A_83 = arith.constant 5 : i32
      %dma_wait3A_84 = arith.constant 20 : i32
      %dma_wait3A_85 = arith.constant 0 : i32
      %dma_wait3A_86 = tpu.memref_slice %arg6[%dma_wait3A_84, %dma_wait3A_85] : memref<25x80xi32, #tpu.memory_space<vmem>> -> memref<1x80xi32, #tpu.memory_space<vmem>>
      %dma_wait3A_87 = tpu.memref_squeeze %dma_wait3A_86 : memref<1x80xi32, #tpu.memory_space<vmem>> -> memref<80xi32, #tpu.memory_space<vmem>>
      %dma_wait3A_88 = arith.constant 0 : i32
      %dma_wait3A_89 = arith.constant 0 : i32
      %dma_wait3A_90 = tpu.memref_slice %arg11[%dma_wait3A_88, %dma_wait3A_89] : memref<10240x128xf32, #tpu.memory_space<vmem_shared>> -> memref<10240x128xf32, #tpu.memory_space<vmem_shared>>
      tpu.wait_indirect_dma semaphore(%arg16 : memref<!tpu.dma_semaphore, #tpu.memory_space<semaphore_mem>>) src(%arg7 : memref<80x128xf32, #tpu.memory_space<vmem>>) dst(%dma_wait3A_90 : memref<10240x128xf32, #tpu.memory_space<vmem_shared>>)
      %dma_start3A_91 = arith.constant 24 : i32
      %dma_start3A_92 = arith.constant 0 : i32
      %dma_start3A_93 = tpu.memref_slice %arg5[%dma_start3A_91, %dma_start3A_92] : memref<25x80xi32, #tpu.memory_space<vmem>> -> memref<1x80xi32, #tpu.memory_space<vmem>>
      %dma_start3A_94 = tpu.memref_squeeze %dma_start3A_93 : memref<1x80xi32, #tpu.memory_space<vmem>> -> memref<80xi32, #tpu.memory_space<vmem>>
      %dma_start3A_95 = arith.constant 0 : i32
      %dma_start3A_96 = arith.constant 0 : i32
      %dma_start3A_97 = tpu.memref_slice %arg2[%dma_start3A_95, %dma_start3A_96] : memref<10000x128xf32, #tpu.memory_space<hbm>> -> memref<10000x128xf32, #tpu.memory_space<hbm>>
      tpu.enqueue_indirect_dma source(%dma_start3A_97 : memref<10000x128xf32, #tpu.memory_space<hbm>>) target(%arg7 : memref<80x128xf32, #tpu.memory_space<vmem>>) offsets(%dma_start3A_94 : memref<80xi32, #tpu.memory_space<vmem>>) semaphore(%arg12 : memref<!tpu.dma_semaphore, #tpu.memory_space<semaphore_mem>>)
      %dma_wait3A_98 = arith.constant 21 : i32
      %dma_wait3A_99 = arith.constant 0 : i32
      %dma_wait3A_100 = tpu.memref_slice %arg5[%dma_wait3A_98, %dma_wait3A_99] : memref<25x80xi32, #tpu.memory_space<vmem>> -> memref<1x80xi32, #tpu.memory_space<vmem>>
      %dma_wait3A_101 = tpu.memref_squeeze %dma_wait3A_100 : memref<1x80xi32, #tpu.memory_space<vmem>> -> memref<80xi32, #tpu.memory_space<vmem>>
      %dma_wait3A_102 = arith.constant 0 : i32
      %dma_wait3A_103 = arith.constant 0 : i32
      %dma_wait3A_104 = tpu.memref_slice %arg2[%dma_wait3A_102, %dma_wait3A_103] : memref<10000x128xf32, #tpu.memory_space<hbm>> -> memref<10000x128xf32, #tpu.memory_space<hbm>>
      tpu.wait_indirect_dma semaphore(%arg13 : memref<!tpu.dma_semaphore, #tpu.memory_space<semaphore_mem>>) src(%dma_wait3A_104 : memref<10000x128xf32, #tpu.memory_space<hbm>>) dst(%arg8 : memref<80x128xf32, #tpu.memory_space<vmem>>)
      %dma_start3A_105 = arith.constant 21 : i32
      %dma_start3A_106 = arith.constant 0 : i32
      %dma_start3A_107 = tpu.memref_slice %arg6[%dma_start3A_105, %dma_start3A_106] : memref<25x80xi32, #tpu.memory_space<vmem>> -> memref<1x80xi32, #tpu.memory_space<vmem>>
      %dma_start3A_108 = tpu.memref_squeeze %dma_start3A_107 : memref<1x80xi32, #tpu.memory_space<vmem>> -> memref<80xi32, #tpu.memory_space<vmem>>
      %dma_start3A_109 = arith.constant 0 : i32
      %dma_start3A_110 = arith.constant 0 : i32
      %dma_start3A_111 = tpu.memref_slice %arg11[%dma_start3A_109, %dma_start3A_110] : memref<10240x128xf32, #tpu.memory_space<vmem_shared>> -> memref<10240x128xf32, #tpu.memory_space<vmem_shared>>
      tpu.enqueue_indirect_dma source(%arg8 : memref<80x128xf32, #tpu.memory_space<vmem>>) target(%dma_start3A_111 : memref<10240x128xf32, #tpu.memory_space<vmem_shared>>) offsets(%dma_start3A_108 : memref<80xi32, #tpu.memory_space<vmem>>) semaphore(%arg17 : memref<!tpu.dma_semaphore, #tpu.memory_space<semaphore_mem>>) {add = true}
      %dma_wait3A_112 = arith.constant 22 : i32
      %dma_wait3A_113 = arith.constant 0 : i32
      %dma_wait3A_114 = tpu.memref_slice %arg5[%dma_wait3A_112, %dma_wait3A_113] : memref<25x80xi32, #tpu.memory_space<vmem>> -> memref<1x80xi32, #tpu.memory_space<vmem>>
      %dma_wait3A_115 = tpu.memref_squeeze %dma_wait3A_114 : memref<1x80xi32, #tpu.memory_space<vmem>> -> memref<80xi32, #tpu.memory_space<vmem>>
      %dma_wait3A_116 = arith.constant 0 : i32
      %dma_wait3A_117 = arith.constant 0 : i32
      %dma_wait3A_118 = tpu.memref_slice %arg2[%dma_wait3A_116, %dma_wait3A_117] : memref<10000x128xf32, #tpu.memory_space<hbm>> -> memref<10000x128xf32, #tpu.memory_space<hbm>>
      tpu.wait_indirect_dma semaphore(%arg14 : memref<!tpu.dma_semaphore, #tpu.memory_space<semaphore_mem>>) src(%dma_wait3A_118 : memref<10000x128xf32, #tpu.memory_space<hbm>>) dst(%arg9 : memref<80x128xf32, #tpu.memory_space<vmem>>)
      %dma_start3A_119 = arith.constant 22 : i32
      %dma_start3A_120 = arith.constant 0 : i32
      %dma_start3A_121 = tpu.memref_slice %arg6[%dma_start3A_119, %dma_start3A_120] : memref<25x80xi32, #tpu.memory_space<vmem>> -> memref<1x80xi32, #tpu.memory_space<vmem>>
      %dma_start3A_122 = tpu.memref_squeeze %dma_start3A_121 : memref<1x80xi32, #tpu.memory_space<vmem>> -> memref<80xi32, #tpu.memory_space<vmem>>
      %dma_start3A_123 = arith.constant 0 : i32
      %dma_start3A_124 = arith.constant 0 : i32
      %dma_start3A_125 = tpu.memref_slice %arg11[%dma_start3A_123, %dma_start3A_124] : memref<10240x128xf32, #tpu.memory_space<vmem_shared>> -> memref<10240x128xf32, #tpu.memory_space<vmem_shared>>
      tpu.enqueue_indirect_dma source(%arg9 : memref<80x128xf32, #tpu.memory_space<vmem>>) target(%dma_start3A_125 : memref<10240x128xf32, #tpu.memory_space<vmem_shared>>) offsets(%dma_start3A_122 : memref<80xi32, #tpu.memory_space<vmem>>) semaphore(%arg18 : memref<!tpu.dma_semaphore, #tpu.memory_space<semaphore_mem>>) {add = true}
      %dma_wait3A_126 = arith.constant 23 : i32
      %dma_wait3A_127 = arith.constant 0 : i32
      %dma_wait3A_128 = tpu.memref_slice %arg5[%dma_wait3A_126, %dma_wait3A_127] : memref<25x80xi32, #tpu.memory_space<vmem>> -> memref<1x80xi32, #tpu.memory_space<vmem>>
      %dma_wait3A_129 = tpu.memref_squeeze %dma_wait3A_128 : memref<1x80xi32, #tpu.memory_space<vmem>> -> memref<80xi32, #tpu.memory_space<vmem>>
      %dma_wait3A_130 = arith.constant 0 : i32
      %dma_wait3A_131 = arith.constant 0 : i32
      %dma_wait3A_132 = tpu.memref_slice %arg2[%dma_wait3A_130, %dma_wait3A_131] : memref<10000x128xf32, #tpu.memory_space<hbm>> -> memref<10000x128xf32, #tpu.memory_space<hbm>>
      tpu.wait_indirect_dma semaphore(%arg15 : memref<!tpu.dma_semaphore, #tpu.memory_space<semaphore_mem>>) src(%dma_wait3A_132 : memref<10000x128xf32, #tpu.memory_space<hbm>>) dst(%arg10 : memref<80x128xf32, #tpu.memory_space<vmem>>)
      %dma_start3A_133 = arith.constant 23 : i32
      %dma_start3A_134 = arith.constant 0 : i32
      %dma_start3A_135 = tpu.memref_slice %arg6[%dma_start3A_133, %dma_start3A_134] : memref<25x80xi32, #tpu.memory_space<vmem>> -> memref<1x80xi32, #tpu.memory_space<vmem>>
      %dma_start3A_136 = tpu.memref_squeeze %dma_start3A_135 : memref<1x80xi32, #tpu.memory_space<vmem>> -> memref<80xi32, #tpu.memory_space<vmem>>
      %dma_start3A_137 = arith.constant 0 : i32
      %dma_start3A_138 = arith.constant 0 : i32
      %dma_start3A_139 = tpu.memref_slice %arg11[%dma_start3A_137, %dma_start3A_138] : memref<10240x128xf32, #tpu.memory_space<vmem_shared>> -> memref<10240x128xf32, #tpu.memory_space<vmem_shared>>
      tpu.enqueue_indirect_dma source(%arg10 : memref<80x128xf32, #tpu.memory_space<vmem>>) target(%dma_start3A_139 : memref<10240x128xf32, #tpu.memory_space<vmem_shared>>) offsets(%dma_start3A_136 : memref<80xi32, #tpu.memory_space<vmem>>) semaphore(%arg19 : memref<!tpu.dma_semaphore, #tpu.memory_space<semaphore_mem>>) {add = true}
      %dma_wait3A_140 = arith.constant 24 : i32
      %dma_wait3A_141 = arith.constant 0 : i32
      %dma_wait3A_142 = tpu.memref_slice %arg5[%dma_wait3A_140, %dma_wait3A_141] : memref<25x80xi32, #tpu.memory_space<vmem>> -> memref<1x80xi32, #tpu.memory_space<vmem>>
      %dma_wait3A_143 = tpu.memref_squeeze %dma_wait3A_142 : memref<1x80xi32, #tpu.memory_space<vmem>> -> memref<80xi32, #tpu.memory_space<vmem>>
      %dma_wait3A_144 = arith.constant 0 : i32
      %dma_wait3A_145 = arith.constant 0 : i32
      %dma_wait3A_146 = tpu.memref_slice %arg2[%dma_wait3A_144, %dma_wait3A_145] : memref<10000x128xf32, #tpu.memory_space<hbm>> -> memref<10000x128xf32, #tpu.memory_space<hbm>>
      tpu.wait_indirect_dma semaphore(%arg12 : memref<!tpu.dma_semaphore, #tpu.memory_space<semaphore_mem>>) src(%dma_wait3A_146 : memref<10000x128xf32, #tpu.memory_space<hbm>>) dst(%arg7 : memref<80x128xf32, #tpu.memory_space<vmem>>)
      %dma_start3A_147 = arith.constant 24 : i32
      %dma_start3A_148 = arith.constant 0 : i32
      %dma_start3A_149 = tpu.memref_slice %arg6[%dma_start3A_147, %dma_start3A_148] : memref<25x80xi32, #tpu.memory_space<vmem>> -> memref<1x80xi32, #tpu.memory_space<vmem>>
      %dma_start3A_150 = tpu.memref_squeeze %dma_start3A_149 : memref<1x80xi32, #tpu.memory_space<vmem>> -> memref<80xi32, #tpu.memory_space<vmem>>
      %dma_start3A_151 = arith.constant 0 : i32
      %dma_start3A_152 = arith.constant 0 : i32
      %dma_start3A_153 = tpu.memref_slice %arg11[%dma_start3A_151, %dma_start3A_152] : memref<10240x128xf32, #tpu.memory_space<vmem_shared>> -> memref<10240x128xf32, #tpu.memory_space<vmem_shared>>
      tpu.enqueue_indirect_dma source(%arg7 : memref<80x128xf32, #tpu.memory_space<vmem>>) target(%dma_start3A_153 : memref<10240x128xf32, #tpu.memory_space<vmem_shared>>) offsets(%dma_start3A_150 : memref<80xi32, #tpu.memory_space<vmem>>) semaphore(%arg16 : memref<!tpu.dma_semaphore, #tpu.memory_space<semaphore_mem>>) {add = true}
      %dma_wait3A_154 = arith.constant 21 : i32
      %dma_wait3A_155 = arith.constant 0 : i32
      %dma_wait3A_156 = tpu.memref_slice %arg6[%dma_wait3A_154, %dma_wait3A_155] : memref<25x80xi32, #tpu.memory_space<vmem>> -> memref<1x80xi32, #tpu.memory_space<vmem>>
      %dma_wait3A_157 = tpu.memref_squeeze %dma_wait3A_156 : memref<1x80xi32, #tpu.memory_space<vmem>> -> memref<80xi32, #tpu.memory_space<vmem>>
      %dma_wait3A_158 = arith.constant 0 : i32
      %dma_wait3A_159 = arith.constant 0 : i32
      %dma_wait3A_160 = tpu.memref_slice %arg11[%dma_wait3A_158, %dma_wait3A_159] : memref<10240x128xf32, #tpu.memory_space<vmem_shared>> -> memref<10240x128xf32, #tpu.memory_space<vmem_shared>>
      tpu.wait_indirect_dma semaphore(%arg17 : memref<!tpu.dma_semaphore, #tpu.memory_space<semaphore_mem>>) src(%arg8 : memref<80x128xf32, #tpu.memory_space<vmem>>) dst(%dma_wait3A_160 : memref<10240x128xf32, #tpu.memory_space<vmem_shared>>)
      %dma_wait3A_161 = arith.constant 22 : i32
      %dma_wait3A_162 = arith.constant 0 : i32
      %dma_wait3A_163 = tpu.memref_slice %arg6[%dma_wait3A_161, %dma_wait3A_162] : memref<25x80xi32, #tpu.memory_space<vmem>> -> memref<1x80xi32, #tpu.memory_space<vmem>>
      %dma_wait3A_164 = tpu.memref_squeeze %dma_wait3A_163 : memref<1x80xi32, #tpu.memory_space<vmem>> -> memref<80xi32, #tpu.memory_space<vmem>>
      %dma_wait3A_165 = arith.constant 0 : i32
      %dma_wait3A_166 = arith.constant 0 : i32
      %dma_wait3A_167 = tpu.memref_slice %arg11[%dma_wait3A_165, %dma_wait3A_166] : memref<10240x128xf32, #tpu.memory_space<vmem_shared>> -> memref<10240x128xf32, #tpu.memory_space<vmem_shared>>
      tpu.wait_indirect_dma semaphore(%arg18 : memref<!tpu.dma_semaphore, #tpu.memory_space<semaphore_mem>>) src(%arg9 : memref<80x128xf32, #tpu.memory_space<vmem>>) dst(%dma_wait3A_167 : memref<10240x128xf32, #tpu.memory_space<vmem_shared>>)
      %dma_wait3A_168 = arith.constant 23 : i32
      %dma_wait3A_169 = arith.constant 0 : i32
      %dma_wait3A_170 = tpu.memref_slice %arg6[%dma_wait3A_168, %dma_wait3A_169] : memref<25x80xi32, #tpu.memory_space<vmem>> -> memref<1x80xi32, #tpu.memory_space<vmem>>
      %dma_wait3A_171 = tpu.memref_squeeze %dma_wait3A_170 : memref<1x80xi32, #tpu.memory_space<vmem>> -> memref<80xi32, #tpu.memory_space<vmem>>
      %dma_wait3A_172 = arith.constant 0 : i32
      %dma_wait3A_173 = arith.constant 0 : i32
      %dma_wait3A_174 = tpu.memref_slice %arg11[%dma_wait3A_172, %dma_wait3A_173] : memref<10240x128xf32, #tpu.memory_space<vmem_shared>> -> memref<10240x128xf32, #tpu.memory_space<vmem_shared>>
      tpu.wait_indirect_dma semaphore(%arg19 : memref<!tpu.dma_semaphore, #tpu.memory_space<semaphore_mem>>) src(%arg10 : memref<80x128xf32, #tpu.memory_space<vmem>>) dst(%dma_wait3A_174 : memref<10240x128xf32, #tpu.memory_space<vmem_shared>>)
      %dma_wait3A_175 = arith.constant 24 : i32
      %dma_wait3A_176 = arith.constant 0 : i32
      %dma_wait3A_177 = tpu.memref_slice %arg6[%dma_wait3A_175, %dma_wait3A_176] : memref<25x80xi32, #tpu.memory_space<vmem>> -> memref<1x80xi32, #tpu.memory_space<vmem>>
      %dma_wait3A_178 = tpu.memref_squeeze %dma_wait3A_177 : memref<1x80xi32, #tpu.memory_space<vmem>> -> memref<80xi32, #tpu.memory_space<vmem>>
      %dma_wait3A_179 = arith.constant 0 : i32
      %dma_wait3A_180 = arith.constant 0 : i32
      %dma_wait3A_181 = tpu.memref_slice %arg11[%dma_wait3A_179, %dma_wait3A_180] : memref<10240x128xf32, #tpu.memory_space<vmem_shared>> -> memref<10240x128xf32, #tpu.memory_space<vmem_shared>>
      tpu.wait_indirect_dma semaphore(%arg16 : memref<!tpu.dma_semaphore, #tpu.memory_space<semaphore_mem>>) src(%arg7 : memref<80x128xf32, #tpu.memory_space<vmem>>) dst(%dma_wait3A_181 : memref<10240x128xf32, #tpu.memory_space<vmem_shared>>)
      %scan3A_182 = arith.constant 0 : i32
      scf.yield %scan3A_182 : i32
    }
    %scan3A_28 = arith.constant 5 : i32
    %barrier3A_29 = arith.constant 0 : index
    tpu.barrier barrier_id(%barrier3A_29)
    %mul3A_30 = arith.constant 640 : i32
    %mul3A_31 = arith.muli %arg1, %mul3A_30 : i32
    %mul3A_32 = arith.constant 640 : i32
    %mul3A_33 = arith.muli %arg1, %mul3A_32 : i32
    "tpu.region"() ({
      %run_scoped3A = tpu.sem_alloc : memref<!tpu.dma_semaphore, #tpu.memory_space<semaphore_mem>>
      %dma_start3A = arith.constant 0 : i32
      %dma_start3A_34 = tpu.memref_slice %arg4[%arg0, %mul3A_33, %dma_start3A] : memref<2x10240x128xf32, #tpu.memory_space<hbm>> -> memref<1x640x128xf32, #tpu.memory_space<hbm>>
      %dma_start3A_35 = tpu.memref_squeeze %dma_start3A_34 : memref<1x640x128xf32, #tpu.memory_space<hbm>> -> memref<640x128xf32, #tpu.memory_space<hbm>>
      %dma_start3A_36 = arith.constant 0 : i32
      %dma_start3A_37 = tpu.memref_slice %arg11[%mul3A_31, %dma_start3A_36] : memref<10240x128xf32, #tpu.memory_space<vmem_shared>> -> memref<640x128xf32, #tpu.memory_space<vmem_shared>>
      tpu.enqueue_dma source(%dma_start3A_37 : memref<640x128xf32, #tpu.memory_space<vmem_shared>>) target(%dma_start3A_35 : memref<640x128xf32, #tpu.memory_space<hbm>>) target_semaphore(%run_scoped3A : memref<!tpu.dma_semaphore, #tpu.memory_space<semaphore_mem>>)
      %dma_wait3A = arith.constant 0 : i32
      %dma_wait3A_38 = tpu.memref_slice %arg4[%arg0, %mul3A_33, %dma_wait3A] : memref<2x10240x128xf32, #tpu.memory_space<hbm>> -> memref<1x640x128xf32, #tpu.memory_space<hbm>>
      %dma_wait3A_39 = tpu.memref_squeeze %dma_wait3A_38 : memref<1x640x128xf32, #tpu.memory_space<hbm>> -> memref<640x128xf32, #tpu.memory_space<hbm>>
      %dma_wait3A_40 = arith.constant 0 : i32
      %dma_wait3A_41 = tpu.memref_slice %arg11[%mul3A_31, %dma_wait3A_40] : memref<10240x128xf32, #tpu.memory_space<vmem_shared>> -> memref<640x128xf32, #tpu.memory_space<vmem_shared>>
      tpu.wait_dma2 semaphore(%run_scoped3A : memref<!tpu.dma_semaphore, #tpu.memory_space<semaphore_mem>>) src(%dma_wait3A_41 : memref<640x128xf32, #tpu.memory_space<vmem_shared>>) dst(%dma_wait3A_39 : memref<640x128xf32, #tpu.memory_space<hbm>>)
      tpu.yield
    }) : () -> ()
    return
  }
}

#map = affine_map<(d0, d1) -> (0, 0, 0, 0)>
#map1 = affine_map<(d0, d1) -> (0)>
module attributes {stable_mosaic.version = 14 : i64} {
  func.func @_sc_deg_kernel(%arg0: i32, %arg1: i32, %arg2: memref<2x32x80x125xi32, #tpu.memory_space<hbm>>, %arg3: memref<125xf32, #tpu.memory_space<hbm>>, %arg4: memref<20480xf32, #tpu.memory_space<hbm>>, %arg5: memref<80x125xi32, #tpu.memory_space<vmem>>, %arg6: memref<125xf32, #tpu.memory_space<vmem>>, %arg7: memref<640xf32, #tpu.memory_space<vmem>>, %arg8: memref<10240xf32, #tpu.memory_space<vmem_shared>>, %arg9: memref<!tpu.dma_semaphore, #tpu.memory_space<semaphore_mem>>) attributes {dimension_semantics = [#tpu.dimension_semantics<core_parallel>, #tpu.dimension_semantics<subcore_parallel>], iteration_bounds = array<i64: 2, 16>, scalar_prefetch = 0 : i64, scratch_operands = 5 : i64, tpu.core_type = #tpu.core_type<sc_vector_subcore>, window_params = [{transform_indices = #map}, {transform_indices = #map1}, {transform_indices = #map1}]} {
    %mul3A = arith.constant 2 : i32
    %mul3A_0 = arith.muli %arg1, %mul3A : i32
    %add3A = arith.addi %mul3A_0, %arg0 : i32
    %run_scoped3A = arith.constant 1 : i32
    "tpu.region"() ({
      %run_scoped3A_32 = tpu.sem_alloc : memref<!tpu.dma_semaphore, #tpu.memory_space<semaphore_mem>>
      %dma_start3A = arith.constant 0 : i32
      %dma_start3A_33 = arith.constant 0 : i32
      %dma_start3A_34 = tpu.memref_slice %arg2[%run_scoped3A, %add3A, %dma_start3A, %dma_start3A_33] : memref<2x32x80x125xi32, #tpu.memory_space<hbm>> -> memref<1x1x80x125xi32, #tpu.memory_space<hbm>>
      %dma_start3A_35 = tpu.memref_squeeze %dma_start3A_34 : memref<1x1x80x125xi32, #tpu.memory_space<hbm>> -> memref<80x125xi32, #tpu.memory_space<hbm>>
      %dma_start3A_36 = arith.constant 0 : i32
      %dma_start3A_37 = arith.constant 0 : i32
      %dma_start3A_38 = tpu.memref_slice %arg2[%run_scoped3A, %add3A, %dma_start3A_36, %dma_start3A_37] : memref<2x32x80x125xi32, #tpu.memory_space<hbm>> -> memref<1x1x80x125xi32, #tpu.memory_space<hbm>>
      %dma_start3A_39 = tpu.memref_squeeze %dma_start3A_38 : memref<1x1x80x125xi32, #tpu.memory_space<hbm>> -> memref<80x125xi32, #tpu.memory_space<hbm>>
      tpu.enqueue_dma source(%dma_start3A_39 : memref<80x125xi32, #tpu.memory_space<hbm>>) target(%arg5 : memref<80x125xi32, #tpu.memory_space<vmem>>) target_semaphore(%run_scoped3A_32 : memref<!tpu.dma_semaphore, #tpu.memory_space<semaphore_mem>>)
      %dma_wait3A = arith.constant 0 : i32
      %dma_wait3A_40 = arith.constant 0 : i32
      %dma_wait3A_41 = tpu.memref_slice %arg2[%run_scoped3A, %add3A, %dma_wait3A, %dma_wait3A_40] : memref<2x32x80x125xi32, #tpu.memory_space<hbm>> -> memref<1x1x80x125xi32, #tpu.memory_space<hbm>>
      %dma_wait3A_42 = tpu.memref_squeeze %dma_wait3A_41 : memref<1x1x80x125xi32, #tpu.memory_space<hbm>> -> memref<80x125xi32, #tpu.memory_space<hbm>>
      %dma_wait3A_43 = arith.constant 0 : i32
      %dma_wait3A_44 = arith.constant 0 : i32
      %dma_wait3A_45 = tpu.memref_slice %arg2[%run_scoped3A, %add3A, %dma_wait3A_43, %dma_wait3A_44] : memref<2x32x80x125xi32, #tpu.memory_space<hbm>> -> memref<1x1x80x125xi32, #tpu.memory_space<hbm>>
      %dma_wait3A_46 = tpu.memref_squeeze %dma_wait3A_45 : memref<1x1x80x125xi32, #tpu.memory_space<hbm>> -> memref<80x125xi32, #tpu.memory_space<hbm>>
      tpu.wait_dma2 semaphore(%run_scoped3A_32 : memref<!tpu.dma_semaphore, #tpu.memory_space<semaphore_mem>>) src(%dma_wait3A_46 : memref<80x125xi32, #tpu.memory_space<hbm>>) dst(%arg5 : memref<80x125xi32, #tpu.memory_space<vmem>>)
      tpu.yield
    }) : () -> ()
    "tpu.region"() ({
      %run_scoped3A_32 = tpu.sem_alloc : memref<!tpu.dma_semaphore, #tpu.memory_space<semaphore_mem>>
      tpu.enqueue_dma source(%arg3 : memref<125xf32, #tpu.memory_space<hbm>>) target(%arg6 : memref<125xf32, #tpu.memory_space<vmem>>) target_semaphore(%run_scoped3A_32 : memref<!tpu.dma_semaphore, #tpu.memory_space<semaphore_mem>>)
      tpu.wait_dma2 semaphore(%run_scoped3A_32 : memref<!tpu.dma_semaphore, #tpu.memory_space<semaphore_mem>>) src(%arg3 : memref<125xf32, #tpu.memory_space<hbm>>) dst(%arg6 : memref<125xf32, #tpu.memory_space<vmem>>)
      tpu.yield
    }) : () -> ()
    %broadcast_in_dim3A = arith.constant 0.000000e+00 : f32
    %broadcast_in_dim3A_1 = vector.broadcast %broadcast_in_dim3A : f32 to vector<16xf32>
    %scan3A = arith.constant 0 : i32
    %scan3A_2 = arith.constant 0 : i32
    %scan3A_3 = arith.constant 40 : i32
    %scan3A_4 = arith.addi %scan3A_2, %scan3A_3 : i32
    %scan3A_5 = arith.constant 1 : i32
    %scan3A_6 = scf.for %scan3A_32 = %scan3A_2 to %scan3A_4 step %scan3A_5 iter_args(%scan3A_33 = %scan3A) -> (i32)  : i32 {
      %mul3A_34 = arith.constant 16 : i32
      %mul3A_35 = arith.muli %scan3A_32, %mul3A_34 : i32
      %swap3A = arith.index_cast %mul3A_35 : i32 to index
      %swap3A_36 = tpu.vector_load %arg7[%swap3A] {strides = array<i32>} : memref<640xf32, #tpu.memory_space<vmem>>, vector<16xf32>,
      %swap3A_37 = vector.shape_cast %swap3A_36 : vector<16xf32> to vector<16xf32>
      %swap3A_38 = vector.shape_cast %broadcast_in_dim3A_1 : vector<16xf32> to vector<16xf32>
      tpu.vector_store %arg7[%swap3A], %swap3A_38 {strides = array<i32>} : memref<640xf32, #tpu.memory_space<vmem>>, vector<16xf32>,
      %scan3A_39 = arith.constant 0 : i32
      scf.yield %scan3A_39 : i32
    }
    %scan3A_7 = arith.constant 40 : i32
    %mul3A_8 = arith.constant 640 : i32
    %mul3A_9 = arith.muli %arg1, %mul3A_8 : i32
    "tpu.region"() ({
      %run_scoped3A_32 = tpu.sem_alloc : memref<!tpu.dma_semaphore, #tpu.memory_space<semaphore_mem>>
      %dma_start3A = tpu.memref_slice %arg8[%mul3A_9] : memref<10240xf32, #tpu.memory_space<vmem_shared>> -> memref<640xf32, #tpu.memory_space<vmem_shared>>
      %dma_start3A_33 = tpu.memref_slice %arg8[%mul3A_9] : memref<10240xf32, #tpu.memory_space<vmem_shared>> -> memref<640xf32, #tpu.memory_space<vmem_shared>>
      tpu.enqueue_dma source(%arg7 : memref<640xf32, #tpu.memory_space<vmem>>) target(%dma_start3A_33 : memref<640xf32, #tpu.memory_space<vmem_shared>>) target_semaphore(%run_scoped3A_32 : memref<!tpu.dma_semaphore, #tpu.memory_space<semaphore_mem>>)
      %dma_wait3A = tpu.memref_slice %arg8[%mul3A_9] : memref<10240xf32, #tpu.memory_space<vmem_shared>> -> memref<640xf32, #tpu.memory_space<vmem_shared>>
      %dma_wait3A_34 = tpu.memref_slice %arg8[%mul3A_9] : memref<10240xf32, #tpu.memory_space<vmem_shared>> -> memref<640xf32, #tpu.memory_space<vmem_shared>>
      tpu.wait_dma2 semaphore(%run_scoped3A_32 : memref<!tpu.dma_semaphore, #tpu.memory_space<semaphore_mem>>) src(%arg7 : memref<640xf32, #tpu.memory_space<vmem>>) dst(%dma_wait3A_34 : memref<640xf32, #tpu.memory_space<vmem_shared>>)
      tpu.yield
    }) : () -> ()
    %barrier3A = arith.constant 0 : index
    tpu.barrier barrier_id(%barrier3A)
    %scan3A_10 = arith.constant 0 : i32
    %scan3A_11 = arith.constant 0 : i32
    %scan3A_12 = arith.constant 80 : i32
    %scan3A_13 = arith.addi %scan3A_11, %scan3A_12 : i32
    %scan3A_14 = arith.constant 1 : i32
    %scan3A_15 = scf.for %scan3A_32 = %scan3A_11 to %scan3A_13 step %scan3A_14 iter_args(%scan3A_33 = %scan3A_10) -> (i32)  : i32 {
      %dma_start3A = arith.constant 0 : i32
      %dma_start3A_34 = tpu.memref_slice %arg5[%scan3A_32, %dma_start3A] : memref<80x125xi32, #tpu.memory_space<vmem>> -> memref<1x125xi32, #tpu.memory_space<vmem>>
      %dma_start3A_35 = tpu.memref_squeeze %dma_start3A_34 : memref<1x125xi32, #tpu.memory_space<vmem>> -> memref<125xi32, #tpu.memory_space<vmem>>
      %dma_start3A_36 = arith.constant 0 : i32
      %dma_start3A_37 = tpu.memref_slice %arg8[%dma_start3A_36] : memref<10240xf32, #tpu.memory_space<vmem_shared>> -> memref<10240xf32, #tpu.memory_space<vmem_shared>>
      tpu.enqueue_indirect_dma source(%arg6 : memref<125xf32, #tpu.memory_space<vmem>>) target(%dma_start3A_37 : memref<10240xf32, #tpu.memory_space<vmem_shared>>) offsets(%dma_start3A_35 : memref<125xi32, #tpu.memory_space<vmem>>) semaphore(%arg9 : memref<!tpu.dma_semaphore, #tpu.memory_space<semaphore_mem>>) {add = true}
      %scan3A_38 = arith.constant 0 : i32
      scf.yield %scan3A_38 : i32
    }
    %scan3A_16 = arith.constant 80 : i32
    %scan3A_17 = arith.constant 0 : i32
    %scan3A_18 = arith.constant 0 : i32
    %scan3A_19 = arith.constant 80 : i32
    %scan3A_20 = arith.addi %scan3A_18, %scan3A_19 : i32
    %scan3A_21 = arith.constant 1 : i32
    %scan3A_22 = scf.for %scan3A_32 = %scan3A_18 to %scan3A_20 step %scan3A_21 iter_args(%scan3A_33 = %scan3A_17) -> (i32)  : i32 {
      %dma_wait3A = arith.constant 0 : i32
      %dma_wait3A_34 = tpu.memref_slice %arg5[%scan3A_32, %dma_wait3A] : memref<80x125xi32, #tpu.memory_space<vmem>> -> memref<1x125xi32, #tpu.memory_space<vmem>>
      %dma_wait3A_35 = tpu.memref_squeeze %dma_wait3A_34 : memref<1x125xi32, #tpu.memory_space<vmem>> -> memref<125xi32, #tpu.memory_space<vmem>>
      %dma_wait3A_36 = arith.constant 0 : i32
      %dma_wait3A_37 = tpu.memref_slice %arg8[%dma_wait3A_36] : memref<10240xf32, #tpu.memory_space<vmem_shared>> -> memref<10240xf32, #tpu.memory_space<vmem_shared>>
      tpu.wait_indirect_dma semaphore(%arg9 : memref<!tpu.dma_semaphore, #tpu.memory_space<semaphore_mem>>) src(%arg6 : memref<125xf32, #tpu.memory_space<vmem>>) dst(%dma_wait3A_37 : memref<10240xf32, #tpu.memory_space<vmem_shared>>)
      %scan3A_38 = arith.constant 0 : i32
      scf.yield %scan3A_38 : i32
    }
    %scan3A_23 = arith.constant 80 : i32
    %barrier3A_24 = arith.constant 0 : index
    tpu.barrier barrier_id(%barrier3A_24)
    %mul3A_25 = arith.constant 640 : i32
    %mul3A_26 = arith.muli %arg1, %mul3A_25 : i32
    %mul3A_27 = arith.constant 10240 : i32
    %mul3A_28 = arith.muli %arg0, %mul3A_27 : i32
    %mul3A_29 = arith.constant 640 : i32
    %mul3A_30 = arith.muli %arg1, %mul3A_29 : i32
    %add3A_31 = arith.addi %mul3A_28, %mul3A_30 : i32
    "tpu.region"() ({
      %run_scoped3A_32 = tpu.sem_alloc : memref<!tpu.dma_semaphore, #tpu.memory_space<semaphore_mem>>
      %dma_start3A = tpu.memref_slice %arg4[%add3A_31] : memref<20480xf32, #tpu.memory_space<hbm>> -> memref<640xf32, #tpu.memory_space<hbm>>
      %dma_start3A_33 = tpu.memref_slice %arg8[%mul3A_26] : memref<10240xf32, #tpu.memory_space<vmem_shared>> -> memref<640xf32, #tpu.memory_space<vmem_shared>>
      tpu.enqueue_dma source(%dma_start3A_33 : memref<640xf32, #tpu.memory_space<vmem_shared>>) target(%dma_start3A : memref<640xf32, #tpu.memory_space<hbm>>) target_semaphore(%run_scoped3A_32 : memref<!tpu.dma_semaphore, #tpu.memory_space<semaphore_mem>>)
      %dma_wait3A = tpu.memref_slice %arg4[%add3A_31] : memref<20480xf32, #tpu.memory_space<hbm>> -> memref<640xf32, #tpu.memory_space<hbm>>
      %dma_wait3A_34 = tpu.memref_slice %arg8[%mul3A_26] : memref<10240xf32, #tpu.memory_space<vmem_shared>> -> memref<640xf32, #tpu.memory_space<vmem_shared>>
      tpu.wait_dma2 semaphore(%run_scoped3A_32 : memref<!tpu.dma_semaphore, #tpu.memory_space<semaphore_mem>>) src(%dma_wait3A_34 : memref<640xf32, #tpu.memory_space<vmem_shared>>) dst(%dma_wait3A : memref<640xf32, #tpu.memory_space<hbm>>)
      tpu.yield
    }) : () -> ()
    return
  }
}

#map = affine_map<(d0, d1) -> (0, 0)>
#map1 = affine_map<(d0, d1) -> (0, 0, 0, 0, 0)>
#map2 = affine_map<(d0, d1) -> (0, 0, 0)>
module attributes {stable_mosaic.version = 14 : i64} {
  func.func @_sc_agg_kernel(%arg0: i32, %arg1: i32, %arg2: memref<10000x128xf32, #tpu.memory_space<hbm>>, %arg3: memref<2x32x5x25x80xi32, #tpu.memory_space<hbm>>, %arg4: memref<2x10240x128xf32, #tpu.memory_space<hbm>>, %arg5: memref<25x80xi32, #tpu.memory_space<vmem>>, %arg6: memref<25x80xi32, #tpu.memory_space<vmem>>, %arg7: memref<80x128xf32, #tpu.memory_space<vmem>>, %arg8: memref<80x128xf32, #tpu.memory_space<vmem>>, %arg9: memref<80x128xf32, #tpu.memory_space<vmem>>, %arg10: memref<80x128xf32, #tpu.memory_space<vmem>>, %arg11: memref<10240x128xf32, #tpu.memory_space<vmem_shared>>, %arg12: memref<!tpu.dma_semaphore, #tpu.memory_space<semaphore_mem>>, %arg13: memref<!tpu.dma_semaphore, #tpu.memory_space<semaphore_mem>>, %arg14: memref<!tpu.dma_semaphore, #tpu.memory_space<semaphore_mem>>, %arg15: memref<!tpu.dma_semaphore, #tpu.memory_space<semaphore_mem>>, %arg16: memref<!tpu.dma_semaphore, #tpu.memory_space<semaphore_mem>>, %arg17: memref<!tpu.dma_semaphore, #tpu.memory_space<semaphore_mem>>, %arg18: memref<!tpu.dma_semaphore, #tpu.memory_space<semaphore_mem>>, %arg19: memref<!tpu.dma_semaphore, #tpu.memory_space<semaphore_mem>>) attributes {dimension_semantics = [#tpu.dimension_semantics<core_parallel>, #tpu.dimension_semantics<subcore_parallel>], iteration_bounds = array<i64: 2, 16>, scalar_prefetch = 0 : i64, scratch_operands = 15 : i64, tpu.core_type = #tpu.core_type<sc_vector_subcore>, window_params = [{transform_indices = #map}, {transform_indices = #map1}, {transform_indices = #map2}]} {
    %mul3A = arith.constant 2 : i32
    %mul3A_0 = arith.muli %arg1, %mul3A : i32
    %add3A = arith.addi %mul3A_0, %arg0 : i32
    %broadcast_in_dim3A = arith.constant 0.000000e+00 : f32
    %broadcast_in_dim3A_1 = vector.broadcast %broadcast_in_dim3A : f32 to vector<16xf32>
    %scan3A = arith.constant 0 : i32
    %scan3A_2 = arith.constant 0 : i32
    %scan3A_3 = arith.constant 640 : i32
    %scan3A_4 = arith.addi %scan3A_2, %scan3A_3 : i32
    %scan3A_5 = arith.constant 1 : i32
    %scan3A_6 = scf.for %scan3A_34 = %scan3A_2 to %scan3A_4 step %scan3A_5 iter_args(%scan3A_35 = %scan3A) -> (i32)  : i32 {
      %jit3A = arith.constant 8 : i32
      %div3A = arith.divsi %scan3A_34, %jit3A : i32
      %sign3A = arith.constant 0 : i32
      %sign3A_36 = arith.cmpi sgt, %scan3A_34, %sign3A : i32
      %sign3A_37 = arith.extui %sign3A_36 : i1 to i32
      %sign3A_38 = arith.constant 0 : i32
      %sign3A_39 = arith.cmpi slt, %scan3A_34, %sign3A_38 : i32
      %sign3A_40 = arith.extui %sign3A_39 : i1 to i32
      %sign3A_41 = arith.subi %sign3A_37, %sign3A_40 : i32
      %sign3A_42 = arith.constant 0 : i32
      %sign3A_43 = arith.cmpi sgt, %jit3A, %sign3A_42 : i32
      %sign3A_44 = arith.extui %sign3A_43 : i1 to i32
      %sign3A_45 = arith.constant 0 : i32
      %sign3A_46 = arith.cmpi slt, %jit3A, %sign3A_45 : i32
      %sign3A_47 = arith.extui %sign3A_46 : i1 to i32
      %sign3A_48 = arith.subi %sign3A_44, %sign3A_47 : i32
      %ne3A = arith.cmpi ne, %sign3A_41, %sign3A_48 : i32
      %rem3A = arith.remsi %scan3A_34, %jit3A : i32
      %ne3A_49 = arith.constant 0 : i32
      %ne3A_50 = arith.cmpi ne, %rem3A, %ne3A_49 : i32
      %and3A = arith.andi %ne3A, %ne3A_50 : i1
      %sub3A = arith.constant 1 : i32
      %sub3A_51 = arith.subi %div3A, %sub3A : i32
      %select_n3A = arith.select %and3A, %sub3A_51, %div3A : i32
      %jit3A_52 = arith.constant 8 : i32
      %eq3A = arith.constant 0 : i32
      %eq3A_53 = arith.cmpi eq, %jit3A_52, %eq3A : i32
      %jit3A_54 = arith.constant 1 : i32
      %select_n3A_55 = arith.select %eq3A_53, %jit3A_54, %jit3A_52 : i32
      %rem3A_56 = arith.remsi %scan3A_34, %select_n3A_55 : i32
      %ne3A_57 = arith.constant 0 : i32
      %ne3A_58 = arith.cmpi ne, %rem3A_56, %ne3A_57 : i32
      %lt3A = arith.constant 0 : i32
      %lt3A_59 = arith.cmpi slt, %rem3A_56, %lt3A : i32
      %lt3A_60 = arith.constant 0 : i32
      %lt3A_61 = arith.cmpi slt, %select_n3A_55, %lt3A_60 : i32
      %ne3A_62 = arith.xori %lt3A_59, %lt3A_61 : i1
      %and3A_63 = arith.andi %ne3A_62, %ne3A_58 : i1
      %add3A_64 = arith.addi %rem3A_56, %select_n3A_55 : i32
      %select_n3A_65 = arith.select %and3A_63, %add3A_64, %rem3A_56 : i32
      %mul3A_66 = arith.constant 16 : i32
      %mul3A_67 = arith.muli %select_n3A_65, %mul3A_66 : i32
      %swap3A = arith.index_cast %select_n3A : i32 to index
      %swap3A_68 = arith.index_cast %mul3A_67 : i32 to index
      %swap3A_69 = tpu.vector_load %arg7[%swap3A, %swap3A_68] {strides = array<i32>} : memref<80x128xf32, #tpu.memory_space<vmem>>, vector<1x16xf32>,
      %swap3A_70 = vector.shape_cast %swap3A_69 : vector<1x16xf32> to vector<16xf32>
      %swap3A_71 = vector.shape_cast %broadcast_in_dim3A_1 : vector<16xf32> to vector<1x16xf32>
      tpu.vector_store %arg7[%swap3A, %swap3A_68], %swap3A_71 {strides = array<i32>} : memref<80x128xf32, #tpu.memory_space<vmem>>, vector<1x16xf32>,
      %scan3A_72 = arith.constant 0 : i32
      scf.yield %scan3A_72 : i32
    }
    %scan3A_7 = arith.constant 640 : i32
    %scan3A_8 = arith.constant 0 : i32
    %scan3A_9 = arith.constant 0 : i32
    %scan3A_10 = arith.constant 8 : i32
    %scan3A_11 = arith.addi %scan3A_9, %scan3A_10 : i32
    %scan3A_12 = arith.constant 1 : i32
    %scan3A_13 = scf.for %scan3A_34 = %scan3A_9 to %scan3A_11 step %scan3A_12 iter_args(%scan3A_35 = %scan3A_8) -> (i32)  : i32 {
      %mul3A_36 = arith.constant 640 : i32
      %mul3A_37 = arith.muli %arg1, %mul3A_36 : i32
      %mul3A_38 = arith.constant 80 : i32
      %mul3A_39 = arith.muli %scan3A_34, %mul3A_38 : i32
      %add3A_40 = arith.addi %mul3A_37, %mul3A_39 : i32
      %dma_start3A = arith.constant 0 : i32
      %dma_start3A_41 = tpu.memref_slice %arg11[%add3A_40, %dma_start3A] : memref<10240x128xf32, #tpu.memory_space<vmem_shared>> -> memref<80x128xf32, #tpu.memory_space<vmem_shared>>
      %dma_start3A_42 = arith.constant 0 : i32
      %dma_start3A_43 = tpu.memref_slice %arg11[%add3A_40, %dma_start3A_42] : memref<10240x128xf32, #tpu.memory_space<vmem_shared>> -> memref<80x128xf32, #tpu.memory_space<vmem_shared>>
      tpu.enqueue_dma source(%arg7 : memref<80x128xf32, #tpu.memory_space<vmem>>) target(%dma_start3A_43 : memref<80x128xf32, #tpu.memory_space<vmem_shared>>) target_semaphore(%arg12 : memref<!tpu.dma_semaphore, #tpu.memory_space<semaphore_mem>>)
      %scan3A_44 = arith.constant 0 : i32
      scf.yield %scan3A_44 : i32
    }
    %scan3A_14 = arith.constant 8 : i32
    %scan3A_15 = arith.constant 0 : i32
    %scan3A_16 = arith.constant 0 : i32
    %scan3A_17 = arith.constant 8 : i32
    %scan3A_18 = arith.addi %scan3A_16, %scan3A_17 : i32
    %scan3A_19 = arith.constant 1 : i32
    %scan3A_20 = scf.for %scan3A_34 = %scan3A_16 to %scan3A_18 step %scan3A_19 iter_args(%scan3A_35 = %scan3A_15) -> (i32)  : i32 {
      %mul3A_36 = arith.constant 640 : i32
      %mul3A_37 = arith.muli %arg1, %mul3A_36 : i32
      %mul3A_38 = arith.constant 80 : i32
      %mul3A_39 = arith.muli %scan3A_34, %mul3A_38 : i32
      %add3A_40 = arith.addi %mul3A_37, %mul3A_39 : i32
      %dma_wait3A = arith.constant 0 : i32
      %dma_wait3A_41 = tpu.memref_slice %arg11[%add3A_40, %dma_wait3A] : memref<10240x128xf32, #tpu.memory_space<vmem_shared>> -> memref<80x128xf32, #tpu.memory_space<vmem_shared>>
      %dma_wait3A_42 = arith.constant 0 : i32
      %dma_wait3A_43 = tpu.memref_slice %arg11[%add3A_40, %dma_wait3A_42] : memref<10240x128xf32, #tpu.memory_space<vmem_shared>> -> memref<80x128xf32, #tpu.memory_space<vmem_shared>>
      tpu.wait_dma2 semaphore(%arg12 : memref<!tpu.dma_semaphore, #tpu.memory_space<semaphore_mem>>) src(%arg7 : memref<80x128xf32, #tpu.memory_space<vmem>>) dst(%dma_wait3A_43 : memref<80x128xf32, #tpu.memory_space<vmem_shared>>)
      %scan3A_44 = arith.constant 0 : i32
      scf.yield %scan3A_44 : i32
    }
    %scan3A_21 = arith.constant 8 : i32
    %barrier3A = arith.constant 0 : index
    tpu.barrier barrier_id(%barrier3A)
    %scan3A_22 = arith.constant 0 : i32
    %scan3A_23 = arith.constant 0 : i32
    %scan3A_24 = arith.constant 5 : i32
    %scan3A_25 = arith.addi %scan3A_23, %scan3A_24 : i32
    %scan3A_26 = arith.constant 1 : i32
    %scan3A_27 = scf.for %scan3A_34 = %scan3A_23 to %scan3A_25 step %scan3A_26 iter_args(%scan3A_35 = %scan3A_22) -> (i32)  : i32 {
      %run_scoped3A = arith.constant 0 : i32
      "tpu.region"() ({
        %run_scoped3A_183 = tpu.sem_alloc : memref<!tpu.dma_semaphore, #tpu.memory_space<semaphore_mem>>
        %dma_start3A_184 = arith.constant 0 : i32
        %dma_start3A_185 = arith.constant 0 : i32
        %dma_start3A_186 = tpu.memref_slice %arg3[%run_scoped3A, %add3A, %scan3A_34, %dma_start3A_184, %dma_start3A_185] : memref<2x32x5x25x80xi32, #tpu.memory_space<hbm>> -> memref<1x1x1x25x80xi32, #tpu.memory_space<hbm>>
        %dma_start3A_187 = tpu.memref_squeeze %dma_start3A_186 : memref<1x1x1x25x80xi32, #tpu.memory_space<hbm>> -> memref<25x80xi32, #tpu.memory_space<hbm>>
        %dma_start3A_188 = arith.constant 0 : i32
        %dma_start3A_189 = arith.constant 0 : i32
        %dma_start3A_190 = tpu.memref_slice %arg3[%run_scoped3A, %add3A, %scan3A_34, %dma_start3A_188, %dma_start3A_189] : memref<2x32x5x25x80xi32, #tpu.memory_space<hbm>> -> memref<1x1x1x25x80xi32, #tpu.memory_space<hbm>>
        %dma_start3A_191 = tpu.memref_squeeze %dma_start3A_190 : memref<1x1x1x25x80xi32, #tpu.memory_space<hbm>> -> memref<25x80xi32, #tpu.memory_space<hbm>>
        tpu.enqueue_dma source(%dma_start3A_191 : memref<25x80xi32, #tpu.memory_space<hbm>>) target(%arg5 : memref<25x80xi32, #tpu.memory_space<vmem>>) target_semaphore(%run_scoped3A_183 : memref<!tpu.dma_semaphore, #tpu.memory_space<semaphore_mem>>)
        %dma_wait3A_192 = arith.constant 0 : i32
        %dma_wait3A_193 = arith.constant 0 : i32
        %dma_wait3A_194 = tpu.memref_slice %arg3[%run_scoped3A, %add3A, %scan3A_34, %dma_wait3A_192, %dma_wait3A_193] : memref<2x32x5x25x80xi32, #tpu.memory_space<hbm>> -> memref<1x1x1x25x80xi32, #tpu.memory_space<hbm>>
        %dma_wait3A_195 = tpu.memref_squeeze %dma_wait3A_194 : memref<1x1x1x25x80xi32, #tpu.memory_space<hbm>> -> memref<25x80xi32, #tpu.memory_space<hbm>>
        %dma_wait3A_196 = arith.constant 0 : i32
        %dma_wait3A_197 = arith.constant 0 : i32
        %dma_wait3A_198 = tpu.memref_slice %arg3[%run_scoped3A, %add3A, %scan3A_34, %dma_wait3A_196, %dma_wait3A_197] : memref<2x32x5x25x80xi32, #tpu.memory_space<hbm>> -> memref<1x1x1x25x80xi32, #tpu.memory_space<hbm>>
        %dma_wait3A_199 = tpu.memref_squeeze %dma_wait3A_198 : memref<1x1x1x25x80xi32, #tpu.memory_space<hbm>> -> memref<25x80xi32, #tpu.memory_space<hbm>>
        tpu.wait_dma2 semaphore(%run_scoped3A_183 : memref<!tpu.dma_semaphore, #tpu.memory_space<semaphore_mem>>) src(%dma_wait3A_199 : memref<25x80xi32, #tpu.memory_space<hbm>>) dst(%arg5 : memref<25x80xi32, #tpu.memory_space<vmem>>)
        tpu.yield
      }) : () -> ()
      %run_scoped3A_36 = arith.constant 1 : i32
      "tpu.region"() ({
        %run_scoped3A_183 = tpu.sem_alloc : memref<!tpu.dma_semaphore, #tpu.memory_space<semaphore_mem>>
        %dma_start3A_184 = arith.constant 0 : i32
        %dma_start3A_185 = arith.constant 0 : i32
        %dma_start3A_186 = tpu.memref_slice %arg3[%run_scoped3A_36, %add3A, %scan3A_34, %dma_start3A_184, %dma_start3A_185] : memref<2x32x5x25x80xi32, #tpu.memory_space<hbm>> -> memref<1x1x1x25x80xi32, #tpu.memory_space<hbm>>
        %dma_start3A_187 = tpu.memref_squeeze %dma_start3A_186 : memref<1x1x1x25x80xi32, #tpu.memory_space<hbm>> -> memref<25x80xi32, #tpu.memory_space<hbm>>
        %dma_start3A_188 = arith.constant 0 : i32
        %dma_start3A_189 = arith.constant 0 : i32
        %dma_start3A_190 = tpu.memref_slice %arg3[%run_scoped3A_36, %add3A, %scan3A_34, %dma_start3A_188, %dma_start3A_189] : memref<2x32x5x25x80xi32, #tpu.memory_space<hbm>> -> memref<1x1x1x25x80xi32, #tpu.memory_space<hbm>>
        %dma_start3A_191 = tpu.memref_squeeze %dma_start3A_190 : memref<1x1x1x25x80xi32, #tpu.memory_space<hbm>> -> memref<25x80xi32, #tpu.memory_space<hbm>>
        tpu.enqueue_dma source(%dma_start3A_191 : memref<25x80xi32, #tpu.memory_space<hbm>>) target(%arg6 : memref<25x80xi32, #tpu.memory_space<vmem>>) target_semaphore(%run_scoped3A_183 : memref<!tpu.dma_semaphore, #tpu.memory_space<semaphore_mem>>)
        %dma_wait3A_192 = arith.constant 0 : i32
        %dma_wait3A_193 = arith.constant 0 : i32
        %dma_wait3A_194 = tpu.memref_slice %arg3[%run_scoped3A_36, %add3A, %scan3A_34, %dma_wait3A_192, %dma_wait3A_193] : memref<2x32x5x25x80xi32, #tpu.memory_space<hbm>> -> memref<1x1x1x25x80xi32, #tpu.memory_space<hbm>>
        %dma_wait3A_195 = tpu.memref_squeeze %dma_wait3A_194 : memref<1x1x1x25x80xi32, #tpu.memory_space<hbm>> -> memref<25x80xi32, #tpu.memory_space<hbm>>
        %dma_wait3A_196 = arith.constant 0 : i32
        %dma_wait3A_197 = arith.constant 0 : i32
        %dma_wait3A_198 = tpu.memref_slice %arg3[%run_scoped3A_36, %add3A, %scan3A_34, %dma_wait3A_196, %dma_wait3A_197] : memref<2x32x5x25x80xi32, #tpu.memory_space<hbm>> -> memref<1x1x1x25x80xi32, #tpu.memory_space<hbm>>
        %dma_wait3A_199 = tpu.memref_squeeze %dma_wait3A_198 : memref<1x1x1x25x80xi32, #tpu.memory_space<hbm>> -> memref<25x80xi32, #tpu.memory_space<hbm>>
        tpu.wait_dma2 semaphore(%run_scoped3A_183 : memref<!tpu.dma_semaphore, #tpu.memory_space<semaphore_mem>>) src(%dma_wait3A_199 : memref<25x80xi32, #tpu.memory_space<hbm>>) dst(%arg6 : memref<25x80xi32, #tpu.memory_space<vmem>>)
        tpu.yield
      }) : () -> ()
      %dma_start3A = arith.constant 0 : i32
      %dma_start3A_37 = arith.constant 0 : i32
      %dma_start3A_38 = tpu.memref_slice %arg5[%dma_start3A, %dma_start3A_37] : memref<25x80xi32, #tpu.memory_space<vmem>> -> memref<1x80xi32, #tpu.memory_space<vmem>>
      %dma_start3A_39 = tpu.memref_squeeze %dma_start3A_38 : memref<1x80xi32, #tpu.memory_space<vmem>> -> memref<80xi32, #tpu.memory_space<vmem>>
      %dma_start3A_40 = arith.constant 0 : i32
      %dma_start3A_41 = arith.constant 0 : i32
      %dma_start3A_42 = tpu.memref_slice %arg2[%dma_start3A_40, %dma_start3A_41] : memref<10000x128xf32, #tpu.memory_space<hbm>> -> memref<10000x128xf32, #tpu.memory_space<hbm>>
      tpu.enqueue_indirect_dma source(%dma_start3A_42 : memref<10000x128xf32, #tpu.memory_space<hbm>>) target(%arg7 : memref<80x128xf32, #tpu.memory_space<vmem>>) offsets(%dma_start3A_39 : memref<80xi32, #tpu.memory_space<vmem>>) semaphore(%arg12 : memref<!tpu.dma_semaphore, #tpu.memory_space<semaphore_mem>>)
      %dma_start3A_43 = arith.constant 1 : i32
      %dma_start3A_44 = arith.constant 0 : i32
      %dma_start3A_45 = tpu.memref_slice %arg5[%dma_start3A_43, %dma_start3A_44] : memref<25x80xi32, #tpu.memory_space<vmem>> -> memref<1x80xi32, #tpu.memory_space<vmem>>
      %dma_start3A_46 = tpu.memref_squeeze %dma_start3A_45 : memref<1x80xi32, #tpu.memory_space<vmem>> -> memref<80xi32, #tpu.memory_space<vmem>>
      %dma_start3A_47 = arith.constant 0 : i32
      %dma_start3A_48 = arith.constant 0 : i32
      %dma_start3A_49 = tpu.memref_slice %arg2[%dma_start3A_47, %dma_start3A_48] : memref<10000x128xf32, #tpu.memory_space<hbm>> -> memref<10000x128xf32, #tpu.memory_space<hbm>>
      tpu.enqueue_indirect_dma source(%dma_start3A_49 : memref<10000x128xf32, #tpu.memory_space<hbm>>) target(%arg8 : memref<80x128xf32, #tpu.memory_space<vmem>>) offsets(%dma_start3A_46 : memref<80xi32, #tpu.memory_space<vmem>>) semaphore(%arg13 : memref<!tpu.dma_semaphore, #tpu.memory_space<semaphore_mem>>)
      %dma_start3A_50 = arith.constant 2 : i32
      %dma_start3A_51 = arith.constant 0 : i32
      %dma_start3A_52 = tpu.memref_slice %arg5[%dma_start3A_50, %dma_start3A_51] : memref<25x80xi32, #tpu.memory_space<vmem>> -> memref<1x80xi32, #tpu.memory_space<vmem>>
      %dma_start3A_53 = tpu.memref_squeeze %dma_start3A_52 : memref<1x80xi32, #tpu.memory_space<vmem>> -> memref<80xi32, #tpu.memory_space<vmem>>
      %dma_start3A_54 = arith.constant 0 : i32
      %dma_start3A_55 = arith.constant 0 : i32
      %dma_start3A_56 = tpu.memref_slice %arg2[%dma_start3A_54, %dma_start3A_55] : memref<10000x128xf32, #tpu.memory_space<hbm>> -> memref<10000x128xf32, #tpu.memory_space<hbm>>
      tpu.enqueue_indirect_dma source(%dma_start3A_56 : memref<10000x128xf32, #tpu.memory_space<hbm>>) target(%arg9 : memref<80x128xf32, #tpu.memory_space<vmem>>) offsets(%dma_start3A_53 : memref<80xi32, #tpu.memory_space<vmem>>) semaphore(%arg14 : memref<!tpu.dma_semaphore, #tpu.memory_space<semaphore_mem>>)
      %dma_start3A_57 = arith.constant 3 : i32
      %dma_start3A_58 = arith.constant 0 : i32
      %dma_start3A_59 = tpu.memref_slice %arg5[%dma_start3A_57, %dma_start3A_58] : memref<25x80xi32, #tpu.memory_space<vmem>> -> memref<1x80xi32, #tpu.memory_space<vmem>>
      %dma_start3A_60 = tpu.memref_squeeze %dma_start3A_59 : memref<1x80xi32, #tpu.memory_space<vmem>> -> memref<80xi32, #tpu.memory_space<vmem>>
      %dma_start3A_61 = arith.constant 0 : i32
      %dma_start3A_62 = arith.constant 0 : i32
      %dma_start3A_63 = tpu.memref_slice %arg2[%dma_start3A_61, %dma_start3A_62] : memref<10000x128xf32, #tpu.memory_space<hbm>> -> memref<10000x128xf32, #tpu.memory_space<hbm>>
      tpu.enqueue_indirect_dma source(%dma_start3A_63 : memref<10000x128xf32, #tpu.memory_space<hbm>>) target(%arg10 : memref<80x128xf32, #tpu.memory_space<vmem>>) offsets(%dma_start3A_60 : memref<80xi32, #tpu.memory_space<vmem>>) semaphore(%arg15 : memref<!tpu.dma_semaphore, #tpu.memory_space<semaphore_mem>>)
      %dma_wait3A = arith.constant 0 : i32
      %dma_wait3A_64 = arith.constant 0 : i32
      %dma_wait3A_65 = tpu.memref_slice %arg5[%dma_wait3A, %dma_wait3A_64] : memref<25x80xi32, #tpu.memory_space<vmem>> -> memref<1x80xi32, #tpu.memory_space<vmem>>
      %dma_wait3A_66 = tpu.memref_squeeze %dma_wait3A_65 : memref<1x80xi32, #tpu.memory_space<vmem>> -> memref<80xi32, #tpu.memory_space<vmem>>
      %dma_wait3A_67 = arith.constant 0 : i32
      %dma_wait3A_68 = arith.constant 0 : i32
      %dma_wait3A_69 = tpu.memref_slice %arg2[%dma_wait3A_67, %dma_wait3A_68] : memref<10000x128xf32, #tpu.memory_space<hbm>> -> memref<10000x128xf32, #tpu.memory_space<hbm>>
      tpu.wait_indirect_dma semaphore(%arg12 : memref<!tpu.dma_semaphore, #tpu.memory_space<semaphore_mem>>) src(%dma_wait3A_69 : memref<10000x128xf32, #tpu.memory_space<hbm>>) dst(%arg7 : memref<80x128xf32, #tpu.memory_space<vmem>>)
      %dma_start3A_70 = arith.constant 0 : i32
      %dma_start3A_71 = arith.constant 0 : i32
      %dma_start3A_72 = tpu.memref_slice %arg6[%dma_start3A_70, %dma_start3A_71] : memref<25x80xi32, #tpu.memory_space<vmem>> -> memref<1x80xi32, #tpu.memory_space<vmem>>
      %dma_start3A_73 = tpu.memref_squeeze %dma_start3A_72 : memref<1x80xi32, #tpu.memory_space<vmem>> -> memref<80xi32, #tpu.memory_space<vmem>>
      %dma_start3A_74 = arith.constant 0 : i32
      %dma_start3A_75 = arith.constant 0 : i32
      %dma_start3A_76 = tpu.memref_slice %arg11[%dma_start3A_74, %dma_start3A_75] : memref<10240x128xf32, #tpu.memory_space<vmem_shared>> -> memref<10240x128xf32, #tpu.memory_space<vmem_shared>>
      tpu.enqueue_indirect_dma source(%arg7 : memref<80x128xf32, #tpu.memory_space<vmem>>) target(%dma_start3A_76 : memref<10240x128xf32, #tpu.memory_space<vmem_shared>>) offsets(%dma_start3A_73 : memref<80xi32, #tpu.memory_space<vmem>>) semaphore(%arg16 : memref<!tpu.dma_semaphore, #tpu.memory_space<semaphore_mem>>) {add = true}
      %scan3A_77 = arith.constant 0 : i32
      %scan3A_78 = arith.constant 0 : i32
      %scan3A_79 = arith.constant 5 : i32
      %scan3A_80 = arith.addi %scan3A_78, %scan3A_79 : i32
      %scan3A_81 = arith.constant 1 : i32
      %scan3A_82 = scf.for %scan3A_183 = %scan3A_78 to %scan3A_80 step %scan3A_81 iter_args(%scan3A_184 = %scan3A_77) -> (i32)  : i32 {
        %mul3A_185 = arith.constant 4 : i32
        %mul3A_186 = arith.muli %mul3A_185, %scan3A_183 : i32
        %add3A_187 = arith.constant 1 : i32
        %add3A_188 = arith.addi %mul3A_186, %add3A_187 : i32
        %add3A_189 = arith.constant 0 : i32
        %add3A_190 = arith.addi %add3A_188, %add3A_189 : i32
        %sub3A = arith.constant 1 : i32
        %sub3A_191 = arith.subi %add3A_190, %sub3A : i32
        %dma_wait3A_192 = arith.constant 0 : i32
        %dma_wait3A_193 = tpu.memref_slice %arg6[%sub3A_191, %dma_wait3A_192] : memref<25x80xi32, #tpu.memory_space<vmem>> -> memref<1x80xi32, #tpu.memory_space<vmem>>
        %dma_wait3A_194 = tpu.memref_squeeze %dma_wait3A_193 : memref<1x80xi32, #tpu.memory_space<vmem>> -> memref<80xi32, #tpu.memory_space<vmem>>
        %dma_wait3A_195 = arith.constant 0 : i32
        %dma_wait3A_196 = arith.constant 0 : i32
        %dma_wait3A_197 = tpu.memref_slice %arg11[%dma_wait3A_195, %dma_wait3A_196] : memref<10240x128xf32, #tpu.memory_space<vmem_shared>> -> memref<10240x128xf32, #tpu.memory_space<vmem_shared>>
        tpu.wait_indirect_dma semaphore(%arg16 : memref<!tpu.dma_semaphore, #tpu.memory_space<semaphore_mem>>) src(%arg7 : memref<80x128xf32, #tpu.memory_space<vmem>>) dst(%dma_wait3A_197 : memref<10240x128xf32, #tpu.memory_space<vmem_shared>>)
        %add3A_198 = arith.constant 3 : i32
        %add3A_199 = arith.addi %add3A_190, %add3A_198 : i32
        %dma_start3A_200 = arith.constant 0 : i32
        %dma_start3A_201 = tpu.memref_slice %arg5[%add3A_199, %dma_start3A_200] : memref<25x80xi32, #tpu.memory_space<vmem>> -> memref<1x80xi32, #tpu.memory_space<vmem>>
        %dma_start3A_202 = tpu.memref_squeeze %dma_start3A_201 : memref<1x80xi32, #tpu.memory_space<vmem>> -> memref<80xi32, #tpu.memory_space<vmem>>
        %dma_start3A_203 = arith.constant 0 : i32
        %dma_start3A_204 = arith.constant 0 : i32
        %dma_start3A_205 = tpu.memref_slice %arg2[%dma_start3A_203, %dma_start3A_204] : memref<10000x128xf32, #tpu.memory_space<hbm>> -> memref<10000x128xf32, #tpu.memory_space<hbm>>
        tpu.enqueue_indirect_dma source(%dma_start3A_205 : memref<10000x128xf32, #tpu.memory_space<hbm>>) target(%arg7 : memref<80x128xf32, #tpu.memory_space<vmem>>) offsets(%dma_start3A_202 : memref<80xi32, #tpu.memory_space<vmem>>) semaphore(%arg12 : memref<!tpu.dma_semaphore, #tpu.memory_space<semaphore_mem>>)
        %dma_wait3A_206 = arith.constant 0 : i32
        %dma_wait3A_207 = tpu.memref_slice %arg5[%add3A_190, %dma_wait3A_206] : memref<25x80xi32, #tpu.memory_space<vmem>> -> memref<1x80xi32, #tpu.memory_space<vmem>>
        %dma_wait3A_208 = tpu.memref_squeeze %dma_wait3A_207 : memref<1x80xi32, #tpu.memory_space<vmem>> -> memref<80xi32, #tpu.memory_space<vmem>>
        %dma_wait3A_209 = arith.constant 0 : i32
        %dma_wait3A_210 = arith.constant 0 : i32
        %dma_wait3A_211 = tpu.memref_slice %arg2[%dma_wait3A_209, %dma_wait3A_210] : memref<10000x128xf32, #tpu.memory_space<hbm>> -> memref<10000x128xf32, #tpu.memory_space<hbm>>
        tpu.wait_indirect_dma semaphore(%arg13 : memref<!tpu.dma_semaphore, #tpu.memory_space<semaphore_mem>>) src(%dma_wait3A_211 : memref<10000x128xf32, #tpu.memory_space<hbm>>) dst(%arg8 : memref<80x128xf32, #tpu.memory_space<vmem>>)
        %dma_start3A_212 = arith.constant 0 : i32
        %dma_start3A_213 = tpu.memref_slice %arg6[%add3A_190, %dma_start3A_212] : memref<25x80xi32, #tpu.memory_space<vmem>> -> memref<1x80xi32, #tpu.memory_space<vmem>>
        %dma_start3A_214 = tpu.memref_squeeze %dma_start3A_213 : memref<1x80xi32, #tpu.memory_space<vmem>> -> memref<80xi32, #tpu.memory_space<vmem>>
        %dma_start3A_215 = arith.constant 0 : i32
        %dma_start3A_216 = arith.constant 0 : i32
        %dma_start3A_217 = tpu.memref_slice %arg11[%dma_start3A_215, %dma_start3A_216] : memref<10240x128xf32, #tpu.memory_space<vmem_shared>> -> memref<10240x128xf32, #tpu.memory_space<vmem_shared>>
        tpu.enqueue_indirect_dma source(%arg8 : memref<80x128xf32, #tpu.memory_space<vmem>>) target(%dma_start3A_217 : memref<10240x128xf32, #tpu.memory_space<vmem_shared>>) offsets(%dma_start3A_214 : memref<80xi32, #tpu.memory_space<vmem>>) semaphore(%arg17 : memref<!tpu.dma_semaphore, #tpu.memory_space<semaphore_mem>>) {add = true}
        %add3A_218 = arith.constant 1 : i32
        %add3A_219 = arith.addi %add3A_188, %add3A_218 : i32
        %sub3A_220 = arith.constant 1 : i32
        %sub3A_221 = arith.subi %add3A_219, %sub3A_220 : i32
        %dma_wait3A_222 = arith.constant 0 : i32
        %dma_wait3A_223 = tpu.memref_slice %arg6[%sub3A_221, %dma_wait3A_222] : memref<25x80xi32, #tpu.memory_space<vmem>> -> memref<1x80xi32, #tpu.memory_space<vmem>>
        %dma_wait3A_224 = tpu.memref_squeeze %dma_wait3A_223 : memref<1x80xi32, #tpu.memory_space<vmem>> -> memref<80xi32, #tpu.memory_space<vmem>>
        %dma_wait3A_225 = arith.constant 0 : i32
        %dma_wait3A_226 = arith.constant 0 : i32
        %dma_wait3A_227 = tpu.memref_slice %arg11[%dma_wait3A_225, %dma_wait3A_226] : memref<10240x128xf32, #tpu.memory_space<vmem_shared>> -> memref<10240x128xf32, #tpu.memory_space<vmem_shared>>
        tpu.wait_indirect_dma semaphore(%arg17 : memref<!tpu.dma_semaphore, #tpu.memory_space<semaphore_mem>>) src(%arg8 : memref<80x128xf32, #tpu.memory_space<vmem>>) dst(%dma_wait3A_227 : memref<10240x128xf32, #tpu.memory_space<vmem_shared>>)
        %add3A_228 = arith.constant 3 : i32
        %add3A_229 = arith.addi %add3A_219, %add3A_228 : i32
        %dma_start3A_230 = arith.constant 0 : i32
        %dma_start3A_231 = tpu.memref_slice %arg5[%add3A_229, %dma_start3A_230] : memref<25x80xi32, #tpu.memory_space<vmem>> -> memref<1x80xi32, #tpu.memory_space<vmem>>
        %dma_start3A_232 = tpu.memref_squeeze %dma_start3A_231 : memref<1x80xi32, #tpu.memory_space<vmem>> -> memref<80xi32, #tpu.memory_space<vmem>>
        %dma_start3A_233 = arith.constant 0 : i32
        %dma_start3A_234 = arith.constant 0 : i32
        %dma_start3A_235 = tpu.memref_slice %arg2[%dma_start3A_233, %dma_start3A_234] : memref<10000x128xf32, #tpu.memory_space<hbm>> -> memref<10000x128xf32, #tpu.memory_space<hbm>>
        tpu.enqueue_indirect_dma source(%dma_start3A_235 : memref<10000x128xf32, #tpu.memory_space<hbm>>) target(%arg8 : memref<80x128xf32, #tpu.memory_space<vmem>>) offsets(%dma_start3A_232 : memref<80xi32, #tpu.memory_space<vmem>>) semaphore(%arg13 : memref<!tpu.dma_semaphore, #tpu.memory_space<semaphore_mem>>)
        %dma_wait3A_236 = arith.constant 0 : i32
        %dma_wait3A_237 = tpu.memref_slice %arg5[%add3A_219, %dma_wait3A_236] : memref<25x80xi32, #tpu.memory_space<vmem>> -> memref<1x80xi32, #tpu.memory_space<vmem>>
        %dma_wait3A_238 = tpu.memref_squeeze %dma_wait3A_237 : memref<1x80xi32, #tpu.memory_space<vmem>> -> memref<80xi32, #tpu.memory_space<vmem>>
        %dma_wait3A_239 = arith.constant 0 : i32
        %dma_wait3A_240 = arith.constant 0 : i32
        %dma_wait3A_241 = tpu.memref_slice %arg2[%dma_wait3A_239, %dma_wait3A_240] : memref<10000x128xf32, #tpu.memory_space<hbm>> -> memref<10000x128xf32, #tpu.memory_space<hbm>>
        tpu.wait_indirect_dma semaphore(%arg14 : memref<!tpu.dma_semaphore, #tpu.memory_space<semaphore_mem>>) src(%dma_wait3A_241 : memref<10000x128xf32, #tpu.memory_space<hbm>>) dst(%arg9 : memref<80x128xf32, #tpu.memory_space<vmem>>)
        %dma_start3A_242 = arith.constant 0 : i32
        %dma_start3A_243 = tpu.memref_slice %arg6[%add3A_219, %dma_start3A_242] : memref<25x80xi32, #tpu.memory_space<vmem>> -> memref<1x80xi32, #tpu.memory_space<vmem>>
        %dma_start3A_244 = tpu.memref_squeeze %dma_start3A_243 : memref<1x80xi32, #tpu.memory_space<vmem>> -> memref<80xi32, #tpu.memory_space<vmem>>
        %dma_start3A_245 = arith.constant 0 : i32
        %dma_start3A_246 = arith.constant 0 : i32
        %dma_start3A_247 = tpu.memref_slice %arg11[%dma_start3A_245, %dma_start3A_246] : memref<10240x128xf32, #tpu.memory_space<vmem_shared>> -> memref<10240x128xf32, #tpu.memory_space<vmem_shared>>
        tpu.enqueue_indirect_dma source(%arg9 : memref<80x128xf32, #tpu.memory_space<vmem>>) target(%dma_start3A_247 : memref<10240x128xf32, #tpu.memory_space<vmem_shared>>) offsets(%dma_start3A_244 : memref<80xi32, #tpu.memory_space<vmem>>) semaphore(%arg18 : memref<!tpu.dma_semaphore, #tpu.memory_space<semaphore_mem>>) {add = true}
        %add3A_248 = arith.constant 2 : i32
        %add3A_249 = arith.addi %add3A_188, %add3A_248 : i32
        %sub3A_250 = arith.constant 1 : i32
        %sub3A_251 = arith.subi %add3A_249, %sub3A_250 : i32
        %dma_wait3A_252 = arith.constant 0 : i32
        %dma_wait3A_253 = tpu.memref_slice %arg6[%sub3A_251, %dma_wait3A_252] : memref<25x80xi32, #tpu.memory_space<vmem>> -> memref<1x80xi32, #tpu.memory_space<vmem>>
        %dma_wait3A_254 = tpu.memref_squeeze %dma_wait3A_253 : memref<1x80xi32, #tpu.memory_space<vmem>> -> memref<80xi32, #tpu.memory_space<vmem>>
        %dma_wait3A_255 = arith.constant 0 : i32
        %dma_wait3A_256 = arith.constant 0 : i32
        %dma_wait3A_257 = tpu.memref_slice %arg11[%dma_wait3A_255, %dma_wait3A_256] : memref<10240x128xf32, #tpu.memory_space<vmem_shared>> -> memref<10240x128xf32, #tpu.memory_space<vmem_shared>>
        tpu.wait_indirect_dma semaphore(%arg18 : memref<!tpu.dma_semaphore, #tpu.memory_space<semaphore_mem>>) src(%arg9 : memref<80x128xf32, #tpu.memory_space<vmem>>) dst(%dma_wait3A_257 : memref<10240x128xf32, #tpu.memory_space<vmem_shared>>)
        %add3A_258 = arith.constant 3 : i32
        %add3A_259 = arith.addi %add3A_249, %add3A_258 : i32
        %dma_start3A_260 = arith.constant 0 : i32
        %dma_start3A_261 = tpu.memref_slice %arg5[%add3A_259, %dma_start3A_260] : memref<25x80xi32, #tpu.memory_space<vmem>> -> memref<1x80xi32, #tpu.memory_space<vmem>>
        %dma_start3A_262 = tpu.memref_squeeze %dma_start3A_261 : memref<1x80xi32, #tpu.memory_space<vmem>> -> memref<80xi32, #tpu.memory_space<vmem>>
        %dma_start3A_263 = arith.constant 0 : i32
        %dma_start3A_264 = arith.constant 0 : i32
        %dma_start3A_265 = tpu.memref_slice %arg2[%dma_start3A_263, %dma_start3A_264] : memref<10000x128xf32, #tpu.memory_space<hbm>> -> memref<10000x128xf32, #tpu.memory_space<hbm>>
        tpu.enqueue_indirect_dma source(%dma_start3A_265 : memref<10000x128xf32, #tpu.memory_space<hbm>>) target(%arg9 : memref<80x128xf32, #tpu.memory_space<vmem>>) offsets(%dma_start3A_262 : memref<80xi32, #tpu.memory_space<vmem>>) semaphore(%arg14 : memref<!tpu.dma_semaphore, #tpu.memory_space<semaphore_mem>>)
        %dma_wait3A_266 = arith.constant 0 : i32
        %dma_wait3A_267 = tpu.memref_slice %arg5[%add3A_249, %dma_wait3A_266] : memref<25x80xi32, #tpu.memory_space<vmem>> -> memref<1x80xi32, #tpu.memory_space<vmem>>
        %dma_wait3A_268 = tpu.memref_squeeze %dma_wait3A_267 : memref<1x80xi32, #tpu.memory_space<vmem>> -> memref<80xi32, #tpu.memory_space<vmem>>
        %dma_wait3A_269 = arith.constant 0 : i32
        %dma_wait3A_270 = arith.constant 0 : i32
        %dma_wait3A_271 = tpu.memref_slice %arg2[%dma_wait3A_269, %dma_wait3A_270] : memref<10000x128xf32, #tpu.memory_space<hbm>> -> memref<10000x128xf32, #tpu.memory_space<hbm>>
        tpu.wait_indirect_dma semaphore(%arg15 : memref<!tpu.dma_semaphore, #tpu.memory_space<semaphore_mem>>) src(%dma_wait3A_271 : memref<10000x128xf32, #tpu.memory_space<hbm>>) dst(%arg10 : memref<80x128xf32, #tpu.memory_space<vmem>>)
        %dma_start3A_272 = arith.constant 0 : i32
        %dma_start3A_273 = tpu.memref_slice %arg6[%add3A_249, %dma_start3A_272] : memref<25x80xi32, #tpu.memory_space<vmem>> -> memref<1x80xi32, #tpu.memory_space<vmem>>
        %dma_start3A_274 = tpu.memref_squeeze %dma_start3A_273 : memref<1x80xi32, #tpu.memory_space<vmem>> -> memref<80xi32, #tpu.memory_space<vmem>>
        %dma_start3A_275 = arith.constant 0 : i32
        %dma_start3A_276 = arith.constant 0 : i32
        %dma_start3A_277 = tpu.memref_slice %arg11[%dma_start3A_275, %dma_start3A_276] : memref<10240x128xf32, #tpu.memory_space<vmem_shared>> -> memref<10240x128xf32, #tpu.memory_space<vmem_shared>>
        tpu.enqueue_indirect_dma source(%arg10 : memref<80x128xf32, #tpu.memory_space<vmem>>) target(%dma_start3A_277 : memref<10240x128xf32, #tpu.memory_space<vmem_shared>>) offsets(%dma_start3A_274 : memref<80xi32, #tpu.memory_space<vmem>>) semaphore(%arg19 : memref<!tpu.dma_semaphore, #tpu.memory_space<semaphore_mem>>) {add = true}
        %add3A_278 = arith.constant 3 : i32
        %add3A_279 = arith.addi %add3A_188, %add3A_278 : i32
        %sub3A_280 = arith.constant 1 : i32
        %sub3A_281 = arith.subi %add3A_279, %sub3A_280 : i32
        %dma_wait3A_282 = arith.constant 0 : i32
        %dma_wait3A_283 = tpu.memref_slice %arg6[%sub3A_281, %dma_wait3A_282] : memref<25x80xi32, #tpu.memory_space<vmem>> -> memref<1x80xi32, #tpu.memory_space<vmem>>
        %dma_wait3A_284 = tpu.memref_squeeze %dma_wait3A_283 : memref<1x80xi32, #tpu.memory_space<vmem>> -> memref<80xi32, #tpu.memory_space<vmem>>
        %dma_wait3A_285 = arith.constant 0 : i32
        %dma_wait3A_286 = arith.constant 0 : i32
        %dma_wait3A_287 = tpu.memref_slice %arg11[%dma_wait3A_285, %dma_wait3A_286] : memref<10240x128xf32, #tpu.memory_space<vmem_shared>> -> memref<10240x128xf32, #tpu.memory_space<vmem_shared>>
        tpu.wait_indirect_dma semaphore(%arg19 : memref<!tpu.dma_semaphore, #tpu.memory_space<semaphore_mem>>) src(%arg10 : memref<80x128xf32, #tpu.memory_space<vmem>>) dst(%dma_wait3A_287 : memref<10240x128xf32, #tpu.memory_space<vmem_shared>>)
        %add3A_288 = arith.constant 3 : i32
        %add3A_289 = arith.addi %add3A_279, %add3A_288 : i32
        %dma_start3A_290 = arith.constant 0 : i32
        %dma_start3A_291 = tpu.memref_slice %arg5[%add3A_289, %dma_start3A_290] : memref<25x80xi32, #tpu.memory_space<vmem>> -> memref<1x80xi32, #tpu.memory_space<vmem>>
        %dma_start3A_292 = tpu.memref_squeeze %dma_start3A_291 : memref<1x80xi32, #tpu.memory_space<vmem>> -> memref<80xi32, #tpu.memory_space<vmem>>
        %dma_start3A_293 = arith.constant 0 : i32
        %dma_start3A_294 = arith.constant 0 : i32
        %dma_start3A_295 = tpu.memref_slice %arg2[%dma_start3A_293, %dma_start3A_294] : memref<10000x128xf32, #tpu.memory_space<hbm>> -> memref<10000x128xf32, #tpu.memory_space<hbm>>
        tpu.enqueue_indirect_dma source(%dma_start3A_295 : memref<10000x128xf32, #tpu.memory_space<hbm>>) target(%arg10 : memref<80x128xf32, #tpu.memory_space<vmem>>) offsets(%dma_start3A_292 : memref<80xi32, #tpu.memory_space<vmem>>) semaphore(%arg15 : memref<!tpu.dma_semaphore, #tpu.memory_space<semaphore_mem>>)
        %dma_wait3A_296 = arith.constant 0 : i32
        %dma_wait3A_297 = tpu.memref_slice %arg5[%add3A_279, %dma_wait3A_296] : memref<25x80xi32, #tpu.memory_space<vmem>> -> memref<1x80xi32, #tpu.memory_space<vmem>>
        %dma_wait3A_298 = tpu.memref_squeeze %dma_wait3A_297 : memref<1x80xi32, #tpu.memory_space<vmem>> -> memref<80xi32, #tpu.memory_space<vmem>>
        %dma_wait3A_299 = arith.constant 0 : i32
        %dma_wait3A_300 = arith.constant 0 : i32
        %dma_wait3A_301 = tpu.memref_slice %arg2[%dma_wait3A_299, %dma_wait3A_300] : memref<10000x128xf32, #tpu.memory_space<hbm>> -> memref<10000x128xf32, #tpu.memory_space<hbm>>
        tpu.wait_indirect_dma semaphore(%arg12 : memref<!tpu.dma_semaphore, #tpu.memory_space<semaphore_mem>>) src(%dma_wait3A_301 : memref<10000x128xf32, #tpu.memory_space<hbm>>) dst(%arg7 : memref<80x128xf32, #tpu.memory_space<vmem>>)
        %dma_start3A_302 = arith.constant 0 : i32
        %dma_start3A_303 = tpu.memref_slice %arg6[%add3A_279, %dma_start3A_302] : memref<25x80xi32, #tpu.memory_space<vmem>> -> memref<1x80xi32, #tpu.memory_space<vmem>>
        %dma_start3A_304 = tpu.memref_squeeze %dma_start3A_303 : memref<1x80xi32, #tpu.memory_space<vmem>> -> memref<80xi32, #tpu.memory_space<vmem>>
        %dma_start3A_305 = arith.constant 0 : i32
        %dma_start3A_306 = arith.constant 0 : i32
        %dma_start3A_307 = tpu.memref_slice %arg11[%dma_start3A_305, %dma_start3A_306] : memref<10240x128xf32, #tpu.memory_space<vmem_shared>> -> memref<10240x128xf32, #tpu.memory_space<vmem_shared>>
        tpu.enqueue_indirect_dma source(%arg7 : memref<80x128xf32, #tpu.memory_space<vmem>>) target(%dma_start3A_307 : memref<10240x128xf32, #tpu.memory_space<vmem_shared>>) offsets(%dma_start3A_304 : memref<80xi32, #tpu.memory_space<vmem>>) semaphore(%arg16 : memref<!tpu.dma_semaphore, #tpu.memory_space<semaphore_mem>>) {add = true}
        %scan3A_308 = arith.constant 0 : i32
        scf.yield %scan3A_308 : i32
      }
      %scan3A_83 = arith.constant 5 : i32
      %dma_wait3A_84 = arith.constant 20 : i32
      %dma_wait3A_85 = arith.constant 0 : i32
      %dma_wait3A_86 = tpu.memref_slice %arg6[%dma_wait3A_84, %dma_wait3A_85] : memref<25x80xi32, #tpu.memory_space<vmem>> -> memref<1x80xi32, #tpu.memory_space<vmem>>
      %dma_wait3A_87 = tpu.memref_squeeze %dma_wait3A_86 : memref<1x80xi32, #tpu.memory_space<vmem>> -> memref<80xi32, #tpu.memory_space<vmem>>
      %dma_wait3A_88 = arith.constant 0 : i32
      %dma_wait3A_89 = arith.constant 0 : i32
      %dma_wait3A_90 = tpu.memref_slice %arg11[%dma_wait3A_88, %dma_wait3A_89] : memref<10240x128xf32, #tpu.memory_space<vmem_shared>> -> memref<10240x128xf32, #tpu.memory_space<vmem_shared>>
      tpu.wait_indirect_dma semaphore(%arg16 : memref<!tpu.dma_semaphore, #tpu.memory_space<semaphore_mem>>) src(%arg7 : memref<80x128xf32, #tpu.memory_space<vmem>>) dst(%dma_wait3A_90 : memref<10240x128xf32, #tpu.memory_space<vmem_shared>>)
      %dma_start3A_91 = arith.constant 24 : i32
      %dma_start3A_92 = arith.constant 0 : i32
      %dma_start3A_93 = tpu.memref_slice %arg5[%dma_start3A_91, %dma_start3A_92] : memref<25x80xi32, #tpu.memory_space<vmem>> -> memref<1x80xi32, #tpu.memory_space<vmem>>
      %dma_start3A_94 = tpu.memref_squeeze %dma_start3A_93 : memref<1x80xi32, #tpu.memory_space<vmem>> -> memref<80xi32, #tpu.memory_space<vmem>>
      %dma_start3A_95 = arith.constant 0 : i32
      %dma_start3A_96 = arith.constant 0 : i32
      %dma_start3A_97 = tpu.memref_slice %arg2[%dma_start3A_95, %dma_start3A_96] : memref<10000x128xf32, #tpu.memory_space<hbm>> -> memref<10000x128xf32, #tpu.memory_space<hbm>>
      tpu.enqueue_indirect_dma source(%dma_start3A_97 : memref<10000x128xf32, #tpu.memory_space<hbm>>) target(%arg7 : memref<80x128xf32, #tpu.memory_space<vmem>>) offsets(%dma_start3A_94 : memref<80xi32, #tpu.memory_space<vmem>>) semaphore(%arg12 : memref<!tpu.dma_semaphore, #tpu.memory_space<semaphore_mem>>)
      %dma_wait3A_98 = arith.constant 21 : i32
      %dma_wait3A_99 = arith.constant 0 : i32
      %dma_wait3A_100 = tpu.memref_slice %arg5[%dma_wait3A_98, %dma_wait3A_99] : memref<25x80xi32, #tpu.memory_space<vmem>> -> memref<1x80xi32, #tpu.memory_space<vmem>>
      %dma_wait3A_101 = tpu.memref_squeeze %dma_wait3A_100 : memref<1x80xi32, #tpu.memory_space<vmem>> -> memref<80xi32, #tpu.memory_space<vmem>>
      %dma_wait3A_102 = arith.constant 0 : i32
      %dma_wait3A_103 = arith.constant 0 : i32
      %dma_wait3A_104 = tpu.memref_slice %arg2[%dma_wait3A_102, %dma_wait3A_103] : memref<10000x128xf32, #tpu.memory_space<hbm>> -> memref<10000x128xf32, #tpu.memory_space<hbm>>
      tpu.wait_indirect_dma semaphore(%arg13 : memref<!tpu.dma_semaphore, #tpu.memory_space<semaphore_mem>>) src(%dma_wait3A_104 : memref<10000x128xf32, #tpu.memory_space<hbm>>) dst(%arg8 : memref<80x128xf32, #tpu.memory_space<vmem>>)
      %dma_start3A_105 = arith.constant 21 : i32
      %dma_start3A_106 = arith.constant 0 : i32
      %dma_start3A_107 = tpu.memref_slice %arg6[%dma_start3A_105, %dma_start3A_106] : memref<25x80xi32, #tpu.memory_space<vmem>> -> memref<1x80xi32, #tpu.memory_space<vmem>>
      %dma_start3A_108 = tpu.memref_squeeze %dma_start3A_107 : memref<1x80xi32, #tpu.memory_space<vmem>> -> memref<80xi32, #tpu.memory_space<vmem>>
      %dma_start3A_109 = arith.constant 0 : i32
      %dma_start3A_110 = arith.constant 0 : i32
      %dma_start3A_111 = tpu.memref_slice %arg11[%dma_start3A_109, %dma_start3A_110] : memref<10240x128xf32, #tpu.memory_space<vmem_shared>> -> memref<10240x128xf32, #tpu.memory_space<vmem_shared>>
      tpu.enqueue_indirect_dma source(%arg8 : memref<80x128xf32, #tpu.memory_space<vmem>>) target(%dma_start3A_111 : memref<10240x128xf32, #tpu.memory_space<vmem_shared>>) offsets(%dma_start3A_108 : memref<80xi32, #tpu.memory_space<vmem>>) semaphore(%arg17 : memref<!tpu.dma_semaphore, #tpu.memory_space<semaphore_mem>>) {add = true}
      %dma_wait3A_112 = arith.constant 22 : i32
      %dma_wait3A_113 = arith.constant 0 : i32
      %dma_wait3A_114 = tpu.memref_slice %arg5[%dma_wait3A_112, %dma_wait3A_113] : memref<25x80xi32, #tpu.memory_space<vmem>> -> memref<1x80xi32, #tpu.memory_space<vmem>>
      %dma_wait3A_115 = tpu.memref_squeeze %dma_wait3A_114 : memref<1x80xi32, #tpu.memory_space<vmem>> -> memref<80xi32, #tpu.memory_space<vmem>>
      %dma_wait3A_116 = arith.constant 0 : i32
      %dma_wait3A_117 = arith.constant 0 : i32
      %dma_wait3A_118 = tpu.memref_slice %arg2[%dma_wait3A_116, %dma_wait3A_117] : memref<10000x128xf32, #tpu.memory_space<hbm>> -> memref<10000x128xf32, #tpu.memory_space<hbm>>
      tpu.wait_indirect_dma semaphore(%arg14 : memref<!tpu.dma_semaphore, #tpu.memory_space<semaphore_mem>>) src(%dma_wait3A_118 : memref<10000x128xf32, #tpu.memory_space<hbm>>) dst(%arg9 : memref<80x128xf32, #tpu.memory_space<vmem>>)
      %dma_start3A_119 = arith.constant 22 : i32
      %dma_start3A_120 = arith.constant 0 : i32
      %dma_start3A_121 = tpu.memref_slice %arg6[%dma_start3A_119, %dma_start3A_120] : memref<25x80xi32, #tpu.memory_space<vmem>> -> memref<1x80xi32, #tpu.memory_space<vmem>>
      %dma_start3A_122 = tpu.memref_squeeze %dma_start3A_121 : memref<1x80xi32, #tpu.memory_space<vmem>> -> memref<80xi32, #tpu.memory_space<vmem>>
      %dma_start3A_123 = arith.constant 0 : i32
      %dma_start3A_124 = arith.constant 0 : i32
      %dma_start3A_125 = tpu.memref_slice %arg11[%dma_start3A_123, %dma_start3A_124] : memref<10240x128xf32, #tpu.memory_space<vmem_shared>> -> memref<10240x128xf32, #tpu.memory_space<vmem_shared>>
      tpu.enqueue_indirect_dma source(%arg9 : memref<80x128xf32, #tpu.memory_space<vmem>>) target(%dma_start3A_125 : memref<10240x128xf32, #tpu.memory_space<vmem_shared>>) offsets(%dma_start3A_122 : memref<80xi32, #tpu.memory_space<vmem>>) semaphore(%arg18 : memref<!tpu.dma_semaphore, #tpu.memory_space<semaphore_mem>>) {add = true}
      %dma_wait3A_126 = arith.constant 23 : i32
      %dma_wait3A_127 = arith.constant 0 : i32
      %dma_wait3A_128 = tpu.memref_slice %arg5[%dma_wait3A_126, %dma_wait3A_127] : memref<25x80xi32, #tpu.memory_space<vmem>> -> memref<1x80xi32, #tpu.memory_space<vmem>>
      %dma_wait3A_129 = tpu.memref_squeeze %dma_wait3A_128 : memref<1x80xi32, #tpu.memory_space<vmem>> -> memref<80xi32, #tpu.memory_space<vmem>>
      %dma_wait3A_130 = arith.constant 0 : i32
      %dma_wait3A_131 = arith.constant 0 : i32
      %dma_wait3A_132 = tpu.memref_slice %arg2[%dma_wait3A_130, %dma_wait3A_131] : memref<10000x128xf32, #tpu.memory_space<hbm>> -> memref<10000x128xf32, #tpu.memory_space<hbm>>
      tpu.wait_indirect_dma semaphore(%arg15 : memref<!tpu.dma_semaphore, #tpu.memory_space<semaphore_mem>>) src(%dma_wait3A_132 : memref<10000x128xf32, #tpu.memory_space<hbm>>) dst(%arg10 : memref<80x128xf32, #tpu.memory_space<vmem>>)
      %dma_start3A_133 = arith.constant 23 : i32
      %dma_start3A_134 = arith.constant 0 : i32
      %dma_start3A_135 = tpu.memref_slice %arg6[%dma_start3A_133, %dma_start3A_134] : memref<25x80xi32, #tpu.memory_space<vmem>> -> memref<1x80xi32, #tpu.memory_space<vmem>>
      %dma_start3A_136 = tpu.memref_squeeze %dma_start3A_135 : memref<1x80xi32, #tpu.memory_space<vmem>> -> memref<80xi32, #tpu.memory_space<vmem>>
      %dma_start3A_137 = arith.constant 0 : i32
      %dma_start3A_138 = arith.constant 0 : i32
      %dma_start3A_139 = tpu.memref_slice %arg11[%dma_start3A_137, %dma_start3A_138] : memref<10240x128xf32, #tpu.memory_space<vmem_shared>> -> memref<10240x128xf32, #tpu.memory_space<vmem_shared>>
      tpu.enqueue_indirect_dma source(%arg10 : memref<80x128xf32, #tpu.memory_space<vmem>>) target(%dma_start3A_139 : memref<10240x128xf32, #tpu.memory_space<vmem_shared>>) offsets(%dma_start3A_136 : memref<80xi32, #tpu.memory_space<vmem>>) semaphore(%arg19 : memref<!tpu.dma_semaphore, #tpu.memory_space<semaphore_mem>>) {add = true}
      %dma_wait3A_140 = arith.constant 24 : i32
      %dma_wait3A_141 = arith.constant 0 : i32
      %dma_wait3A_142 = tpu.memref_slice %arg5[%dma_wait3A_140, %dma_wait3A_141] : memref<25x80xi32, #tpu.memory_space<vmem>> -> memref<1x80xi32, #tpu.memory_space<vmem>>
      %dma_wait3A_143 = tpu.memref_squeeze %dma_wait3A_142 : memref<1x80xi32, #tpu.memory_space<vmem>> -> memref<80xi32, #tpu.memory_space<vmem>>
      %dma_wait3A_144 = arith.constant 0 : i32
      %dma_wait3A_145 = arith.constant 0 : i32
      %dma_wait3A_146 = tpu.memref_slice %arg2[%dma_wait3A_144, %dma_wait3A_145] : memref<10000x128xf32, #tpu.memory_space<hbm>> -> memref<10000x128xf32, #tpu.memory_space<hbm>>
      tpu.wait_indirect_dma semaphore(%arg12 : memref<!tpu.dma_semaphore, #tpu.memory_space<semaphore_mem>>) src(%dma_wait3A_146 : memref<10000x128xf32, #tpu.memory_space<hbm>>) dst(%arg7 : memref<80x128xf32, #tpu.memory_space<vmem>>)
      %dma_start3A_147 = arith.constant 24 : i32
      %dma_start3A_148 = arith.constant 0 : i32
      %dma_start3A_149 = tpu.memref_slice %arg6[%dma_start3A_147, %dma_start3A_148] : memref<25x80xi32, #tpu.memory_space<vmem>> -> memref<1x80xi32, #tpu.memory_space<vmem>>
      %dma_start3A_150 = tpu.memref_squeeze %dma_start3A_149 : memref<1x80xi32, #tpu.memory_space<vmem>> -> memref<80xi32, #tpu.memory_space<vmem>>
      %dma_start3A_151 = arith.constant 0 : i32
      %dma_start3A_152 = arith.constant 0 : i32
      %dma_start3A_153 = tpu.memref_slice %arg11[%dma_start3A_151, %dma_start3A_152] : memref<10240x128xf32, #tpu.memory_space<vmem_shared>> -> memref<10240x128xf32, #tpu.memory_space<vmem_shared>>
      tpu.enqueue_indirect_dma source(%arg7 : memref<80x128xf32, #tpu.memory_space<vmem>>) target(%dma_start3A_153 : memref<10240x128xf32, #tpu.memory_space<vmem_shared>>) offsets(%dma_start3A_150 : memref<80xi32, #tpu.memory_space<vmem>>) semaphore(%arg16 : memref<!tpu.dma_semaphore, #tpu.memory_space<semaphore_mem>>) {add = true}
      %dma_wait3A_154 = arith.constant 21 : i32
      %dma_wait3A_155 = arith.constant 0 : i32
      %dma_wait3A_156 = tpu.memref_slice %arg6[%dma_wait3A_154, %dma_wait3A_155] : memref<25x80xi32, #tpu.memory_space<vmem>> -> memref<1x80xi32, #tpu.memory_space<vmem>>
      %dma_wait3A_157 = tpu.memref_squeeze %dma_wait3A_156 : memref<1x80xi32, #tpu.memory_space<vmem>> -> memref<80xi32, #tpu.memory_space<vmem>>
      %dma_wait3A_158 = arith.constant 0 : i32
      %dma_wait3A_159 = arith.constant 0 : i32
      %dma_wait3A_160 = tpu.memref_slice %arg11[%dma_wait3A_158, %dma_wait3A_159] : memref<10240x128xf32, #tpu.memory_space<vmem_shared>> -> memref<10240x128xf32, #tpu.memory_space<vmem_shared>>
      tpu.wait_indirect_dma semaphore(%arg17 : memref<!tpu.dma_semaphore, #tpu.memory_space<semaphore_mem>>) src(%arg8 : memref<80x128xf32, #tpu.memory_space<vmem>>) dst(%dma_wait3A_160 : memref<10240x128xf32, #tpu.memory_space<vmem_shared>>)
      %dma_wait3A_161 = arith.constant 22 : i32
      %dma_wait3A_162 = arith.constant 0 : i32
      %dma_wait3A_163 = tpu.memref_slice %arg6[%dma_wait3A_161, %dma_wait3A_162] : memref<25x80xi32, #tpu.memory_space<vmem>> -> memref<1x80xi32, #tpu.memory_space<vmem>>
      %dma_wait3A_164 = tpu.memref_squeeze %dma_wait3A_163 : memref<1x80xi32, #tpu.memory_space<vmem>> -> memref<80xi32, #tpu.memory_space<vmem>>
      %dma_wait3A_165 = arith.constant 0 : i32
      %dma_wait3A_166 = arith.constant 0 : i32
      %dma_wait3A_167 = tpu.memref_slice %arg11[%dma_wait3A_165, %dma_wait3A_166] : memref<10240x128xf32, #tpu.memory_space<vmem_shared>> -> memref<10240x128xf32, #tpu.memory_space<vmem_shared>>
      tpu.wait_indirect_dma semaphore(%arg18 : memref<!tpu.dma_semaphore, #tpu.memory_space<semaphore_mem>>) src(%arg9 : memref<80x128xf32, #tpu.memory_space<vmem>>) dst(%dma_wait3A_167 : memref<10240x128xf32, #tpu.memory_space<vmem_shared>>)
      %dma_wait3A_168 = arith.constant 23 : i32
      %dma_wait3A_169 = arith.constant 0 : i32
      %dma_wait3A_170 = tpu.memref_slice %arg6[%dma_wait3A_168, %dma_wait3A_169] : memref<25x80xi32, #tpu.memory_space<vmem>> -> memref<1x80xi32, #tpu.memory_space<vmem>>
      %dma_wait3A_171 = tpu.memref_squeeze %dma_wait3A_170 : memref<1x80xi32, #tpu.memory_space<vmem>> -> memref<80xi32, #tpu.memory_space<vmem>>
      %dma_wait3A_172 = arith.constant 0 : i32
      %dma_wait3A_173 = arith.constant 0 : i32
      %dma_wait3A_174 = tpu.memref_slice %arg11[%dma_wait3A_172, %dma_wait3A_173] : memref<10240x128xf32, #tpu.memory_space<vmem_shared>> -> memref<10240x128xf32, #tpu.memory_space<vmem_shared>>
      tpu.wait_indirect_dma semaphore(%arg19 : memref<!tpu.dma_semaphore, #tpu.memory_space<semaphore_mem>>) src(%arg10 : memref<80x128xf32, #tpu.memory_space<vmem>>) dst(%dma_wait3A_174 : memref<10240x128xf32, #tpu.memory_space<vmem_shared>>)
      %dma_wait3A_175 = arith.constant 24 : i32
      %dma_wait3A_176 = arith.constant 0 : i32
      %dma_wait3A_177 = tpu.memref_slice %arg6[%dma_wait3A_175, %dma_wait3A_176] : memref<25x80xi32, #tpu.memory_space<vmem>> -> memref<1x80xi32, #tpu.memory_space<vmem>>
      %dma_wait3A_178 = tpu.memref_squeeze %dma_wait3A_177 : memref<1x80xi32, #tpu.memory_space<vmem>> -> memref<80xi32, #tpu.memory_space<vmem>>
      %dma_wait3A_179 = arith.constant 0 : i32
      %dma_wait3A_180 = arith.constant 0 : i32
      %dma_wait3A_181 = tpu.memref_slice %arg11[%dma_wait3A_179, %dma_wait3A_180] : memref<10240x128xf32, #tpu.memory_space<vmem_shared>> -> memref<10240x128xf32, #tpu.memory_space<vmem_shared>>
      tpu.wait_indirect_dma semaphore(%arg16 : memref<!tpu.dma_semaphore, #tpu.memory_space<semaphore_mem>>) src(%arg7 : memref<80x128xf32, #tpu.memory_space<vmem>>) dst(%dma_wait3A_181 : memref<10240x128xf32, #tpu.memory_space<vmem_shared>>)
      %scan3A_182 = arith.constant 0 : i32
      scf.yield %scan3A_182 : i32
    }
    %scan3A_28 = arith.constant 5 : i32
    %barrier3A_29 = arith.constant 0 : index
    tpu.barrier barrier_id(%barrier3A_29)
    %mul3A_30 = arith.constant 640 : i32
    %mul3A_31 = arith.muli %arg1, %mul3A_30 : i32
    %mul3A_32 = arith.constant 640 : i32
    %mul3A_33 = arith.muli %arg1, %mul3A_32 : i32
    "tpu.region"() ({
      %run_scoped3A = tpu.sem_alloc : memref<!tpu.dma_semaphore, #tpu.memory_space<semaphore_mem>>
      %dma_start3A = arith.constant 0 : i32
      %dma_start3A_34 = tpu.memref_slice %arg4[%arg0, %mul3A_33, %dma_start3A] : memref<2x10240x128xf32, #tpu.memory_space<hbm>> -> memref<1x640x128xf32, #tpu.memory_space<hbm>>
      %dma_start3A_35 = tpu.memref_squeeze %dma_start3A_34 : memref<1x640x128xf32, #tpu.memory_space<hbm>> -> memref<640x128xf32, #tpu.memory_space<hbm>>
      %dma_start3A_36 = arith.constant 0 : i32
      %dma_start3A_37 = tpu.memref_slice %arg11[%mul3A_31, %dma_start3A_36] : memref<10240x128xf32, #tpu.memory_space<vmem_shared>> -> memref<640x128xf32, #tpu.memory_space<vmem_shared>>
      tpu.enqueue_dma source(%dma_start3A_37 : memref<640x128xf32, #tpu.memory_space<vmem_shared>>) target(%dma_start3A_35 : memref<640x128xf32, #tpu.memory_space<hbm>>) target_semaphore(%run_scoped3A : memref<!tpu.dma_semaphore, #tpu.memory_space<semaphore_mem>>)
      %dma_wait3A = arith.constant 0 : i32
      %dma_wait3A_38 = tpu.memref_slice %arg4[%arg0, %mul3A_33, %dma_wait3A] : memref<2x10240x128xf32, #tpu.memory_space<hbm>> -> memref<1x640x128xf32, #tpu.memory_space<hbm>>
      %dma_wait3A_39 = tpu.memref_squeeze %dma_wait3A_38 : memref<1x640x128xf32, #tpu.memory_space<hbm>> -> memref<640x128xf32, #tpu.memory_space<hbm>>
      %dma_wait3A_40 = arith.constant 0 : i32
      %dma_wait3A_41 = tpu.memref_slice %arg11[%mul3A_31, %dma_wait3A_40] : memref<10240x128xf32, #tpu.memory_space<vmem_shared>> -> memref<640x128xf32, #tpu.memory_space<vmem_shared>>
      tpu.wait_dma2 semaphore(%run_scoped3A : memref<!tpu.dma_semaphore, #tpu.memory_space<semaphore_mem>>) src(%dma_wait3A_41 : memref<640x128xf32, #tpu.memory_space<vmem_shared>>) dst(%dma_wait3A_39 : memref<640x128xf32, #tpu.memory_space<hbm>>)
      tpu.yield
    }) : () -> ()
    return
  }
}

module attributes {stable_mosaic.version = 14 : i64} {
  func.func @_tc_b_kernel(%arg0: i32, %arg1: memref<5000x128xf32, #tpu.memory_space<vmem>>, %arg2: memref<128x128xf32, #tpu.memory_space<vmem>>, %arg3: memref<1x5000x1xf32, #tpu.memory_space<vmem>>, %arg4: memref<1x5000x1xf32, #tpu.memory_space<vmem>>, %arg5: memref<5000x128xf32, #tpu.memory_space<vmem>>, %arg6: memref<5000x1xf32, #tpu.memory_space<vmem>>) attributes {dimension_semantics = [#tpu.dimension_semantics<arbitrary>], iteration_bounds = array<i64: 2>, scalar_prefetch = 0 : i64, scratch_operands = 0 : i64, tpu.core_type = #tpu.core_type<tc>, window_params = [{transform_indices = @transform_0, window_bounds = array<i64: 5000, 128>}, {pipeline_mode = #tpu.pipeline_mode<synchronous>, transform_indices = @transform_1, window_bounds = array<i64: 128, 128>}, {transform_indices = @transform_2, window_bounds = array<i64: 1, 5000, 1>}, {transform_indices = @transform_3, window_bounds = array<i64: 1, 5000, 1>}, {transform_indices = @transform_4, window_bounds = array<i64: 5000, 128>}, {transform_indices = @transform_5, window_bounds = array<i64: 5000, 1>}]} {
    %get3A = arith.constant 0 : index
    %get3A_0 = arith.constant 0 : index
    %get3A_1 = arith.constant 0 : index
    %get3A_2 = vector.load %arg3[%get3A, %get3A_0, %get3A_1] : memref<1x5000x1xf32, #tpu.memory_space<vmem>>, vector<1x5000x1xf32>
    %get3A_3 = vector.shape_cast %get3A_2 : vector<1x5000x1xf32> to vector<5000x1xf32>
    %get3A_4 = arith.constant 0 : index
    %get3A_5 = arith.constant 0 : index
    %get3A_6 = arith.constant 0 : index
    %get3A_7 = vector.load %arg4[%get3A_4, %get3A_5, %get3A_6] : memref<1x5000x1xf32, #tpu.memory_space<vmem>>, vector<1x5000x1xf32>
    %get3A_8 = vector.shape_cast %get3A_7 : vector<1x5000x1xf32> to vector<5000x1xf32>
    %add3A = arith.addf %get3A_3, %get3A_8 : vector<5000x1xf32>
    %add3A_9 = arith.constant 1.000000e+00 : f32
    %add3A_10 = vector.broadcast %add3A_9 : f32 to vector<5000x1xf32>
    %add3A_11 = arith.addf %add3A, %add3A_10 : vector<5000x1xf32>
    %max3A = arith.constant 1.000000e+00 : f32
    %max3A_12 = vector.broadcast %max3A : f32 to vector<5000x1xf32>
    %max3A_13 = arith.maximumf %add3A_11, %max3A_12 : vector<5000x1xf32>
    %rsqrt3A = math.rsqrt %max3A_13 : vector<5000x1xf32>
    %get3A_14 = arith.constant 0 : index
    %get3A_15 = arith.constant 0 : index
    %get3A_16 = vector.load %arg1[%get3A_14, %get3A_15] : memref<5000x128xf32, #tpu.memory_space<vmem>>, vector<5000x128xf32>
    %get3A_17 = arith.constant 0 : index
    %get3A_18 = arith.constant 0 : index
    %get3A_19 = vector.load %arg2[%get3A_17, %get3A_18] : memref<128x128xf32, #tpu.memory_space<vmem>>, vector<128x128xf32>
    %dot_general3A = arith.constant dense<0.000000e+00> : vector<5000x128xf32>
    %dot_general3A_20 = tpu.matmul %get3A_16, %get3A_19, %dot_general3A {dimension_numbers = #tpu.dot_dimension_numbers<[1], [0], [0], [1], [0, 0, 1, 1], [], []>, transpose_lhs_hint = false} : vector<5000x128xf32>, vector<128x128xf32>, vector<5000x128xf32> -> vector<5000x128xf32>
    %mul3A = vector.broadcast %rsqrt3A : vector<5000x1xf32> to vector<5000x128xf32>
    %mul3A_21 = arith.mulf %dot_general3A_20, %mul3A : vector<5000x128xf32>
    %swap3A = arith.constant 0 : index
    %swap3A_22 = arith.constant 0 : index
    %swap3A_23 = vector.load %arg5[%swap3A, %swap3A_22] : memref<5000x128xf32, #tpu.memory_space<vmem>>, vector<5000x128xf32>
    tpu.vector_store %arg5[%swap3A, %swap3A_22], %mul3A_21 {strides = array<i32>} : memref<5000x128xf32, #tpu.memory_space<vmem>>, vector<5000x128xf32>,
    %swap3A_24 = arith.constant 0 : index
    %swap3A_25 = arith.constant 0 : index
    %swap3A_26 = vector.load %arg6[%swap3A_24, %swap3A_25] : memref<5000x1xf32, #tpu.memory_space<vmem>>, vector<5000x1xf32>
    tpu.vector_store %arg6[%swap3A_24, %swap3A_25], %rsqrt3A {strides = array<i32>} : memref<5000x1xf32, #tpu.memory_space<vmem>>, vector<5000x1xf32>,
    return
  }
  func.func @transform_0(%arg0: i32) -> (i32, i32) {
    %c0_i32 = arith.constant 0 : i32
    %c0_i32_0 = arith.constant 0 : i32
    return %arg0, %c0_i32 : i32, i32
  }
  func.func @transform_1(%arg0: i32) -> (i32, i32) {
    %c0_i32 = arith.constant 0 : i32
    %c0_i32_0 = arith.constant 0 : i32
    %c0_i32_1 = arith.constant 0 : i32
    return %c0_i32, %c0_i32_0 : i32, i32
  }
  func.func @transform_2(%arg0: i32) -> (i32, i32, i32) {
    %c0_i32 = arith.constant 0 : i32
    %c0_i32_0 = arith.constant 0 : i32
    %c0_i32_1 = arith.constant 0 : i32
    return %c0_i32, %arg0, %c0_i32_0 : i32, i32, i32
  }
  func.func @transform_3(%arg0: i32) -> (i32, i32, i32) {
    %c1_i32 = arith.constant 1 : i32
    %c0_i32 = arith.constant 0 : i32
    %c0_i32_0 = arith.constant 0 : i32
    return %c1_i32, %arg0, %c0_i32 : i32, i32, i32
  }
  func.func @transform_4(%arg0: i32) -> (i32, i32) {
    %c0_i32 = arith.constant 0 : i32
    %c0_i32_0 = arith.constant 0 : i32
    return %arg0, %c0_i32 : i32, i32
  }
  func.func @transform_5(%arg0: i32) -> (i32, i32) {
    %c0_i32 = arith.constant 0 : i32
    %c0_i32_0 = arith.constant 0 : i32
    return %arg0, %c0_i32 : i32, i32
  }
}

module attributes {stable_mosaic.version = 14 : i64} {
  func.func @_tc_d_kernel(%arg0: i32, %arg1: memref<1x5000x128xf32, #tpu.memory_space<vmem>>, %arg2: memref<1x5000x128xf32, #tpu.memory_space<vmem>>, %arg3: memref<5000x128xf32, #tpu.memory_space<vmem>>, %arg4: memref<5000x1xf32, #tpu.memory_space<vmem>>, %arg5: memref<1x128xf32, #tpu.memory_space<vmem>>, %arg6: memref<128x128xf32, #tpu.memory_space<vmem>>, %arg7: memref<5000x128xf32, #tpu.memory_space<vmem>>) attributes {dimension_semantics = [#tpu.dimension_semantics<arbitrary>], iteration_bounds = array<i64: 2>, scalar_prefetch = 0 : i64, scratch_operands = 0 : i64, tpu.core_type = #tpu.core_type<tc>, window_params = [{transform_indices = @transform_0, window_bounds = array<i64: 1, 5000, 128>}, {transform_indices = @transform_1, window_bounds = array<i64: 1, 5000, 128>}, {transform_indices = @transform_2, window_bounds = array<i64: 5000, 128>}, {transform_indices = @transform_3, window_bounds = array<i64: 5000, 1>}, {pipeline_mode = #tpu.pipeline_mode<synchronous>, transform_indices = @transform_4, window_bounds = array<i64: 1, 128>}, {pipeline_mode = #tpu.pipeline_mode<synchronous>, transform_indices = @transform_5, window_bounds = array<i64: 128, 128>}, {transform_indices = @transform_6, window_bounds = array<i64: 5000, 128>}]} {
    %get3A = arith.constant 0 : index
    %get3A_0 = arith.constant 0 : index
    %get3A_1 = vector.load %arg4[%get3A, %get3A_0] : memref<5000x1xf32, #tpu.memory_space<vmem>>, vector<5000x1xf32>
    %get3A_2 = arith.constant 0 : index
    %get3A_3 = arith.constant 0 : index
    %get3A_4 = arith.constant 0 : index
    %get3A_5 = vector.load %arg1[%get3A_2, %get3A_3, %get3A_4] : memref<1x5000x128xf32, #tpu.memory_space<vmem>>, vector<1x5000x128xf32>
    %get3A_6 = vector.shape_cast %get3A_5 : vector<1x5000x128xf32> to vector<5000x128xf32>
    %get3A_7 = arith.constant 0 : index
    %get3A_8 = arith.constant 0 : index
    %get3A_9 = arith.constant 0 : index
    %get3A_10 = vector.load %arg2[%get3A_7, %get3A_8, %get3A_9] : memref<1x5000x128xf32, #tpu.memory_space<vmem>>, vector<1x5000x128xf32>
    %get3A_11 = vector.shape_cast %get3A_10 : vector<1x5000x128xf32> to vector<5000x128xf32>
    %add3A = arith.addf %get3A_6, %get3A_11 : vector<5000x128xf32>
    %get3A_12 = arith.constant 0 : index
    %get3A_13 = arith.constant 0 : index
    %get3A_14 = vector.load %arg3[%get3A_12, %get3A_13] : memref<5000x128xf32, #tpu.memory_space<vmem>>, vector<5000x128xf32>
    %add3A_15 = arith.addf %add3A, %get3A_14 : vector<5000x128xf32>
    %mul3A = vector.broadcast %get3A_1 : vector<5000x1xf32> to vector<5000x128xf32>
    %mul3A_16 = arith.mulf %mul3A, %add3A_15 : vector<5000x128xf32>
    %get3A_17 = arith.constant 0 : index
    %get3A_18 = arith.constant 0 : index
    %get3A_19 = vector.load %arg5[%get3A_17, %get3A_18] : memref<1x128xf32, #tpu.memory_space<vmem>>, vector<1x128xf32>
    %add3A_20 = vector.broadcast %get3A_19 : vector<1x128xf32> to vector<5000x128xf32>
    %add3A_21 = arith.addf %mul3A_16, %add3A_20 : vector<5000x128xf32>
    %max3A = arith.constant 0.000000e+00 : f32
    %max3A_22 = vector.broadcast %max3A : f32 to vector<5000x128xf32>
    %max3A_23 = arith.maximumf %add3A_21, %max3A_22 : vector<5000x128xf32>
    %get3A_24 = arith.constant 0 : index
    %get3A_25 = arith.constant 0 : index
    %get3A_26 = vector.load %arg6[%get3A_24, %get3A_25] : memref<128x128xf32, #tpu.memory_space<vmem>>, vector<128x128xf32>
    %dot_general3A = arith.constant dense<0.000000e+00> : vector<5000x128xf32>
    %dot_general3A_27 = tpu.matmul %max3A_23, %get3A_26, %dot_general3A {dimension_numbers = #tpu.dot_dimension_numbers<[1], [0], [0], [1], [0, 0, 1, 1], [], []>, transpose_lhs_hint = false} : vector<5000x128xf32>, vector<128x128xf32>, vector<5000x128xf32> -> vector<5000x128xf32>
    %mul3A_28 = vector.broadcast %get3A_1 : vector<5000x1xf32> to vector<5000x128xf32>
    %mul3A_29 = arith.mulf %dot_general3A_27, %mul3A_28 : vector<5000x128xf32>
    %swap3A = arith.constant 0 : index
    %swap3A_30 = arith.constant 0 : index
    %swap3A_31 = vector.load %arg7[%swap3A, %swap3A_30] : memref<5000x128xf32, #tpu.memory_space<vmem>>, vector<5000x128xf32>
    tpu.vector_store %arg7[%swap3A, %swap3A_30], %mul3A_29 {strides = array<i32>} : memref<5000x128xf32, #tpu.memory_space<vmem>>, vector<5000x128xf32>,
    return
  }
  func.func @transform_0(%arg0: i32) -> (i32, i32, i32) {
    %c0_i32 = arith.constant 0 : i32
    %c0_i32_0 = arith.constant 0 : i32
    %c0_i32_1 = arith.constant 0 : i32
    return %c0_i32, %arg0, %c0_i32_0 : i32, i32, i32
  }
  func.func @transform_1(%arg0: i32) -> (i32, i32, i32) {
    %c1_i32 = arith.constant 1 : i32
    %c0_i32 = arith.constant 0 : i32
    %c0_i32_0 = arith.constant 0 : i32
    return %c1_i32, %arg0, %c0_i32 : i32, i32, i32
  }
  func.func @transform_2(%arg0: i32) -> (i32, i32) {
    %c0_i32 = arith.constant 0 : i32
    %c0_i32_0 = arith.constant 0 : i32
    return %arg0, %c0_i32 : i32, i32
  }
  func.func @transform_3(%arg0: i32) -> (i32, i32) {
    %c0_i32 = arith.constant 0 : i32
    %c0_i32_0 = arith.constant 0 : i32
    return %arg0, %c0_i32 : i32, i32
  }
  func.func @transform_4(%arg0: i32) -> (i32, i32) {
    %c0_i32 = arith.constant 0 : i32
    %c0_i32_0 = arith.constant 0 : i32
    %c0_i32_1 = arith.constant 0 : i32
    return %c0_i32, %c0_i32_0 : i32, i32
  }
  func.func @transform_5(%arg0: i32) -> (i32, i32) {
    %c0_i32 = arith.constant 0 : i32
    %c0_i32_0 = arith.constant 0 : i32
    %c0_i32_1 = arith.constant 0 : i32
    return %c0_i32, %c0_i32_0 : i32, i32
  }
  func.func @transform_6(%arg0: i32) -> (i32, i32) {
    %c0_i32 = arith.constant 0 : i32
    %c0_i32_0 = arith.constant 0 : i32
    return %arg0, %c0_i32 : i32, i32
  }
}

module attributes {stable_mosaic.version = 14 : i64} {
  func.func @_tc_f_kernel(%arg0: i32, %arg1: memref<1x5000x128xf32, #tpu.memory_space<vmem>>, %arg2: memref<1x5000x128xf32, #tpu.memory_space<vmem>>, %arg3: memref<5000x128xf32, #tpu.memory_space<vmem>>, %arg4: memref<5000x1xf32, #tpu.memory_space<vmem>>, %arg5: memref<1x128xf32, #tpu.memory_space<vmem>>, %arg6: memref<128x64xf32, #tpu.memory_space<vmem>>, %arg7: memref<1x64xf32, #tpu.memory_space<vmem>>, %arg8: memref<5000x1xi32, #tpu.memory_space<vmem>>, %arg9: memref<64x1xi32, #tpu.memory_space<vmem>>, %arg10: memref<64x64xf32, #tpu.memory_space<vmem>>, %arg11: memref<64x128xf32, #tpu.memory_space<vmem>>) attributes {dimension_semantics = [#tpu.dimension_semantics<arbitrary>], iteration_bounds = array<i64: 2>, scalar_prefetch = 0 : i64, scratch_operands = 1 : i64, tpu.core_type = #tpu.core_type<tc>, window_params = [{transform_indices = @transform_0, window_bounds = array<i64: 1, 5000, 128>}, {transform_indices = @transform_1, window_bounds = array<i64: 1, 5000, 128>}, {transform_indices = @transform_2, window_bounds = array<i64: 5000, 128>}, {transform_indices = @transform_3, window_bounds = array<i64: 5000, 1>}, {pipeline_mode = #tpu.pipeline_mode<synchronous>, transform_indices = @transform_4, window_bounds = array<i64: 1, 128>}, {pipeline_mode = #tpu.pipeline_mode<synchronous>, transform_indices = @transform_5, window_bounds = array<i64: 128, 64>}, {pipeline_mode = #tpu.pipeline_mode<synchronous>, transform_indices = @transform_6, window_bounds = array<i64: 1, 64>}, {transform_indices = @transform_7, window_bounds = array<i64: 5000, 1>}, {pipeline_mode = #tpu.pipeline_mode<synchronous>, transform_indices = @transform_8, window_bounds = array<i64: 64, 1>}, {pipeline_mode = #tpu.pipeline_mode<synchronous>, transform_indices = @transform_9, window_bounds = array<i64: 64, 64>}]} {
    %eq3A = arith.constant 0 : i32
    %eq3A_0 = arith.cmpi eq, %arg0, %eq3A : i32
    %convert_element_type3A = arith.extui %eq3A_0 : i1 to i32
    %cond3A = arith.constant 0 : i32
    %cond3A_1 = arith.cmpi ne, %convert_element_type3A, %cond3A : i32
    scf.if %cond3A_1 {
      %broadcast_in_dim3A = arith.constant 0.000000e+00 : f32
      %broadcast_in_dim3A_45 = vector.broadcast %broadcast_in_dim3A : f32 to vector<64x128xf32>
      %swap3A_46 = arith.constant 0 : index
      %swap3A_47 = arith.constant 0 : index
      %swap3A_48 = vector.load %arg11[%swap3A_46, %swap3A_47] : memref<64x128xf32, #tpu.memory_space<vmem>>, vector<64x128xf32>
      tpu.vector_store %arg11[%swap3A_46, %swap3A_47], %broadcast_in_dim3A_45 {strides = array<i32>} : memref<64x128xf32, #tpu.memory_space<vmem>>, vector<64x128xf32>,
    } else {
    }
    %get3A = arith.constant 0 : index
    %get3A_2 = arith.constant 0 : index
    %get3A_3 = vector.load %arg4[%get3A, %get3A_2] : memref<5000x1xf32, #tpu.memory_space<vmem>>, vector<5000x1xf32>
    %get3A_4 = arith.constant 0 : index
    %get3A_5 = arith.constant 0 : index
    %get3A_6 = arith.constant 0 : index
    %get3A_7 = vector.load %arg1[%get3A_4, %get3A_5, %get3A_6] : memref<1x5000x128xf32, #tpu.memory_space<vmem>>, vector<1x5000x128xf32>
    %get3A_8 = vector.shape_cast %get3A_7 : vector<1x5000x128xf32> to vector<5000x128xf32>
    %get3A_9 = arith.constant 0 : index
    %get3A_10 = arith.constant 0 : index
    %get3A_11 = arith.constant 0 : index
    %get3A_12 = vector.load %arg2[%get3A_9, %get3A_10, %get3A_11] : memref<1x5000x128xf32, #tpu.memory_space<vmem>>, vector<1x5000x128xf32>
    %get3A_13 = vector.shape_cast %get3A_12 : vector<1x5000x128xf32> to vector<5000x128xf32>
    %add3A = arith.addf %get3A_8, %get3A_13 : vector<5000x128xf32>
    %get3A_14 = arith.constant 0 : index
    %get3A_15 = arith.constant 0 : index
    %get3A_16 = vector.load %arg3[%get3A_14, %get3A_15] : memref<5000x128xf32, #tpu.memory_space<vmem>>, vector<5000x128xf32>
    %add3A_17 = arith.addf %add3A, %get3A_16 : vector<5000x128xf32>
    %mul3A = vector.broadcast %get3A_3 : vector<5000x1xf32> to vector<5000x128xf32>
    %mul3A_18 = arith.mulf %mul3A, %add3A_17 : vector<5000x128xf32>
    %get3A_19 = arith.constant 0 : index
    %get3A_20 = arith.constant 0 : index
    %get3A_21 = vector.load %arg5[%get3A_19, %get3A_20] : memref<1x128xf32, #tpu.memory_space<vmem>>, vector<1x128xf32>
    %add3A_22 = vector.broadcast %get3A_21 : vector<1x128xf32> to vector<5000x128xf32>
    %add3A_23 = arith.addf %mul3A_18, %add3A_22 : vector<5000x128xf32>
    %max3A = arith.constant 0.000000e+00 : f32
    %max3A_24 = vector.broadcast %max3A : f32 to vector<5000x128xf32>
    %max3A_25 = arith.maximumf %add3A_23, %max3A_24 : vector<5000x128xf32>
    %iota3A = tpu.iota {dimensions = array<i32: 1>} : vector<5000x64xi32>
    %get3A_26 = arith.constant 0 : index
    %get3A_27 = arith.constant 0 : index
    %get3A_28 = vector.load %arg8[%get3A_26, %get3A_27] : memref<5000x1xi32, #tpu.memory_space<vmem>>, vector<5000x1xi32>
    %eq3A_29 = vector.broadcast %get3A_28 : vector<5000x1xi32> to vector<5000x64xi32>
    %eq3A_30 = arith.cmpi eq, %eq3A_29, %iota3A : vector<5000x64xi32>
    %convert_element_type3A_31 = arith.extui %eq3A_30 : vector<5000x64xi1> to vector<5000x64xi32>
    %convert_element_type3A_32 = arith.sitofp %convert_element_type3A_31 : vector<5000x64xi32> to vector<5000x64xf32>
    %get3A_33 = arith.constant 0 : index
    %get3A_34 = arith.constant 0 : index
    %get3A_35 = vector.load %arg11[%get3A_33, %get3A_34] : memref<64x128xf32, #tpu.memory_space<vmem>>, vector<64x128xf32>
    %dot_general3A = arith.constant dense<0.000000e+00> : vector<64x128xf32>
    %dot_general3A_36 = tpu.matmul %convert_element_type3A_32, %max3A_25, %dot_general3A {dimension_numbers = #tpu.dot_dimension_numbers<[0], [0], [1], [1], [0, 1, 1, 1], [], []>, transpose_lhs_hint = false} : vector<5000x64xf32>, vector<5000x128xf32>, vector<64x128xf32> -> vector<64x128xf32>
    %add3A_37 = arith.addf %get3A_35, %dot_general3A_36 : vector<64x128xf32>
    %swap3A = arith.constant 0 : index
    %swap3A_38 = arith.constant 0 : index
    %swap3A_39 = vector.load %arg11[%swap3A, %swap3A_38] : memref<64x128xf32, #tpu.memory_space<vmem>>, vector<64x128xf32>
    tpu.vector_store %arg11[%swap3A, %swap3A_38], %add3A_37 {strides = array<i32>} : memref<64x128xf32, #tpu.memory_space<vmem>>, vector<64x128xf32>,
    %eq3A_40 = arith.constant 1 : i32
    %eq3A_41 = arith.cmpi eq, %arg0, %eq3A_40 : i32
    %convert_element_type3A_42 = arith.extui %eq3A_41 : i1 to i32
    %cond3A_43 = arith.constant 0 : i32
    %cond3A_44 = arith.cmpi ne, %convert_element_type3A_42, %cond3A_43 : i32
    scf.if %cond3A_44 {
      %get3A_45 = arith.constant 0 : index
      %get3A_46 = arith.constant 0 : index
      %get3A_47 = vector.load %arg11[%get3A_45, %get3A_46] : memref<64x128xf32, #tpu.memory_space<vmem>>, vector<64x128xf32>
      %get3A_48 = arith.constant 0 : index
      %get3A_49 = arith.constant 0 : index
      %get3A_50 = vector.load %arg6[%get3A_48, %get3A_49] : memref<128x64xf32, #tpu.memory_space<vmem>>, vector<128x64xf32>
      %dot_general3A_51 = arith.constant dense<0.000000e+00> : vector<64x64xf32>
      %dot_general3A_52 = tpu.matmul %get3A_47, %get3A_50, %dot_general3A_51 {dimension_numbers = #tpu.dot_dimension_numbers<[1], [0], [0], [1], [0, 0, 1, 1], [], []>, transpose_lhs_hint = false} : vector<64x128xf32>, vector<128x64xf32>, vector<64x64xf32> -> vector<64x64xf32>
      %get3A_53 = arith.constant 0 : index
      %get3A_54 = arith.constant 0 : index
      %get3A_55 = vector.load %arg7[%get3A_53, %get3A_54] : memref<1x64xf32, #tpu.memory_space<vmem>>, vector<1x64xf32>
      %add3A_56 = vector.broadcast %get3A_55 : vector<1x64xf32> to vector<64x64xf32>
      %add3A_57 = arith.addf %dot_general3A_52, %add3A_56 : vector<64x64xf32>
      %iota3A_58 = tpu.iota {dimensions = array<i32: 1>} : vector<64x64xi32>
      %get3A_59 = arith.constant 0 : index
      %get3A_60 = arith.constant 0 : index
      %get3A_61 = vector.load %arg9[%get3A_59, %get3A_60] : memref<64x1xi32, #tpu.memory_space<vmem>>, vector<64x1xi32>
      %eq3A_62 = vector.broadcast %get3A_61 : vector<64x1xi32> to vector<64x64xi32>
      %eq3A_63 = arith.cmpi eq, %eq3A_62, %iota3A_58 : vector<64x64xi32>
      %convert_element_type3A_64 = arith.extui %eq3A_63 : vector<64x64xi1> to vector<64x64xi32>
      %convert_element_type3A_65 = arith.sitofp %convert_element_type3A_64 : vector<64x64xi32> to vector<64x64xf32>
      %dot_general3A_66 = arith.constant dense<0.000000e+00> : vector<64x64xf32>
      %dot_general3A_67 = tpu.matmul %convert_element_type3A_65, %add3A_57, %dot_general3A_66 {dimension_numbers = #tpu.dot_dimension_numbers<[1], [0], [0], [1], [0, 0, 1, 1], [], []>, transpose_lhs_hint = false} : vector<64x64xf32>, vector<64x64xf32>, vector<64x64xf32> -> vector<64x64xf32>
      %reduce_max3A = arith.constant dense<0xFF800000> : vector<64xf32>
      %reduce_max3A_68 = vector.multi_reduction <maximumf>, %dot_general3A_67, %reduce_max3A [1] : vector<64x64xf32> to vector<64xf32>
      %broadcast_in_dim3A = vector.shape_cast %reduce_max3A_68 : vector<64xf32> to vector<64x1xf32>
      %sub3A = vector.broadcast %broadcast_in_dim3A : vector<64x1xf32> to vector<64x64xf32>
      %sub3A_69 = arith.subf %dot_general3A_67, %sub3A : vector<64x64xf32>
      %exp3A = math.exp %sub3A_69 : vector<64x64xf32>
      %reduce_sum3A = arith.constant dense<0.000000e+00> : vector<64xf32>
      %reduce_sum3A_70 = vector.multi_reduction <add>, %exp3A, %reduce_sum3A [1] : vector<64x64xf32> to vector<64xf32>
      %broadcast_in_dim3A_71 = vector.shape_cast %reduce_sum3A_70 : vector<64xf32> to vector<64x1xf32>
      %log3A = math.log %broadcast_in_dim3A_71 : vector<64x1xf32>
      %add3A_72 = arith.addf %log3A, %broadcast_in_dim3A : vector<64x1xf32>
      %sub3A_73 = vector.broadcast %add3A_72 : vector<64x1xf32> to vector<64x64xf32>
      %sub3A_74 = arith.subf %dot_general3A_67, %sub3A_73 : vector<64x64xf32>
      %swap3A_75 = arith.constant 0 : index
      %swap3A_76 = arith.constant 0 : index
      %swap3A_77 = vector.load %arg10[%swap3A_75, %swap3A_76] : memref<64x64xf32, #tpu.memory_space<vmem>>, vector<64x64xf32>
      tpu.vector_store %arg10[%swap3A_75, %swap3A_76], %sub3A_74 {strides = array<i32>} : memref<64x64xf32, #tpu.memory_space<vmem>>, vector<64x64xf32>,
    } else {
    }
    return
  }
  func.func @transform_0(%arg0: i32) -> (i32, i32, i32) {
    %c0_i32 = arith.constant 0 : i32
    %c0_i32_0 = arith.constant 0 : i32
    %c0_i32_1 = arith.constant 0 : i32
    return %c0_i32, %arg0, %c0_i32_0 : i32, i32, i32
  }
  func.func @transform_1(%arg0: i32) -> (i32, i32, i32) {
    %c1_i32 = arith.constant 1 : i32
    %c0_i32 = arith.constant 0 : i32
    %c0_i32_0 = arith.constant 0 : i32
    return %c1_i32, %arg0, %c0_i32 : i32, i32, i32
  }
  func.func @transform_2(%arg0: i32) -> (i32, i32) {
    %c0_i32 = arith.constant 0 : i32
    %c0_i32_0 = arith.constant 0 : i32
    return %arg0, %c0_i32 : i32, i32
  }
  func.func @transform_3(%arg0: i32) -> (i32, i32) {
    %c0_i32 = arith.constant 0 : i32
    %c0_i32_0 = arith.constant 0 : i32
    return %arg0, %c0_i32 : i32, i32
  }
  func.func @transform_4(%arg0: i32) -> (i32, i32) {
    %c0_i32 = arith.constant 0 : i32
    %c0_i32_0 = arith.constant 0 : i32
    %c0_i32_1 = arith.constant 0 : i32
    return %c0_i32, %c0_i32_0 : i32, i32
  }
  func.func @transform_5(%arg0: i32) -> (i32, i32) {
    %c0_i32 = arith.constant 0 : i32
    %c0_i32_0 = arith.constant 0 : i32
    %c0_i32_1 = arith.constant 0 : i32
    return %c0_i32, %c0_i32_0 : i32, i32
  }
  func.func @transform_6(%arg0: i32) -> (i32, i32) {
    %c0_i32 = arith.constant 0 : i32
    %c0_i32_0 = arith.constant 0 : i32
    %c0_i32_1 = arith.constant 0 : i32
    return %c0_i32, %c0_i32_0 : i32, i32
  }
  func.func @transform_7(%arg0: i32) -> (i32, i32) {
    %c0_i32 = arith.constant 0 : i32
    %c0_i32_0 = arith.constant 0 : i32
    return %arg0, %c0_i32 : i32, i32
  }
  func.func @transform_8(%arg0: i32) -> (i32, i32) {
    %c0_i32 = arith.constant 0 : i32
    %c0_i32_0 = arith.constant 0 : i32
    %c0_i32_1 = arith.constant 0 : i32
    return %c0_i32, %c0_i32_0 : i32, i32
  }
  func.func @transform_9(%arg0: i32) -> (i32, i32) {
    %c0_i32 = arith.constant 0 : i32
    %c0_i32_0 = arith.constant 0 : i32
    %c0_i32_1 = arith.constant 0 : i32
    return %c0_i32, %c0_i32_0 : i32, i32
  }
}

</mosaic_0001>

<sc_bundles>
// kernel: kernel.11.cloned.1.call-start
scs
__scs_entry_jumppad:
0x0: {  	(pc) =	sbr.rel $0x88, $3  }
0x1: {  	(tag) =	ssettag $0x0;
	lr =	simm.s32 $0x1  }
0x2: {  	[smem:$0x3F96] =	sst lr;
	_ =	strace $0xD0000000  }
0x3: {  	_ = 	snop  }
0x4: {  	_ = 	snop  }
0x5: {  	_ = 	snop  }
0x6: {  	_ = 	snop  }
0x7: {  	_ = 	snop  }
__scs_overlays_trampoline_lowered:
0x8: {  	[smem:$0x3FA5] =	sst s0  }
0x9: {  	[smem:$0x3FA6] =	sst s1  }
0xa: {  	[smem:$0x3FA7] =	sst s2  }
0xb: {  	[smem:$0x3FA8] =	sst s3  }
0xc: {  	[smem:$0x3FA9] =	sst s4  }
0xd: {  	[smem:$0x3FAA] =	sst s5  }
0xe: {  	[smem:$0x3FAB] =	sst s6  }
0xf: {  	[smem:$0x3FAC] =	sst s7  }
0x10: {  	[smem:$0x3FAD] =	sst s8  }
0x11: {  	[smem:$0x3FAE] =	sst s9;
	s0 =	simm.s32 @!p0 $0x0  }
0x12: {  	s1 =	sld [smem:$0x3F94];
	s0 =	simm.s32 @p0 $0x1  }
0x13: {  	[smem:$0x3FAF] =	sst s0;
	s0 =	simm.s32 @!p1 $0x0  }
0x14: {  	s2 =	sld [smem:$0x3F93];
	s0 =	simm.s32 @p1 $0x1  }
0x15: {  	[smem:$0x3FB0] =	sst s0;
	s0 =	simm.s32 @!p2 $0x0  }
0x16: {  	s3 =	sld [smem:$0x3FDB];
	s0 =	simm.s32 @p2 $0x1  }
0x17: {  	s4 =	simm.s32 $0x1BF5;
	[smem:$0x3FB2] =	sst s0  }
0x18: {  	s0 =	sld [smem:$0x3F95];
	_ =	swait.ge [sflag:s4], $0x0  }
0x19: {  	s7 =	sld [smem:$0x3F96]  }
0x1a: {  	s8 =	sadd.s32 $0xFFFFE003, lr  }
0x1b: {  	s9 =	sadd.s32 $0xFFFFFEF7, lr;
	s5 =	simm.s32 $0xFFFFFFFF;
	p2 =	slt.u32 s8, $0xFFFFF086  }
0x1c: {  	p1 =	slt.u32 s9, $0xF7A;
	s5 =	simm.s32 @!p2 $0x0  }
0x1d: {  	s5 =	simm.s32 @p1 $0x1;
	p0 =	seq.s32 s7, s2  }
0x1e: {  	s7 =	smul.u32 @!p0 $0xF7A, s2;
	p2 =	seq.s32 @!p0 s5, $0x0  }
0x1f: {  	s9 =	smul.u32 $0xF7A, s1;
	s8 =	simm.s32 @!p0 $0x1BF5;
	p2 =	por !p2, p0  }
0x20: {  	[sflag:s8] =	ssyncset.s32 @!p0 $0xFFFFF086;
	s6 =	sadd.s32 @!p0 s3, s7;
	s7 =	simm.s32 @!p0 $0x108  }
0x21: {  	s3 =	sadd.s32 s3, s9;
	s6 =	sadd.s32 @!p0 $0x88, s6;
	s7 =	simm.s32 @p2 $0x1082  }
0x22: {  	[simem:s7], [sflag:s8] =	dma.local @!p0 [hbm:s6], $0xF7A  }
0x23: {  	s9 =	sor.u32 $0xD0000000, s2;
	s6 =	simm.s32 $0x108;
	_ =	swait.ge @!p0 [sflag:s8], $0x0  }
0x24: {  	s3 =	sadd.s32 $0x88, s3;
	s6 =	simm.s32 @!p1 $0x1082;
	[sflag:s4] =	ssyncset.s32 $0xFFFFF086  }
0x25: {  	[simem:s6], [sflag:s4] =	dma.local [hbm:s3], $0xF7A  }
0x26: {  	[smem:$0x3F96] =	sst s1;
	(tag) =	ssettag s2;
	_ =	strace s9  }
0x27: {  	s1 =	sld [smem:$0x3FA6]  }
0x28: {  	s2 =	sld [smem:$0x3FA7]  }
0x29: {  	s4 =	sld [smem:$0x3FA9]  }
0x2a: {  	p0 =	seq.s32 s5, $0x0;
	s5 =	sld [smem:$0x3FAA]  }
0x2b: {  	s6 =	sld [smem:$0x3FAB]  }
0x2c: {  	s7 =	sld [smem:$0x3FAC]  }
0x2d: {  	s3 =	simm.s32 $0x108;
	s8 =	sld [smem:$0x3FAD]  }
0x2e: {  	s3 =	simm.s32 @!p0 $0x1082;
	s9 =	sld [smem:$0x3FAE]  }
0x2f: {  	lr =	sadd.s32 s0, s3;
	s0 =	sld [smem:$0x3FA5]  }
0x30: {  	s3 =	sld [smem:$0x3FA8]  }
0x31: {  	[smem:$0x3FB1] =	sst s10  }
0x32: {  	s10 =	sld [smem:$0x3FAF];
	_ =	sdelay $0x3  }
0x33: {  	p0 =	seq.s32 s10, $0x1;
	s10 =	sld [smem:$0x3FB1];
	_ =	sdelay $0x3  }
0x34: {  	[smem:$0x3FB1] =	sst s10  }
0x35: {  	s10 =	sld [smem:$0x3FB0];
	_ =	sdelay $0x3  }
0x36: {  	p1 =	seq.s32 s10, $0x1;
	s10 =	sld [smem:$0x3FB1];
	_ =	sdelay $0x3  }
0x37: {  	[smem:$0x3FB1] =	sst s10  }
0x38: {  	s10 =	sld [smem:$0x3FB2]  }
0x39: {  	_ = 	snop;
	(pc) =	sbr.ind lr, $3  }
0x3a: {  	_ = 	snop  }
0x3b: {  	_ = 	snop  }
0x3c: {  	p2 =	seq.s32 s10, $0x1;
	s10 =	sld [smem:$0x3FB1]  }
0x3d: {  	_ =	shalt  }
0x3e: {  	_ =	shalt  }
0x3f: {  	_ =	shalt  }
0x40: {  	_ =	shalt  }
0x41: {  	_ =	shalt  }
0x42: {  	_ =	shalt  }
0x43: {  	_ =	shalt  }
0x44: {  	_ =	shalt  }
0x45: {  	_ =	shalt  }
0x46: {  	_ =	shalt  }
0x47: {  	_ =	shalt  }
0x48: {  	_ =	shalt  }
0x49: {  	_ =	shalt  }
0x4a: {  	_ =	shalt  }
0x4b: {  	_ =	shalt  }
0x4c: {  	_ =	shalt  }
0x4d: {  	_ =	shalt  }
0x4e: {  	_ =	shalt  }
0x4f: {  	_ =	shalt  }
0x50: {  	_ =	shalt  }
0x51: {  	_ =	shalt  }
0x52: {  	_ =	shalt  }
0x53: {  	_ =	shalt  }
0x54: {  	_ =	shalt  }
0x55: {  	_ =	shalt  }
0x56: {  	_ =	shalt  }
0x57: {  	_ =	shalt  }
0x58: {  	_ =	shalt  }
0x59: {  	_ =	shalt  }
0x5a: {  	_ =	shalt  }
0x5b: {  	_ =	shalt  }
0x5c: {  	_ =	shalt  }
0x5d: {  	_ =	shalt  }
0x5e: {  	_ =	shalt  }
0x5f: {  	_ =	shalt  }
0x60: {  	_ =	shalt  }
0x61: {  	_ =	shalt  }
0x62: {  	_ =	shalt  }
0x63: {  	_ =	shalt  }
0x64: {  	_ =	shalt  }
0x65: {  	_ =	shalt  }
0x66: {  	_ =	shalt  }
0x67: {  	_ =	shalt  }
0x68: {  	_ =	shalt  }
0x69: {  	_ =	shalt  }
0x6a: {  	_ =	shalt  }
0x6b: {  	_ =	shalt  }
0x6c: {  	_ =	shalt  }
0x6d: {  	_ =	shalt  }
0x6e: {  	_ =	shalt  }
0x6f: {  	_ =	shalt  }
0x70: {  	_ =	shalt  }
0x71: {  	_ =	shalt  }
0x72: {  	_ =	shalt  }
0x73: {  	_ =	shalt  }
0x74: {  	_ =	shalt  }
0x75: {  	_ =	shalt  }
0x76: {  	_ =	shalt  }
0x77: {  	_ =	shalt  }
0x78: {  	_ =	shalt  }
0x79: {  	_ =	shalt  }
0x7a: {  	_ =	shalt  }
0x7b: {  	_ =	shalt  }
0x7c: {  	_ =	shalt  }
0x7d: {  	_ =	shalt  }
0x7e: {  	_ =	shalt  }
0x7f: {  	_ =	shalt  }
0x80: {  	_ =	shalt  }
0x81: {  	_ =	shalt  }
0x82: {  	_ =	shalt  }
0x83: {  	_ =	shalt  }
0x84: {  	_ =	shalt  }
0x85: {  	_ =	shalt  }
0x86: {  	_ =	shalt  }
0x87: {  	_ =	shalt  }
.Lfunc_end0:
.L_simem_size_0:
called_computation.1_lowered:
.L_overlay_start_0:
0x88: {  	s2 =	sld [smem:$0x3FD9]  }
0x89: {  	s3 =	sld [smem:$0x3FFE];
	_ =	sdelay $0x1  }
0x8a: {  	s1 =	srdreg.scid  }
0x8b: {  	s0 =	sand.u32 $0x1, s1  }
0x8c: {  	s16 =	sshll.u32 s0, $0xA;
	s2 =	sadd.s32 s3, s2  }
0x8d: {  	s2 =	sadd.s32 s2, s16  }
0x8e: {  	[smem:$0x3FBD] =	sst s2  }
0x8f: {  	_ = 	snop  }
0x90: {  	(tm) =	ssettm $0x1  }
0x91: {  	s17 =	sld [smem:$0x3FFB];
	_ =	sdelay $0x3  }
0x92: {  	_ =	strace s17  }
0x93: {  	s2 =	sld [smem:$0x3FFC];
	_ =	sdelay $0x3  }
0x94: {  	_ =	strace s2  }
0x95: {  	s2 =	sld [smem:$0x3FFD];
	_ =	sdelay $0x3  }
0x96: {  	_ =	strace s2  }
0x97: {  	_ =	strace $0x8FFFFFFF  }
0x98: {  	s18 =	sld [smem:$0x3FDB];
	_ =	sdelay $0x1  }
0x99: {  	s19 =	simm.s32 $_scs_section_size  }
0x9a: {  	s4 =	simm.s32 $_size__tile_overlayer_lowered;
	s5 =	simm.s32 $_tile_overlayer_lowered  }
0x9b: {  	s22 =	simm.s32 $0x1BFF;
	s21 =	sshll.u32 s5, $0x1;
	s2 =	sadd.s32 s19, s18  }
0x9c: {  	s6 =	simm.s32 $0x0;
	s20 =	sshll.u32 s4, $0x1;
	s4 =	sadd.s32 s21, s2  }
0x9d: {  	[timem:s6], [sflag:s22] =	dma.local [hbm:s4], s20  }
0x9e: {  	_ =	swait.ge [sflag:s22], s20  }
0x9f: {  	s3 =	ssub.s32 $0x0, s20;
	[sflag:s22] =	ssyncset.done $0x0  }
0xa0: {  	[sflag:s22] =	ssyncadd.s32 s3;
	_ =	sdelay $0x1  }
0xa1: {  	s23 =	simm.s32 $0x1B8B  }
0xa2: {  	_ =	swait.ge [sflag:s23], $0x1  }
0xa3: {  	[sflag:s23] =	ssyncset.done $0x0  }
0xa4: {  	s25 =	simm.s32 $0x1B8E;
	s24 =	sld [smem:$0x3FFE];
	[sflag:s23] =	ssyncadd.s32 $0xFFFFFFFF  }
0xa5: {  	s26 =	simm.s32 $execute0_lowered;
	[smem:$0x3FD2] =	sst s25  }
0xa6: {  	s4 =	sshll.u32 s26, $0x1;
	_ =	strace $0x80000049;
	[dreg:$0x1] =	wrdreg $0xFFFFFFFF  }
0xa7: {  	s28 =	simm.s32 $_size_execute0_lowered;
	s2 =	sadd.s32 s2, s4;
	[dreg:$0x0] =	wrdreg $0x0  }
0xa8: {  	s4 =	sshll.u32 s28, $0x1;
	[dreg:$0x2] =	wrdreg s2  }
0xa9: {  	[dreg:$0x3] =	wrdreg s4  }
0xaa: {  	[dreg:$0x4] =	wrdreg $0xC0  }
0xab: {  	_ =	task [dreg:s6], $0x5FFFF  }
0xac: {  	[dreg:$0x1] =	wrdreg $0xFFFFFFFF  }
0xad: {  	[dreg:$0x0] =	wrdreg $0x60  }
0xae: {  	[dreg:$0x2] =	wrdreg s24  }
0xaf: {  	[dreg:$0x3] =	wrdreg $0xC0000  }
0xb0: {  	[dreg:$0x4] =	wrdreg $0x9  }
0xb1: {  	_ =	task.clear_ibuf [dreg:s6], $0x5FFFF;
	_ =	strace $0x90000049  }
0xb2: {  	s29 =	simm.s32 $0x9;
	_ =	strace $0x8000004B  }
0xb3: {  	_ =	swait.ge [sflag:s29], $0x1  }
0xb4: {  	[sflag:s29] =	ssyncadd.s32 $0xFFFFFFFF  }
0xb5: {  	_ =	strace $0x9000004B  }
0xb6: {  	_ =	sfence  }
0xb7: {  	s30 =	sld [smem:$0x0];
	_ =	sdelay $0x2  }
0xb8: {  	s31 =	sshll.u32 s1, $0xD;
	s1 =	sshrl.u32 s1, $0x2  }
0xb9: {  	s3 =	sand.u32 $0x4000, s31;
	s1 =	sadd.s32 s1, s30  }
0xba: {  	s0 =	sor.u32 s3, s0;
	s1 =	sshll.u32 s1, $0x11  }
0xbb: {  	s0 =	sor.u32 s1, s0  }
0xbc: {  	s0 =	sadd.s32 $0x8F2B, s0  }
0xbd: {  	[sflag:s0] =	ssyncadd.remote.s32 $0x1  }
0xbe: {  	_ =	sfence.sel $0xFFFF  }
0xbf: {  	[dreg:$0x0] =	wrdreg $0xFFFFFFFF;
	(pc) =	sbr.abs _section_cstart, $3  }
0xc0: {  	[dreg:$0x1] =	wrdreg $0xFFFFFFFF  }
0xc1: {  	_ =	task.clear_ibuf [dreg:s6], $0x2FFFF;
	_ =	strace $0x9FFFFFFF  }
0xc2: {  	(tm) =	ssettm $0x7FFFFFFF  }
0xc3: {  	_ =	shalt  }
tec
execute0_lowered:
.L_overlay_start_1:
0x0: {  	(tag) =	ssettag $0x1  }
0x1: {  	s0 =	srdreg.scid;
	s8 =	stileid.u32  }
0x2: {  	s0 =	sand.u32 $0x1, s0;
	s1 =	smul.u32 $0xA000, s8  }
0x3: {  	s3 =	smul.u32 $0x5000, s0  }
0x4: {  	s5 =	rddreg [dreg:$0x0]  }
0x5: {  	s2 =	rddreg [dreg:$0x1];
	s1 =	sadd.s32 s3, s1;
	s3 =	simm.s32 $0x0  }
0x6: {  	s16 =	simm.s32 $0x80;
	[smem:$0x7FF] =	sst s3  }
0x7: {  	s17 =	simm.s32 $0x100;
	_ =	strace $0x8000004A;
	[dreg:$0x5] =	wrdreg s16  }
0x8: {  	s18 =	simm.s32 $0x180;
	[dreg:$0x6] =	wrdreg s17  }
0x9: {  	s19 =	simm.s32 $0x200;
	[dreg:$0x7] =	wrdreg s18  }
0xa: {  	s20 =	simm.s32 $0x1080;
	[dreg:$0x8] =	wrdreg s19  }
0xb: {  	s21 =	simm.s32 $0x280;
	[dreg:$0x9] =	wrdreg s20  }
0xc: {  	s22 =	simm.s32 $0x1100;
	[dreg:$0xa] =	wrdreg s21  }
0xd: {  	s23 =	simm.s32 $0x300;
	[dreg:$0xb] =	wrdreg s22  }
0xe: {  	s24 =	simm.s32 $0x1180;
	[dreg:$0xc] =	wrdreg s23  }
0xf: {  	s25 =	simm.s32 $0x380;
	[dreg:$0xd] =	wrdreg s24  }
0x10: {  	s9 =	simm.s32 $0x1200;
	[dreg:$0xe] =	wrdreg s25  }
0x11: {  	s10 =	simm.s32 $0x400;
	[dreg:$0xf] =	wrdreg s9  }
0x12: {  	s11 =	simm.s32 $0x1280;
	[dreg:$0x10] =	wrdreg s10  }
0x13: {  	s12 =	simm.s32 $0x480;
	[dreg:$0x11] =	wrdreg s11  }
0x14: {  	s13 =	simm.s32 $0x1300;
	s14 =	simm.s32 $0x500;
	[dreg:$0x12] =	wrdreg s12  }
0x15: {  	s15 =	simm.s32 $0x1380;
	s6 =	sadd.s32 $0x17C00, s5;
	[dreg:$0x13] =	wrdreg s13  }
0x16: {  	s4 =	sadd.s32 $0xA0000, s1;
	s1 =	sshrl.u32 s1, $0x3;
	[dreg:$0x14] =	wrdreg s14  }
0x17: {  	s1 =	sadd.s32 s1, s6;
	[dreg:$0x15] =	wrdreg s15  }
0x18: {  	s17 =	simm.s32 $0x580;
	[dreg:$0x4] =	wrdreg s1  }
0x19: {  	s28 =	simm.s32 $0x7;
	s18 =	simm.s32 $0x1400;
	[dreg:$0x16] =	wrdreg s17  }
0x1a: {  	s29 =	simm.s32 $0x4;
	s20 =	simm.s32 $0x600;
	[dreg:$0x17] =	wrdreg s18  }
0x1b: {  	s30 =	simm.s32 $0x8;
	s21 =	simm.s32 $0x1480;
	[dreg:$0x18] =	wrdreg s20  }
0x1c: {  	s31 =	simm.s32 $0xB00;
	s23 =	simm.s32 $0x680;
	[dreg:$0x19] =	wrdreg s21  }
0x1d: {  	s7 =	smul.u32 $0x14000, s8;
	s24 =	simm.s32 $0x1500;
	[dreg:$0x1a] =	wrdreg s23  }
0x1e: {  	s26 =	smul.u32 $0x140000, s0;
	s25 =	simm.s32 $0x700;
	[dreg:$0x1b] =	wrdreg s24  }
0x1f: {  	s19 =	smul.u32 $0x50000, s8;
	s8 =	simm.s32 $0x780;
	[dreg:$0x1c] =	wrdreg s25  }
0x20: {  	s0 =	ssub.s32 $0x2, s0;
	s10 =	simm.s32 $0x1600;
	[dreg:$0x1e] =	wrdreg s8  }
0x21: {  	s4 =	sshrl.u32 s4, $0x3;
	s12 =	simm.s32 $0x800;
	[dreg:$0x1f] =	wrdreg s10  }
0x22: {  	s16 =	sshrl.u32 s0, $0x1;
	s14 =	simm.s32 $0x1680;
	[smem:$0x7EF] =	sst s12  }
0x23: {  	s4 =	sadd.s32 s4, s6;
	s6 =	sadd.s32 s7, s26;
	[smem:$0x7F1] =	sst s14  }
0x24: {  	s0 =	ssub.s32 s0, s16;
	s16 =	simm.s32 $0x880;
	[dreg:$0x3] =	wrdreg s4  }
0x25: {  	s18 =	simm.s32 $0x1700;
	s20 =	simm.s32 $0x1780;
	[smem:$0x7F4] =	sst s16  }
0x26: {  	s21 =	simm.s32 $0x980;
	s23 =	simm.s32 $0xA00;
	[smem:$0x7F5] =	sst s18  }
0x27: {  	s24 =	simm.s32 $0x1880;
	s25 =	simm.s32 $0xA80;
	[smem:$0x7F7] =	sst s20  }
0x28: {  	s1 =	simm.s32 $0x1980;
	s8 =	simm.s32 $0x1A80;
	[smem:$0x7F8] =	sst s21  }
0x29: {  	s10 =	simm.s32 $0x1B80;
	s12 =	simm.s32 $0x0;
	[smem:$0x7FA] =	sst s23  }
0x2a: {  	s4 =	sadd.s32 $0x3FC00, s5;
	s6 =	sshrl.u32 s6, $0x3;
	[smem:$0x7FB] =	sst s24  }
0x2b: {  	s22 =	sshrl.u32 s19, $0x2;
	s0 =	smax.u32 s0, $0x1;
	[smem:$0x7FC] =	sst s25  }
0x2c: {  	s19 =	simm.s32 $0x900;
	s16 =	simm.s32 $0x1;
	[smem:$0x7E9] =	sst s0  }
0x2d: {  	s5 =	sadd.s32 s6, s5;
	s6 =	simm.s32 $0x1580;
	[smem:$0x7F6] =	sst s19  }
0x2e: {  	s18 =	simm.s32 $0x1000;
	s5 =	sadd.s32 $0x66E00, s5;
	[dreg:$0x1d] =	wrdreg s6  }
0x2f: {  	s20 =	simm.s32 $0x4800;
	[smem:$0x7E8] =	sst s5;
	s5 =	sadd.s32 s22, s2  }
0x30: {  	s21 =	simm.s32 $0x7000;
	s22 =	simm.s32 $0x1800;
	[smem:$0x7F2] =	sst s5  }
0x31: {  	s23 =	simm.s32 $0x5;
	s26 =	sadd.s32 $0x2800, s5;
	[smem:$0x7F9] =	sst s22  }
0x32: {  	s24 =	simm.s32 $0x2;
	s7 =	sadd.s32 $0x5000, s5;
	[smem:$0x7EA] =	sst s26  }
0x33: {  	s25 =	simm.s32 $0x6;
	s9 =	sadd.s32 $0x7800, s5;
	[smem:$0x7EB] =	sst s7  }
0x34: {  	s19 =	simm.s32 $0x50;
	s11 =	sadd.s32 $0xA000, s5;
	[smem:$0x7EC] =	sst s9  }
0x35: {  	s0 =	simm.s32 $0xB80;
	s13 =	sadd.s32 $0xC800, s5;
	[smem:$0x7ED] =	sst s11  }
0x36: {  	s15 =	sadd.s32 $0xF000, s5;
	s17 =	sadd.s32 $0x11800, s5;
	[smem:$0x7EE] =	sst s13  }
0x37: {  	s22 =	simm.s32 $0x9800;
	s5 =	simm.s32 $0x1A00;
	[smem:$0x7F0] =	sst s15  }
0x38: {  	[smem:$0x7F3] =	sst s17;
	s15 =	simm.s32 $0x2000;
	s17 =	simm.s32 $0x9  }
0x39: {  	s26 =	simm.s32 $0x1900;
	s7 =	simm.s32 $0xC00;
	s9 =	simm.s32 $0x1B00  }
0x3a: {  	v0 =	vimm.f32 $0.0e+00;
	s11 =	simm.s32 $0x1C00;
	[smem:$0x7FD] =	sst s26;
	s26 =	simm.s32 $0x3  }
.LBB2_1:
0x3b: {  	s6 =	sand.u32 $0xFE00, s3  }
0x3c: {  	[smem:$0x7E7] =	sst s12;
	s14 =	sand.u32 $0x70, s3;
	s6 =	sshrl.u32 s6, $0x2  }
0x3d: {  	s13 =	simm.s32 $0x40;
	s6 =	sor.u32 s14, s6;
	s14 =	simm.s32 $0x0  }
.LBB2_2:
0x3e: {  	p0 =	sne.s32 s13, $0x9FC0  }
0x3f: {  	[tilespmem:s6+$0x2000] =	vst v0;
	s14 =	sadd.s32 $0x10, s14;
	s6 =	smov.u32 s13;
	s13 =	sadd.s32 $0x40, s13  }
.Ltmp0:
0x40: {  	(pc) =	sbr.rel @p0 .LBB2_2-.Ltmp0, $4  }
0x41: {  	_ = 	snop  }
0x42: {  	s6 =	sand.u32 $0xFE00, s6  }
0x43: {  	s12 =	sand.u32 $0x70, s14;
	s6 =	sshrl.u32 s6, $0x2  }
0x44: {  	s6 =	sor.u32 s12, s6  }
0x45: {  	s12 =	sld [smem:$0x7F2];
	_ =	sdelay $0x1  }
0x46: {  	[tilespmem:s6+$0x2000] =	vst v0;
	s13 =	sld [smem:$0x7EA]  }
0x47: {  	[spmem:s12] =	stream.linear.scatter [tilespmem:s15], [sflag:$0x1], $0x2800, $0x38;
	v63 =	vld [tilespmem:$0x0]  }
0x48: {  	s14 =	sld [smem:$0x7EB]  }
0x49: {  	[spmem:s13] =	stream.linear.scatter [tilespmem:s15], [sflag:$0x1], $0x2800, $0x38;
	v63 =	vld [tilespmem:$0x0]  }
0x4a: {  	s12 =	sld [smem:$0x7EC]  }
0x4b: {  	[spmem:s14] =	stream.linear.scatter [tilespmem:s15], [sflag:$0x1], $0x2800, $0x38;
	v63 =	vld [tilespmem:$0x0]  }
0x4c: {  	s13 =	sld [smem:$0x7ED]  }
0x4d: {  	[spmem:s12] =	stream.linear.scatter [tilespmem:s15], [sflag:$0x1], $0x2800, $0x38;
	v63 =	vld [tilespmem:$0x0]  }
0x4e: {  	s14 =	sld [smem:$0x7EE]  }
0x4f: {  	[spmem:s13] =	stream.linear.scatter [tilespmem:s15], [sflag:$0x1], $0x2800, $0x38;
	v63 =	vld [tilespmem:$0x0]  }
0x50: {  	s12 =	sld [smem:$0x7F0]  }
0x51: {  	[spmem:s14] =	stream.linear.scatter [tilespmem:s15], [sflag:$0x1], $0x2800, $0x38;
	v63 =	vld [tilespmem:$0x0]  }
0x52: {  	s13 =	sld [smem:$0x7F3]  }
0x53: {  	[spmem:s12] =	stream.linear.scatter [tilespmem:s15], [sflag:$0x1], $0x2800, $0x38;
	v63 =	vld [tilespmem:$0x0]  }
0x54: {  	_ = 	snop  }
0x55: {  	[spmem:s13] =	stream.linear.scatter [tilespmem:s15], [sflag:$0x1], $0x2800, $0x38;
	v63 =	vld [tilespmem:$0x0]  }
0x56: {  	_ =	swait.ge [sflag:s16], $0x2800  }
0x57: {  	[sflag:s16] =	ssyncset.done $0x0  }
0x58: {  	[sflag:s16] =	ssyncadd.s32 $0xFFFFD800  }
0x59: {  	_ =	swait.ge [sflag:s16], $0x2800  }
0x5a: {  	[sflag:s16] =	ssyncset.done $0x0  }
0x5b: {  	[sflag:s16] =	ssyncadd.s32 $0xFFFFD800  }
0x5c: {  	_ =	swait.ge [sflag:s16], $0x2800  }
0x5d: {  	[sflag:s16] =	ssyncset.done $0x0  }
0x5e: {  	[sflag:s16] =	ssyncadd.s32 $0xFFFFD800  }
0x5f: {  	_ =	swait.ge [sflag:s16], $0x2800  }
0x60: {  	[sflag:s16] =	ssyncset.done $0x0  }
0x61: {  	[sflag:s16] =	ssyncadd.s32 $0xFFFFD800  }
0x62: {  	_ =	swait.ge [sflag:s16], $0x2800  }
0x63: {  	[sflag:s16] =	ssyncset.done $0x0  }
0x64: {  	[sflag:s16] =	ssyncadd.s32 $0xFFFFD800  }
0x65: {  	_ =	swait.ge [sflag:s16], $0x2800  }
0x66: {  	[sflag:s16] =	ssyncset.done $0x0  }
0x67: {  	[sflag:s16] =	ssyncadd.s32 $0xFFFFD800  }
0x68: {  	_ =	swait.ge [sflag:s16], $0x2800  }
0x69: {  	[sflag:s16] =	ssyncset.done $0x0  }
0x6a: {  	[sflag:s16] =	ssyncadd.s32 $0xFFFFD800  }
0x6b: {  	_ =	swait.ge [sflag:s16], $0x2800  }
0x6c: {  	[sflag:s16] =	ssyncset.done $0x0  }
0x6d: {  	[sflag:s16] =	ssyncadd.s32 $0xFFFFD800  }
0x6e: {  	[bflag:$0x0] =	sbarrier.arrive $0xFFFF  }
0x6f: {  	s14 =	rddreg [dreg:$0x4]  }
0x70: {  	s6 =	sadd.s32 $0x0, s14  }
0x71: {  	[tilespmem:s3], [sflag:$0x9] =	stream.linear.gather [hbm4b:s6+s3], $0xC80, $0x38;
	v63 =	vld [tilespmem:$0x0]  }
0x72: {  	_ =	swait.ge [sflag:s17], $0xC80  }
0x73: {  	s12 =	rddreg [dreg:$0x3];
	[sflag:s17] =	ssyncset.done $0x0  }
0x74: {  	[sflag:s17] =	ssyncadd.s32 $0xFFFFF380;
	s6 =	sadd.s32 $0x0, s12  }
0x75: {  	[tilespmem:s18], [sflag:$0x9] =	stream.linear.gather [hbm4b:s6+s3], $0xC80, $0x38;
	v63 =	vld [tilespmem:$0x0]  }
0x76: {  	_ =	swait.ge [sflag:s17], $0xC80  }
0x77: {  	[sflag:s17] =	ssyncset.done $0x0  }
0x78: {  	[sflag:s17] =	ssyncadd.s32 $0xFFFFF380  }
0x79: {  	[tilespmem:s15], [sflag:$0x1] =	stream.indirect.gather [hbm4b:s4+s19], $0x80, s3, s19, $0xb8;
	v63 =	vld [tilespmem:$0x0]  }
0x7a: {  	s13 =	rddreg [dreg:$0x5]  }
0x7b: {  	[tilespmem:s20], [sflag:$0x2] =	stream.indirect.gather [hbm4b:s4+s19], $0x80, s13, s19, $0xb8;
	v63 =	vld [tilespmem:$0x0]  }
0x7c: {  	s12 =	rddreg [dreg:$0x6]  }
0x7d: {  	[tilespmem:s21], [sflag:$0x3] =	stream.indirect.gather [hbm4b:s4+s19], $0x80, s12, s19, $0xb8;
	v63 =	vld [tilespmem:$0x0]  }
0x7e: {  	s14 =	rddreg [dreg:$0x7]  }
0x7f: {  	[tilespmem:s22], [sflag:$0x4] =	stream.indirect.gather [hbm4b:s4+s19], $0x80, s14, s19, $0xb8;
	v63 =	vld [tilespmem:$0x0]  }
0x80: {  	_ =	swait.ge [sflag:s16], $0x2800  }
0x81: {  	[sflag:s16] =	ssyncset.done $0x0  }
0x82: {  	[sflag:s16] =	ssyncadd.s32 $0xFFFFD800  }
0x83: {  	[spmem:s2] =	stream.indirect.scatter.add.f32 [tilespmem:s15], [sflag:$0x5], $0x80, s18, s19, $0xb8;
	v63 =	vld [tilespmem:$0x0]  }
0x84: {  	_ =	swait.ge [sflag:s23], $0x2800  }
0x85: {  	[sflag:s23] =	ssyncset.done $0x0  }
0x86: {  	s12 =	rddreg [dreg:$0x8];
	[sflag:s23] =	ssyncadd.s32 $0xFFFFD800  }
0x87: {  	[tilespmem:s15], [sflag:$0x1] =	stream.indirect.gather [hbm4b:s4+s19], $0x80, s12, s19, $0xb8;
	v63 =	vld [tilespmem:$0x0]  }
0x88: {  	_ =	swait.ge [sflag:s24], $0x2800  }
0x89: {  	[sflag:s24] =	ssyncset.done $0x0  }
0x8a: {  	s13 =	rddreg [dreg:$0x9];
	[sflag:s24] =	ssyncadd.s32 $0xFFFFD800  }
0x8b: {  	[spmem:s2] =	stream.indirect.scatter.add.f32 [tilespmem:s20], [sflag:$0x6], $0x80, s13, s19, $0xb8;
	v63 =	vld [tilespmem:$0x0]  }
0x8c: {  	_ =	swait.ge [sflag:s25], $0x2800  }
0x8d: {  	[sflag:s25] =	ssyncset.done $0x0  }
0x8e: {  	s14 =	rddreg [dreg:$0xa];
	[sflag:s25] =	ssyncadd.s32 $0xFFFFD800  }
0x8f: {  	[tilespmem:s20], [sflag:$0x2] =	stream.indirect.gather [hbm4b:s4+s19], $0x80, s14, s19, $0xb8;
	v63 =	vld [tilespmem:$0x0]  }
0x90: {  	_ =	swait.ge [sflag:s26], $0x2800  }
0x91: {  	[sflag:s26] =	ssyncset.done $0x0  }
0x92: {  	s12 =	rddreg [dreg:$0xb];
	[sflag:s26] =	ssyncadd.s32 $0xFFFFD800  }
0x93: {  	[spmem:s2] =	stream.indirect.scatter.add.f32 [tilespmem:s21], [sflag:$0x7], $0x80, s12, s19, $0xb8;
	v63 =	vld [tilespmem:$0x0]  }
0x94: {  	_ =	swait.ge [sflag:s28], $0x2800  }
0x95: {  	[sflag:s28] =	ssyncset.done $0x0  }
0x96: {  	s13 =	rddreg [dreg:$0xc];
	[sflag:s28] =	ssyncadd.s32 $0xFFFFD800  }
0x97: {  	[tilespmem:s21], [sflag:$0x3] =	stream.indirect.gather [hbm4b:s4+s19], $0x80, s13, s19, $0xb8;
	v63 =	vld [tilespmem:$0x0]  }
0x98: {  	_ =	swait.ge [sflag:s29], $0x2800  }
0x99: {  	[sflag:s29] =	ssyncset.done $0x0  }
0x9a: {  	s14 =	rddreg [dreg:$0xd];
	[sflag:s29] =	ssyncadd.s32 $0xFFFFD800  }
0x9b: {  	[spmem:s2] =	stream.indirect.scatter.add.f32 [tilespmem:s22], [sflag:$0x8], $0x80, s14, s19, $0xb8;
	v63 =	vld [tilespmem:$0x0]  }
0x9c: {  	_ =	swait.ge [sflag:s30], $0x2800  }
0x9d: {  	[sflag:s30] =	ssyncset.done $0x0  }
0x9e: {  	s12 =	rddreg [dreg:$0xe];
	[sflag:s30] =	ssyncadd.s32 $0xFFFFD800  }
0x9f: {  	[tilespmem:s22], [sflag:$0x4] =	stream.indirect.gather [hbm4b:s4+s19], $0x80, s12, s19, $0xb8;
	v63 =	vld [tilespmem:$0x0]  }
0xa0: {  	_ =	swait.ge [sflag:s16], $0x2800  }
0xa1: {  	[sflag:s16] =	ssyncset.done $0x0  }
0xa2: {  	s13 =	rddreg [dreg:$0xf];
	[sflag:s16] =	ssyncadd.s32 $0xFFFFD800  }
0xa3: {  	[spmem:s2] =	stream.indirect.scatter.add.f32 [tilespmem:s15], [sflag:$0x5], $0x80, s13, s19, $0xb8;
	v63 =	vld [tilespmem:$0x0]  }
0xa4: {  	_ =	swait.ge [sflag:s23], $0x2800  }
0xa5: {  	[sflag:s23] =	ssyncset.done $0x0  }
0xa6: {  	s14 =	rddreg [dreg:$0x10];
	[sflag:s23] =	ssyncadd.s32 $0xFFFFD800  }
0xa7: {  	[tilespmem:s15], [sflag:$0x1] =	stream.indirect.gather [hbm4b:s4+s19], $0x80, s14, s19, $0xb8;
	v63 =	vld [tilespmem:$0x0]  }
0xa8: {  	_ =	swait.ge [sflag:s24], $0x2800  }
0xa9: {  	[sflag:s24] =	ssyncset.done $0x0  }
0xaa: {  	s12 =	rddreg [dreg:$0x11];
	[sflag:s24] =	ssyncadd.s32 $0xFFFFD800  }
0xab: {  	[spmem:s2] =	stream.indirect.scatter.add.f32 [tilespmem:s20], [sflag:$0x6], $0x80, s12, s19, $0xb8;
	v63 =	vld [tilespmem:$0x0]  }
0xac: {  	_ =	swait.ge [sflag:s25], $0x2800  }
0xad: {  	[sflag:s25] =	ssyncset.done $0x0  }
0xae: {  	s13 =	rddreg [dreg:$0x12];
	[sflag:s25] =	ssyncadd.s32 $0xFFFFD800  }
0xaf: {  	[tilespmem:s20], [sflag:$0x2] =	stream.indirect.gather [hbm4b:s4+s19], $0x80, s13, s19, $0xb8;
	v63 =	vld [tilespmem:$0x0]  }
0xb0: {  	_ =	swait.ge [sflag:s26], $0x2800  }
0xb1: {  	[sflag:s26] =	ssyncset.done $0x0  }
0xb2: {  	s14 =	rddreg [dreg:$0x13];
	[sflag:s26] =	ssyncadd.s32 $0xFFFFD800  }
0xb3: {  	[spmem:s2] =	stream.indirect.scatter.add.f32 [tilespmem:s21], [sflag:$0x7], $0x80, s14, s19, $0xb8;
	v63 =	vld [tilespmem:$0x0]  }
0xb4: {  	_ =	swait.ge [sflag:s28], $0x2800  }
0xb5: {  	[sflag:s28] =	ssyncset.done $0x0  }
0xb6: {  	s12 =	rddreg [dreg:$0x14];
	[sflag:s28] =	ssyncadd.s32 $0xFFFFD800  }
0xb7: {  	[tilespmem:s21], [sflag:$0x3] =	stream.indirect.gather [hbm4b:s4+s19], $0x80, s12, s19, $0xb8;
	v63 =	vld [tilespmem:$0x0]  }
0xb8: {  	_ =	swait.ge [sflag:s29], $0x2800  }
0xb9: {  	[sflag:s29] =	ssyncset.done $0x0  }
0xba: {  	s13 =	rddreg [dreg:$0x15];
	[sflag:s29] =	ssyncadd.s32 $0xFFFFD800  }
0xbb: {  	[spmem:s2] =	stream.indirect.scatter.add.f32 [tilespmem:s22], [sflag:$0x8], $0x80, s13, s19, $0xb8;
	v63 =	vld [tilespmem:$0x0]  }
0xbc: {  	_ =	swait.ge [sflag:s30], $0x2800  }
0xbd: {  	[sflag:s30] =	ssyncset.done $0x0  }
0xbe: {  	s14 =	rddreg [dreg:$0x16];
	[sflag:s30] =	ssyncadd.s32 $0xFFFFD800  }
0xbf: {  	[tilespmem:s22], [sflag:$0x4] =	stream.indirect.gather [hbm4b:s4+s19], $0x80, s14, s19, $0xb8;
	v63 =	vld [tilespmem:$0x0]  }
0xc0: {  	_ =	swait.ge [sflag:s16], $0x2800  }
0xc1: {  	[sflag:s16] =	ssyncset.done $0x0  }
0xc2: {  	s12 =	rddreg [dreg:$0x17];
	[sflag:s16] =	ssyncadd.s32 $0xFFFFD800  }
0xc3: {  	[spmem:s2] =	stream.indirect.scatter.add.f32 [tilespmem:s15], [sflag:$0x5], $0x80, s12, s19, $0xb8;
	v63 =	vld [tilespmem:$0x0]  }
0xc4: {  	_ =	swait.ge [sflag:s23], $0x2800  }
0xc5: {  	[sflag:s23] =	ssyncset.done $0x0  }
0xc6: {  	s13 =	rddreg [dreg:$0x18];
	[sflag:s23] =	ssyncadd.s32 $0xFFFFD800  }
0xc7: {  	[tilespmem:s15], [sflag:$0x1] =	stream.indirect.gather [hbm4b:s4+s19], $0x80, s13, s19, $0xb8;
	v63 =	vld [tilespmem:$0x0]  }
0xc8: {  	_ =	swait.ge [sflag:s24], $0x2800  }
0xc9: {  	[sflag:s24] =	ssyncset.done $0x0  }
0xca: {  	s14 =	rddreg [dreg:$0x19];
	[sflag:s24] =	ssyncadd.s32 $0xFFFFD800  }
0xcb: {  	[spmem:s2] =	stream.indirect.scatter.add.f32 [tilespmem:s20], [sflag:$0x6], $0x80, s14, s19, $0xb8;
	v63 =	vld [tilespmem:$0x0]  }
0xcc: {  	_ =	swait.ge [sflag:s25], $0x2800  }
0xcd: {  	[sflag:s25] =	ssyncset.done $0x0  }
0xce: {  	s12 =	rddreg [dreg:$0x1a];
	[sflag:s25] =	ssyncadd.s32 $0xFFFFD800  }
0xcf: {  	[tilespmem:s20], [sflag:$0x2] =	stream.indirect.gather [hbm4b:s4+s19], $0x80, s12, s19, $0xb8;
	v63 =	vld [tilespmem:$0x0]  }
0xd0: {  	_ =	swait.ge [sflag:s26], $0x2800  }
0xd1: {  	[sflag:s26] =	ssyncset.done $0x0  }
0xd2: {  	s13 =	rddreg [dreg:$0x1b];
	[sflag:s26] =	ssyncadd.s32 $0xFFFFD800  }
0xd3: {  	[spmem:s2] =	stream.indirect.scatter.add.f32 [tilespmem:s21], [sflag:$0x7], $0x80, s13, s19, $0xb8;
	v63 =	vld [tilespmem:$0x0]  }
0xd4: {  	_ =	swait.ge [sflag:s28], $0x2800  }
0xd5: {  	[sflag:s28] =	ssyncset.done $0x0  }
0xd6: {  	s14 =	rddreg [dreg:$0x1c];
	[sflag:s28] =	ssyncadd.s32 $0xFFFFD800  }
0xd7: {  	[tilespmem:s21], [sflag:$0x3] =	stream.indirect.gather [hbm4b:s4+s19], $0x80, s14, s19, $0xb8;
	v63 =	vld [tilespmem:$0x0]  }
0xd8: {  	_ =	swait.ge [sflag:s29], $0x2800  }
0xd9: {  	[sflag:s29] =	ssyncset.done $0x0  }
0xda: {  	s12 =	rddreg [dreg:$0x1d];
	[sflag:s29] =	ssyncadd.s32 $0xFFFFD800  }
0xdb: {  	[spmem:s2] =	stream.indirect.scatter.add.f32 [tilespmem:s22], [sflag:$0x8], $0x80, s12, s19, $0xb8;
	v63 =	vld [tilespmem:$0x0]  }
0xdc: {  	_ =	swait.ge [sflag:s30], $0x2800  }
0xdd: {  	[sflag:s30] =	ssyncset.done $0x0  }
0xde: {  	s13 =	rddreg [dreg:$0x1e];
	[sflag:s30] =	ssyncadd.s32 $0xFFFFD800  }
0xdf: {  	[tilespmem:s22], [sflag:$0x4] =	stream.indirect.gather [hbm4b:s4+s19], $0x80, s13, s19, $0xb8;
	v63 =	vld [tilespmem:$0x0]  }
0xe0: {  	_ =	swait.ge [sflag:s16], $0x2800  }
0xe1: {  	[sflag:s16] =	ssyncset.done $0x0  }
0xe2: {  	s14 =	rddreg [dreg:$0x1f];
	[sflag:s16] =	ssyncadd.s32 $0xFFFFD800  }
0xe3: {  	[spmem:s2] =	stream.indirect.scatter.add.f32 [tilespmem:s15], [sflag:$0x5], $0x80, s14, s19, $0xb8;
	v63 =	vld [tilespmem:$0x0]  }
0xe4: {  	_ =	swait.ge [sflag:s23], $0x2800  }
0xe5: {  	s12 =	sld [smem:$0x7EF]  }
0xe6: {  	[sflag:s23] =	ssyncset.done $0x0  }
0xe7: {  	[sflag:s23] =	ssyncadd.s32 $0xFFFFD800  }
0xe8: {  	[tilespmem:s15], [sflag:$0x1] =	stream.indirect.gather [hbm4b:s4+s19], $0x80, s12, s19, $0xb8;
	v63 =	vld [tilespmem:$0x0]  }
0xe9: {  	_ =	swait.ge [sflag:s24], $0x2800  }
0xea: {  	s13 =	sld [smem:$0x7F1]  }
0xeb: {  	[sflag:s24] =	ssyncset.done $0x0  }
0xec: {  	[sflag:s24] =	ssyncadd.s32 $0xFFFFD800  }
0xed: {  	[spmem:s2] =	stream.indirect.scatter.add.f32 [tilespmem:s20], [sflag:$0x6], $0x80, s13, s19, $0xb8;
	v63 =	vld [tilespmem:$0x0]  }
0xee: {  	_ =	swait.ge [sflag:s25], $0x2800  }
0xef: {  	s14 =	sld [smem:$0x7F4]  }
0xf0: {  	[sflag:s25] =	ssyncset.done $0x0  }
0xf1: {  	[sflag:s25] =	ssyncadd.s32 $0xFFFFD800  }
0xf2: {  	[tilespmem:s20], [sflag:$0x2] =	stream.indirect.gather [hbm4b:s4+s19], $0x80, s14, s19, $0xb8;
	v63 =	vld [tilespmem:$0x0]  }
0xf3: {  	_ =	swait.ge [sflag:s26], $0x2800  }
0xf4: {  	s12 =	sld [smem:$0x7F5]  }
0xf5: {  	[sflag:s26] =	ssyncset.done $0x0  }
0xf6: {  	[sflag:s26] =	ssyncadd.s32 $0xFFFFD800  }
0xf7: {  	[spmem:s2] =	stream.indirect.scatter.add.f32 [tilespmem:s21], [sflag:$0x7], $0x80, s12, s19, $0xb8;
	v63 =	vld [tilespmem:$0x0]  }
0xf8: {  	_ =	swait.ge [sflag:s28], $0x2800  }
0xf9: {  	s13 =	sld [smem:$0x7F6]  }
0xfa: {  	[sflag:s28] =	ssyncset.done $0x0  }
0xfb: {  	[sflag:s28] =	ssyncadd.s32 $0xFFFFD800  }
0xfc: {  	[tilespmem:s21], [sflag:$0x3] =	stream.indirect.gather [hbm4b:s4+s19], $0x80, s13, s19, $0xb8;
	v63 =	vld [tilespmem:$0x0]  }
0xfd: {  	_ =	swait.ge [sflag:s29], $0x2800  }
0xfe: {  	s14 =	sld [smem:$0x7F7]  }
0xff: {  	[sflag:s29] =	ssyncset.done $0x0  }
0x100: {  	[sflag:s29] =	ssyncadd.s32 $0xFFFFD800  }
0x101: {  	[spmem:s2] =	stream.indirect.scatter.add.f32 [tilespmem:s22], [sflag:$0x8], $0x80, s14, s19, $0xb8;
	v63 =	vld [tilespmem:$0x0]  }
0x102: {  	_ =	swait.ge [sflag:s30], $0x2800  }
0x103: {  	s12 =	sld [smem:$0x7F8]  }
0x104: {  	[sflag:s30] =	ssyncset.done $0x0  }
0x105: {  	[sflag:s30] =	ssyncadd.s32 $0xFFFFD800  }
0x106: {  	[tilespmem:s22], [sflag:$0x4] =	stream.indirect.gather [hbm4b:s4+s19], $0x80, s12, s19, $0xb8;
	v63 =	vld [tilespmem:$0x0]  }
0x107: {  	_ =	swait.ge [sflag:s16], $0x2800  }
0x108: {  	s13 =	sld [smem:$0x7F9]  }
0x109: {  	[sflag:s16] =	ssyncset.done $0x0  }
0x10a: {  	[sflag:s16] =	ssyncadd.s32 $0xFFFFD800  }
0x10b: {  	[spmem:s2] =	stream.indirect.scatter.add.f32 [tilespmem:s15], [sflag:$0x5], $0x80, s13, s19, $0xb8;
	v63 =	vld [tilespmem:$0x0]  }
0x10c: {  	_ =	swait.ge [sflag:s23], $0x2800  }
0x10d: {  	s14 =	sld [smem:$0x7FA]  }
0x10e: {  	[sflag:s23] =	ssyncset.done $0x0  }
0x10f: {  	[sflag:s23] =	ssyncadd.s32 $0xFFFFD800  }
0x110: {  	[tilespmem:s15], [sflag:$0x1] =	stream.indirect.gather [hbm4b:s4+s19], $0x80, s14, s19, $0xb8;
	v63 =	vld [tilespmem:$0x0]  }
0x111: {  	_ =	swait.ge [sflag:s24], $0x2800  }
0x112: {  	s12 =	sld [smem:$0x7FB]  }
0x113: {  	[sflag:s24] =	ssyncset.done $0x0  }
0x114: {  	[sflag:s24] =	ssyncadd.s32 $0xFFFFD800  }
0x115: {  	[spmem:s2] =	stream.indirect.scatter.add.f32 [tilespmem:s20], [sflag:$0x6], $0x80, s12, s19, $0xb8;
	v63 =	vld [tilespmem:$0x0]  }
0x116: {  	_ =	swait.ge [sflag:s25], $0x2800  }
0x117: {  	s13 =	sld [smem:$0x7FC]  }
0x118: {  	[sflag:s25] =	ssyncset.done $0x0  }
0x119: {  	[sflag:s25] =	ssyncadd.s32 $0xFFFFD800  }
0x11a: {  	[tilespmem:s20], [sflag:$0x2] =	stream.indirect.gather [hbm4b:s4+s19], $0x80, s13, s19, $0xb8;
	v63 =	vld [tilespmem:$0x0]  }
0x11b: {  	_ =	swait.ge [sflag:s26], $0x2800  }
0x11c: {  	s14 =	sld [smem:$0x7FD]  }
0x11d: {  	[sflag:s26] =	ssyncset.done $0x0  }
0x11e: {  	[sflag:s26] =	ssyncadd.s32 $0xFFFFD800  }
0x11f: {  	[spmem:s2] =	stream.indirect.scatter.add.f32 [tilespmem:s21], [sflag:$0x7], $0x80, s14, s19, $0xb8;
	v63 =	vld [tilespmem:$0x0]  }
0x120: {  	_ =	swait.ge [sflag:s28], $0x2800  }
0x121: {  	[sflag:s28] =	ssyncset.done $0x0  }
0x122: {  	[sflag:s28] =	ssyncadd.s32 $0xFFFFD800  }
0x123: {  	[tilespmem:s21], [sflag:$0x3] =	stream.indirect.gather [hbm4b:s4+s19], $0x80, s31, s19, $0xb8;
	v63 =	vld [tilespmem:$0x0]  }
0x124: {  	_ =	swait.ge [sflag:s29], $0x2800  }
0x125: {  	[sflag:s29] =	ssyncset.done $0x0  }
0x126: {  	[sflag:s29] =	ssyncadd.s32 $0xFFFFD800  }
0x127: {  	[spmem:s2] =	stream.indirect.scatter.add.f32 [tilespmem:s22], [sflag:$0x8], $0x80, s1, s19, $0xb8;
	v63 =	vld [tilespmem:$0x0]  }
0x128: {  	_ =	swait.ge [sflag:s30], $0x2800  }
0x129: {  	[sflag:s30] =	ssyncset.done $0x0  }
0x12a: {  	[sflag:s30] =	ssyncadd.s32 $0xFFFFD800  }
0x12b: {  	[tilespmem:s22], [sflag:$0x4] =	stream.indirect.gather [hbm4b:s4+s19], $0x80, s0, s19, $0xb8;
	v63 =	vld [tilespmem:$0x0]  }
0x12c: {  	_ =	swait.ge [sflag:s16], $0x2800  }
0x12d: {  	[sflag:s16] =	ssyncset.done $0x0  }
0x12e: {  	[sflag:s16] =	ssyncadd.s32 $0xFFFFD800  }
0x12f: {  	[spmem:s2] =	stream.indirect.scatter.add.f32 [tilespmem:s15], [sflag:$0x5], $0x80, s5, s19, $0xb8;
	v63 =	vld [tilespmem:$0x0]  }
0x130: {  	_ =	swait.ge [sflag:s23], $0x2800  }
0x131: {  	[sflag:s23] =	ssyncset.done $0x0  }
0x132: {  	[sflag:s23] =	ssyncadd.s32 $0xFFFFD800  }
0x133: {  	[tilespmem:s15], [sflag:$0x1] =	stream.indirect.gather [hbm4b:s4+s19], $0x80, s7, s19, $0xb8;
	v63 =	vld [tilespmem:$0x0]  }
0x134: {  	_ =	swait.ge [sflag:s24], $0x2800  }
0x135: {  	[sflag:s24] =	ssyncset.done $0x0  }
0x136: {  	[sflag:s24] =	ssyncadd.s32 $0xFFFFD800  }
0x137: {  	[spmem:s2] =	stream.indirect.scatter.add.f32 [tilespmem:s20], [sflag:$0x6], $0x80, s8, s19, $0xb8;
	v63 =	vld [tilespmem:$0x0]  }
0x138: {  	_ =	swait.ge [sflag:s26], $0x2800  }
0x139: {  	[sflag:s26] =	ssyncset.done $0x0  }
0x13a: {  	[sflag:s26] =	ssyncadd.s32 $0xFFFFD800  }
0x13b: {  	[spmem:s2] =	stream.indirect.scatter.add.f32 [tilespmem:s21], [sflag:$0x7], $0x80, s9, s19, $0xb8;
	v63 =	vld [tilespmem:$0x0]  }
0x13c: {  	_ =	swait.ge [sflag:s29], $0x2800  }
0x13d: {  	[sflag:s29] =	ssyncset.done $0x0  }
0x13e: {  	[sflag:s29] =	ssyncadd.s32 $0xFFFFD800  }
0x13f: {  	[spmem:s2] =	stream.indirect.scatter.add.f32 [tilespmem:s22], [sflag:$0x8], $0x80, s10, s19, $0xb8;
	v63 =	vld [tilespmem:$0x0]  }
0x140: {  	_ =	swait.ge [sflag:s16], $0x2800  }
0x141: {  	[sflag:s16] =	ssyncset.done $0x0  }
0x142: {  	[sflag:s16] =	ssyncadd.s32 $0xFFFFD800  }
0x143: {  	[spmem:s2] =	stream.indirect.scatter.add.f32 [tilespmem:s15], [sflag:$0x5], $0x80, s11, s19, $0xb8;
	v63 =	vld [tilespmem:$0x0]  }
0x144: {  	_ =	swait.ge [sflag:s25], $0x2800  }
0x145: {  	[sflag:s25] =	ssyncset.done $0x0  }
0x146: {  	[sflag:s25] =	ssyncadd.s32 $0xFFFFD800  }
0x147: {  	_ =	swait.ge [sflag:s28], $0x2800  }
0x148: {  	[sflag:s28] =	ssyncset.done $0x0  }
0x149: {  	[sflag:s28] =	ssyncadd.s32 $0xFFFFD800  }
0x14a: {  	_ =	swait.ge [sflag:s30], $0x2800  }
0x14b: {  	[sflag:s30] =	ssyncset.done $0x0  }
0x14c: {  	[sflag:s30] =	ssyncadd.s32 $0xFFFFD800  }
0x14d: {  	s13 =	simm.s32 $0x200;
	_ =	swait.ge [sflag:s23], $0x2800  }
0x14e: {  	s14 =	simm.s32 $0x400;
	s6 =	rddreg [dreg:$0x4];
	[sflag:s23] =	ssyncset.done $0x0  }
.LBB2_4:
0x14f: {  	[sflag:s23] =	ssyncadd.s32 $0xFFFFD800;
	s6 =	sadd.s32 s13, s6  }
0x150: {  	[tilespmem:s3], [sflag:$0x9] =	stream.linear.gather [hbm4b:s6+s3], $0xC80, $0x38;
	v63 =	vld [tilespmem:$0x0]  }
0x151: {  	_ =	swait.ge [sflag:s17], $0xC80  }
0x152: {  	s6 =	rddreg [dreg:$0x3];
	[sflag:s17] =	ssyncset.done $0x0  }
0x153: {  	[sflag:s17] =	ssyncadd.s32 $0xFFFFF380;
	s6 =	sadd.s32 s13, s6  }
0x154: {  	[tilespmem:s18], [sflag:$0x9] =	stream.linear.gather [hbm4b:s6+s3], $0xC80, $0x38;
	v63 =	vld [tilespmem:$0x0]  }
0x155: {  	_ =	swait.ge [sflag:s17], $0xC80  }
0x156: {  	[sflag:s17] =	ssyncset.done $0x0  }
0x157: {  	[sflag:s17] =	ssyncadd.s32 $0xFFFFF380  }
0x158: {  	[tilespmem:s15], [sflag:$0x1] =	stream.indirect.gather [hbm4b:s4+s19], $0x80, s3, s19, $0xb8;
	v63 =	vld [tilespmem:$0x0]  }
0x159: {  	s12 =	smov.u32 s14;
	s6 =	rddreg [dreg:$0x5]  }
0x15a: {  	[tilespmem:s20], [sflag:$0x2] =	stream.indirect.gather [hbm4b:s4+s19], $0x80, s6, s19, $0xb8;
	v63 =	vld [tilespmem:$0x0]  }
0x15b: {  	s13 =	smov.u32 s12;
	s12 =	rddreg [dreg:$0x6]  }
0x15c: {  	[tilespmem:s21], [sflag:$0x3] =	stream.indirect.gather [hbm4b:s4+s19], $0x80, s12, s19, $0xb8;
	v63 =	vld [tilespmem:$0x0]  }
0x15d: {  	s6 =	rddreg [dreg:$0x7]  }
0x15e: {  	[tilespmem:s22], [sflag:$0x4] =	stream.indirect.gather [hbm4b:s4+s19], $0x80, s6, s19, $0xb8;
	v63 =	vld [tilespmem:$0x0]  }
0x15f: {  	_ =	swait.ge [sflag:s16], $0x2800  }
0x160: {  	[sflag:s16] =	ssyncset.done $0x0  }
0x161: {  	[sflag:s16] =	ssyncadd.s32 $0xFFFFD800  }
0x162: {  	[spmem:s2] =	stream.indirect.scatter.add.f32 [tilespmem:s15], [sflag:$0x5], $0x80, s18, s19, $0xb8;
	v63 =	vld [tilespmem:$0x0]  }
0x163: {  	_ =	swait.ge [sflag:s23], $0x2800  }
0x164: {  	[sflag:s23] =	ssyncset.done $0x0  }
0x165: {  	s12 =	rddreg [dreg:$0x8];
	[sflag:s23] =	ssyncadd.s32 $0xFFFFD800  }
0x166: {  	[tilespmem:s15], [sflag:$0x1] =	stream.indirect.gather [hbm4b:s4+s19], $0x80, s12, s19, $0xb8;
	v63 =	vld [tilespmem:$0x0]  }
0x167: {  	_ =	swait.ge [sflag:s24], $0x2800  }
0x168: {  	[sflag:s24] =	ssyncset.done $0x0  }
0x169: {  	s12 =	rddreg [dreg:$0x9];
	[sflag:s24] =	ssyncadd.s32 $0xFFFFD800  }
0x16a: {  	[spmem:s2] =	stream.indirect.scatter.add.f32 [tilespmem:s20], [sflag:$0x6], $0x80, s12, s19, $0xb8;
	v63 =	vld [tilespmem:$0x0]  }
0x16b: {  	_ =	swait.ge [sflag:s25], $0x2800  }
0x16c: {  	[sflag:s25] =	ssyncset.done $0x0  }
0x16d: {  	s12 =	rddreg [dreg:$0xa];
	[sflag:s25] =	ssyncadd.s32 $0xFFFFD800  }
0x16e: {  	[tilespmem:s20], [sflag:$0x2] =	stream.indirect.gather [hbm4b:s4+s19], $0x80, s12, s19, $0xb8;
	v63 =	vld [tilespmem:$0x0]  }
0x16f: {  	_ =	swait.ge [sflag:s26], $0x2800  }
0x170: {  	[sflag:s26] =	ssyncset.done $0x0  }
0x171: {  	s12 =	rddreg [dreg:$0xb];
	[sflag:s26] =	ssyncadd.s32 $0xFFFFD800  }
0x172: {  	[spmem:s2] =	stream.indirect.scatter.add.f32 [tilespmem:s21], [sflag:$0x7], $0x80, s12, s19, $0xb8;
	v63 =	vld [tilespmem:$0x0]  }
0x173: {  	_ =	swait.ge [sflag:s28], $0x2800  }
0x174: {  	[sflag:s28] =	ssyncset.done $0x0  }
0x175: {  	s12 =	rddreg [dreg:$0xc];
	[sflag:s28] =	ssyncadd.s32 $0xFFFFD800  }
0x176: {  	[tilespmem:s21], [sflag:$0x3] =	stream.indirect.gather [hbm4b:s4+s19], $0x80, s12, s19, $0xb8;
	v63 =	vld [tilespmem:$0x0]  }
0x177: {  	_ =	swait.ge [sflag:s29], $0x2800  }
0x178: {  	[sflag:s29] =	ssyncset.done $0x0  }
0x179: {  	s12 =	rddreg [dreg:$0xd];
	[sflag:s29] =	ssyncadd.s32 $0xFFFFD800  }
0x17a: {  	[spmem:s2] =	stream.indirect.scatter.add.f32 [tilespmem:s22], [sflag:$0x8], $0x80, s12, s19, $0xb8;
	v63 =	vld [tilespmem:$0x0]  }
0x17b: {  	_ =	swait.ge [sflag:s30], $0x2800  }
0x17c: {  	[sflag:s30] =	ssyncset.done $0x0  }
0x17d: {  	s12 =	rddreg [dreg:$0xe];
	[sflag:s30] =	ssyncadd.s32 $0xFFFFD800  }
0x17e: {  	[tilespmem:s22], [sflag:$0x4] =	stream.indirect.gather [hbm4b:s4+s19], $0x80, s12, s19, $0xb8;
	v63 =	vld [tilespmem:$0x0]  }
0x17f: {  	_ =	swait.ge [sflag:s16], $0x2800  }
0x180: {  	[sflag:s16] =	ssyncset.done $0x0  }
0x181: {  	s12 =	rddreg [dreg:$0xf];
	[sflag:s16] =	ssyncadd.s32 $0xFFFFD800  }
0x182: {  	[spmem:s2] =	stream.indirect.scatter.add.f32 [tilespmem:s15], [sflag:$0x5], $0x80, s12, s19, $0xb8;
	v63 =	vld [tilespmem:$0x0]  }
0x183: {  	_ =	swait.ge [sflag:s23], $0x2800  }
0x184: {  	[sflag:s23] =	ssyncset.done $0x0  }
0x185: {  	s12 =	rddreg [dreg:$0x10];
	[sflag:s23] =	ssyncadd.s32 $0xFFFFD800  }
0x186: {  	[tilespmem:s15], [sflag:$0x1] =	stream.indirect.gather [hbm4b:s4+s19], $0x80, s12, s19, $0xb8;
	v63 =	vld [tilespmem:$0x0]  }
0x187: {  	_ =	swait.ge [sflag:s24], $0x2800  }
0x188: {  	[sflag:s24] =	ssyncset.done $0x0  }
0x189: {  	s12 =	rddreg [dreg:$0x11];
	[sflag:s24] =	ssyncadd.s32 $0xFFFFD800  }
0x18a: {  	[spmem:s2] =	stream.indirect.scatter.add.f32 [tilespmem:s20], [sflag:$0x6], $0x80, s12, s19, $0xb8;
	v63 =	vld [tilespmem:$0x0]  }
0x18b: {  	_ =	swait.ge [sflag:s25], $0x2800  }
0x18c: {  	[sflag:s25] =	ssyncset.done $0x0  }
0x18d: {  	s12 =	rddreg [dreg:$0x12];
	[sflag:s25] =	ssyncadd.s32 $0xFFFFD800  }
0x18e: {  	[tilespmem:s20], [sflag:$0x2] =	stream.indirect.gather [hbm4b:s4+s19], $0x80, s12, s19, $0xb8;
	v63 =	vld [tilespmem:$0x0]  }
0x18f: {  	_ =	swait.ge [sflag:s26], $0x2800  }
0x190: {  	[sflag:s26] =	ssyncset.done $0x0  }
0x191: {  	s12 =	rddreg [dreg:$0x13];
	[sflag:s26] =	ssyncadd.s32 $0xFFFFD800  }
0x192: {  	[spmem:s2] =	stream.indirect.scatter.add.f32 [tilespmem:s21], [sflag:$0x7], $0x80, s12, s19, $0xb8;
	v63 =	vld [tilespmem:$0x0]  }
0x193: {  	_ =	swait.ge [sflag:s28], $0x2800  }
0x194: {  	[sflag:s28] =	ssyncset.done $0x0  }
0x195: {  	s12 =	rddreg [dreg:$0x14];
	[sflag:s28] =	ssyncadd.s32 $0xFFFFD800  }
0x196: {  	[tilespmem:s21], [sflag:$0x3] =	stream.indirect.gather [hbm4b:s4+s19], $0x80, s12, s19, $0xb8;
	v63 =	vld [tilespmem:$0x0]  }
0x197: {  	_ =	swait.ge [sflag:s29], $0x2800  }
0x198: {  	[sflag:s29] =	ssyncset.done $0x0  }
0x199: {  	s12 =	rddreg [dreg:$0x15];
	[sflag:s29] =	ssyncadd.s32 $0xFFFFD800  }
0x19a: {  	[spmem:s2] =	stream.indirect.scatter.add.f32 [tilespmem:s22], [sflag:$0x8], $0x80, s12, s19, $0xb8;
	v63 =	vld [tilespmem:$0x0]  }
0x19b: {  	_ =	swait.ge [sflag:s30], $0x2800  }
0x19c: {  	[sflag:s30] =	ssyncset.done $0x0  }
0x19d: {  	s12 =	rddreg [dreg:$0x16];
	[sflag:s30] =	ssyncadd.s32 $0xFFFFD800  }
0x19e: {  	[tilespmem:s22], [sflag:$0x4] =	stream.indirect.gather [hbm4b:s4+s19], $0x80, s12, s19, $0xb8;
	v63 =	vld [tilespmem:$0x0]  }
0x19f: {  	_ =	swait.ge [sflag:s16], $0x2800  }
0x1a0: {  	[sflag:s16] =	ssyncset.done $0x0  }
0x1a1: {  	s12 =	rddreg [dreg:$0x17];
	[sflag:s16] =	ssyncadd.s32 $0xFFFFD800  }
0x1a2: {  	[spmem:s2] =	stream.indirect.scatter.add.f32 [tilespmem:s15], [sflag:$0x5], $0x80, s12, s19, $0xb8;
	v63 =	vld [tilespmem:$0x0]  }
0x1a3: {  	_ =	swait.ge [sflag:s23], $0x2800  }
0x1a4: {  	[sflag:s23] =	ssyncset.done $0x0  }
0x1a5: {  	s12 =	rddreg [dreg:$0x18];
	[sflag:s23] =	ssyncadd.s32 $0xFFFFD800  }
0x1a6: {  	[tilespmem:s15], [sflag:$0x1] =	stream.indirect.gather [hbm4b:s4+s19], $0x80, s12, s19, $0xb8;
	v63 =	vld [tilespmem:$0x0]  }
0x1a7: {  	_ =	swait.ge [sflag:s24], $0x2800  }
0x1a8: {  	[sflag:s24] =	ssyncset.done $0x0  }
0x1a9: {  	s12 =	rddreg [dreg:$0x19];
	[sflag:s24] =	ssyncadd.s32 $0xFFFFD800  }
0x1aa: {  	[spmem:s2] =	stream.indirect.scatter.add.f32 [tilespmem:s20], [sflag:$0x6], $0x80, s12, s19, $0xb8;
	v63 =	vld [tilespmem:$0x0]  }
0x1ab: {  	_ =	swait.ge [sflag:s25], $0x2800  }
0x1ac: {  	[sflag:s25] =	ssyncset.done $0x0  }
0x1ad: {  	s12 =	rddreg [dreg:$0x1a];
	[sflag:s25] =	ssyncadd.s32 $0xFFFFD800  }
0x1ae: {  	[tilespmem:s20], [sflag:$0x2] =	stream.indirect.gather [hbm4b:s4+s19], $0x80, s12, s19, $0xb8;
	v63 =	vld [tilespmem:$0x0]  }
0x1af: {  	_ =	swait.ge [sflag:s26], $0x2800  }
0x1b0: {  	[sflag:s26] =	ssyncset.done $0x0  }
0x1b1: {  	s12 =	rddreg [dreg:$0x1b];
	[sflag:s26] =	ssyncadd.s32 $0xFFFFD800  }
0x1b2: {  	[spmem:s2] =	stream.indirect.scatter.add.f32 [tilespmem:s21], [sflag:$0x7], $0x80, s12, s19, $0xb8;
	v63 =	vld [tilespmem:$0x0]  }
0x1b3: {  	_ =	swait.ge [sflag:s28], $0x2800  }
0x1b4: {  	[sflag:s28] =	ssyncset.done $0x0  }
0x1b5: {  	s12 =	rddreg [dreg:$0x1c];
	[sflag:s28] =	ssyncadd.s32 $0xFFFFD800  }
0x1b6: {  	[tilespmem:s21], [sflag:$0x3] =	stream.indirect.gather [hbm4b:s4+s19], $0x80, s12, s19, $0xb8;
	v63 =	vld [tilespmem:$0x0]  }
0x1b7: {  	_ =	swait.ge [sflag:s29], $0x2800  }
0x1b8: {  	[sflag:s29] =	ssyncset.done $0x0  }
0x1b9: {  	s12 =	rddreg [dreg:$0x1d];
	[sflag:s29] =	ssyncadd.s32 $0xFFFFD800  }
0x1ba: {  	[spmem:s2] =	stream.indirect.scatter.add.f32 [tilespmem:s22], [sflag:$0x8], $0x80, s12, s19, $0xb8;
	v63 =	vld [tilespmem:$0x0]  }
0x1bb: {  	_ =	swait.ge [sflag:s30], $0x2800  }
0x1bc: {  	[sflag:s30] =	ssyncset.done $0x0  }
0x1bd: {  	s12 =	rddreg [dreg:$0x1e];
	[sflag:s30] =	ssyncadd.s32 $0xFFFFD800  }
0x1be: {  	[tilespmem:s22], [sflag:$0x4] =	stream.indirect.gather [hbm4b:s4+s19], $0x80, s12, s19, $0xb8;
	v63 =	vld [tilespmem:$0x0]  }
0x1bf: {  	_ =	swait.ge [sflag:s16], $0x2800  }
0x1c0: {  	[sflag:s16] =	ssyncset.done $0x0  }
0x1c1: {  	s12 =	rddreg [dreg:$0x1f];
	[sflag:s16] =	ssyncadd.s32 $0xFFFFD800  }
0x1c2: {  	[spmem:s2] =	stream.indirect.scatter.add.f32 [tilespmem:s15], [sflag:$0x5], $0x80, s12, s19, $0xb8;
	v63 =	vld [tilespmem:$0x0]  }
0x1c3: {  	_ =	swait.ge [sflag:s23], $0x2800  }
0x1c4: {  	s12 =	sld [smem:$0x7EF]  }
0x1c5: {  	[sflag:s23] =	ssyncset.done $0x0  }
0x1c6: {  	[sflag:s23] =	ssyncadd.s32 $0xFFFFD800  }
0x1c7: {  	[tilespmem:s15], [sflag:$0x1] =	stream.indirect.gather [hbm4b:s4+s19], $0x80, s12, s19, $0xb8;
	v63 =	vld [tilespmem:$0x0]  }
0x1c8: {  	_ =	swait.ge [sflag:s24], $0x2800  }
0x1c9: {  	s12 =	sld [smem:$0x7F1]  }
0x1ca: {  	[sflag:s24] =	ssyncset.done $0x0  }
0x1cb: {  	[sflag:s24] =	ssyncadd.s32 $0xFFFFD800  }
0x1cc: {  	[spmem:s2] =	stream.indirect.scatter.add.f32 [tilespmem:s20], [sflag:$0x6], $0x80, s12, s19, $0xb8;
	v63 =	vld [tilespmem:$0x0]  }
0x1cd: {  	_ =	swait.ge [sflag:s25], $0x2800  }
0x1ce: {  	s12 =	sld [smem:$0x7F4]  }
0x1cf: {  	[sflag:s25] =	ssyncset.done $0x0  }
0x1d0: {  	[sflag:s25] =	ssyncadd.s32 $0xFFFFD800  }
0x1d1: {  	[tilespmem:s20], [sflag:$0x2] =	stream.indirect.gather [hbm4b:s4+s19], $0x80, s12, s19, $0xb8;
	v63 =	vld [tilespmem:$0x0]  }
0x1d2: {  	_ =	swait.ge [sflag:s26], $0x2800  }
0x1d3: {  	s12 =	sld [smem:$0x7F5]  }
0x1d4: {  	[sflag:s26] =	ssyncset.done $0x0  }
0x1d5: {  	[sflag:s26] =	ssyncadd.s32 $0xFFFFD800  }
0x1d6: {  	[spmem:s2] =	stream.indirect.scatter.add.f32 [tilespmem:s21], [sflag:$0x7], $0x80, s12, s19, $0xb8;
	v63 =	vld [tilespmem:$0x0]  }
0x1d7: {  	_ =	swait.ge [sflag:s28], $0x2800  }
0x1d8: {  	s12 =	sld [smem:$0x7F6]  }
0x1d9: {  	[sflag:s28] =	ssyncset.done $0x0  }
0x1da: {  	[sflag:s28] =	ssyncadd.s32 $0xFFFFD800  }
0x1db: {  	[tilespmem:s21], [sflag:$0x3] =	stream.indirect.gather [hbm4b:s4+s19], $0x80, s12, s19, $0xb8;
	v63 =	vld [tilespmem:$0x0]  }
0x1dc: {  	_ =	swait.ge [sflag:s29], $0x2800  }
0x1dd: {  	s12 =	sld [smem:$0x7F7]  }
0x1de: {  	[sflag:s29] =	ssyncset.done $0x0  }
0x1df: {  	[sflag:s29] =	ssyncadd.s32 $0xFFFFD800  }
0x1e0: {  	[spmem:s2] =	stream.indirect.scatter.add.f32 [tilespmem:s22], [sflag:$0x8], $0x80, s12, s19, $0xb8;
	v63 =	vld [tilespmem:$0x0]  }
0x1e1: {  	_ =	swait.ge [sflag:s30], $0x2800  }
0x1e2: {  	s12 =	sld [smem:$0x7F8]  }
0x1e3: {  	[sflag:s30] =	ssyncset.done $0x0  }
0x1e4: {  	[sflag:s30] =	ssyncadd.s32 $0xFFFFD800  }
0x1e5: {  	[tilespmem:s22], [sflag:$0x4] =	stream.indirect.gather [hbm4b:s4+s19], $0x80, s12, s19, $0xb8;
	v63 =	vld [tilespmem:$0x0]  }
0x1e6: {  	_ =	swait.ge [sflag:s16], $0x2800  }
0x1e7: {  	s12 =	sld [smem:$0x7F9]  }
0x1e8: {  	[sflag:s16] =	ssyncset.done $0x0  }
0x1e9: {  	[sflag:s16] =	ssyncadd.s32 $0xFFFFD800  }
0x1ea: {  	[spmem:s2] =	stream.indirect.scatter.add.f32 [tilespmem:s15], [sflag:$0x5], $0x80, s12, s19, $0xb8;
	v63 =	vld [tilespmem:$0x0]  }
0x1eb: {  	_ =	swait.ge [sflag:s23], $0x2800  }
0x1ec: {  	s12 =	sld [smem:$0x7FA]  }
0x1ed: {  	[sflag:s23] =	ssyncset.done $0x0  }
0x1ee: {  	[sflag:s23] =	ssyncadd.s32 $0xFFFFD800  }
0x1ef: {  	[tilespmem:s15], [sflag:$0x1] =	stream.indirect.gather [hbm4b:s4+s19], $0x80, s12, s19, $0xb8;
	v63 =	vld [tilespmem:$0x0]  }
0x1f0: {  	_ =	swait.ge [sflag:s24], $0x2800  }
0x1f1: {  	s12 =	sld [smem:$0x7FB]  }
0x1f2: {  	[sflag:s24] =	ssyncset.done $0x0  }
0x1f3: {  	[sflag:s24] =	ssyncadd.s32 $0xFFFFD800  }
0x1f4: {  	[spmem:s2] =	stream.indirect.scatter.add.f32 [tilespmem:s20], [sflag:$0x6], $0x80, s12, s19, $0xb8;
	v63 =	vld [tilespmem:$0x0]  }
0x1f5: {  	_ =	swait.ge [sflag:s25], $0x2800  }
0x1f6: {  	s12 =	sld [smem:$0x7FC]  }
0x1f7: {  	[sflag:s25] =	ssyncset.done $0x0  }
0x1f8: {  	[sflag:s25] =	ssyncadd.s32 $0xFFFFD800  }
0x1f9: {  	[tilespmem:s20], [sflag:$0x2] =	stream.indirect.gather [hbm4b:s4+s19], $0x80, s12, s19, $0xb8;
	v63 =	vld [tilespmem:$0x0]  }
0x1fa: {  	_ =	swait.ge [sflag:s26], $0x2800  }
0x1fb: {  	s12 =	sld [smem:$0x7FD]  }
0x1fc: {  	[sflag:s26] =	ssyncset.done $0x0  }
0x1fd: {  	[sflag:s26] =	ssyncadd.s32 $0xFFFFD800  }
0x1fe: {  	[spmem:s2] =	stream.indirect.scatter.add.f32 [tilespmem:s21], [sflag:$0x7], $0x80, s12, s19, $0xb8;
	v63 =	vld [tilespmem:$0x0]  }
0x1ff: {  	_ =	swait.ge [sflag:s28], $0x2800  }
0x200: {  	[sflag:s28] =	ssyncset.done $0x0  }
0x201: {  	[sflag:s28] =	ssyncadd.s32 $0xFFFFD800  }
0x202: {  	[tilespmem:s21], [sflag:$0x3] =	stream.indirect.gather [hbm4b:s4+s19], $0x80, s31, s19, $0xb8;
	v63 =	vld [tilespmem:$0x0]  }
0x203: {  	_ =	swait.ge [sflag:s29], $0x2800  }
0x204: {  	[sflag:s29] =	ssyncset.done $0x0  }
0x205: {  	[sflag:s29] =	ssyncadd.s32 $0xFFFFD800  }
0x206: {  	[spmem:s2] =	stream.indirect.scatter.add.f32 [tilespmem:s22], [sflag:$0x8], $0x80, s1, s19, $0xb8;
	v63 =	vld [tilespmem:$0x0]  }
0x207: {  	_ =	swait.ge [sflag:s30], $0x2800  }
0x208: {  	[sflag:s30] =	ssyncset.done $0x0  }
0x209: {  	[sflag:s30] =	ssyncadd.s32 $0xFFFFD800  }
0x20a: {  	[tilespmem:s22], [sflag:$0x4] =	stream.indirect.gather [hbm4b:s4+s19], $0x80, s0, s19, $0xb8;
	v63 =	vld [tilespmem:$0x0]  }
0x20b: {  	_ =	swait.ge [sflag:s16], $0x2800  }
0x20c: {  	[sflag:s16] =	ssyncset.done $0x0  }
0x20d: {  	[sflag:s16] =	ssyncadd.s32 $0xFFFFD800  }
0x20e: {  	[spmem:s2] =	stream.indirect.scatter.add.f32 [tilespmem:s15], [sflag:$0x5], $0x80, s5, s19, $0xb8;
	v63 =	vld [tilespmem:$0x0]  }
0x20f: {  	_ =	swait.ge [sflag:s23], $0x2800  }
0x210: {  	[sflag:s23] =	ssyncset.done $0x0  }
0x211: {  	[sflag:s23] =	ssyncadd.s32 $0xFFFFD800  }
0x212: {  	[tilespmem:s15], [sflag:$0x1] =	stream.indirect.gather [hbm4b:s4+s19], $0x80, s7, s19, $0xb8;
	v63 =	vld [tilespmem:$0x0]  }
0x213: {  	_ =	swait.ge [sflag:s24], $0x2800  }
0x214: {  	[sflag:s24] =	ssyncset.done $0x0  }
0x215: {  	[sflag:s24] =	ssyncadd.s32 $0xFFFFD800  }
0x216: {  	[spmem:s2] =	stream.indirect.scatter.add.f32 [tilespmem:s20], [sflag:$0x6], $0x80, s8, s19, $0xb8;
	v63 =	vld [tilespmem:$0x0]  }
0x217: {  	_ =	swait.ge [sflag:s26], $0x2800  }
0x218: {  	[sflag:s26] =	ssyncset.done $0x0  }
0x219: {  	[sflag:s26] =	ssyncadd.s32 $0xFFFFD800  }
0x21a: {  	[spmem:s2] =	stream.indirect.scatter.add.f32 [tilespmem:s21], [sflag:$0x7], $0x80, s9, s19, $0xb8;
	v63 =	vld [tilespmem:$0x0]  }
0x21b: {  	_ =	swait.ge [sflag:s29], $0x2800  }
0x21c: {  	[sflag:s29] =	ssyncset.done $0x0  }
0x21d: {  	[sflag:s29] =	ssyncadd.s32 $0xFFFFD800  }
0x21e: {  	[spmem:s2] =	stream.indirect.scatter.add.f32 [tilespmem:s22], [sflag:$0x8], $0x80, s10, s19, $0xb8;
	v63 =	vld [tilespmem:$0x0]  }
0x21f: {  	_ =	swait.ge [sflag:s16], $0x2800  }
0x220: {  	[sflag:s16] =	ssyncset.done $0x0  }
0x221: {  	[sflag:s16] =	ssyncadd.s32 $0xFFFFD800  }
0x222: {  	[spmem:s2] =	stream.indirect.scatter.add.f32 [tilespmem:s15], [sflag:$0x5], $0x80, s11, s19, $0xb8;
	v63 =	vld [tilespmem:$0x0]  }
0x223: {  	_ =	swait.ge [sflag:s25], $0x2800  }
0x224: {  	[sflag:s25] =	ssyncset.done $0x0  }
0x225: {  	[sflag:s25] =	ssyncadd.s32 $0xFFFFD800  }
0x226: {  	_ =	swait.ge [sflag:s28], $0x2800  }
0x227: {  	[sflag:s28] =	ssyncset.done $0x0  }
0x228: {  	p0 =	sne.s32 s14, $0x800;
	[sflag:s28] =	ssyncadd.s32 $0xFFFFD800  }
.Ltmp1:
0x229: {  	_ =	swait.ge [sflag:s30], $0x2800;
	(pc) =	sbr.rel @p0 .LBB2_4-.Ltmp1, $4  }
0x22a: {  	[sflag:s30] =	ssyncset.done $0x0  }
0x22b: {  	[sflag:s30] =	ssyncadd.s32 $0xFFFFD800  }
0x22c: {  	_ =	swait.ge [sflag:s23], $0x2800  }
0x22d: {  	s14 =	sadd.s32 $0x200, s14;
	s6 =	rddreg [dreg:$0x4];
	[sflag:s23] =	ssyncset.done $0x0  }
0x22e: {  	[sflag:s23] =	ssyncadd.s32 $0xFFFFD800;
	s6 =	sadd.s32 s13, s6  }
0x22f: {  	[tilespmem:s3], [sflag:$0x9] =	stream.linear.gather [hbm4b:s6+s3], $0xC80, $0x38;
	v63 =	vld [tilespmem:$0x0]  }
0x230: {  	_ =	swait.ge [sflag:s17], $0xC80  }
0x231: {  	s12 =	rddreg [dreg:$0x3];
	[sflag:s17] =	ssyncset.done $0x0  }
0x232: {  	[sflag:s17] =	ssyncadd.s32 $0xFFFFF380;
	s6 =	sadd.s32 s13, s12  }
0x233: {  	[tilespmem:s18], [sflag:$0x9] =	stream.linear.gather [hbm4b:s6+s3], $0xC80, $0x38;
	v63 =	vld [tilespmem:$0x0]  }
0x234: {  	_ =	swait.ge [sflag:s17], $0xC80  }
0x235: {  	[sflag:s17] =	ssyncset.done $0x0  }
0x236: {  	[sflag:s17] =	ssyncadd.s32 $0xFFFFF380  }
0x237: {  	[tilespmem:s15], [sflag:$0x1] =	stream.indirect.gather [hbm4b:s4+s19], $0x80, s3, s19, $0xb8;
	v63 =	vld [tilespmem:$0x0]  }
0x238: {  	s13 =	rddreg [dreg:$0x5]  }
0x239: {  	[tilespmem:s20], [sflag:$0x2] =	stream.indirect.gather [hbm4b:s4+s19], $0x80, s13, s19, $0xb8;
	v63 =	vld [tilespmem:$0x0]  }
0x23a: {  	s12 =	rddreg [dreg:$0x6]  }
0x23b: {  	[tilespmem:s21], [sflag:$0x3] =	stream.indirect.gather [hbm4b:s4+s19], $0x80, s12, s19, $0xb8;
	v63 =	vld [tilespmem:$0x0]  }
0x23c: {  	s14 =	rddreg [dreg:$0x7]  }
0x23d: {  	[tilespmem:s22], [sflag:$0x4] =	stream.indirect.gather [hbm4b:s4+s19], $0x80, s14, s19, $0xb8;
	v63 =	vld [tilespmem:$0x0]  }
0x23e: {  	_ =	swait.ge [sflag:s16], $0x2800  }
0x23f: {  	[sflag:s16] =	ssyncset.done $0x0  }
0x240: {  	[sflag:s16] =	ssyncadd.s32 $0xFFFFD800  }
0x241: {  	[spmem:s2] =	stream.indirect.scatter.add.f32 [tilespmem:s15], [sflag:$0x5], $0x80, s18, s19, $0xb8;
	v63 =	vld [tilespmem:$0x0]  }
0x242: {  	_ =	swait.ge [sflag:s23], $0x2800  }
0x243: {  	[sflag:s23] =	ssyncset.done $0x0  }
0x244: {  	s12 =	rddreg [dreg:$0x8];
	[sflag:s23] =	ssyncadd.s32 $0xFFFFD800  }
0x245: {  	[tilespmem:s15], [sflag:$0x1] =	stream.indirect.gather [hbm4b:s4+s19], $0x80, s12, s19, $0xb8;
	v63 =	vld [tilespmem:$0x0]  }
0x246: {  	_ =	swait.ge [sflag:s24], $0x2800  }
0x247: {  	[sflag:s24] =	ssyncset.done $0x0  }
0x248: {  	s13 =	rddreg [dreg:$0x9];
	[sflag:s24] =	ssyncadd.s32 $0xFFFFD800  }
0x249: {  	[spmem:s2] =	stream.indirect.scatter.add.f32 [tilespmem:s20], [sflag:$0x6], $0x80, s13, s19, $0xb8;
	v63 =	vld [tilespmem:$0x0]  }
0x24a: {  	_ =	swait.ge [sflag:s25], $0x2800  }
0x24b: {  	[sflag:s25] =	ssyncset.done $0x0  }
0x24c: {  	s14 =	rddreg [dreg:$0xa];
	[sflag:s25] =	ssyncadd.s32 $0xFFFFD800  }
0x24d: {  	[tilespmem:s20], [sflag:$0x2] =	stream.indirect.gather [hbm4b:s4+s19], $0x80, s14, s19, $0xb8;
	v63 =	vld [tilespmem:$0x0]  }
0x24e: {  	_ =	swait.ge [sflag:s26], $0x2800  }
0x24f: {  	[sflag:s26] =	ssyncset.done $0x0  }
0x250: {  	s12 =	rddreg [dreg:$0xb];
	[sflag:s26] =	ssyncadd.s32 $0xFFFFD800  }
0x251: {  	[spmem:s2] =	stream.indirect.scatter.add.f32 [tilespmem:s21], [sflag:$0x7], $0x80, s12, s19, $0xb8;
	v63 =	vld [tilespmem:$0x0]  }
0x252: {  	_ =	swait.ge [sflag:s28], $0x2800  }
0x253: {  	[sflag:s28] =	ssyncset.done $0x0  }
0x254: {  	s13 =	rddreg [dreg:$0xc];
	[sflag:s28] =	ssyncadd.s32 $0xFFFFD800  }
0x255: {  	[tilespmem:s21], [sflag:$0x3] =	stream.indirect.gather [hbm4b:s4+s19], $0x80, s13, s19, $0xb8;
	v63 =	vld [tilespmem:$0x0]  }
0x256: {  	_ =	swait.ge [sflag:s29], $0x2800  }
0x257: {  	[sflag:s29] =	ssyncset.done $0x0  }
0x258: {  	s14 =	rddreg [dreg:$0xd];
	[sflag:s29] =	ssyncadd.s32 $0xFFFFD800  }
0x259: {  	[spmem:s2] =	stream.indirect.scatter.add.f32 [tilespmem:s22], [sflag:$0x8], $0x80, s14, s19, $0xb8;
	v63 =	vld [tilespmem:$0x0]  }
0x25a: {  	_ =	swait.ge [sflag:s30], $0x2800  }
0x25b: {  	[sflag:s30] =	ssyncset.done $0x0  }
0x25c: {  	s12 =	rddreg [dreg:$0xe];
	[sflag:s30] =	ssyncadd.s32 $0xFFFFD800  }
0x25d: {  	[tilespmem:s22], [sflag:$0x4] =	stream.indirect.gather [hbm4b:s4+s19], $0x80, s12, s19, $0xb8;
	v63 =	vld [tilespmem:$0x0]  }
0x25e: {  	_ =	swait.ge [sflag:s16], $0x2800  }
0x25f: {  	[sflag:s16] =	ssyncset.done $0x0  }
0x260: {  	s13 =	rddreg [dreg:$0xf];
	[sflag:s16] =	ssyncadd.s32 $0xFFFFD800  }
0x261: {  	[spmem:s2] =	stream.indirect.scatter.add.f32 [tilespmem:s15], [sflag:$0x5], $0x80, s13, s19, $0xb8;
	v63 =	vld [tilespmem:$0x0]  }
0x262: {  	_ =	swait.ge [sflag:s23], $0x2800  }
0x263: {  	[sflag:s23] =	ssyncset.done $0x0  }
0x264: {  	s14 =	rddreg [dreg:$0x10];
	[sflag:s23] =	ssyncadd.s32 $0xFFFFD800  }
0x265: {  	[tilespmem:s15], [sflag:$0x1] =	stream.indirect.gather [hbm4b:s4+s19], $0x80, s14, s19, $0xb8;
	v63 =	vld [tilespmem:$0x0]  }
0x266: {  	_ =	swait.ge [sflag:s24], $0x2800  }
0x267: {  	[sflag:s24] =	ssyncset.done $0x0  }
0x268: {  	s12 =	rddreg [dreg:$0x11];
	[sflag:s24] =	ssyncadd.s32 $0xFFFFD800  }
0x269: {  	[spmem:s2] =	stream.indirect.scatter.add.f32 [tilespmem:s20], [sflag:$0x6], $0x80, s12, s19, $0xb8;
	v63 =	vld [tilespmem:$0x0]  }
0x26a: {  	_ =	swait.ge [sflag:s25], $0x2800  }
0x26b: {  	[sflag:s25] =	ssyncset.done $0x0  }
0x26c: {  	s13 =	rddreg [dreg:$0x12];
	[sflag:s25] =	ssyncadd.s32 $0xFFFFD800  }
0x26d: {  	[tilespmem:s20], [sflag:$0x2] =	stream.indirect.gather [hbm4b:s4+s19], $0x80, s13, s19, $0xb8;
	v63 =	vld [tilespmem:$0x0]  }
0x26e: {  	_ =	swait.ge [sflag:s26], $0x2800  }
0x26f: {  	[sflag:s26] =	ssyncset.done $0x0  }
0x270: {  	s14 =	rddreg [dreg:$0x13];
	[sflag:s26] =	ssyncadd.s32 $0xFFFFD800  }
0x271: {  	[spmem:s2] =	stream.indirect.scatter.add.f32 [tilespmem:s21], [sflag:$0x7], $0x80, s14, s19, $0xb8;
	v63 =	vld [tilespmem:$0x0]  }
0x272: {  	_ =	swait.ge [sflag:s28], $0x2800  }
0x273: {  	[sflag:s28] =	ssyncset.done $0x0  }
0x274: {  	s12 =	rddreg [dreg:$0x14];
	[sflag:s28] =	ssyncadd.s32 $0xFFFFD800  }
0x275: {  	[tilespmem:s21], [sflag:$0x3] =	stream.indirect.gather [hbm4b:s4+s19], $0x80, s12, s19, $0xb8;
	v63 =	vld [tilespmem:$0x0]  }
0x276: {  	_ =	swait.ge [sflag:s29], $0x2800  }
0x277: {  	[sflag:s29] =	ssyncset.done $0x0  }
0x278: {  	s13 =	rddreg [dreg:$0x15];
	[sflag:s29] =	ssyncadd.s32 $0xFFFFD800  }
0x279: {  	[spmem:s2] =	stream.indirect.scatter.add.f32 [tilespmem:s22], [sflag:$0x8], $0x80, s13, s19, $0xb8;
	v63 =	vld [tilespmem:$0x0]  }
0x27a: {  	_ =	swait.ge [sflag:s30], $0x2800  }
0x27b: {  	[sflag:s30] =	ssyncset.done $0x0  }
0x27c: {  	s14 =	rddreg [dreg:$0x16];
	[sflag:s30] =	ssyncadd.s32 $0xFFFFD800  }
0x27d: {  	[tilespmem:s22], [sflag:$0x4] =	stream.indirect.gather [hbm4b:s4+s19], $0x80, s14, s19, $0xb8;
	v63 =	vld [tilespmem:$0x0]  }
0x27e: {  	_ =	swait.ge [sflag:s16], $0x2800  }
0x27f: {  	[sflag:s16] =	ssyncset.done $0x0  }
0x280: {  	s12 =	rddreg [dreg:$0x17];
	[sflag:s16] =	ssyncadd.s32 $0xFFFFD800  }
0x281: {  	[spmem:s2] =	stream.indirect.scatter.add.f32 [tilespmem:s15], [sflag:$0x5], $0x80, s12, s19, $0xb8;
	v63 =	vld [tilespmem:$0x0]  }
0x282: {  	_ =	swait.ge [sflag:s23], $0x2800  }
0x283: {  	[sflag:s23] =	ssyncset.done $0x0  }
0x284: {  	s13 =	rddreg [dreg:$0x18];
	[sflag:s23] =	ssyncadd.s32 $0xFFFFD800  }
0x285: {  	[tilespmem:s15], [sflag:$0x1] =	stream.indirect.gather [hbm4b:s4+s19], $0x80, s13, s19, $0xb8;
	v63 =	vld [tilespmem:$0x0]  }
0x286: {  	_ =	swait.ge [sflag:s24], $0x2800  }
0x287: {  	[sflag:s24] =	ssyncset.done $0x0  }
0x288: {  	s14 =	rddreg [dreg:$0x19];
	[sflag:s24] =	ssyncadd.s32 $0xFFFFD800  }
0x289: {  	[spmem:s2] =	stream.indirect.scatter.add.f32 [tilespmem:s20], [sflag:$0x6], $0x80, s14, s19, $0xb8;
	v63 =	vld [tilespmem:$0x0]  }
0x28a: {  	_ =	swait.ge [sflag:s25], $0x2800  }
0x28b: {  	[sflag:s25] =	ssyncset.done $0x0  }
0x28c: {  	s12 =	rddreg [dreg:$0x1a];
	[sflag:s25] =	ssyncadd.s32 $0xFFFFD800  }
0x28d: {  	[tilespmem:s20], [sflag:$0x2] =	stream.indirect.gather [hbm4b:s4+s19], $0x80, s12, s19, $0xb8;
	v63 =	vld [tilespmem:$0x0]  }
0x28e: {  	_ =	swait.ge [sflag:s26], $0x2800  }
0x28f: {  	[sflag:s26] =	ssyncset.done $0x0  }
0x290: {  	s13 =	rddreg [dreg:$0x1b];
	[sflag:s26] =	ssyncadd.s32 $0xFFFFD800  }
0x291: {  	[spmem:s2] =	stream.indirect.scatter.add.f32 [tilespmem:s21], [sflag:$0x7], $0x80, s13, s19, $0xb8;
	v63 =	vld [tilespmem:$0x0]  }
0x292: {  	_ =	swait.ge [sflag:s28], $0x2800  }
0x293: {  	[sflag:s28] =	ssyncset.done $0x0  }
0x294: {  	s14 =	rddreg [dreg:$0x1c];
	[sflag:s28] =	ssyncadd.s32 $0xFFFFD800  }
0x295: {  	[tilespmem:s21], [sflag:$0x3] =	stream.indirect.gather [hbm4b:s4+s19], $0x80, s14, s19, $0xb8;
	v63 =	vld [tilespmem:$0x0]  }
0x296: {  	_ =	swait.ge [sflag:s29], $0x2800  }
0x297: {  	[sflag:s29] =	ssyncset.done $0x0  }
0x298: {  	s12 =	rddreg [dreg:$0x1d];
	[sflag:s29] =	ssyncadd.s32 $0xFFFFD800  }
0x299: {  	[spmem:s2] =	stream.indirect.scatter.add.f32 [tilespmem:s22], [sflag:$0x8], $0x80, s12, s19, $0xb8;
	v63 =	vld [tilespmem:$0x0]  }
0x29a: {  	_ =	swait.ge [sflag:s30], $0x2800  }
0x29b: {  	[sflag:s30] =	ssyncset.done $0x0  }
0x29c: {  	s13 =	rddreg [dreg:$0x1e];
	[sflag:s30] =	ssyncadd.s32 $0xFFFFD800  }
0x29d: {  	[tilespmem:s22], [sflag:$0x4] =	stream.indirect.gather [hbm4b:s4+s19], $0x80, s13, s19, $0xb8;
	v63 =	vld [tilespmem:$0x0]  }
0x29e: {  	_ =	swait.ge [sflag:s16], $0x2800  }
0x29f: {  	[sflag:s16] =	ssyncset.done $0x0  }
0x2a0: {  	s14 =	rddreg [dreg:$0x1f];
	[sflag:s16] =	ssyncadd.s32 $0xFFFFD800  }
0x2a1: {  	[spmem:s2] =	stream.indirect.scatter.add.f32 [tilespmem:s15], [sflag:$0x5], $0x80, s14, s19, $0xb8;
	v63 =	vld [tilespmem:$0x0]  }
0x2a2: {  	_ =	swait.ge [sflag:s23], $0x2800  }
0x2a3: {  	s12 =	sld [smem:$0x7EF]  }
0x2a4: {  	[sflag:s23] =	ssyncset.done $0x0  }
0x2a5: {  	[sflag:s23] =	ssyncadd.s32 $0xFFFFD800  }
0x2a6: {  	[tilespmem:s15], [sflag:$0x1] =	stream.indirect.gather [hbm4b:s4+s19], $0x80, s12, s19, $0xb8;
	v63 =	vld [tilespmem:$0x0]  }
0x2a7: {  	_ =	swait.ge [sflag:s24], $0x2800  }
0x2a8: {  	s13 =	sld [smem:$0x7F1]  }
0x2a9: {  	[sflag:s24] =	ssyncset.done $0x0  }
0x2aa: {  	[sflag:s24] =	ssyncadd.s32 $0xFFFFD800  }
0x2ab: {  	[spmem:s2] =	stream.indirect.scatter.add.f32 [tilespmem:s20], [sflag:$0x6], $0x80, s13, s19, $0xb8;
	v63 =	vld [tilespmem:$0x0]  }
0x2ac: {  	_ =	swait.ge [sflag:s25], $0x2800  }
0x2ad: {  	s14 =	sld [smem:$0x7F4]  }
0x2ae: {  	[sflag:s25] =	ssyncset.done $0x0  }
0x2af: {  	[sflag:s25] =	ssyncadd.s32 $0xFFFFD800  }
0x2b0: {  	[tilespmem:s20], [sflag:$0x2] =	stream.indirect.gather [hbm4b:s4+s19], $0x80, s14, s19, $0xb8;
	v63 =	vld [tilespmem:$0x0]  }
0x2b1: {  	_ =	swait.ge [sflag:s26], $0x2800  }
0x2b2: {  	s12 =	sld [smem:$0x7F5]  }
0x2b3: {  	[sflag:s26] =	ssyncset.done $0x0  }
0x2b4: {  	[sflag:s26] =	ssyncadd.s32 $0xFFFFD800  }
0x2b5: {  	[spmem:s2] =	stream.indirect.scatter.add.f32 [tilespmem:s21], [sflag:$0x7], $0x80, s12, s19, $0xb8;
	v63 =	vld [tilespmem:$0x0]  }
0x2b6: {  	_ =	swait.ge [sflag:s28], $0x2800  }
0x2b7: {  	s13 =	sld [smem:$0x7F6]  }
0x2b8: {  	[sflag:s28] =	ssyncset.done $0x0  }
0x2b9: {  	[sflag:s28] =	ssyncadd.s32 $0xFFFFD800  }
0x2ba: {  	[tilespmem:s21], [sflag:$0x3] =	stream.indirect.gather [hbm4b:s4+s19], $0x80, s13, s19, $0xb8;
	v63 =	vld [tilespmem:$0x0]  }
0x2bb: {  	_ =	swait.ge [sflag:s29], $0x2800  }
0x2bc: {  	s14 =	sld [smem:$0x7F7]  }
0x2bd: {  	[sflag:s29] =	ssyncset.done $0x0  }
0x2be: {  	[sflag:s29] =	ssyncadd.s32 $0xFFFFD800  }
0x2bf: {  	[spmem:s2] =	stream.indirect.scatter.add.f32 [tilespmem:s22], [sflag:$0x8], $0x80, s14, s19, $0xb8;
	v63 =	vld [tilespmem:$0x0]  }
0x2c0: {  	_ =	swait.ge [sflag:s30], $0x2800  }
0x2c1: {  	s12 =	sld [smem:$0x7F8]  }
0x2c2: {  	[sflag:s30] =	ssyncset.done $0x0  }
0x2c3: {  	[sflag:s30] =	ssyncadd.s32 $0xFFFFD800  }
0x2c4: {  	[tilespmem:s22], [sflag:$0x4] =	stream.indirect.gather [hbm4b:s4+s19], $0x80, s12, s19, $0xb8;
	v63 =	vld [tilespmem:$0x0]  }
0x2c5: {  	_ =	swait.ge [sflag:s16], $0x2800  }
0x2c6: {  	s13 =	sld [smem:$0x7F9]  }
0x2c7: {  	[sflag:s16] =	ssyncset.done $0x0  }
0x2c8: {  	[sflag:s16] =	ssyncadd.s32 $0xFFFFD800  }
0x2c9: {  	[spmem:s2] =	stream.indirect.scatter.add.f32 [tilespmem:s15], [sflag:$0x5], $0x80, s13, s19, $0xb8;
	v63 =	vld [tilespmem:$0x0]  }
0x2ca: {  	_ =	swait.ge [sflag:s23], $0x2800  }
0x2cb: {  	s14 =	sld [smem:$0x7FA]  }
0x2cc: {  	[sflag:s23] =	ssyncset.done $0x0  }
0x2cd: {  	[sflag:s23] =	ssyncadd.s32 $0xFFFFD800  }
0x2ce: {  	[tilespmem:s15], [sflag:$0x1] =	stream.indirect.gather [hbm4b:s4+s19], $0x80, s14, s19, $0xb8;
	v63 =	vld [tilespmem:$0x0]  }
0x2cf: {  	_ =	swait.ge [sflag:s24], $0x2800  }
0x2d0: {  	s12 =	sld [smem:$0x7FB]  }
0x2d1: {  	[sflag:s24] =	ssyncset.done $0x0  }
0x2d2: {  	[sflag:s24] =	ssyncadd.s32 $0xFFFFD800  }
0x2d3: {  	[spmem:s2] =	stream.indirect.scatter.add.f32 [tilespmem:s20], [sflag:$0x6], $0x80, s12, s19, $0xb8;
	v63 =	vld [tilespmem:$0x0]  }
0x2d4: {  	_ =	swait.ge [sflag:s25], $0x2800  }
0x2d5: {  	s13 =	sld [smem:$0x7FC]  }
0x2d6: {  	[sflag:s25] =	ssyncset.done $0x0  }
0x2d7: {  	[sflag:s25] =	ssyncadd.s32 $0xFFFFD800  }
0x2d8: {  	[tilespmem:s20], [sflag:$0x2] =	stream.indirect.gather [hbm4b:s4+s19], $0x80, s13, s19, $0xb8;
	v63 =	vld [tilespmem:$0x0]  }
0x2d9: {  	_ =	swait.ge [sflag:s26], $0x2800  }
0x2da: {  	s14 =	sld [smem:$0x7FD]  }
0x2db: {  	[sflag:s26] =	ssyncset.done $0x0  }
0x2dc: {  	[sflag:s26] =	ssyncadd.s32 $0xFFFFD800  }
0x2dd: {  	[spmem:s2] =	stream.indirect.scatter.add.f32 [tilespmem:s21], [sflag:$0x7], $0x80, s14, s19, $0xb8;
	v63 =	vld [tilespmem:$0x0]  }
0x2de: {  	_ =	swait.ge [sflag:s28], $0x2800  }
0x2df: {  	[sflag:s28] =	ssyncset.done $0x0  }
0x2e0: {  	[sflag:s28] =	ssyncadd.s32 $0xFFFFD800  }
0x2e1: {  	[tilespmem:s21], [sflag:$0x3] =	stream.indirect.gather [hbm4b:s4+s19], $0x80, s31, s19, $0xb8;
	v63 =	vld [tilespmem:$0x0]  }
0x2e2: {  	_ =	swait.ge [sflag:s29], $0x2800  }
0x2e3: {  	[sflag:s29] =	ssyncset.done $0x0  }
0x2e4: {  	[sflag:s29] =	ssyncadd.s32 $0xFFFFD800  }
0x2e5: {  	[spmem:s2] =	stream.indirect.scatter.add.f32 [tilespmem:s22], [sflag:$0x8], $0x80, s1, s19, $0xb8;
	v63 =	vld [tilespmem:$0x0]  }
0x2e6: {  	_ =	swait.ge [sflag:s30], $0x2800  }
0x2e7: {  	[sflag:s30] =	ssyncset.done $0x0  }
0x2e8: {  	[sflag:s30] =	ssyncadd.s32 $0xFFFFD800  }
0x2e9: {  	[tilespmem:s22], [sflag:$0x4] =	stream.indirect.gather [hbm4b:s4+s19], $0x80, s0, s19, $0xb8;
	v63 =	vld [tilespmem:$0x0]  }
0x2ea: {  	_ =	swait.ge [sflag:s16], $0x2800  }
0x2eb: {  	[sflag:s16] =	ssyncset.done $0x0  }
0x2ec: {  	[sflag:s16] =	ssyncadd.s32 $0xFFFFD800  }
0x2ed: {  	[spmem:s2] =	stream.indirect.scatter.add.f32 [tilespmem:s15], [sflag:$0x5], $0x80, s5, s19, $0xb8;
	v63 =	vld [tilespmem:$0x0]  }
0x2ee: {  	_ =	swait.ge [sflag:s23], $0x2800  }
0x2ef: {  	[sflag:s23] =	ssyncset.done $0x0  }
0x2f0: {  	[sflag:s23] =	ssyncadd.s32 $0xFFFFD800  }
0x2f1: {  	[tilespmem:s15], [sflag:$0x1] =	stream.indirect.gather [hbm4b:s4+s19], $0x80, s7, s19, $0xb8;
	v63 =	vld [tilespmem:$0x0]  }
0x2f2: {  	_ =	swait.ge [sflag:s24], $0x2800  }
0x2f3: {  	[sflag:s24] =	ssyncset.done $0x0  }
0x2f4: {  	[sflag:s24] =	ssyncadd.s32 $0xFFFFD800  }
0x2f5: {  	[spmem:s2] =	stream.indirect.scatter.add.f32 [tilespmem:s20], [sflag:$0x6], $0x80, s8, s19, $0xb8;
	v63 =	vld [tilespmem:$0x0]  }
0x2f6: {  	_ =	swait.ge [sflag:s26], $0x2800  }
0x2f7: {  	[sflag:s26] =	ssyncset.done $0x0  }
0x2f8: {  	[sflag:s26] =	ssyncadd.s32 $0xFFFFD800  }
0x2f9: {  	[spmem:s2] =	stream.indirect.scatter.add.f32 [tilespmem:s21], [sflag:$0x7], $0x80, s9, s19, $0xb8;
	v63 =	vld [tilespmem:$0x0]  }
0x2fa: {  	_ =	swait.ge [sflag:s29], $0x2800  }
0x2fb: {  	[sflag:s29] =	ssyncset.done $0x0  }
0x2fc: {  	[sflag:s29] =	ssyncadd.s32 $0xFFFFD800  }
0x2fd: {  	[spmem:s2] =	stream.indirect.scatter.add.f32 [tilespmem:s22], [sflag:$0x8], $0x80, s10, s19, $0xb8;
	v63 =	vld [tilespmem:$0x0]  }
0x2fe: {  	_ =	swait.ge [sflag:s16], $0x2800  }
0x2ff: {  	[sflag:s16] =	ssyncset.done $0x0  }
0x300: {  	[sflag:s16] =	ssyncadd.s32 $0xFFFFD800  }
0x301: {  	[spmem:s2] =	stream.indirect.scatter.add.f32 [tilespmem:s15], [sflag:$0x5], $0x80, s11, s19, $0xb8;
	v63 =	vld [tilespmem:$0x0]  }
0x302: {  	_ =	swait.ge [sflag:s25], $0x2800  }
0x303: {  	[sflag:s25] =	ssyncset.done $0x0  }
0x304: {  	[sflag:s25] =	ssyncadd.s32 $0xFFFFD800  }
0x305: {  	_ =	swait.ge [sflag:s28], $0x2800  }
0x306: {  	[sflag:s28] =	ssyncset.done $0x0  }
0x307: {  	[sflag:s28] =	ssyncadd.s32 $0xFFFFD800  }
0x308: {  	_ =	swait.ge [sflag:s30], $0x2800  }
0x309: {  	[sflag:s30] =	ssyncset.done $0x0  }
0x30a: {  	[sflag:s30] =	ssyncadd.s32 $0xFFFFD800  }
0x30b: {  	_ =	swait.ge [sflag:s23], $0x2800  }
0x30c: {  	[sflag:s23] =	ssyncset.done $0x0  }
0x30d: {  	[sflag:s23] =	ssyncadd.s32 $0xFFFFD800  }
0x30e: {  	[bflag:$0x0] =	sbarrier.arrive $0xFFFF  }
0x30f: {  	s13 =	sld [smem:$0x7F2]  }
0x310: {  	s12 =	stileid.u32;
	s14 =	sld [smem:$0x7E8]  }
0x311: {  	s6 =	sshll.u32 s12, $0x6  }
0x312: {  	s6 =	sor.u32 $0x1C09, s6;
	s12 =	sshrl.u32 s13, $0x3  }
0x313: {  	[hbm:s14], [sflag:s6] =	dma.local [spmem:s12], $0x2800  }
0x314: {  	_ =	swait.ge [sflag:s17], $0x2800  }
0x315: {  	s13 =	sld [smem:$0x7E7]  }
0x316: {  	s14 =	sld [smem:$0x7E9];
	_ =	sdelay $0x1  }
0x317: {  	s12 =	sadd.s32 $0x1, s13  }
0x318: {  	p0 =	sne.s32 s12, s14  }
.Ltmp2:
0x319: {  	_ = 	snop;
	(pc) =	sbr.rel @p0 .LBB2_1-.Ltmp2, $3  }
0x31a: {  	_ =	sdelay $0x1  }
0x31b: {  	[sflag:s17] =	ssyncset.done $0x0  }
0x31c: {  	[sflag:s17] =	ssyncadd.s32 $0xFFFFD800  }
0x31d: {  	_ =	sfence.sel $0x180000  }
0x31e: {  	[bflag:$0x0] =	sbarrier.arrive $0xFFFF  }
0x31f: {  	_ =	strace $0x9000004A  }
0x320: {  	s0 =	stileid.u32;
	[bflag:$0x2] =	sbarrier.arrive $0xFFFF  }
0x321: {  	p0 =	sne.s32 s0, $0x0;
	s0 =	rddreg [dreg:$0x2]  }
0x322: {  	s0 =	sadd.s32 @!p0 $0x100000, s0  }
0x323: {  	[sflag:s0] =	ssyncadd.tile.s32 @!p0 $0x1;
	_ =	shalt  }
.Lfunc_end2:
_tile_overlayer_lowered:
.L_overlay_start_2:
0x324: {  	(tag) =	ssettag $0x2  }
0x325: {  	s0 =	rddreg [dreg:$0x0];
	s2 =	stileid.u32  }
0x326: {  	s1 =	rddreg [dreg:$0x1];
	p0 =	sne.s32 s2, $0x0  }
0x327: {  	s3 =	rddreg [dreg:$0x2];
	[bflag:$0x3] =	sbarrier.arrive $0xFFFF;
	s2 =	simm.s32 @!p0 $0x1C09  }
0x328: {  	[timem:s3], [sflag:s2] =	dma.local @!p0 [hbm:s0], s1  }
0x329: {  	s0 =	simm.s32 @!p0 $0x9  }
0x32a: {  	_ =	swait.ge @!p0 [sflag:s0], s1  }
0x32b: {  	s1 =	ssub.s32 @!p0 $0x0, s1;
	[sflag:s0] =	ssyncset.done @!p0 $0x0  }
0x32c: {  	[sflag:s0] =	ssyncadd.s32 @!p0 s1  }
0x32d: {  	[bflag:$0x3] =	sbarrier.arrive $0xFFFF  }
0x32e: {  	_ =	shalt  }

// kernel: kernel.14.cloned.1.call-start
scs
__scs_entry_jumppad:
0x0: {  	(pc) =	sbr.rel $0x88, $3  }
0x1: {  	(tag) =	ssettag $0x0;
	lr =	simm.s32 $0x1  }
0x2: {  	[smem:$0x3F96] =	sst lr;
	_ =	strace $0xD0000000  }
0x3: {  	_ = 	snop  }
0x4: {  	_ = 	snop  }
0x5: {  	_ = 	snop  }
0x6: {  	_ = 	snop  }
0x7: {  	_ = 	snop  }
__scs_overlays_trampoline_lowered:
0x8: {  	[smem:$0x3FA5] =	sst s0  }
0x9: {  	[smem:$0x3FA6] =	sst s1  }
0xa: {  	[smem:$0x3FA7] =	sst s2  }
0xb: {  	[smem:$0x3FA8] =	sst s3  }
0xc: {  	[smem:$0x3FA9] =	sst s4  }
0xd: {  	[smem:$0x3FAA] =	sst s5  }
0xe: {  	[smem:$0x3FAB] =	sst s6  }
0xf: {  	[smem:$0x3FAC] =	sst s7  }
0x10: {  	[smem:$0x3FAD] =	sst s8  }
0x11: {  	[smem:$0x3FAE] =	sst s9;
	s0 =	simm.s32 @!p0 $0x0  }
0x12: {  	s1 =	sld [smem:$0x3F94];
	s0 =	simm.s32 @p0 $0x1  }
0x13: {  	[smem:$0x3FAF] =	sst s0;
	s0 =	simm.s32 @!p1 $0x0  }
0x14: {  	s2 =	sld [smem:$0x3F93];
	s0 =	simm.s32 @p1 $0x1  }
0x15: {  	[smem:$0x3FB0] =	sst s0;
	s0 =	simm.s32 @!p2 $0x0  }
0x16: {  	s3 =	sld [smem:$0x3FDB];
	s0 =	simm.s32 @p2 $0x1  }
0x17: {  	s4 =	simm.s32 $0x1BF5;
	[smem:$0x3FB2] =	sst s0  }
0x18: {  	s0 =	sld [smem:$0x3F95];
	_ =	swait.ge [sflag:s4], $0x0  }
0x19: {  	s7 =	sld [smem:$0x3F96]  }
0x1a: {  	s8 =	sadd.s32 $0xFFFFE003, lr  }
0x1b: {  	s9 =	sadd.s32 $0xFFFFFEF7, lr;
	s5 =	simm.s32 $0xFFFFFFFF;
	p2 =	slt.u32 s8, $0xFFFFF086  }
0x1c: {  	p1 =	slt.u32 s9, $0xF7A;
	s5 =	simm.s32 @!p2 $0x0  }
0x1d: {  	s5 =	simm.s32 @p1 $0x1;
	p0 =	seq.s32 s7, s2  }
0x1e: {  	s7 =	smul.u32 @!p0 $0xF7A, s2;
	p2 =	seq.s32 @!p0 s5, $0x0  }
0x1f: {  	s9 =	smul.u32 $0xF7A, s1;
	s8 =	simm.s32 @!p0 $0x1BF5;
	p2 =	por !p2, p0  }
0x20: {  	[sflag:s8] =	ssyncset.s32 @!p0 $0xFFFFF086;
	s6 =	sadd.s32 @!p0 s3, s7;
	s7 =	simm.s32 @!p0 $0x108  }
0x21: {  	s3 =	sadd.s32 s3, s9;
	s6 =	sadd.s32 @!p0 $0x88, s6;
	s7 =	simm.s32 @p2 $0x1082  }
0x22: {  	[simem:s7], [sflag:s8] =	dma.local @!p0 [hbm:s6], $0xF7A  }
0x23: {  	s9 =	sor.u32 $0xD0000000, s2;
	s6 =	simm.s32 $0x108;
	_ =	swait.ge @!p0 [sflag:s8], $0x0  }
0x24: {  	s3 =	sadd.s32 $0x88, s3;
	s6 =	simm.s32 @!p1 $0x1082;
	[sflag:s4] =	ssyncset.s32 $0xFFFFF086  }
0x25: {  	[simem:s6], [sflag:s4] =	dma.local [hbm:s3], $0xF7A  }
0x26: {  	[smem:$0x3F96] =	sst s1;
	(tag) =	ssettag s2;
	_ =	strace s9  }
0x27: {  	s1 =	sld [smem:$0x3FA6]  }
0x28: {  	s2 =	sld [smem:$0x3FA7]  }
0x29: {  	s4 =	sld [smem:$0x3FA9]  }
0x2a: {  	p0 =	seq.s32 s5, $0x0;
	s5 =	sld [smem:$0x3FAA]  }
0x2b: {  	s6 =	sld [smem:$0x3FAB]  }
0x2c: {  	s7 =	sld [smem:$0x3FAC]  }
0x2d: {  	s3 =	simm.s32 $0x108;
	s8 =	sld [smem:$0x3FAD]  }
0x2e: {  	s3 =	simm.s32 @!p0 $0x1082;
	s9 =	sld [smem:$0x3FAE]  }
0x2f: {  	lr =	sadd.s32 s0, s3;
	s0 =	sld [smem:$0x3FA5]  }
0x30: {  	s3 =	sld [smem:$0x3FA8]  }
0x31: {  	[smem:$0x3FB1] =	sst s10  }
0x32: {  	s10 =	sld [smem:$0x3FAF];
	_ =	sdelay $0x3  }
0x33: {  	p0 =	seq.s32 s10, $0x1;
	s10 =	sld [smem:$0x3FB1];
	_ =	sdelay $0x3  }
0x34: {  	[smem:$0x3FB1] =	sst s10  }
0x35: {  	s10 =	sld [smem:$0x3FB0];
	_ =	sdelay $0x3  }
0x36: {  	p1 =	seq.s32 s10, $0x1;
	s10 =	sld [smem:$0x3FB1];
	_ =	sdelay $0x3  }
0x37: {  	[smem:$0x3FB1] =	sst s10  }
0x38: {  	s10 =	sld [smem:$0x3FB2]  }
0x39: {  	_ = 	snop;
	(pc) =	sbr.ind lr, $3  }
0x3a: {  	_ = 	snop  }
0x3b: {  	_ = 	snop  }
0x3c: {  	p2 =	seq.s32 s10, $0x1;
	s10 =	sld [smem:$0x3FB1]  }
0x3d: {  	_ =	shalt  }
0x3e: {  	_ =	shalt  }
0x3f: {  	_ =	shalt  }
0x40: {  	_ =	shalt  }
0x41: {  	_ =	shalt  }
0x42: {  	_ =	shalt  }
0x43: {  	_ =	shalt  }
0x44: {  	_ =	shalt  }
0x45: {  	_ =	shalt  }
0x46: {  	_ =	shalt  }
0x47: {  	_ =	shalt  }
0x48: {  	_ =	shalt  }
0x49: {  	_ =	shalt  }
0x4a: {  	_ =	shalt  }
0x4b: {  	_ =	shalt  }
0x4c: {  	_ =	shalt  }
0x4d: {  	_ =	shalt  }
0x4e: {  	_ =	shalt  }
0x4f: {  	_ =	shalt  }
0x50: {  	_ =	shalt  }
0x51: {  	_ =	shalt  }
0x52: {  	_ =	shalt  }
0x53: {  	_ =	shalt  }
0x54: {  	_ =	shalt  }
0x55: {  	_ =	shalt  }
0x56: {  	_ =	shalt  }
0x57: {  	_ =	shalt  }
0x58: {  	_ =	shalt  }
0x59: {  	_ =	shalt  }
0x5a: {  	_ =	shalt  }
0x5b: {  	_ =	shalt  }
0x5c: {  	_ =	shalt  }
0x5d: {  	_ =	shalt  }
0x5e: {  	_ =	shalt  }
0x5f: {  	_ =	shalt  }
0x60: {  	_ =	shalt  }
0x61: {  	_ =	shalt  }
0x62: {  	_ =	shalt  }
0x63: {  	_ =	shalt  }
0x64: {  	_ =	shalt  }
0x65: {  	_ =	shalt  }
0x66: {  	_ =	shalt  }
0x67: {  	_ =	shalt  }
0x68: {  	_ =	shalt  }
0x69: {  	_ =	shalt  }
0x6a: {  	_ =	shalt  }
0x6b: {  	_ =	shalt  }
0x6c: {  	_ =	shalt  }
0x6d: {  	_ =	shalt  }
0x6e: {  	_ =	shalt  }
0x6f: {  	_ =	shalt  }
0x70: {  	_ =	shalt  }
0x71: {  	_ =	shalt  }
0x72: {  	_ =	shalt  }
0x73: {  	_ =	shalt  }
0x74: {  	_ =	shalt  }
0x75: {  	_ =	shalt  }
0x76: {  	_ =	shalt  }
0x77: {  	_ =	shalt  }
0x78: {  	_ =	shalt  }
0x79: {  	_ =	shalt  }
0x7a: {  	_ =	shalt  }
0x7b: {  	_ =	shalt  }
0x7c: {  	_ =	shalt  }
0x7d: {  	_ =	shalt  }
0x7e: {  	_ =	shalt  }
0x7f: {  	_ =	shalt  }
0x80: {  	_ =	shalt  }
0x81: {  	_ =	shalt  }
0x82: {  	_ =	shalt  }
0x83: {  	_ =	shalt  }
0x84: {  	_ =	shalt  }
0x85: {  	_ =	shalt  }
0x86: {  	_ =	shalt  }
0x87: {  	_ =	shalt  }
.Lfunc_end0:
.L_simem_size_0:
called_computation.2_lowered:
.L_overlay_start_0:
0x88: {  	s2 =	sld [smem:$0x3FD9]  }
0x89: {  	s3 =	sld [smem:$0x3FFE];
	_ =	sdelay $0x1  }
0x8a: {  	s1 =	srdreg.scid  }
0x8b: {  	s0 =	sand.u32 $0x1, s1  }
0x8c: {  	s16 =	sshll.u32 s0, $0xA;
	s2 =	sadd.s32 s3, s2  }
0x8d: {  	s2 =	sadd.s32 s2, s16  }
0x8e: {  	[smem:$0x3FBD] =	sst s2  }
0x8f: {  	_ = 	snop  }
0x90: {  	(tm) =	ssettm $0x1  }
0x91: {  	s17 =	sld [smem:$0x3FFB];
	_ =	sdelay $0x3  }
0x92: {  	_ =	strace s17  }
0x93: {  	s2 =	sld [smem:$0x3FFC];
	_ =	sdelay $0x3  }
0x94: {  	_ =	strace s2  }
0x95: {  	s2 =	sld [smem:$0x3FFD];
	_ =	sdelay $0x3  }
0x96: {  	_ =	strace s2  }
0x97: {  	_ =	strace $0x8FFFFFFF  }
0x98: {  	s18 =	sld [smem:$0x3FDB];
	_ =	sdelay $0x1  }
0x99: {  	s19 =	simm.s32 $_scs_section_size  }
0x9a: {  	s4 =	simm.s32 $_size__tile_overlayer_lowered;
	s5 =	simm.s32 $_tile_overlayer_lowered  }
0x9b: {  	s22 =	simm.s32 $0x1BFF;
	s21 =	sshll.u32 s5, $0x1;
	s2 =	sadd.s32 s19, s18  }
0x9c: {  	s6 =	simm.s32 $0x0;
	s20 =	sshll.u32 s4, $0x1;
	s4 =	sadd.s32 s21, s2  }
0x9d: {  	[timem:s6], [sflag:s22] =	dma.local [hbm:s4], s20  }
0x9e: {  	_ =	swait.ge [sflag:s22], s20  }
0x9f: {  	s3 =	ssub.s32 $0x0, s20;
	[sflag:s22] =	ssyncset.done $0x0  }
0xa0: {  	[sflag:s22] =	ssyncadd.s32 s3;
	_ =	sdelay $0x1  }
0xa1: {  	s23 =	simm.s32 $0x1B8B  }
0xa2: {  	_ =	swait.ge [sflag:s23], $0x1  }
0xa3: {  	[sflag:s23] =	ssyncset.done $0x0  }
0xa4: {  	s25 =	simm.s32 $0x1B8E;
	s24 =	sld [smem:$0x3FFE];
	[sflag:s23] =	ssyncadd.s32 $0xFFFFFFFF  }
0xa5: {  	s26 =	simm.s32 $execute0_lowered;
	[smem:$0x3FD2] =	sst s25  }
0xa6: {  	s4 =	sshll.u32 s26, $0x1;
	_ =	strace $0x8000004C;
	[dreg:$0x1] =	wrdreg $0xFFFFFFFF  }
0xa7: {  	s28 =	simm.s32 $_size_execute0_lowered;
	s2 =	sadd.s32 s2, s4;
	[dreg:$0x0] =	wrdreg $0x0  }
0xa8: {  	s4 =	sshll.u32 s28, $0x1;
	[dreg:$0x2] =	wrdreg s2  }
0xa9: {  	[dreg:$0x3] =	wrdreg s4  }
0xaa: {  	[dreg:$0x4] =	wrdreg $0xC0  }
0xab: {  	_ =	task [dreg:s6], $0x5FFFF  }
0xac: {  	[dreg:$0x1] =	wrdreg $0xFFFFFFFF  }
0xad: {  	[dreg:$0x0] =	wrdreg $0x60  }
0xae: {  	[dreg:$0x2] =	wrdreg s24  }
0xaf: {  	[dreg:$0x3] =	wrdreg $0xC0000  }
0xb0: {  	[dreg:$0x4] =	wrdreg $0x9  }
0xb1: {  	_ =	task.clear_ibuf [dreg:s6], $0x5FFFF;
	_ =	strace $0x9000004C  }
0xb2: {  	s29 =	simm.s32 $0x9;
	_ =	strace $0x8000004E  }
0xb3: {  	_ =	swait.ge [sflag:s29], $0x1  }
0xb4: {  	[sflag:s29] =	ssyncadd.s32 $0xFFFFFFFF  }
0xb5: {  	_ =	strace $0x9000004E  }
0xb6: {  	_ =	sfence  }
0xb7: {  	s30 =	sld [smem:$0x0];
	_ =	sdelay $0x2  }
0xb8: {  	s31 =	sshll.u32 s1, $0xD;
	s1 =	sshrl.u32 s1, $0x2  }
0xb9: {  	s3 =	sand.u32 $0x4000, s31;
	s1 =	sadd.s32 s1, s30  }
0xba: {  	s0 =	sor.u32 s3, s0;
	s1 =	sshll.u32 s1, $0x11  }
0xbb: {  	s0 =	sor.u32 s1, s0  }
0xbc: {  	s0 =	sadd.s32 $0x8F2B, s0  }
0xbd: {  	[sflag:s0] =	ssyncadd.remote.s32 $0x1  }
0xbe: {  	_ =	sfence.sel $0xFFFF  }
0xbf: {  	[dreg:$0x0] =	wrdreg $0xFFFFFFFF;
	(pc) =	sbr.abs _section_cstart, $3  }
0xc0: {  	[dreg:$0x1] =	wrdreg $0xFFFFFFFF  }
0xc1: {  	_ =	task.clear_ibuf [dreg:s6], $0x2FFFF;
	_ =	strace $0x9FFFFFFF  }
0xc2: {  	(tm) =	ssettm $0x7FFFFFFF  }
0xc3: {  	_ =	shalt  }
tec
execute0_lowered:
.L_overlay_start_1:
0x0: {  	(tag) =	ssettag $0x1  }
0x1: {  	s0 =	srdreg.scid;
	s8 =	stileid.u32  }
0x2: {  	s0 =	sand.u32 $0x1, s0;
	s1 =	smul.u32 $0xA000, s8  }
0x3: {  	s3 =	smul.u32 $0x5000, s0  }
0x4: {  	s5 =	rddreg [dreg:$0x0]  }
0x5: {  	s2 =	rddreg [dreg:$0x1];
	s1 =	sadd.s32 s3, s1;
	s3 =	simm.s32 $0x0  }
0x6: {  	s16 =	simm.s32 $0x80;
	[smem:$0x7FF] =	sst s3  }
0x7: {  	s17 =	simm.s32 $0x100;
	_ =	strace $0x8000004D;
	[dreg:$0x5] =	wrdreg s16  }
0x8: {  	s18 =	simm.s32 $0x180;
	[dreg:$0x6] =	wrdreg s17  }
0x9: {  	s19 =	simm.s32 $0x200;
	[dreg:$0x7] =	wrdreg s18  }
0xa: {  	s20 =	simm.s32 $0x1080;
	[dreg:$0x8] =	wrdreg s19  }
0xb: {  	s21 =	simm.s32 $0x280;
	[dreg:$0x9] =	wrdreg s20  }
0xc: {  	s22 =	simm.s32 $0x1100;
	[dreg:$0xa] =	wrdreg s21  }
0xd: {  	s23 =	simm.s32 $0x300;
	[dreg:$0xb] =	wrdreg s22  }
0xe: {  	s24 =	simm.s32 $0x1180;
	[dreg:$0xc] =	wrdreg s23  }
0xf: {  	s25 =	simm.s32 $0x380;
	[dreg:$0xd] =	wrdreg s24  }
0x10: {  	s9 =	simm.s32 $0x1200;
	[dreg:$0xe] =	wrdreg s25  }
0x11: {  	s10 =	simm.s32 $0x400;
	[dreg:$0xf] =	wrdreg s9  }
0x12: {  	s11 =	simm.s32 $0x1280;
	[dreg:$0x10] =	wrdreg s10  }
0x13: {  	s12 =	simm.s32 $0x480;
	[dreg:$0x11] =	wrdreg s11  }
0x14: {  	s13 =	simm.s32 $0x1300;
	s14 =	simm.s32 $0x500;
	[dreg:$0x12] =	wrdreg s12  }
0x15: {  	s15 =	simm.s32 $0x1380;
	s6 =	sadd.s32 $0x17C00, s5;
	[dreg:$0x13] =	wrdreg s13  }
0x16: {  	s4 =	sadd.s32 $0xA0000, s1;
	s1 =	sshrl.u32 s1, $0x3;
	[dreg:$0x14] =	wrdreg s14  }
0x17: {  	s1 =	sadd.s32 s1, s6;
	[dreg:$0x15] =	wrdreg s15  }
0x18: {  	s17 =	simm.s32 $0x580;
	[dreg:$0x4] =	wrdreg s1  }
0x19: {  	s28 =	simm.s32 $0x7;
	s18 =	simm.s32 $0x1400;
	[dreg:$0x16] =	wrdreg s17  }
0x1a: {  	s29 =	simm.s32 $0x4;
	s20 =	simm.s32 $0x600;
	[dreg:$0x17] =	wrdreg s18  }
0x1b: {  	s30 =	simm.s32 $0x8;
	s21 =	simm.s32 $0x1480;
	[dreg:$0x18] =	wrdreg s20  }
0x1c: {  	s31 =	simm.s32 $0xB00;
	s23 =	simm.s32 $0x680;
	[dreg:$0x19] =	wrdreg s21  }
0x1d: {  	s7 =	smul.u32 $0x14000, s8;
	s24 =	simm.s32 $0x1500;
	[dreg:$0x1a] =	wrdreg s23  }
0x1e: {  	s26 =	smul.u32 $0x140000, s0;
	s25 =	simm.s32 $0x700;
	[dreg:$0x1b] =	wrdreg s24  }
0x1f: {  	s19 =	smul.u32 $0x50000, s8;
	s8 =	simm.s32 $0x780;
	[dreg:$0x1c] =	wrdreg s25  }
0x20: {  	s0 =	ssub.s32 $0x2, s0;
	s10 =	simm.s32 $0x1600;
	[dreg:$0x1e] =	wrdreg s8  }
0x21: {  	s4 =	sshrl.u32 s4, $0x3;
	s12 =	simm.s32 $0x800;
	[dreg:$0x1f] =	wrdreg s10  }
0x22: {  	s16 =	sshrl.u32 s0, $0x1;
	s14 =	simm.s32 $0x1680;
	[smem:$0x7EF] =	sst s12  }
0x23: {  	s4 =	sadd.s32 s4, s6;
	s6 =	sadd.s32 s7, s26;
	[smem:$0x7F1] =	sst s14  }
0x24: {  	s0 =	ssub.s32 s0, s16;
	s16 =	simm.s32 $0x880;
	[dreg:$0x3] =	wrdreg s4  }
0x25: {  	s18 =	simm.s32 $0x1700;
	s20 =	simm.s32 $0x1780;
	[smem:$0x7F4] =	sst s16  }
0x26: {  	s21 =	simm.s32 $0x980;
	s23 =	simm.s32 $0xA00;
	[smem:$0x7F5] =	sst s18  }
0x27: {  	s24 =	simm.s32 $0x1880;
	s25 =	simm.s32 $0xA80;
	[smem:$0x7F7] =	sst s20  }
0x28: {  	s1 =	simm.s32 $0x1980;
	s8 =	simm.s32 $0x1A80;
	[smem:$0x7F8] =	sst s21  }
0x29: {  	s10 =	simm.s32 $0x1B80;
	s12 =	simm.s32 $0x0;
	[smem:$0x7FA] =	sst s23  }
0x2a: {  	s4 =	sadd.s32 $0x3FC00, s5;
	s6 =	sshrl.u32 s6, $0x3;
	[smem:$0x7FB] =	sst s24  }
0x2b: {  	s22 =	sshrl.u32 s19, $0x2;
	s0 =	smax.u32 s0, $0x1;
	[smem:$0x7FC] =	sst s25  }
0x2c: {  	s19 =	simm.s32 $0x900;
	s16 =	simm.s32 $0x1;
	[smem:$0x7E9] =	sst s0  }
0x2d: {  	s5 =	sadd.s32 s6, s5;
	s6 =	simm.s32 $0x1580;
	[smem:$0x7F6] =	sst s19  }
0x2e: {  	s18 =	simm.s32 $0x1000;
	s5 =	sadd.s32 $0x66E00, s5;
	[dreg:$0x1d] =	wrdreg s6  }
0x2f: {  	s20 =	simm.s32 $0x4800;
	[smem:$0x7E8] =	sst s5;
	s5 =	sadd.s32 s22, s2  }
0x30: {  	s21 =	simm.s32 $0x7000;
	s22 =	simm.s32 $0x1800;
	[smem:$0x7F2] =	sst s5  }
0x31: {  	s23 =	simm.s32 $0x5;
	s26 =	sadd.s32 $0x2800, s5;
	[smem:$0x7F9] =	sst s22  }
0x32: {  	s24 =	simm.s32 $0x2;
	s7 =	sadd.s32 $0x5000, s5;
	[smem:$0x7EA] =	sst s26  }
0x33: {  	s25 =	simm.s32 $0x6;
	s9 =	sadd.s32 $0x7800, s5;
	[smem:$0x7EB] =	sst s7  }
0x34: {  	s19 =	simm.s32 $0x50;
	s11 =	sadd.s32 $0xA000, s5;
	[smem:$0x7EC] =	sst s9  }
0x35: {  	s0 =	simm.s32 $0xB80;
	s13 =	sadd.s32 $0xC800, s5;
	[smem:$0x7ED] =	sst s11  }
0x36: {  	s15 =	sadd.s32 $0xF000, s5;
	s17 =	sadd.s32 $0x11800, s5;
	[smem:$0x7EE] =	sst s13  }
0x37: {  	s22 =	simm.s32 $0x9800;
	s5 =	simm.s32 $0x1A00;
	[smem:$0x7F0] =	sst s15  }
0x38: {  	[smem:$0x7F3] =	sst s17;
	s15 =	simm.s32 $0x2000;
	s17 =	simm.s32 $0x9  }
0x39: {  	s26 =	simm.s32 $0x1900;
	s7 =	simm.s32 $0xC00;
	s9 =	simm.s32 $0x1B00  }
0x3a: {  	v0 =	vimm.f32 $0.0e+00;
	s11 =	simm.s32 $0x1C00;
	[smem:$0x7FD] =	sst s26;
	s26 =	simm.s32 $0x3  }
.LBB2_1:
0x3b: {  	s6 =	sand.u32 $0xFE00, s3  }
0x3c: {  	[smem:$0x7E7] =	sst s12;
	s14 =	sand.u32 $0x70, s3;
	s6 =	sshrl.u32 s6, $0x2  }
0x3d: {  	s13 =	simm.s32 $0x40;
	s6 =	sor.u32 s14, s6;
	s14 =	simm.s32 $0x0  }
.LBB2_2:
0x3e: {  	p0 =	sne.s32 s13, $0x9FC0  }
0x3f: {  	[tilespmem:s6+$0x2000] =	vst v0;
	s14 =	sadd.s32 $0x10, s14;
	s6 =	smov.u32 s13;
	s13 =	sadd.s32 $0x40, s13  }
.Ltmp0:
0x40: {  	(pc) =	sbr.rel @p0 .LBB2_2-.Ltmp0, $4  }
0x41: {  	_ = 	snop  }
0x42: {  	s6 =	sand.u32 $0xFE00, s6  }
0x43: {  	s12 =	sand.u32 $0x70, s14;
	s6 =	sshrl.u32 s6, $0x2  }
0x44: {  	s6 =	sor.u32 s12, s6  }
0x45: {  	s12 =	sld [smem:$0x7F2];
	_ =	sdelay $0x1  }
0x46: {  	[tilespmem:s6+$0x2000] =	vst v0;
	s13 =	sld [smem:$0x7EA]  }
0x47: {  	[spmem:s12] =	stream.linear.scatter [tilespmem:s15], [sflag:$0x1], $0x2800, $0x38;
	v63 =	vld [tilespmem:$0x0]  }
0x48: {  	s14 =	sld [smem:$0x7EB]  }
0x49: {  	[spmem:s13] =	stream.linear.scatter [tilespmem:s15], [sflag:$0x1], $0x2800, $0x38;
	v63 =	vld [tilespmem:$0x0]  }
0x4a: {  	s12 =	sld [smem:$0x7EC]  }
0x4b: {  	[spmem:s14] =	stream.linear.scatter [tilespmem:s15], [sflag:$0x1], $0x2800, $0x38;
	v63 =	vld [tilespmem:$0x0]  }
0x4c: {  	s13 =	sld [smem:$0x7ED]  }
0x4d: {  	[spmem:s12] =	stream.linear.scatter [tilespmem:s15], [sflag:$0x1], $0x2800, $0x38;
	v63 =	vld [tilespmem:$0x0]  }
0x4e: {  	s14 =	sld [smem:$0x7EE]  }
0x4f: {  	[spmem:s13] =	stream.linear.scatter [tilespmem:s15], [sflag:$0x1], $0x2800, $0x38;
	v63 =	vld [tilespmem:$0x0]  }
0x50: {  	s12 =	sld [smem:$0x7F0]  }
0x51: {  	[spmem:s14] =	stream.linear.scatter [tilespmem:s15], [sflag:$0x1], $0x2800, $0x38;
	v63 =	vld [tilespmem:$0x0]  }
0x52: {  	s13 =	sld [smem:$0x7F3]  }
0x53: {  	[spmem:s12] =	stream.linear.scatter [tilespmem:s15], [sflag:$0x1], $0x2800, $0x38;
	v63 =	vld [tilespmem:$0x0]  }
0x54: {  	_ = 	snop  }
0x55: {  	[spmem:s13] =	stream.linear.scatter [tilespmem:s15], [sflag:$0x1], $0x2800, $0x38;
	v63 =	vld [tilespmem:$0x0]  }
0x56: {  	_ =	swait.ge [sflag:s16], $0x2800  }
0x57: {  	[sflag:s16] =	ssyncset.done $0x0  }
0x58: {  	[sflag:s16] =	ssyncadd.s32 $0xFFFFD800  }
0x59: {  	_ =	swait.ge [sflag:s16], $0x2800  }
0x5a: {  	[sflag:s16] =	ssyncset.done $0x0  }
0x5b: {  	[sflag:s16] =	ssyncadd.s32 $0xFFFFD800  }
0x5c: {  	_ =	swait.ge [sflag:s16], $0x2800  }
0x5d: {  	[sflag:s16] =	ssyncset.done $0x0  }
0x5e: {  	[sflag:s16] =	ssyncadd.s32 $0xFFFFD800  }
0x5f: {  	_ =	swait.ge [sflag:s16], $0x2800  }
0x60: {  	[sflag:s16] =	ssyncset.done $0x0  }
0x61: {  	[sflag:s16] =	ssyncadd.s32 $0xFFFFD800  }
0x62: {  	_ =	swait.ge [sflag:s16], $0x2800  }
0x63: {  	[sflag:s16] =	ssyncset.done $0x0  }
0x64: {  	[sflag:s16] =	ssyncadd.s32 $0xFFFFD800  }
0x65: {  	_ =	swait.ge [sflag:s16], $0x2800  }
0x66: {  	[sflag:s16] =	ssyncset.done $0x0  }
0x67: {  	[sflag:s16] =	ssyncadd.s32 $0xFFFFD800  }
0x68: {  	_ =	swait.ge [sflag:s16], $0x2800  }
0x69: {  	[sflag:s16] =	ssyncset.done $0x0  }
0x6a: {  	[sflag:s16] =	ssyncadd.s32 $0xFFFFD800  }
0x6b: {  	_ =	swait.ge [sflag:s16], $0x2800  }
0x6c: {  	[sflag:s16] =	ssyncset.done $0x0  }
0x6d: {  	[sflag:s16] =	ssyncadd.s32 $0xFFFFD800  }
0x6e: {  	[bflag:$0x0] =	sbarrier.arrive $0xFFFF  }
0x6f: {  	s14 =	rddreg [dreg:$0x4]  }
0x70: {  	s6 =	sadd.s32 $0x0, s14  }
0x71: {  	[tilespmem:s3], [sflag:$0x9] =	stream.linear.gather [hbm4b:s6+s3], $0xC80, $0x38;
	v63 =	vld [tilespmem:$0x0]  }
0x72: {  	_ =	swait.ge [sflag:s17], $0xC80  }
0x73: {  	s12 =	rddreg [dreg:$0x3];
	[sflag:s17] =	ssyncset.done $0x0  }
0x74: {  	[sflag:s17] =	ssyncadd.s32 $0xFFFFF380;
	s6 =	sadd.s32 $0x0, s12  }
0x75: {  	[tilespmem:s18], [sflag:$0x9] =	stream.linear.gather [hbm4b:s6+s3], $0xC80, $0x38;
	v63 =	vld [tilespmem:$0x0]  }
0x76: {  	_ =	swait.ge [sflag:s17], $0xC80  }
0x77: {  	[sflag:s17] =	ssyncset.done $0x0  }
0x78: {  	[sflag:s17] =	ssyncadd.s32 $0xFFFFF380  }
0x79: {  	[tilespmem:s15], [sflag:$0x1] =	stream.indirect.gather [hbm4b:s4+s19], $0x80, s3, s19, $0xb8;
	v63 =	vld [tilespmem:$0x0]  }
0x7a: {  	s13 =	rddreg [dreg:$0x5]  }
0x7b: {  	[tilespmem:s20], [sflag:$0x2] =	stream.indirect.gather [hbm4b:s4+s19], $0x80, s13, s19, $0xb8;
	v63 =	vld [tilespmem:$0x0]  }
0x7c: {  	s12 =	rddreg [dreg:$0x6]  }
0x7d: {  	[tilespmem:s21], [sflag:$0x3] =	stream.indirect.gather [hbm4b:s4+s19], $0x80, s12, s19, $0xb8;
	v63 =	vld [tilespmem:$0x0]  }
0x7e: {  	s14 =	rddreg [dreg:$0x7]  }
0x7f: {  	[tilespmem:s22], [sflag:$0x4] =	stream.indirect.gather [hbm4b:s4+s19], $0x80, s14, s19, $0xb8;
	v63 =	vld [tilespmem:$0x0]  }
0x80: {  	_ =	swait.ge [sflag:s16], $0x2800  }
0x81: {  	[sflag:s16] =	ssyncset.done $0x0  }
0x82: {  	[sflag:s16] =	ssyncadd.s32 $0xFFFFD800  }
0x83: {  	[spmem:s2] =	stream.indirect.scatter.add.f32 [tilespmem:s15], [sflag:$0x5], $0x80, s18, s19, $0xb8;
	v63 =	vld [tilespmem:$0x0]  }
0x84: {  	_ =	swait.ge [sflag:s23], $0x2800  }
0x85: {  	[sflag:s23] =	ssyncset.done $0x0  }
0x86: {  	s12 =	rddreg [dreg:$0x8];
	[sflag:s23] =	ssyncadd.s32 $0xFFFFD800  }
0x87: {  	[tilespmem:s15], [sflag:$0x1] =	stream.indirect.gather [hbm4b:s4+s19], $0x80, s12, s19, $0xb8;
	v63 =	vld [tilespmem:$0x0]  }
0x88: {  	_ =	swait.ge [sflag:s24], $0x2800  }
0x89: {  	[sflag:s24] =	ssyncset.done $0x0  }
0x8a: {  	s13 =	rddreg [dreg:$0x9];
	[sflag:s24] =	ssyncadd.s32 $0xFFFFD800  }
0x8b: {  	[spmem:s2] =	stream.indirect.scatter.add.f32 [tilespmem:s20], [sflag:$0x6], $0x80, s13, s19, $0xb8;
	v63 =	vld [tilespmem:$0x0]  }
0x8c: {  	_ =	swait.ge [sflag:s25], $0x2800  }
0x8d: {  	[sflag:s25] =	ssyncset.done $0x0  }
0x8e: {  	s14 =	rddreg [dreg:$0xa];
	[sflag:s25] =	ssyncadd.s32 $0xFFFFD800  }
0x8f: {  	[tilespmem:s20], [sflag:$0x2] =	stream.indirect.gather [hbm4b:s4+s19], $0x80, s14, s19, $0xb8;
	v63 =	vld [tilespmem:$0x0]  }
0x90: {  	_ =	swait.ge [sflag:s26], $0x2800  }
0x91: {  	[sflag:s26] =	ssyncset.done $0x0  }
0x92: {  	s12 =	rddreg [dreg:$0xb];
	[sflag:s26] =	ssyncadd.s32 $0xFFFFD800  }
0x93: {  	[spmem:s2] =	stream.indirect.scatter.add.f32 [tilespmem:s21], [sflag:$0x7], $0x80, s12, s19, $0xb8;
	v63 =	vld [tilespmem:$0x0]  }
0x94: {  	_ =	swait.ge [sflag:s28], $0x2800  }
0x95: {  	[sflag:s28] =	ssyncset.done $0x0  }
0x96: {  	s13 =	rddreg [dreg:$0xc];
	[sflag:s28] =	ssyncadd.s32 $0xFFFFD800  }
0x97: {  	[tilespmem:s21], [sflag:$0x3] =	stream.indirect.gather [hbm4b:s4+s19], $0x80, s13, s19, $0xb8;
	v63 =	vld [tilespmem:$0x0]  }
0x98: {  	_ =	swait.ge [sflag:s29], $0x2800  }
0x99: {  	[sflag:s29] =	ssyncset.done $0x0  }
0x9a: {  	s14 =	rddreg [dreg:$0xd];
	[sflag:s29] =	ssyncadd.s32 $0xFFFFD800  }
0x9b: {  	[spmem:s2] =	stream.indirect.scatter.add.f32 [tilespmem:s22], [sflag:$0x8], $0x80, s14, s19, $0xb8;
	v63 =	vld [tilespmem:$0x0]  }
0x9c: {  	_ =	swait.ge [sflag:s30], $0x2800  }
0x9d: {  	[sflag:s30] =	ssyncset.done $0x0  }
0x9e: {  	s12 =	rddreg [dreg:$0xe];
	[sflag:s30] =	ssyncadd.s32 $0xFFFFD800  }
0x9f: {  	[tilespmem:s22], [sflag:$0x4] =	stream.indirect.gather [hbm4b:s4+s19], $0x80, s12, s19, $0xb8;
	v63 =	vld [tilespmem:$0x0]  }
0xa0: {  	_ =	swait.ge [sflag:s16], $0x2800  }
0xa1: {  	[sflag:s16] =	ssyncset.done $0x0  }
0xa2: {  	s13 =	rddreg [dreg:$0xf];
	[sflag:s16] =	ssyncadd.s32 $0xFFFFD800  }
0xa3: {  	[spmem:s2] =	stream.indirect.scatter.add.f32 [tilespmem:s15], [sflag:$0x5], $0x80, s13, s19, $0xb8;
	v63 =	vld [tilespmem:$0x0]  }
0xa4: {  	_ =	swait.ge [sflag:s23], $0x2800  }
0xa5: {  	[sflag:s23] =	ssyncset.done $0x0  }
0xa6: {  	s14 =	rddreg [dreg:$0x10];
	[sflag:s23] =	ssyncadd.s32 $0xFFFFD800  }
0xa7: {  	[tilespmem:s15], [sflag:$0x1] =	stream.indirect.gather [hbm4b:s4+s19], $0x80, s14, s19, $0xb8;
	v63 =	vld [tilespmem:$0x0]  }
0xa8: {  	_ =	swait.ge [sflag:s24], $0x2800  }
0xa9: {  	[sflag:s24] =	ssyncset.done $0x0  }
0xaa: {  	s12 =	rddreg [dreg:$0x11];
	[sflag:s24] =	ssyncadd.s32 $0xFFFFD800  }
0xab: {  	[spmem:s2] =	stream.indirect.scatter.add.f32 [tilespmem:s20], [sflag:$0x6], $0x80, s12, s19, $0xb8;
	v63 =	vld [tilespmem:$0x0]  }
0xac: {  	_ =	swait.ge [sflag:s25], $0x2800  }
0xad: {  	[sflag:s25] =	ssyncset.done $0x0  }
0xae: {  	s13 =	rddreg [dreg:$0x12];
	[sflag:s25] =	ssyncadd.s32 $0xFFFFD800  }
0xaf: {  	[tilespmem:s20], [sflag:$0x2] =	stream.indirect.gather [hbm4b:s4+s19], $0x80, s13, s19, $0xb8;
	v63 =	vld [tilespmem:$0x0]  }
0xb0: {  	_ =	swait.ge [sflag:s26], $0x2800  }
0xb1: {  	[sflag:s26] =	ssyncset.done $0x0  }
0xb2: {  	s14 =	rddreg [dreg:$0x13];
	[sflag:s26] =	ssyncadd.s32 $0xFFFFD800  }
0xb3: {  	[spmem:s2] =	stream.indirect.scatter.add.f32 [tilespmem:s21], [sflag:$0x7], $0x80, s14, s19, $0xb8;
	v63 =	vld [tilespmem:$0x0]  }
0xb4: {  	_ =	swait.ge [sflag:s28], $0x2800  }
0xb5: {  	[sflag:s28] =	ssyncset.done $0x0  }
0xb6: {  	s12 =	rddreg [dreg:$0x14];
	[sflag:s28] =	ssyncadd.s32 $0xFFFFD800  }
0xb7: {  	[tilespmem:s21], [sflag:$0x3] =	stream.indirect.gather [hbm4b:s4+s19], $0x80, s12, s19, $0xb8;
	v63 =	vld [tilespmem:$0x0]  }
0xb8: {  	_ =	swait.ge [sflag:s29], $0x2800  }
0xb9: {  	[sflag:s29] =	ssyncset.done $0x0  }
0xba: {  	s13 =	rddreg [dreg:$0x15];
	[sflag:s29] =	ssyncadd.s32 $0xFFFFD800  }
0xbb: {  	[spmem:s2] =	stream.indirect.scatter.add.f32 [tilespmem:s22], [sflag:$0x8], $0x80, s13, s19, $0xb8;
	v63 =	vld [tilespmem:$0x0]  }
0xbc: {  	_ =	swait.ge [sflag:s30], $0x2800  }
0xbd: {  	[sflag:s30] =	ssyncset.done $0x0  }
0xbe: {  	s14 =	rddreg [dreg:$0x16];
	[sflag:s30] =	ssyncadd.s32 $0xFFFFD800  }
0xbf: {  	[tilespmem:s22], [sflag:$0x4] =	stream.indirect.gather [hbm4b:s4+s19], $0x80, s14, s19, $0xb8;
	v63 =	vld [tilespmem:$0x0]  }
0xc0: {  	_ =	swait.ge [sflag:s16], $0x2800  }
0xc1: {  	[sflag:s16] =	ssyncset.done $0x0  }
0xc2: {  	s12 =	rddreg [dreg:$0x17];
	[sflag:s16] =	ssyncadd.s32 $0xFFFFD800  }
0xc3: {  	[spmem:s2] =	stream.indirect.scatter.add.f32 [tilespmem:s15], [sflag:$0x5], $0x80, s12, s19, $0xb8;
	v63 =	vld [tilespmem:$0x0]  }
0xc4: {  	_ =	swait.ge [sflag:s23], $0x2800  }
0xc5: {  	[sflag:s23] =	ssyncset.done $0x0  }
0xc6: {  	s13 =	rddreg [dreg:$0x18];
	[sflag:s23] =	ssyncadd.s32 $0xFFFFD800  }
0xc7: {  	[tilespmem:s15], [sflag:$0x1] =	stream.indirect.gather [hbm4b:s4+s19], $0x80, s13, s19, $0xb8;
	v63 =	vld [tilespmem:$0x0]  }
0xc8: {  	_ =	swait.ge [sflag:s24], $0x2800  }
0xc9: {  	[sflag:s24] =	ssyncset.done $0x0  }
0xca: {  	s14 =	rddreg [dreg:$0x19];
	[sflag:s24] =	ssyncadd.s32 $0xFFFFD800  }
0xcb: {  	[spmem:s2] =	stream.indirect.scatter.add.f32 [tilespmem:s20], [sflag:$0x6], $0x80, s14, s19, $0xb8;
	v63 =	vld [tilespmem:$0x0]  }
0xcc: {  	_ =	swait.ge [sflag:s25], $0x2800  }
0xcd: {  	[sflag:s25] =	ssyncset.done $0x0  }
0xce: {  	s12 =	rddreg [dreg:$0x1a];
	[sflag:s25] =	ssyncadd.s32 $0xFFFFD800  }
0xcf: {  	[tilespmem:s20], [sflag:$0x2] =	stream.indirect.gather [hbm4b:s4+s19], $0x80, s12, s19, $0xb8;
	v63 =	vld [tilespmem:$0x0]  }
0xd0: {  	_ =	swait.ge [sflag:s26], $0x2800  }
0xd1: {  	[sflag:s26] =	ssyncset.done $0x0  }
0xd2: {  	s13 =	rddreg [dreg:$0x1b];
	[sflag:s26] =	ssyncadd.s32 $0xFFFFD800  }
0xd3: {  	[spmem:s2] =	stream.indirect.scatter.add.f32 [tilespmem:s21], [sflag:$0x7], $0x80, s13, s19, $0xb8;
	v63 =	vld [tilespmem:$0x0]  }
0xd4: {  	_ =	swait.ge [sflag:s28], $0x2800  }
0xd5: {  	[sflag:s28] =	ssyncset.done $0x0  }
0xd6: {  	s14 =	rddreg [dreg:$0x1c];
	[sflag:s28] =	ssyncadd.s32 $0xFFFFD800  }
0xd7: {  	[tilespmem:s21], [sflag:$0x3] =	stream.indirect.gather [hbm4b:s4+s19], $0x80, s14, s19, $0xb8;
	v63 =	vld [tilespmem:$0x0]  }
0xd8: {  	_ =	swait.ge [sflag:s29], $0x2800  }
0xd9: {  	[sflag:s29] =	ssyncset.done $0x0  }
0xda: {  	s12 =	rddreg [dreg:$0x1d];
	[sflag:s29] =	ssyncadd.s32 $0xFFFFD800  }
0xdb: {  	[spmem:s2] =	stream.indirect.scatter.add.f32 [tilespmem:s22], [sflag:$0x8], $0x80, s12, s19, $0xb8;
	v63 =	vld [tilespmem:$0x0]  }
0xdc: {  	_ =	swait.ge [sflag:s30], $0x2800  }
0xdd: {  	[sflag:s30] =	ssyncset.done $0x0  }
0xde: {  	s13 =	rddreg [dreg:$0x1e];
	[sflag:s30] =	ssyncadd.s32 $0xFFFFD800  }
0xdf: {  	[tilespmem:s22], [sflag:$0x4] =	stream.indirect.gather [hbm4b:s4+s19], $0x80, s13, s19, $0xb8;
	v63 =	vld [tilespmem:$0x0]  }
0xe0: {  	_ =	swait.ge [sflag:s16], $0x2800  }
0xe1: {  	[sflag:s16] =	ssyncset.done $0x0  }
0xe2: {  	s14 =	rddreg [dreg:$0x1f];
	[sflag:s16] =	ssyncadd.s32 $0xFFFFD800  }
0xe3: {  	[spmem:s2] =	stream.indirect.scatter.add.f32 [tilespmem:s15], [sflag:$0x5], $0x80, s14, s19, $0xb8;
	v63 =	vld [tilespmem:$0x0]  }
0xe4: {  	_ =	swait.ge [sflag:s23], $0x2800  }
0xe5: {  	s12 =	sld [smem:$0x7EF]  }
0xe6: {  	[sflag:s23] =	ssyncset.done $0x0  }
0xe7: {  	[sflag:s23] =	ssyncadd.s32 $0xFFFFD800  }
0xe8: {  	[tilespmem:s15], [sflag:$0x1] =	stream.indirect.gather [hbm4b:s4+s19], $0x80, s12, s19, $0xb8;
	v63 =	vld [tilespmem:$0x0]  }
0xe9: {  	_ =	swait.ge [sflag:s24], $0x2800  }
0xea: {  	s13 =	sld [smem:$0x7F1]  }
0xeb: {  	[sflag:s24] =	ssyncset.done $0x0  }
0xec: {  	[sflag:s24] =	ssyncadd.s32 $0xFFFFD800  }
0xed: {  	[spmem:s2] =	stream.indirect.scatter.add.f32 [tilespmem:s20], [sflag:$0x6], $0x80, s13, s19, $0xb8;
	v63 =	vld [tilespmem:$0x0]  }
0xee: {  	_ =	swait.ge [sflag:s25], $0x2800  }
0xef: {  	s14 =	sld [smem:$0x7F4]  }
0xf0: {  	[sflag:s25] =	ssyncset.done $0x0  }
0xf1: {  	[sflag:s25] =	ssyncadd.s32 $0xFFFFD800  }
0xf2: {  	[tilespmem:s20], [sflag:$0x2] =	stream.indirect.gather [hbm4b:s4+s19], $0x80, s14, s19, $0xb8;
	v63 =	vld [tilespmem:$0x0]  }
0xf3: {  	_ =	swait.ge [sflag:s26], $0x2800  }
0xf4: {  	s12 =	sld [smem:$0x7F5]  }
0xf5: {  	[sflag:s26] =	ssyncset.done $0x0  }
0xf6: {  	[sflag:s26] =	ssyncadd.s32 $0xFFFFD800  }
0xf7: {  	[spmem:s2] =	stream.indirect.scatter.add.f32 [tilespmem:s21], [sflag:$0x7], $0x80, s12, s19, $0xb8;
	v63 =	vld [tilespmem:$0x0]  }
0xf8: {  	_ =	swait.ge [sflag:s28], $0x2800  }
0xf9: {  	s13 =	sld [smem:$0x7F6]  }
0xfa: {  	[sflag:s28] =	ssyncset.done $0x0  }
0xfb: {  	[sflag:s28] =	ssyncadd.s32 $0xFFFFD800  }
0xfc: {  	[tilespmem:s21], [sflag:$0x3] =	stream.indirect.gather [hbm4b:s4+s19], $0x80, s13, s19, $0xb8;
	v63 =	vld [tilespmem:$0x0]  }
0xfd: {  	_ =	swait.ge [sflag:s29], $0x2800  }
0xfe: {  	s14 =	sld [smem:$0x7F7]  }
0xff: {  	[sflag:s29] =	ssyncset.done $0x0  }
0x100: {  	[sflag:s29] =	ssyncadd.s32 $0xFFFFD800  }
0x101: {  	[spmem:s2] =	stream.indirect.scatter.add.f32 [tilespmem:s22], [sflag:$0x8], $0x80, s14, s19, $0xb8;
	v63 =	vld [tilespmem:$0x0]  }
0x102: {  	_ =	swait.ge [sflag:s30], $0x2800  }
0x103: {  	s12 =	sld [smem:$0x7F8]  }
0x104: {  	[sflag:s30] =	ssyncset.done $0x0  }
0x105: {  	[sflag:s30] =	ssyncadd.s32 $0xFFFFD800  }
0x106: {  	[tilespmem:s22], [sflag:$0x4] =	stream.indirect.gather [hbm4b:s4+s19], $0x80, s12, s19, $0xb8;
	v63 =	vld [tilespmem:$0x0]  }
0x107: {  	_ =	swait.ge [sflag:s16], $0x2800  }
0x108: {  	s13 =	sld [smem:$0x7F9]  }
0x109: {  	[sflag:s16] =	ssyncset.done $0x0  }
0x10a: {  	[sflag:s16] =	ssyncadd.s32 $0xFFFFD800  }
0x10b: {  	[spmem:s2] =	stream.indirect.scatter.add.f32 [tilespmem:s15], [sflag:$0x5], $0x80, s13, s19, $0xb8;
	v63 =	vld [tilespmem:$0x0]  }
0x10c: {  	_ =	swait.ge [sflag:s23], $0x2800  }
0x10d: {  	s14 =	sld [smem:$0x7FA]  }
0x10e: {  	[sflag:s23] =	ssyncset.done $0x0  }
0x10f: {  	[sflag:s23] =	ssyncadd.s32 $0xFFFFD800  }
0x110: {  	[tilespmem:s15], [sflag:$0x1] =	stream.indirect.gather [hbm4b:s4+s19], $0x80, s14, s19, $0xb8;
	v63 =	vld [tilespmem:$0x0]  }
0x111: {  	_ =	swait.ge [sflag:s24], $0x2800  }
0x112: {  	s12 =	sld [smem:$0x7FB]  }
0x113: {  	[sflag:s24] =	ssyncset.done $0x0  }
0x114: {  	[sflag:s24] =	ssyncadd.s32 $0xFFFFD800  }
0x115: {  	[spmem:s2] =	stream.indirect.scatter.add.f32 [tilespmem:s20], [sflag:$0x6], $0x80, s12, s19, $0xb8;
	v63 =	vld [tilespmem:$0x0]  }
0x116: {  	_ =	swait.ge [sflag:s25], $0x2800  }
0x117: {  	s13 =	sld [smem:$0x7FC]  }
0x118: {  	[sflag:s25] =	ssyncset.done $0x0  }
0x119: {  	[sflag:s25] =	ssyncadd.s32 $0xFFFFD800  }
0x11a: {  	[tilespmem:s20], [sflag:$0x2] =	stream.indirect.gather [hbm4b:s4+s19], $0x80, s13, s19, $0xb8;
	v63 =	vld [tilespmem:$0x0]  }
0x11b: {  	_ =	swait.ge [sflag:s26], $0x2800  }
0x11c: {  	s14 =	sld [smem:$0x7FD]  }
0x11d: {  	[sflag:s26] =	ssyncset.done $0x0  }
0x11e: {  	[sflag:s26] =	ssyncadd.s32 $0xFFFFD800  }
0x11f: {  	[spmem:s2] =	stream.indirect.scatter.add.f32 [tilespmem:s21], [sflag:$0x7], $0x80, s14, s19, $0xb8;
	v63 =	vld [tilespmem:$0x0]  }
0x120: {  	_ =	swait.ge [sflag:s28], $0x2800  }
0x121: {  	[sflag:s28] =	ssyncset.done $0x0  }
0x122: {  	[sflag:s28] =	ssyncadd.s32 $0xFFFFD800  }
0x123: {  	[tilespmem:s21], [sflag:$0x3] =	stream.indirect.gather [hbm4b:s4+s19], $0x80, s31, s19, $0xb8;
	v63 =	vld [tilespmem:$0x0]  }
0x124: {  	_ =	swait.ge [sflag:s29], $0x2800  }
0x125: {  	[sflag:s29] =	ssyncset.done $0x0  }
0x126: {  	[sflag:s29] =	ssyncadd.s32 $0xFFFFD800  }
0x127: {  	[spmem:s2] =	stream.indirect.scatter.add.f32 [tilespmem:s22], [sflag:$0x8], $0x80, s1, s19, $0xb8;
	v63 =	vld [tilespmem:$0x0]  }
0x128: {  	_ =	swait.ge [sflag:s30], $0x2800  }
0x129: {  	[sflag:s30] =	ssyncset.done $0x0  }
0x12a: {  	[sflag:s30] =	ssyncadd.s32 $0xFFFFD800  }
0x12b: {  	[tilespmem:s22], [sflag:$0x4] =	stream.indirect.gather [hbm4b:s4+s19], $0x80, s0, s19, $0xb8;
	v63 =	vld [tilespmem:$0x0]  }
0x12c: {  	_ =	swait.ge [sflag:s16], $0x2800  }
0x12d: {  	[sflag:s16] =	ssyncset.done $0x0  }
0x12e: {  	[sflag:s16] =	ssyncadd.s32 $0xFFFFD800  }
0x12f: {  	[spmem:s2] =	stream.indirect.scatter.add.f32 [tilespmem:s15], [sflag:$0x5], $0x80, s5, s19, $0xb8;
	v63 =	vld [tilespmem:$0x0]  }
0x130: {  	_ =	swait.ge [sflag:s23], $0x2800  }
0x131: {  	[sflag:s23] =	ssyncset.done $0x0  }
0x132: {  	[sflag:s23] =	ssyncadd.s32 $0xFFFFD800  }
0x133: {  	[tilespmem:s15], [sflag:$0x1] =	stream.indirect.gather [hbm4b:s4+s19], $0x80, s7, s19, $0xb8;
	v63 =	vld [tilespmem:$0x0]  }
0x134: {  	_ =	swait.ge [sflag:s24], $0x2800  }
0x135: {  	[sflag:s24] =	ssyncset.done $0x0  }
0x136: {  	[sflag:s24] =	ssyncadd.s32 $0xFFFFD800  }
0x137: {  	[spmem:s2] =	stream.indirect.scatter.add.f32 [tilespmem:s20], [sflag:$0x6], $0x80, s8, s19, $0xb8;
	v63 =	vld [tilespmem:$0x0]  }
0x138: {  	_ =	swait.ge [sflag:s26], $0x2800  }
0x139: {  	[sflag:s26] =	ssyncset.done $0x0  }
0x13a: {  	[sflag:s26] =	ssyncadd.s32 $0xFFFFD800  }
0x13b: {  	[spmem:s2] =	stream.indirect.scatter.add.f32 [tilespmem:s21], [sflag:$0x7], $0x80, s9, s19, $0xb8;
	v63 =	vld [tilespmem:$0x0]  }
0x13c: {  	_ =	swait.ge [sflag:s29], $0x2800  }
0x13d: {  	[sflag:s29] =	ssyncset.done $0x0  }
0x13e: {  	[sflag:s29] =	ssyncadd.s32 $0xFFFFD800  }
0x13f: {  	[spmem:s2] =	stream.indirect.scatter.add.f32 [tilespmem:s22], [sflag:$0x8], $0x80, s10, s19, $0xb8;
	v63 =	vld [tilespmem:$0x0]  }
0x140: {  	_ =	swait.ge [sflag:s16], $0x2800  }
0x141: {  	[sflag:s16] =	ssyncset.done $0x0  }
0x142: {  	[sflag:s16] =	ssyncadd.s32 $0xFFFFD800  }
0x143: {  	[spmem:s2] =	stream.indirect.scatter.add.f32 [tilespmem:s15], [sflag:$0x5], $0x80, s11, s19, $0xb8;
	v63 =	vld [tilespmem:$0x0]  }
0x144: {  	_ =	swait.ge [sflag:s25], $0x2800  }
0x145: {  	[sflag:s25] =	ssyncset.done $0x0  }
0x146: {  	[sflag:s25] =	ssyncadd.s32 $0xFFFFD800  }
0x147: {  	_ =	swait.ge [sflag:s28], $0x2800  }
0x148: {  	[sflag:s28] =	ssyncset.done $0x0  }
0x149: {  	[sflag:s28] =	ssyncadd.s32 $0xFFFFD800  }
0x14a: {  	_ =	swait.ge [sflag:s30], $0x2800  }
0x14b: {  	[sflag:s30] =	ssyncset.done $0x0  }
0x14c: {  	[sflag:s30] =	ssyncadd.s32 $0xFFFFD800  }
0x14d: {  	s13 =	simm.s32 $0x200;
	_ =	swait.ge [sflag:s23], $0x2800  }
0x14e: {  	s14 =	simm.s32 $0x400;
	s6 =	rddreg [dreg:$0x4];
	[sflag:s23] =	ssyncset.done $0x0  }
.LBB2_4:
0x14f: {  	[sflag:s23] =	ssyncadd.s32 $0xFFFFD800;
	s6 =	sadd.s32 s13, s6  }
0x150: {  	[tilespmem:s3], [sflag:$0x9] =	stream.linear.gather [hbm4b:s6+s3], $0xC80, $0x38;
	v63 =	vld [tilespmem:$0x0]  }
0x151: {  	_ =	swait.ge [sflag:s17], $0xC80  }
0x152: {  	s6 =	rddreg [dreg:$0x3];
	[sflag:s17] =	ssyncset.done $0x0  }
0x153: {  	[sflag:s17] =	ssyncadd.s32 $0xFFFFF380;
	s6 =	sadd.s32 s13, s6  }
0x154: {  	[tilespmem:s18], [sflag:$0x9] =	stream.linear.gather [hbm4b:s6+s3], $0xC80, $0x38;
	v63 =	vld [tilespmem:$0x0]  }
0x155: {  	_ =	swait.ge [sflag:s17], $0xC80  }
0x156: {  	[sflag:s17] =	ssyncset.done $0x0  }
0x157: {  	[sflag:s17] =	ssyncadd.s32 $0xFFFFF380  }
0x158: {  	[tilespmem:s15], [sflag:$0x1] =	stream.indirect.gather [hbm4b:s4+s19], $0x80, s3, s19, $0xb8;
	v63 =	vld [tilespmem:$0x0]  }
0x159: {  	s12 =	smov.u32 s14;
	s6 =	rddreg [dreg:$0x5]  }
0x15a: {  	[tilespmem:s20], [sflag:$0x2] =	stream.indirect.gather [hbm4b:s4+s19], $0x80, s6, s19, $0xb8;
	v63 =	vld [tilespmem:$0x0]  }
0x15b: {  	s13 =	smov.u32 s12;
	s12 =	rddreg [dreg:$0x6]  }
0x15c: {  	[tilespmem:s21], [sflag:$0x3] =	stream.indirect.gather [hbm4b:s4+s19], $0x80, s12, s19, $0xb8;
	v63 =	vld [tilespmem:$0x0]  }
0x15d: {  	s6 =	rddreg [dreg:$0x7]  }
0x15e: {  	[tilespmem:s22], [sflag:$0x4] =	stream.indirect.gather [hbm4b:s4+s19], $0x80, s6, s19, $0xb8;
	v63 =	vld [tilespmem:$0x0]  }
0x15f: {  	_ =	swait.ge [sflag:s16], $0x2800  }
0x160: {  	[sflag:s16] =	ssyncset.done $0x0  }
0x161: {  	[sflag:s16] =	ssyncadd.s32 $0xFFFFD800  }
0x162: {  	[spmem:s2] =	stream.indirect.scatter.add.f32 [tilespmem:s15], [sflag:$0x5], $0x80, s18, s19, $0xb8;
	v63 =	vld [tilespmem:$0x0]  }
0x163: {  	_ =	swait.ge [sflag:s23], $0x2800  }
0x164: {  	[sflag:s23] =	ssyncset.done $0x0  }
0x165: {  	s12 =	rddreg [dreg:$0x8];
	[sflag:s23] =	ssyncadd.s32 $0xFFFFD800  }
0x166: {  	[tilespmem:s15], [sflag:$0x1] =	stream.indirect.gather [hbm4b:s4+s19], $0x80, s12, s19, $0xb8;
	v63 =	vld [tilespmem:$0x0]  }
0x167: {  	_ =	swait.ge [sflag:s24], $0x2800  }
0x168: {  	[sflag:s24] =	ssyncset.done $0x0  }
0x169: {  	s12 =	rddreg [dreg:$0x9];
	[sflag:s24] =	ssyncadd.s32 $0xFFFFD800  }
0x16a: {  	[spmem:s2] =	stream.indirect.scatter.add.f32 [tilespmem:s20], [sflag:$0x6], $0x80, s12, s19, $0xb8;
	v63 =	vld [tilespmem:$0x0]  }
0x16b: {  	_ =	swait.ge [sflag:s25], $0x2800  }
0x16c: {  	[sflag:s25] =	ssyncset.done $0x0  }
0x16d: {  	s12 =	rddreg [dreg:$0xa];
	[sflag:s25] =	ssyncadd.s32 $0xFFFFD800  }
0x16e: {  	[tilespmem:s20], [sflag:$0x2] =	stream.indirect.gather [hbm4b:s4+s19], $0x80, s12, s19, $0xb8;
	v63 =	vld [tilespmem:$0x0]  }
0x16f: {  	_ =	swait.ge [sflag:s26], $0x2800  }
0x170: {  	[sflag:s26] =	ssyncset.done $0x0  }
0x171: {  	s12 =	rddreg [dreg:$0xb];
	[sflag:s26] =	ssyncadd.s32 $0xFFFFD800  }
0x172: {  	[spmem:s2] =	stream.indirect.scatter.add.f32 [tilespmem:s21], [sflag:$0x7], $0x80, s12, s19, $0xb8;
	v63 =	vld [tilespmem:$0x0]  }
0x173: {  	_ =	swait.ge [sflag:s28], $0x2800  }
0x174: {  	[sflag:s28] =	ssyncset.done $0x0  }
0x175: {  	s12 =	rddreg [dreg:$0xc];
	[sflag:s28] =	ssyncadd.s32 $0xFFFFD800  }
0x176: {  	[tilespmem:s21], [sflag:$0x3] =	stream.indirect.gather [hbm4b:s4+s19], $0x80, s12, s19, $0xb8;
	v63 =	vld [tilespmem:$0x0]  }
0x177: {  	_ =	swait.ge [sflag:s29], $0x2800  }
0x178: {  	[sflag:s29] =	ssyncset.done $0x0  }
0x179: {  	s12 =	rddreg [dreg:$0xd];
	[sflag:s29] =	ssyncadd.s32 $0xFFFFD800  }
0x17a: {  	[spmem:s2] =	stream.indirect.scatter.add.f32 [tilespmem:s22], [sflag:$0x8], $0x80, s12, s19, $0xb8;
	v63 =	vld [tilespmem:$0x0]  }
0x17b: {  	_ =	swait.ge [sflag:s30], $0x2800  }
0x17c: {  	[sflag:s30] =	ssyncset.done $0x0  }
0x17d: {  	s12 =	rddreg [dreg:$0xe];
	[sflag:s30] =	ssyncadd.s32 $0xFFFFD800  }
0x17e: {  	[tilespmem:s22], [sflag:$0x4] =	stream.indirect.gather [hbm4b:s4+s19], $0x80, s12, s19, $0xb8;
	v63 =	vld [tilespmem:$0x0]  }
0x17f: {  	_ =	swait.ge [sflag:s16], $0x2800  }
0x180: {  	[sflag:s16] =	ssyncset.done $0x0  }
0x181: {  	s12 =	rddreg [dreg:$0xf];
	[sflag:s16] =	ssyncadd.s32 $0xFFFFD800  }
0x182: {  	[spmem:s2] =	stream.indirect.scatter.add.f32 [tilespmem:s15], [sflag:$0x5], $0x80, s12, s19, $0xb8;
	v63 =	vld [tilespmem:$0x0]  }
0x183: {  	_ =	swait.ge [sflag:s23], $0x2800  }
0x184: {  	[sflag:s23] =	ssyncset.done $0x0  }
0x185: {  	s12 =	rddreg [dreg:$0x10];
	[sflag:s23] =	ssyncadd.s32 $0xFFFFD800  }
0x186: {  	[tilespmem:s15], [sflag:$0x1] =	stream.indirect.gather [hbm4b:s4+s19], $0x80, s12, s19, $0xb8;
	v63 =	vld [tilespmem:$0x0]  }
0x187: {  	_ =	swait.ge [sflag:s24], $0x2800  }
0x188: {  	[sflag:s24] =	ssyncset.done $0x0  }
0x189: {  	s12 =	rddreg [dreg:$0x11];
	[sflag:s24] =	ssyncadd.s32 $0xFFFFD800  }
0x18a: {  	[spmem:s2] =	stream.indirect.scatter.add.f32 [tilespmem:s20], [sflag:$0x6], $0x80, s12, s19, $0xb8;
	v63 =	vld [tilespmem:$0x0]  }
0x18b: {  	_ =	swait.ge [sflag:s25], $0x2800  }
0x18c: {  	[sflag:s25] =	ssyncset.done $0x0  }
0x18d: {  	s12 =	rddreg [dreg:$0x12];
	[sflag:s25] =	ssyncadd.s32 $0xFFFFD800  }
0x18e: {  	[tilespmem:s20], [sflag:$0x2] =	stream.indirect.gather [hbm4b:s4+s19], $0x80, s12, s19, $0xb8;
	v63 =	vld [tilespmem:$0x0]  }
0x18f: {  	_ =	swait.ge [sflag:s26], $0x2800  }
0x190: {  	[sflag:s26] =	ssyncset.done $0x0  }
0x191: {  	s12 =	rddreg [dreg:$0x13];
	[sflag:s26] =	ssyncadd.s32 $0xFFFFD800  }
0x192: {  	[spmem:s2] =	stream.indirect.scatter.add.f32 [tilespmem:s21], [sflag:$0x7], $0x80, s12, s19, $0xb8;
	v63 =	vld [tilespmem:$0x0]  }
0x193: {  	_ =	swait.ge [sflag:s28], $0x2800  }
0x194: {  	[sflag:s28] =	ssyncset.done $0x0  }
0x195: {  	s12 =	rddreg [dreg:$0x14];
	[sflag:s28] =	ssyncadd.s32 $0xFFFFD800  }
0x196: {  	[tilespmem:s21], [sflag:$0x3] =	stream.indirect.gather [hbm4b:s4+s19], $0x80, s12, s19, $0xb8;
	v63 =	vld [tilespmem:$0x0]  }
0x197: {  	_ =	swait.ge [sflag:s29], $0x2800  }
0x198: {  	[sflag:s29] =	ssyncset.done $0x0  }
0x199: {  	s12 =	rddreg [dreg:$0x15];
	[sflag:s29] =	ssyncadd.s32 $0xFFFFD800  }
0x19a: {  	[spmem:s2] =	stream.indirect.scatter.add.f32 [tilespmem:s22], [sflag:$0x8], $0x80, s12, s19, $0xb8;
	v63 =	vld [tilespmem:$0x0]  }
0x19b: {  	_ =	swait.ge [sflag:s30], $0x2800  }
0x19c: {  	[sflag:s30] =	ssyncset.done $0x0  }
0x19d: {  	s12 =	rddreg [dreg:$0x16];
	[sflag:s30] =	ssyncadd.s32 $0xFFFFD800  }
0x19e: {  	[tilespmem:s22], [sflag:$0x4] =	stream.indirect.gather [hbm4b:s4+s19], $0x80, s12, s19, $0xb8;
	v63 =	vld [tilespmem:$0x0]  }
0x19f: {  	_ =	swait.ge [sflag:s16], $0x2800  }
0x1a0: {  	[sflag:s16] =	ssyncset.done $0x0  }
0x1a1: {  	s12 =	rddreg [dreg:$0x17];
	[sflag:s16] =	ssyncadd.s32 $0xFFFFD800  }
0x1a2: {  	[spmem:s2] =	stream.indirect.scatter.add.f32 [tilespmem:s15], [sflag:$0x5], $0x80, s12, s19, $0xb8;
	v63 =	vld [tilespmem:$0x0]  }
0x1a3: {  	_ =	swait.ge [sflag:s23], $0x2800  }
0x1a4: {  	[sflag:s23] =	ssyncset.done $0x0  }
0x1a5: {  	s12 =	rddreg [dreg:$0x18];
	[sflag:s23] =	ssyncadd.s32 $0xFFFFD800  }
0x1a6: {  	[tilespmem:s15], [sflag:$0x1] =	stream.indirect.gather [hbm4b:s4+s19], $0x80, s12, s19, $0xb8;
	v63 =	vld [tilespmem:$0x0]  }
0x1a7: {  	_ =	swait.ge [sflag:s24], $0x2800  }
0x1a8: {  	[sflag:s24] =	ssyncset.done $0x0  }
0x1a9: {  	s12 =	rddreg [dreg:$0x19];
	[sflag:s24] =	ssyncadd.s32 $0xFFFFD800  }
0x1aa: {  	[spmem:s2] =	stream.indirect.scatter.add.f32 [tilespmem:s20], [sflag:$0x6], $0x80, s12, s19, $0xb8;
	v63 =	vld [tilespmem:$0x0]  }
0x1ab: {  	_ =	swait.ge [sflag:s25], $0x2800  }
0x1ac: {  	[sflag:s25] =	ssyncset.done $0x0  }
0x1ad: {  	s12 =	rddreg [dreg:$0x1a];
	[sflag:s25] =	ssyncadd.s32 $0xFFFFD800  }
0x1ae: {  	[tilespmem:s20], [sflag:$0x2] =	stream.indirect.gather [hbm4b:s4+s19], $0x80, s12, s19, $0xb8;
	v63 =	vld [tilespmem:$0x0]  }
0x1af: {  	_ =	swait.ge [sflag:s26], $0x2800  }
0x1b0: {  	[sflag:s26] =	ssyncset.done $0x0  }
0x1b1: {  	s12 =	rddreg [dreg:$0x1b];
	[sflag:s26] =	ssyncadd.s32 $0xFFFFD800  }
0x1b2: {  	[spmem:s2] =	stream.indirect.scatter.add.f32 [tilespmem:s21], [sflag:$0x7], $0x80, s12, s19, $0xb8;
	v63 =	vld [tilespmem:$0x0]  }
0x1b3: {  	_ =	swait.ge [sflag:s28], $0x2800  }
0x1b4: {  	[sflag:s28] =	ssyncset.done $0x0  }
0x1b5: {  	s12 =	rddreg [dreg:$0x1c];
	[sflag:s28] =	ssyncadd.s32 $0xFFFFD800  }
0x1b6: {  	[tilespmem:s21], [sflag:$0x3] =	stream.indirect.gather [hbm4b:s4+s19], $0x80, s12, s19, $0xb8;
	v63 =	vld [tilespmem:$0x0]  }
0x1b7: {  	_ =	swait.ge [sflag:s29], $0x2800  }
0x1b8: {  	[sflag:s29] =	ssyncset.done $0x0  }
0x1b9: {  	s12 =	rddreg [dreg:$0x1d];
	[sflag:s29] =	ssyncadd.s32 $0xFFFFD800  }
0x1ba: {  	[spmem:s2] =	stream.indirect.scatter.add.f32 [tilespmem:s22], [sflag:$0x8], $0x80, s12, s19, $0xb8;
	v63 =	vld [tilespmem:$0x0]  }
0x1bb: {  	_ =	swait.ge [sflag:s30], $0x2800  }
0x1bc: {  	[sflag:s30] =	ssyncset.done $0x0  }
0x1bd: {  	s12 =	rddreg [dreg:$0x1e];
	[sflag:s30] =	ssyncadd.s32 $0xFFFFD800  }
0x1be: {  	[tilespmem:s22], [sflag:$0x4] =	stream.indirect.gather [hbm4b:s4+s19], $0x80, s12, s19, $0xb8;
	v63 =	vld [tilespmem:$0x0]  }
0x1bf: {  	_ =	swait.ge [sflag:s16], $0x2800  }
0x1c0: {  	[sflag:s16] =	ssyncset.done $0x0  }
0x1c1: {  	s12 =	rddreg [dreg:$0x1f];
	[sflag:s16] =	ssyncadd.s32 $0xFFFFD800  }
0x1c2: {  	[spmem:s2] =	stream.indirect.scatter.add.f32 [tilespmem:s15], [sflag:$0x5], $0x80, s12, s19, $0xb8;
	v63 =	vld [tilespmem:$0x0]  }
0x1c3: {  	_ =	swait.ge [sflag:s23], $0x2800  }
0x1c4: {  	s12 =	sld [smem:$0x7EF]  }
0x1c5: {  	[sflag:s23] =	ssyncset.done $0x0  }
0x1c6: {  	[sflag:s23] =	ssyncadd.s32 $0xFFFFD800  }
0x1c7: {  	[tilespmem:s15], [sflag:$0x1] =	stream.indirect.gather [hbm4b:s4+s19], $0x80, s12, s19, $0xb8;
	v63 =	vld [tilespmem:$0x0]  }
0x1c8: {  	_ =	swait.ge [sflag:s24], $0x2800  }
0x1c9: {  	s12 =	sld [smem:$0x7F1]  }
0x1ca: {  	[sflag:s24] =	ssyncset.done $0x0  }
0x1cb: {  	[sflag:s24] =	ssyncadd.s32 $0xFFFFD800  }
0x1cc: {  	[spmem:s2] =	stream.indirect.scatter.add.f32 [tilespmem:s20], [sflag:$0x6], $0x80, s12, s19, $0xb8;
	v63 =	vld [tilespmem:$0x0]  }
0x1cd: {  	_ =	swait.ge [sflag:s25], $0x2800  }
0x1ce: {  	s12 =	sld [smem:$0x7F4]  }
0x1cf: {  	[sflag:s25] =	ssyncset.done $0x0  }
0x1d0: {  	[sflag:s25] =	ssyncadd.s32 $0xFFFFD800  }
0x1d1: {  	[tilespmem:s20], [sflag:$0x2] =	stream.indirect.gather [hbm4b:s4+s19], $0x80, s12, s19, $0xb8;
	v63 =	vld [tilespmem:$0x0]  }
0x1d2: {  	_ =	swait.ge [sflag:s26], $0x2800  }
0x1d3: {  	s12 =	sld [smem:$0x7F5]  }
0x1d4: {  	[sflag:s26] =	ssyncset.done $0x0  }
0x1d5: {  	[sflag:s26] =	ssyncadd.s32 $0xFFFFD800  }
0x1d6: {  	[spmem:s2] =	stream.indirect.scatter.add.f32 [tilespmem:s21], [sflag:$0x7], $0x80, s12, s19, $0xb8;
	v63 =	vld [tilespmem:$0x0]  }
0x1d7: {  	_ =	swait.ge [sflag:s28], $0x2800  }
0x1d8: {  	s12 =	sld [smem:$0x7F6]  }
0x1d9: {  	[sflag:s28] =	ssyncset.done $0x0  }
0x1da: {  	[sflag:s28] =	ssyncadd.s32 $0xFFFFD800  }
0x1db: {  	[tilespmem:s21], [sflag:$0x3] =	stream.indirect.gather [hbm4b:s4+s19], $0x80, s12, s19, $0xb8;
	v63 =	vld [tilespmem:$0x0]  }
0x1dc: {  	_ =	swait.ge [sflag:s29], $0x2800  }
0x1dd: {  	s12 =	sld [smem:$0x7F7]  }
0x1de: {  	[sflag:s29] =	ssyncset.done $0x0  }
0x1df: {  	[sflag:s29] =	ssyncadd.s32 $0xFFFFD800  }
0x1e0: {  	[spmem:s2] =	stream.indirect.scatter.add.f32 [tilespmem:s22], [sflag:$0x8], $0x80, s12, s19, $0xb8;
	v63 =	vld [tilespmem:$0x0]  }
0x1e1: {  	_ =	swait.ge [sflag:s30], $0x2800  }
0x1e2: {  	s12 =	sld [smem:$0x7F8]  }
0x1e3: {  	[sflag:s30] =	ssyncset.done $0x0  }
0x1e4: {  	[sflag:s30] =	ssyncadd.s32 $0xFFFFD800  }
0x1e5: {  	[tilespmem:s22], [sflag:$0x4] =	stream.indirect.gather [hbm4b:s4+s19], $0x80, s12, s19, $0xb8;
	v63 =	vld [tilespmem:$0x0]  }
0x1e6: {  	_ =	swait.ge [sflag:s16], $0x2800  }
0x1e7: {  	s12 =	sld [smem:$0x7F9]  }
0x1e8: {  	[sflag:s16] =	ssyncset.done $0x0  }
0x1e9: {  	[sflag:s16] =	ssyncadd.s32 $0xFFFFD800  }
0x1ea: {  	[spmem:s2] =	stream.indirect.scatter.add.f32 [tilespmem:s15], [sflag:$0x5], $0x80, s12, s19, $0xb8;
	v63 =	vld [tilespmem:$0x0]  }
0x1eb: {  	_ =	swait.ge [sflag:s23], $0x2800  }
0x1ec: {  	s12 =	sld [smem:$0x7FA]  }
0x1ed: {  	[sflag:s23] =	ssyncset.done $0x0  }
0x1ee: {  	[sflag:s23] =	ssyncadd.s32 $0xFFFFD800  }
0x1ef: {  	[tilespmem:s15], [sflag:$0x1] =	stream.indirect.gather [hbm4b:s4+s19], $0x80, s12, s19, $0xb8;
	v63 =	vld [tilespmem:$0x0]  }
0x1f0: {  	_ =	swait.ge [sflag:s24], $0x2800  }
0x1f1: {  	s12 =	sld [smem:$0x7FB]  }
0x1f2: {  	[sflag:s24] =	ssyncset.done $0x0  }
0x1f3: {  	[sflag:s24] =	ssyncadd.s32 $0xFFFFD800  }
0x1f4: {  	[spmem:s2] =	stream.indirect.scatter.add.f32 [tilespmem:s20], [sflag:$0x6], $0x80, s12, s19, $0xb8;
	v63 =	vld [tilespmem:$0x0]  }
0x1f5: {  	_ =	swait.ge [sflag:s25], $0x2800  }
0x1f6: {  	s12 =	sld [smem:$0x7FC]  }
0x1f7: {  	[sflag:s25] =	ssyncset.done $0x0  }
0x1f8: {  	[sflag:s25] =	ssyncadd.s32 $0xFFFFD800  }
0x1f9: {  	[tilespmem:s20], [sflag:$0x2] =	stream.indirect.gather [hbm4b:s4+s19], $0x80, s12, s19, $0xb8;
	v63 =	vld [tilespmem:$0x0]  }
0x1fa: {  	_ =	swait.ge [sflag:s26], $0x2800  }
0x1fb: {  	s12 =	sld [smem:$0x7FD]  }
0x1fc: {  	[sflag:s26] =	ssyncset.done $0x0  }
0x1fd: {  	[sflag:s26] =	ssyncadd.s32 $0xFFFFD800  }
0x1fe: {  	[spmem:s2] =	stream.indirect.scatter.add.f32 [tilespmem:s21], [sflag:$0x7], $0x80, s12, s19, $0xb8;
	v63 =	vld [tilespmem:$0x0]  }
0x1ff: {  	_ =	swait.ge [sflag:s28], $0x2800  }
0x200: {  	[sflag:s28] =	ssyncset.done $0x0  }
0x201: {  	[sflag:s28] =	ssyncadd.s32 $0xFFFFD800  }
0x202: {  	[tilespmem:s21], [sflag:$0x3] =	stream.indirect.gather [hbm4b:s4+s19], $0x80, s31, s19, $0xb8;
	v63 =	vld [tilespmem:$0x0]  }
0x203: {  	_ =	swait.ge [sflag:s29], $0x2800  }
0x204: {  	[sflag:s29] =	ssyncset.done $0x0  }
0x205: {  	[sflag:s29] =	ssyncadd.s32 $0xFFFFD800  }
0x206: {  	[spmem:s2] =	stream.indirect.scatter.add.f32 [tilespmem:s22], [sflag:$0x8], $0x80, s1, s19, $0xb8;
	v63 =	vld [tilespmem:$0x0]  }
0x207: {  	_ =	swait.ge [sflag:s30], $0x2800  }
0x208: {  	[sflag:s30] =	ssyncset.done $0x0  }
0x209: {  	[sflag:s30] =	ssyncadd.s32 $0xFFFFD800  }
0x20a: {  	[tilespmem:s22], [sflag:$0x4] =	stream.indirect.gather [hbm4b:s4+s19], $0x80, s0, s19, $0xb8;
	v63 =	vld [tilespmem:$0x0]  }
0x20b: {  	_ =	swait.ge [sflag:s16], $0x2800  }
0x20c: {  	[sflag:s16] =	ssyncset.done $0x0  }
0x20d: {  	[sflag:s16] =	ssyncadd.s32 $0xFFFFD800  }
0x20e: {  	[spmem:s2] =	stream.indirect.scatter.add.f32 [tilespmem:s15], [sflag:$0x5], $0x80, s5, s19, $0xb8;
	v63 =	vld [tilespmem:$0x0]  }
0x20f: {  	_ =	swait.ge [sflag:s23], $0x2800  }
0x210: {  	[sflag:s23] =	ssyncset.done $0x0  }
0x211: {  	[sflag:s23] =	ssyncadd.s32 $0xFFFFD800  }
0x212: {  	[tilespmem:s15], [sflag:$0x1] =	stream.indirect.gather [hbm4b:s4+s19], $0x80, s7, s19, $0xb8;
	v63 =	vld [tilespmem:$0x0]  }
0x213: {  	_ =	swait.ge [sflag:s24], $0x2800  }
0x214: {  	[sflag:s24] =	ssyncset.done $0x0  }
0x215: {  	[sflag:s24] =	ssyncadd.s32 $0xFFFFD800  }
0x216: {  	[spmem:s2] =	stream.indirect.scatter.add.f32 [tilespmem:s20], [sflag:$0x6], $0x80, s8, s19, $0xb8;
	v63 =	vld [tilespmem:$0x0]  }
0x217: {  	_ =	swait.ge [sflag:s26], $0x2800  }
0x218: {  	[sflag:s26] =	ssyncset.done $0x0  }
0x219: {  	[sflag:s26] =	ssyncadd.s32 $0xFFFFD800  }
0x21a: {  	[spmem:s2] =	stream.indirect.scatter.add.f32 [tilespmem:s21], [sflag:$0x7], $0x80, s9, s19, $0xb8;
	v63 =	vld [tilespmem:$0x0]  }
0x21b: {  	_ =	swait.ge [sflag:s29], $0x2800  }
0x21c: {  	[sflag:s29] =	ssyncset.done $0x0  }
0x21d: {  	[sflag:s29] =	ssyncadd.s32 $0xFFFFD800  }
0x21e: {  	[spmem:s2] =	stream.indirect.scatter.add.f32 [tilespmem:s22], [sflag:$0x8], $0x80, s10, s19, $0xb8;
	v63 =	vld [tilespmem:$0x0]  }
0x21f: {  	_ =	swait.ge [sflag:s16], $0x2800  }
0x220: {  	[sflag:s16] =	ssyncset.done $0x0  }
0x221: {  	[sflag:s16] =	ssyncadd.s32 $0xFFFFD800  }
0x222: {  	[spmem:s2] =	stream.indirect.scatter.add.f32 [tilespmem:s15], [sflag:$0x5], $0x80, s11, s19, $0xb8;
	v63 =	vld [tilespmem:$0x0]  }
0x223: {  	_ =	swait.ge [sflag:s25], $0x2800  }
0x224: {  	[sflag:s25] =	ssyncset.done $0x0  }
0x225: {  	[sflag:s25] =	ssyncadd.s32 $0xFFFFD800  }
0x226: {  	_ =	swait.ge [sflag:s28], $0x2800  }
0x227: {  	[sflag:s28] =	ssyncset.done $0x0  }
0x228: {  	p0 =	sne.s32 s14, $0x800;
	[sflag:s28] =	ssyncadd.s32 $0xFFFFD800  }
.Ltmp1:
0x229: {  	_ =	swait.ge [sflag:s30], $0x2800;
	(pc) =	sbr.rel @p0 .LBB2_4-.Ltmp1, $4  }
0x22a: {  	[sflag:s30] =	ssyncset.done $0x0  }
0x22b: {  	[sflag:s30] =	ssyncadd.s32 $0xFFFFD800  }
0x22c: {  	_ =	swait.ge [sflag:s23], $0x2800  }
0x22d: {  	s14 =	sadd.s32 $0x200, s14;
	s6 =	rddreg [dreg:$0x4];
	[sflag:s23] =	ssyncset.done $0x0  }
0x22e: {  	[sflag:s23] =	ssyncadd.s32 $0xFFFFD800;
	s6 =	sadd.s32 s13, s6  }
0x22f: {  	[tilespmem:s3], [sflag:$0x9] =	stream.linear.gather [hbm4b:s6+s3], $0xC80, $0x38;
	v63 =	vld [tilespmem:$0x0]  }
0x230: {  	_ =	swait.ge [sflag:s17], $0xC80  }
0x231: {  	s12 =	rddreg [dreg:$0x3];
	[sflag:s17] =	ssyncset.done $0x0  }
0x232: {  	[sflag:s17] =	ssyncadd.s32 $0xFFFFF380;
	s6 =	sadd.s32 s13, s12  }
0x233: {  	[tilespmem:s18], [sflag:$0x9] =	stream.linear.gather [hbm4b:s6+s3], $0xC80, $0x38;
	v63 =	vld [tilespmem:$0x0]  }
0x234: {  	_ =	swait.ge [sflag:s17], $0xC80  }
0x235: {  	[sflag:s17] =	ssyncset.done $0x0  }
0x236: {  	[sflag:s17] =	ssyncadd.s32 $0xFFFFF380  }
0x237: {  	[tilespmem:s15], [sflag:$0x1] =	stream.indirect.gather [hbm4b:s4+s19], $0x80, s3, s19, $0xb8;
	v63 =	vld [tilespmem:$0x0]  }
0x238: {  	s13 =	rddreg [dreg:$0x5]  }
0x239: {  	[tilespmem:s20], [sflag:$0x2] =	stream.indirect.gather [hbm4b:s4+s19], $0x80, s13, s19, $0xb8;
	v63 =	vld [tilespmem:$0x0]  }
0x23a: {  	s12 =	rddreg [dreg:$0x6]  }
0x23b: {  	[tilespmem:s21], [sflag:$0x3] =	stream.indirect.gather [hbm4b:s4+s19], $0x80, s12, s19, $0xb8;
	v63 =	vld [tilespmem:$0x0]  }
0x23c: {  	s14 =	rddreg [dreg:$0x7]  }
0x23d: {  	[tilespmem:s22], [sflag:$0x4] =	stream.indirect.gather [hbm4b:s4+s19], $0x80, s14, s19, $0xb8;
	v63 =	vld [tilespmem:$0x0]  }
0x23e: {  	_ =	swait.ge [sflag:s16], $0x2800  }
0x23f: {  	[sflag:s16] =	ssyncset.done $0x0  }
0x240: {  	[sflag:s16] =	ssyncadd.s32 $0xFFFFD800  }
0x241: {  	[spmem:s2] =	stream.indirect.scatter.add.f32 [tilespmem:s15], [sflag:$0x5], $0x80, s18, s19, $0xb8;
	v63 =	vld [tilespmem:$0x0]  }
0x242: {  	_ =	swait.ge [sflag:s23], $0x2800  }
0x243: {  	[sflag:s23] =	ssyncset.done $0x0  }
0x244: {  	s12 =	rddreg [dreg:$0x8];
	[sflag:s23] =	ssyncadd.s32 $0xFFFFD800  }
0x245: {  	[tilespmem:s15], [sflag:$0x1] =	stream.indirect.gather [hbm4b:s4+s19], $0x80, s12, s19, $0xb8;
	v63 =	vld [tilespmem:$0x0]  }
0x246: {  	_ =	swait.ge [sflag:s24], $0x2800  }
0x247: {  	[sflag:s24] =	ssyncset.done $0x0  }
0x248: {  	s13 =	rddreg [dreg:$0x9];
	[sflag:s24] =	ssyncadd.s32 $0xFFFFD800  }
0x249: {  	[spmem:s2] =	stream.indirect.scatter.add.f32 [tilespmem:s20], [sflag:$0x6], $0x80, s13, s19, $0xb8;
	v63 =	vld [tilespmem:$0x0]  }
0x24a: {  	_ =	swait.ge [sflag:s25], $0x2800  }
0x24b: {  	[sflag:s25] =	ssyncset.done $0x0  }
0x24c: {  	s14 =	rddreg [dreg:$0xa];
	[sflag:s25] =	ssyncadd.s32 $0xFFFFD800  }
0x24d: {  	[tilespmem:s20], [sflag:$0x2] =	stream.indirect.gather [hbm4b:s4+s19], $0x80, s14, s19, $0xb8;
	v63 =	vld [tilespmem:$0x0]  }
0x24e: {  	_ =	swait.ge [sflag:s26], $0x2800  }
0x24f: {  	[sflag:s26] =	ssyncset.done $0x0  }
0x250: {  	s12 =	rddreg [dreg:$0xb];
	[sflag:s26] =	ssyncadd.s32 $0xFFFFD800  }
0x251: {  	[spmem:s2] =	stream.indirect.scatter.add.f32 [tilespmem:s21], [sflag:$0x7], $0x80, s12, s19, $0xb8;
	v63 =	vld [tilespmem:$0x0]  }
0x252: {  	_ =	swait.ge [sflag:s28], $0x2800  }
0x253: {  	[sflag:s28] =	ssyncset.done $0x0  }
0x254: {  	s13 =	rddreg [dreg:$0xc];
	[sflag:s28] =	ssyncadd.s32 $0xFFFFD800  }
0x255: {  	[tilespmem:s21], [sflag:$0x3] =	stream.indirect.gather [hbm4b:s4+s19], $0x80, s13, s19, $0xb8;
	v63 =	vld [tilespmem:$0x0]  }
0x256: {  	_ =	swait.ge [sflag:s29], $0x2800  }
0x257: {  	[sflag:s29] =	ssyncset.done $0x0  }
0x258: {  	s14 =	rddreg [dreg:$0xd];
	[sflag:s29] =	ssyncadd.s32 $0xFFFFD800  }
0x259: {  	[spmem:s2] =	stream.indirect.scatter.add.f32 [tilespmem:s22], [sflag:$0x8], $0x80, s14, s19, $0xb8;
	v63 =	vld [tilespmem:$0x0]  }
0x25a: {  	_ =	swait.ge [sflag:s30], $0x2800  }
0x25b: {  	[sflag:s30] =	ssyncset.done $0x0  }
0x25c: {  	s12 =	rddreg [dreg:$0xe];
	[sflag:s30] =	ssyncadd.s32 $0xFFFFD800  }
0x25d: {  	[tilespmem:s22], [sflag:$0x4] =	stream.indirect.gather [hbm4b:s4+s19], $0x80, s12, s19, $0xb8;
	v63 =	vld [tilespmem:$0x0]  }
0x25e: {  	_ =	swait.ge [sflag:s16], $0x2800  }
0x25f: {  	[sflag:s16] =	ssyncset.done $0x0  }
0x260: {  	s13 =	rddreg [dreg:$0xf];
	[sflag:s16] =	ssyncadd.s32 $0xFFFFD800  }
0x261: {  	[spmem:s2] =	stream.indirect.scatter.add.f32 [tilespmem:s15], [sflag:$0x5], $0x80, s13, s19, $0xb8;
	v63 =	vld [tilespmem:$0x0]  }
0x262: {  	_ =	swait.ge [sflag:s23], $0x2800  }
0x263: {  	[sflag:s23] =	ssyncset.done $0x0  }
0x264: {  	s14 =	rddreg [dreg:$0x10];
	[sflag:s23] =	ssyncadd.s32 $0xFFFFD800  }
0x265: {  	[tilespmem:s15], [sflag:$0x1] =	stream.indirect.gather [hbm4b:s4+s19], $0x80, s14, s19, $0xb8;
	v63 =	vld [tilespmem:$0x0]  }
0x266: {  	_ =	swait.ge [sflag:s24], $0x2800  }
0x267: {  	[sflag:s24] =	ssyncset.done $0x0  }
0x268: {  	s12 =	rddreg [dreg:$0x11];
	[sflag:s24] =	ssyncadd.s32 $0xFFFFD800  }
0x269: {  	[spmem:s2] =	stream.indirect.scatter.add.f32 [tilespmem:s20], [sflag:$0x6], $0x80, s12, s19, $0xb8;
	v63 =	vld [tilespmem:$0x0]  }
0x26a: {  	_ =	swait.ge [sflag:s25], $0x2800  }
0x26b: {  	[sflag:s25] =	ssyncset.done $0x0  }
0x26c: {  	s13 =	rddreg [dreg:$0x12];
	[sflag:s25] =	ssyncadd.s32 $0xFFFFD800  }
0x26d: {  	[tilespmem:s20], [sflag:$0x2] =	stream.indirect.gather [hbm4b:s4+s19], $0x80, s13, s19, $0xb8;
	v63 =	vld [tilespmem:$0x0]  }
0x26e: {  	_ =	swait.ge [sflag:s26], $0x2800  }
0x26f: {  	[sflag:s26] =	ssyncset.done $0x0  }
0x270: {  	s14 =	rddreg [dreg:$0x13];
	[sflag:s26] =	ssyncadd.s32 $0xFFFFD800  }
0x271: {  	[spmem:s2] =	stream.indirect.scatter.add.f32 [tilespmem:s21], [sflag:$0x7], $0x80, s14, s19, $0xb8;
	v63 =	vld [tilespmem:$0x0]  }
0x272: {  	_ =	swait.ge [sflag:s28], $0x2800  }
0x273: {  	[sflag:s28] =	ssyncset.done $0x0  }
0x274: {  	s12 =	rddreg [dreg:$0x14];
	[sflag:s28] =	ssyncadd.s32 $0xFFFFD800  }
0x275: {  	[tilespmem:s21], [sflag:$0x3] =	stream.indirect.gather [hbm4b:s4+s19], $0x80, s12, s19, $0xb8;
	v63 =	vld [tilespmem:$0x0]  }
0x276: {  	_ =	swait.ge [sflag:s29], $0x2800  }
0x277: {  	[sflag:s29] =	ssyncset.done $0x0  }
0x278: {  	s13 =	rddreg [dreg:$0x15];
	[sflag:s29] =	ssyncadd.s32 $0xFFFFD800  }
0x279: {  	[spmem:s2] =	stream.indirect.scatter.add.f32 [tilespmem:s22], [sflag:$0x8], $0x80, s13, s19, $0xb8;
	v63 =	vld [tilespmem:$0x0]  }
0x27a: {  	_ =	swait.ge [sflag:s30], $0x2800  }
0x27b: {  	[sflag:s30] =	ssyncset.done $0x0  }
0x27c: {  	s14 =	rddreg [dreg:$0x16];
	[sflag:s30] =	ssyncadd.s32 $0xFFFFD800  }
0x27d: {  	[tilespmem:s22], [sflag:$0x4] =	stream.indirect.gather [hbm4b:s4+s19], $0x80, s14, s19, $0xb8;
	v63 =	vld [tilespmem:$0x0]  }
0x27e: {  	_ =	swait.ge [sflag:s16], $0x2800  }
0x27f: {  	[sflag:s16] =	ssyncset.done $0x0  }
0x280: {  	s12 =	rddreg [dreg:$0x17];
	[sflag:s16] =	ssyncadd.s32 $0xFFFFD800  }
0x281: {  	[spmem:s2] =	stream.indirect.scatter.add.f32 [tilespmem:s15], [sflag:$0x5], $0x80, s12, s19, $0xb8;
	v63 =	vld [tilespmem:$0x0]  }
0x282: {  	_ =	swait.ge [sflag:s23], $0x2800  }
0x283: {  	[sflag:s23] =	ssyncset.done $0x0  }
0x284: {  	s13 =	rddreg [dreg:$0x18];
	[sflag:s23] =	ssyncadd.s32 $0xFFFFD800  }
0x285: {  	[tilespmem:s15], [sflag:$0x1] =	stream.indirect.gather [hbm4b:s4+s19], $0x80, s13, s19, $0xb8;
	v63 =	vld [tilespmem:$0x0]  }
0x286: {  	_ =	swait.ge [sflag:s24], $0x2800  }
0x287: {  	[sflag:s24] =	ssyncset.done $0x0  }
0x288: {  	s14 =	rddreg [dreg:$0x19];
	[sflag:s24] =	ssyncadd.s32 $0xFFFFD800  }
0x289: {  	[spmem:s2] =	stream.indirect.scatter.add.f32 [tilespmem:s20], [sflag:$0x6], $0x80, s14, s19, $0xb8;
	v63 =	vld [tilespmem:$0x0]  }
0x28a: {  	_ =	swait.ge [sflag:s25], $0x2800  }
0x28b: {  	[sflag:s25] =	ssyncset.done $0x0  }
0x28c: {  	s12 =	rddreg [dreg:$0x1a];
	[sflag:s25] =	ssyncadd.s32 $0xFFFFD800  }
0x28d: {  	[tilespmem:s20], [sflag:$0x2] =	stream.indirect.gather [hbm4b:s4+s19], $0x80, s12, s19, $0xb8;
	v63 =	vld [tilespmem:$0x0]  }
0x28e: {  	_ =	swait.ge [sflag:s26], $0x2800  }
0x28f: {  	[sflag:s26] =	ssyncset.done $0x0  }
0x290: {  	s13 =	rddreg [dreg:$0x1b];
	[sflag:s26] =	ssyncadd.s32 $0xFFFFD800  }
0x291: {  	[spmem:s2] =	stream.indirect.scatter.add.f32 [tilespmem:s21], [sflag:$0x7], $0x80, s13, s19, $0xb8;
	v63 =	vld [tilespmem:$0x0]  }
0x292: {  	_ =	swait.ge [sflag:s28], $0x2800  }
0x293: {  	[sflag:s28] =	ssyncset.done $0x0  }
0x294: {  	s14 =	rddreg [dreg:$0x1c];
	[sflag:s28] =	ssyncadd.s32 $0xFFFFD800  }
0x295: {  	[tilespmem:s21], [sflag:$0x3] =	stream.indirect.gather [hbm4b:s4+s19], $0x80, s14, s19, $0xb8;
	v63 =	vld [tilespmem:$0x0]  }
0x296: {  	_ =	swait.ge [sflag:s29], $0x2800  }
0x297: {  	[sflag:s29] =	ssyncset.done $0x0  }
0x298: {  	s12 =	rddreg [dreg:$0x1d];
	[sflag:s29] =	ssyncadd.s32 $0xFFFFD800  }
0x299: {  	[spmem:s2] =	stream.indirect.scatter.add.f32 [tilespmem:s22], [sflag:$0x8], $0x80, s12, s19, $0xb8;
	v63 =	vld [tilespmem:$0x0]  }
0x29a: {  	_ =	swait.ge [sflag:s30], $0x2800  }
0x29b: {  	[sflag:s30] =	ssyncset.done $0x0  }
0x29c: {  	s13 =	rddreg [dreg:$0x1e];
	[sflag:s30] =	ssyncadd.s32 $0xFFFFD800  }
0x29d: {  	[tilespmem:s22], [sflag:$0x4] =	stream.indirect.gather [hbm4b:s4+s19], $0x80, s13, s19, $0xb8;
	v63 =	vld [tilespmem:$0x0]  }
0x29e: {  	_ =	swait.ge [sflag:s16], $0x2800  }
0x29f: {  	[sflag:s16] =	ssyncset.done $0x0  }
0x2a0: {  	s14 =	rddreg [dreg:$0x1f];
	[sflag:s16] =	ssyncadd.s32 $0xFFFFD800  }
0x2a1: {  	[spmem:s2] =	stream.indirect.scatter.add.f32 [tilespmem:s15], [sflag:$0x5], $0x80, s14, s19, $0xb8;
	v63 =	vld [tilespmem:$0x0]  }
0x2a2: {  	_ =	swait.ge [sflag:s23], $0x2800  }
0x2a3: {  	s12 =	sld [smem:$0x7EF]  }
0x2a4: {  	[sflag:s23] =	ssyncset.done $0x0  }
0x2a5: {  	[sflag:s23] =	ssyncadd.s32 $0xFFFFD800  }
0x2a6: {  	[tilespmem:s15], [sflag:$0x1] =	stream.indirect.gather [hbm4b:s4+s19], $0x80, s12, s19, $0xb8;
	v63 =	vld [tilespmem:$0x0]  }
0x2a7: {  	_ =	swait.ge [sflag:s24], $0x2800  }
0x2a8: {  	s13 =	sld [smem:$0x7F1]  }
0x2a9: {  	[sflag:s24] =	ssyncset.done $0x0  }
0x2aa: {  	[sflag:s24] =	ssyncadd.s32 $0xFFFFD800  }
0x2ab: {  	[spmem:s2] =	stream.indirect.scatter.add.f32 [tilespmem:s20], [sflag:$0x6], $0x80, s13, s19, $0xb8;
	v63 =	vld [tilespmem:$0x0]  }
0x2ac: {  	_ =	swait.ge [sflag:s25], $0x2800  }
0x2ad: {  	s14 =	sld [smem:$0x7F4]  }
0x2ae: {  	[sflag:s25] =	ssyncset.done $0x0  }
0x2af: {  	[sflag:s25] =	ssyncadd.s32 $0xFFFFD800  }
0x2b0: {  	[tilespmem:s20], [sflag:$0x2] =	stream.indirect.gather [hbm4b:s4+s19], $0x80, s14, s19, $0xb8;
	v63 =	vld [tilespmem:$0x0]  }
0x2b1: {  	_ =	swait.ge [sflag:s26], $0x2800  }
0x2b2: {  	s12 =	sld [smem:$0x7F5]  }
0x2b3: {  	[sflag:s26] =	ssyncset.done $0x0  }
0x2b4: {  	[sflag:s26] =	ssyncadd.s32 $0xFFFFD800  }
0x2b5: {  	[spmem:s2] =	stream.indirect.scatter.add.f32 [tilespmem:s21], [sflag:$0x7], $0x80, s12, s19, $0xb8;
	v63 =	vld [tilespmem:$0x0]  }
0x2b6: {  	_ =	swait.ge [sflag:s28], $0x2800  }
0x2b7: {  	s13 =	sld [smem:$0x7F6]  }
0x2b8: {  	[sflag:s28] =	ssyncset.done $0x0  }
0x2b9: {  	[sflag:s28] =	ssyncadd.s32 $0xFFFFD800  }
0x2ba: {  	[tilespmem:s21], [sflag:$0x3] =	stream.indirect.gather [hbm4b:s4+s19], $0x80, s13, s19, $0xb8;
	v63 =	vld [tilespmem:$0x0]  }
0x2bb: {  	_ =	swait.ge [sflag:s29], $0x2800  }
0x2bc: {  	s14 =	sld [smem:$0x7F7]  }
0x2bd: {  	[sflag:s29] =	ssyncset.done $0x0  }
0x2be: {  	[sflag:s29] =	ssyncadd.s32 $0xFFFFD800  }
0x2bf: {  	[spmem:s2] =	stream.indirect.scatter.add.f32 [tilespmem:s22], [sflag:$0x8], $0x80, s14, s19, $0xb8;
	v63 =	vld [tilespmem:$0x0]  }
0x2c0: {  	_ =	swait.ge [sflag:s30], $0x2800  }
0x2c1: {  	s12 =	sld [smem:$0x7F8]  }
0x2c2: {  	[sflag:s30] =	ssyncset.done $0x0  }
0x2c3: {  	[sflag:s30] =	ssyncadd.s32 $0xFFFFD800  }
0x2c4: {  	[tilespmem:s22], [sflag:$0x4] =	stream.indirect.gather [hbm4b:s4+s19], $0x80, s12, s19, $0xb8;
	v63 =	vld [tilespmem:$0x0]  }
0x2c5: {  	_ =	swait.ge [sflag:s16], $0x2800  }
0x2c6: {  	s13 =	sld [smem:$0x7F9]  }
0x2c7: {  	[sflag:s16] =	ssyncset.done $0x0  }
0x2c8: {  	[sflag:s16] =	ssyncadd.s32 $0xFFFFD800  }
0x2c9: {  	[spmem:s2] =	stream.indirect.scatter.add.f32 [tilespmem:s15], [sflag:$0x5], $0x80, s13, s19, $0xb8;
	v63 =	vld [tilespmem:$0x0]  }
0x2ca: {  	_ =	swait.ge [sflag:s23], $0x2800  }
0x2cb: {  	s14 =	sld [smem:$0x7FA]  }
0x2cc: {  	[sflag:s23] =	ssyncset.done $0x0  }
0x2cd: {  	[sflag:s23] =	ssyncadd.s32 $0xFFFFD800  }
0x2ce: {  	[tilespmem:s15], [sflag:$0x1] =	stream.indirect.gather [hbm4b:s4+s19], $0x80, s14, s19, $0xb8;
	v63 =	vld [tilespmem:$0x0]  }
0x2cf: {  	_ =	swait.ge [sflag:s24], $0x2800  }
0x2d0: {  	s12 =	sld [smem:$0x7FB]  }
0x2d1: {  	[sflag:s24] =	ssyncset.done $0x0  }
0x2d2: {  	[sflag:s24] =	ssyncadd.s32 $0xFFFFD800  }
0x2d3: {  	[spmem:s2] =	stream.indirect.scatter.add.f32 [tilespmem:s20], [sflag:$0x6], $0x80, s12, s19, $0xb8;
	v63 =	vld [tilespmem:$0x0]  }
0x2d4: {  	_ =	swait.ge [sflag:s25], $0x2800  }
0x2d5: {  	s13 =	sld [smem:$0x7FC]  }
0x2d6: {  	[sflag:s25] =	ssyncset.done $0x0  }
0x2d7: {  	[sflag:s25] =	ssyncadd.s32 $0xFFFFD800  }
0x2d8: {  	[tilespmem:s20], [sflag:$0x2] =	stream.indirect.gather [hbm4b:s4+s19], $0x80, s13, s19, $0xb8;
	v63 =	vld [tilespmem:$0x0]  }
0x2d9: {  	_ =	swait.ge [sflag:s26], $0x2800  }
0x2da: {  	s14 =	sld [smem:$0x7FD]  }
0x2db: {  	[sflag:s26] =	ssyncset.done $0x0  }
0x2dc: {  	[sflag:s26] =	ssyncadd.s32 $0xFFFFD800  }
0x2dd: {  	[spmem:s2] =	stream.indirect.scatter.add.f32 [tilespmem:s21], [sflag:$0x7], $0x80, s14, s19, $0xb8;
	v63 =	vld [tilespmem:$0x0]  }
0x2de: {  	_ =	swait.ge [sflag:s28], $0x2800  }
0x2df: {  	[sflag:s28] =	ssyncset.done $0x0  }
0x2e0: {  	[sflag:s28] =	ssyncadd.s32 $0xFFFFD800  }
0x2e1: {  	[tilespmem:s21], [sflag:$0x3] =	stream.indirect.gather [hbm4b:s4+s19], $0x80, s31, s19, $0xb8;
	v63 =	vld [tilespmem:$0x0]  }
0x2e2: {  	_ =	swait.ge [sflag:s29], $0x2800  }
0x2e3: {  	[sflag:s29] =	ssyncset.done $0x0  }
0x2e4: {  	[sflag:s29] =	ssyncadd.s32 $0xFFFFD800  }
0x2e5: {  	[spmem:s2] =	stream.indirect.scatter.add.f32 [tilespmem:s22], [sflag:$0x8], $0x80, s1, s19, $0xb8;
	v63 =	vld [tilespmem:$0x0]  }
0x2e6: {  	_ =	swait.ge [sflag:s30], $0x2800  }
0x2e7: {  	[sflag:s30] =	ssyncset.done $0x0  }
0x2e8: {  	[sflag:s30] =	ssyncadd.s32 $0xFFFFD800  }
0x2e9: {  	[tilespmem:s22], [sflag:$0x4] =	stream.indirect.gather [hbm4b:s4+s19], $0x80, s0, s19, $0xb8;
	v63 =	vld [tilespmem:$0x0]  }
0x2ea: {  	_ =	swait.ge [sflag:s16], $0x2800  }
0x2eb: {  	[sflag:s16] =	ssyncset.done $0x0  }
0x2ec: {  	[sflag:s16] =	ssyncadd.s32 $0xFFFFD800  }
0x2ed: {  	[spmem:s2] =	stream.indirect.scatter.add.f32 [tilespmem:s15], [sflag:$0x5], $0x80, s5, s19, $0xb8;
	v63 =	vld [tilespmem:$0x0]  }
0x2ee: {  	_ =	swait.ge [sflag:s23], $0x2800  }
0x2ef: {  	[sflag:s23] =	ssyncset.done $0x0  }
0x2f0: {  	[sflag:s23] =	ssyncadd.s32 $0xFFFFD800  }
0x2f1: {  	[tilespmem:s15], [sflag:$0x1] =	stream.indirect.gather [hbm4b:s4+s19], $0x80, s7, s19, $0xb8;
	v63 =	vld [tilespmem:$0x0]  }
0x2f2: {  	_ =	swait.ge [sflag:s24], $0x2800  }
0x2f3: {  	[sflag:s24] =	ssyncset.done $0x0  }
0x2f4: {  	[sflag:s24] =	ssyncadd.s32 $0xFFFFD800  }
0x2f5: {  	[spmem:s2] =	stream.indirect.scatter.add.f32 [tilespmem:s20], [sflag:$0x6], $0x80, s8, s19, $0xb8;
	v63 =	vld [tilespmem:$0x0]  }
0x2f6: {  	_ =	swait.ge [sflag:s26], $0x2800  }
0x2f7: {  	[sflag:s26] =	ssyncset.done $0x0  }
0x2f8: {  	[sflag:s26] =	ssyncadd.s32 $0xFFFFD800  }
0x2f9: {  	[spmem:s2] =	stream.indirect.scatter.add.f32 [tilespmem:s21], [sflag:$0x7], $0x80, s9, s19, $0xb8;
	v63 =	vld [tilespmem:$0x0]  }
0x2fa: {  	_ =	swait.ge [sflag:s29], $0x2800  }
0x2fb: {  	[sflag:s29] =	ssyncset.done $0x0  }
0x2fc: {  	[sflag:s29] =	ssyncadd.s32 $0xFFFFD800  }
0x2fd: {  	[spmem:s2] =	stream.indirect.scatter.add.f32 [tilespmem:s22], [sflag:$0x8], $0x80, s10, s19, $0xb8;
	v63 =	vld [tilespmem:$0x0]  }
0x2fe: {  	_ =	swait.ge [sflag:s16], $0x2800  }
0x2ff: {  	[sflag:s16] =	ssyncset.done $0x0  }
0x300: {  	[sflag:s16] =	ssyncadd.s32 $0xFFFFD800  }
0x301: {  	[spmem:s2] =	stream.indirect.scatter.add.f32 [tilespmem:s15], [sflag:$0x5], $0x80, s11, s19, $0xb8;
	v63 =	vld [tilespmem:$0x0]  }
0x302: {  	_ =	swait.ge [sflag:s25], $0x2800  }
0x303: {  	[sflag:s25] =	ssyncset.done $0x0  }
0x304: {  	[sflag:s25] =	ssyncadd.s32 $0xFFFFD800  }
0x305: {  	_ =	swait.ge [sflag:s28], $0x2800  }
0x306: {  	[sflag:s28] =	ssyncset.done $0x0  }
0x307: {  	[sflag:s28] =	ssyncadd.s32 $0xFFFFD800  }
0x308: {  	_ =	swait.ge [sflag:s30], $0x2800  }
0x309: {  	[sflag:s30] =	ssyncset.done $0x0  }
0x30a: {  	[sflag:s30] =	ssyncadd.s32 $0xFFFFD800  }
0x30b: {  	_ =	swait.ge [sflag:s23], $0x2800  }
0x30c: {  	[sflag:s23] =	ssyncset.done $0x0  }
0x30d: {  	[sflag:s23] =	ssyncadd.s32 $0xFFFFD800  }
0x30e: {  	[bflag:$0x0] =	sbarrier.arrive $0xFFFF  }
0x30f: {  	s13 =	sld [smem:$0x7F2]  }
0x310: {  	s12 =	stileid.u32;
	s14 =	sld [smem:$0x7E8]  }
0x311: {  	s6 =	sshll.u32 s12, $0x6  }
0x312: {  	s6 =	sor.u32 $0x1C09, s6;
	s12 =	sshrl.u32 s13, $0x3  }
0x313: {  	[hbm:s14], [sflag:s6] =	dma.local [spmem:s12], $0x2800  }
0x314: {  	_ =	swait.ge [sflag:s17], $0x2800  }
0x315: {  	s13 =	sld [smem:$0x7E7]  }
0x316: {  	s14 =	sld [smem:$0x7E9];
	_ =	sdelay $0x1  }
0x317: {  	s12 =	sadd.s32 $0x1, s13  }
0x318: {  	p0 =	sne.s32 s12, s14  }
.Ltmp2:
0x319: {  	_ = 	snop;
	(pc) =	sbr.rel @p0 .LBB2_1-.Ltmp2, $3  }
0x31a: {  	_ =	sdelay $0x1  }
0x31b: {  	[sflag:s17] =	ssyncset.done $0x0  }
0x31c: {  	[sflag:s17] =	ssyncadd.s32 $0xFFFFD800  }
0x31d: {  	_ =	sfence.sel $0x180000  }
0x31e: {  	[bflag:$0x0] =	sbarrier.arrive $0xFFFF  }
0x31f: {  	_ =	strace $0x9000004D  }
0x320: {  	s0 =	stileid.u32;
	[bflag:$0x2] =	sbarrier.arrive $0xFFFF  }
0x321: {  	p0 =	sne.s32 s0, $0x0;
	s0 =	rddreg [dreg:$0x2]  }
0x322: {  	s0 =	sadd.s32 @!p0 $0x100000, s0  }
0x323: {  	[sflag:s0] =	ssyncadd.tile.s32 @!p0 $0x1;
	_ =	shalt  }
.Lfunc_end2:
_tile_overlayer_lowered:
.L_overlay_start_2:
0x324: {  	(tag) =	ssettag $0x2  }
0x325: {  	s0 =	rddreg [dreg:$0x0];
	s2 =	stileid.u32  }
0x326: {  	s1 =	rddreg [dreg:$0x1];
	p0 =	sne.s32 s2, $0x0  }
0x327: {  	s3 =	rddreg [dreg:$0x2];
	[bflag:$0x3] =	sbarrier.arrive $0xFFFF;
	s2 =	simm.s32 @!p0 $0x1C09  }
0x328: {  	[timem:s3], [sflag:s2] =	dma.local @!p0 [hbm:s0], s1  }
0x329: {  	s0 =	simm.s32 @!p0 $0x9  }
0x32a: {  	_ =	swait.ge @!p0 [sflag:s0], s1  }
0x32b: {  	s1 =	ssub.s32 @!p0 $0x0, s1;
	[sflag:s0] =	ssyncset.done @!p0 $0x0  }
0x32c: {  	[sflag:s0] =	ssyncadd.s32 @!p0 s1  }
0x32d: {  	[bflag:$0x3] =	sbarrier.arrive $0xFFFF  }
0x32e: {  	_ =	shalt  }

// kernel: kernel.8.cloned.1.call-start
scs
__scs_entry_jumppad:
0x0: {  	(pc) =	sbr.rel $0x88, $3  }
0x1: {  	(tag) =	ssettag $0x0;
	lr =	simm.s32 $0x1  }
0x2: {  	[smem:$0x3F96] =	sst lr;
	_ =	strace $0xD0000000  }
0x3: {  	_ = 	snop  }
0x4: {  	_ = 	snop  }
0x5: {  	_ = 	snop  }
0x6: {  	_ = 	snop  }
0x7: {  	_ = 	snop  }
__scs_overlays_trampoline_lowered:
0x8: {  	[smem:$0x3FA5] =	sst s0  }
0x9: {  	[smem:$0x3FA6] =	sst s1  }
0xa: {  	[smem:$0x3FA7] =	sst s2  }
0xb: {  	[smem:$0x3FA8] =	sst s3  }
0xc: {  	[smem:$0x3FA9] =	sst s4  }
0xd: {  	[smem:$0x3FAA] =	sst s5  }
0xe: {  	[smem:$0x3FAB] =	sst s6  }
0xf: {  	[smem:$0x3FAC] =	sst s7  }
0x10: {  	[smem:$0x3FAD] =	sst s8  }
0x11: {  	[smem:$0x3FAE] =	sst s9;
	s0 =	simm.s32 @!p0 $0x0  }
0x12: {  	s1 =	sld [smem:$0x3F94];
	s0 =	simm.s32 @p0 $0x1  }
0x13: {  	[smem:$0x3FAF] =	sst s0;
	s0 =	simm.s32 @!p1 $0x0  }
0x14: {  	s2 =	sld [smem:$0x3F93];
	s0 =	simm.s32 @p1 $0x1  }
0x15: {  	[smem:$0x3FB0] =	sst s0;
	s0 =	simm.s32 @!p2 $0x0  }
0x16: {  	s3 =	sld [smem:$0x3FDB];
	s0 =	simm.s32 @p2 $0x1  }
0x17: {  	s4 =	simm.s32 $0x1BF5;
	[smem:$0x3FB2] =	sst s0  }
0x18: {  	s0 =	sld [smem:$0x3F95];
	_ =	swait.ge [sflag:s4], $0x0  }
0x19: {  	s7 =	sld [smem:$0x3F96]  }
0x1a: {  	s8 =	sadd.s32 $0xFFFFE003, lr  }
0x1b: {  	s9 =	sadd.s32 $0xFFFFFEF7, lr;
	s5 =	simm.s32 $0xFFFFFFFF;
	p2 =	slt.u32 s8, $0xFFFFF086  }
0x1c: {  	p1 =	slt.u32 s9, $0xF7A;
	s5 =	simm.s32 @!p2 $0x0  }
0x1d: {  	s5 =	simm.s32 @p1 $0x1;
	p0 =	seq.s32 s7, s2  }
0x1e: {  	s7 =	smul.u32 @!p0 $0xF7A, s2;
	p2 =	seq.s32 @!p0 s5, $0x0  }
0x1f: {  	s9 =	smul.u32 $0xF7A, s1;
	s8 =	simm.s32 @!p0 $0x1BF5;
	p2 =	por !p2, p0  }
0x20: {  	[sflag:s8] =	ssyncset.s32 @!p0 $0xFFFFF086;
	s6 =	sadd.s32 @!p0 s3, s7;
	s7 =	simm.s32 @!p0 $0x108  }
0x21: {  	s3 =	sadd.s32 s3, s9;
	s6 =	sadd.s32 @!p0 $0x88, s6;
	s7 =	simm.s32 @p2 $0x1082  }
0x22: {  	[simem:s7], [sflag:s8] =	dma.local @!p0 [hbm:s6], $0xF7A  }
0x23: {  	s9 =	sor.u32 $0xD0000000, s2;
	s6 =	simm.s32 $0x108;
	_ =	swait.ge @!p0 [sflag:s8], $0x0  }
0x24: {  	s3 =	sadd.s32 $0x88, s3;
	s6 =	simm.s32 @!p1 $0x1082;
	[sflag:s4] =	ssyncset.s32 $0xFFFFF086  }
0x25: {  	[simem:s6], [sflag:s4] =	dma.local [hbm:s3], $0xF7A  }
0x26: {  	[smem:$0x3F96] =	sst s1;
	(tag) =	ssettag s2;
	_ =	strace s9  }
0x27: {  	s1 =	sld [smem:$0x3FA6]  }
0x28: {  	s2 =	sld [smem:$0x3FA7]  }
0x29: {  	s4 =	sld [smem:$0x3FA9]  }
0x2a: {  	p0 =	seq.s32 s5, $0x0;
	s5 =	sld [smem:$0x3FAA]  }
0x2b: {  	s6 =	sld [smem:$0x3FAB]  }
0x2c: {  	s7 =	sld [smem:$0x3FAC]  }
0x2d: {  	s3 =	simm.s32 $0x108;
	s8 =	sld [smem:$0x3FAD]  }
0x2e: {  	s3 =	simm.s32 @!p0 $0x1082;
	s9 =	sld [smem:$0x3FAE]  }
0x2f: {  	lr =	sadd.s32 s0, s3;
	s0 =	sld [smem:$0x3FA5]  }
0x30: {  	s3 =	sld [smem:$0x3FA8]  }
0x31: {  	[smem:$0x3FB1] =	sst s10  }
0x32: {  	s10 =	sld [smem:$0x3FAF];
	_ =	sdelay $0x3  }
0x33: {  	p0 =	seq.s32 s10, $0x1;
	s10 =	sld [smem:$0x3FB1];
	_ =	sdelay $0x3  }
0x34: {  	[smem:$0x3FB1] =	sst s10  }
0x35: {  	s10 =	sld [smem:$0x3FB0];
	_ =	sdelay $0x3  }
0x36: {  	p1 =	seq.s32 s10, $0x1;
	s10 =	sld [smem:$0x3FB1];
	_ =	sdelay $0x3  }
0x37: {  	[smem:$0x3FB1] =	sst s10  }
0x38: {  	s10 =	sld [smem:$0x3FB2]  }
0x39: {  	_ = 	snop;
	(pc) =	sbr.ind lr, $3  }
0x3a: {  	_ = 	snop  }
0x3b: {  	_ = 	snop  }
0x3c: {  	p2 =	seq.s32 s10, $0x1;
	s10 =	sld [smem:$0x3FB1]  }
0x3d: {  	_ =	shalt  }
0x3e: {  	_ =	shalt  }
0x3f: {  	_ =	shalt  }
0x40: {  	_ =	shalt  }
0x41: {  	_ =	shalt  }
0x42: {  	_ =	shalt  }
0x43: {  	_ =	shalt  }
0x44: {  	_ =	shalt  }
0x45: {  	_ =	shalt  }
0x46: {  	_ =	shalt  }
0x47: {  	_ =	shalt  }
0x48: {  	_ =	shalt  }
0x49: {  	_ =	shalt  }
0x4a: {  	_ =	shalt  }
0x4b: {  	_ =	shalt  }
0x4c: {  	_ =	shalt  }
0x4d: {  	_ =	shalt  }
0x4e: {  	_ =	shalt  }
0x4f: {  	_ =	shalt  }
0x50: {  	_ =	shalt  }
0x51: {  	_ =	shalt  }
0x52: {  	_ =	shalt  }
0x53: {  	_ =	shalt  }
0x54: {  	_ =	shalt  }
0x55: {  	_ =	shalt  }
0x56: {  	_ =	shalt  }
0x57: {  	_ =	shalt  }
0x58: {  	_ =	shalt  }
0x59: {  	_ =	shalt  }
0x5a: {  	_ =	shalt  }
0x5b: {  	_ =	shalt  }
0x5c: {  	_ =	shalt  }
0x5d: {  	_ =	shalt  }
0x5e: {  	_ =	shalt  }
0x5f: {  	_ =	shalt  }
0x60: {  	_ =	shalt  }
0x61: {  	_ =	shalt  }
0x62: {  	_ =	shalt  }
0x63: {  	_ =	shalt  }
0x64: {  	_ =	shalt  }
0x65: {  	_ =	shalt  }
0x66: {  	_ =	shalt  }
0x67: {  	_ =	shalt  }
0x68: {  	_ =	shalt  }
0x69: {  	_ =	shalt  }
0x6a: {  	_ =	shalt  }
0x6b: {  	_ =	shalt  }
0x6c: {  	_ =	shalt  }
0x6d: {  	_ =	shalt  }
0x6e: {  	_ =	shalt  }
0x6f: {  	_ =	shalt  }
0x70: {  	_ =	shalt  }
0x71: {  	_ =	shalt  }
0x72: {  	_ =	shalt  }
0x73: {  	_ =	shalt  }
0x74: {  	_ =	shalt  }
0x75: {  	_ =	shalt  }
0x76: {  	_ =	shalt  }
0x77: {  	_ =	shalt  }
0x78: {  	_ =	shalt  }
0x79: {  	_ =	shalt  }
0x7a: {  	_ =	shalt  }
0x7b: {  	_ =	shalt  }
0x7c: {  	_ =	shalt  }
0x7d: {  	_ =	shalt  }
0x7e: {  	_ =	shalt  }
0x7f: {  	_ =	shalt  }
0x80: {  	_ =	shalt  }
0x81: {  	_ =	shalt  }
0x82: {  	_ =	shalt  }
0x83: {  	_ =	shalt  }
0x84: {  	_ =	shalt  }
0x85: {  	_ =	shalt  }
0x86: {  	_ =	shalt  }
0x87: {  	_ =	shalt  }
.Lfunc_end0:
.L_simem_size_0:
called_computation_lowered:
.L_overlay_start_0:
0x88: {  	s2 =	sld [smem:$0x3FD9]  }
0x89: {  	s3 =	sld [smem:$0x3FFE];
	_ =	sdelay $0x1  }
0x8a: {  	s1 =	srdreg.scid  }
0x8b: {  	s0 =	sand.u32 $0x1, s1  }
0x8c: {  	s14 =	sshll.u32 s0, $0xA;
	s2 =	sadd.s32 s3, s2  }
0x8d: {  	s2 =	sadd.s32 s2, s14  }
0x8e: {  	[smem:$0x3FBD] =	sst s2  }
0x8f: {  	_ = 	snop  }
0x90: {  	s2 =	sld [smem:$0x3FD0];
	_ =	sdelay $0x2  }
0x91: {  	s15 =	simm.s32 $0xA;
	s4 =	simm.s32 $0x10  }
0x92: {  	[smem:s4], [sflag:s15] =	dma.local [hbm:s2], $0x1  }
0x93: {  	_ =	swait.eq [sflag:s15], $0x1  }
0x94: {  	[sflag:s15] =	ssyncset.done $0x0  }
0x95: {  	[sflag:s15] =	ssyncadd.s32 $0xFFFFFFFF  }
0x96: {  	s16 =	sld [smem:$0x11];
	(tm) =	ssettm $0x1  }
0x97: {  	s17 =	sld [smem:$0x3FFB];
	_ =	sdelay $0x3  }
0x98: {  	_ =	strace s17  }
0x99: {  	s3 =	sld [smem:$0x3FFC];
	_ =	sdelay $0x3  }
0x9a: {  	_ =	strace s3  }
0x9b: {  	s3 =	sld [smem:$0x3FFD];
	_ =	sdelay $0x3  }
0x9c: {  	_ =	strace s3  }
0x9d: {  	_ =	strace $0x8FFFFFFF  }
0x9e: {  	s18 =	sld [smem:$0x3FDB];
	_ =	sdelay $0x1  }
0x9f: {  	s19 =	simm.s32 $_scs_section_size  }
0xa0: {  	s5 =	simm.s32 $_size__tile_overlayer_lowered;
	s6 =	simm.s32 $_tile_overlayer_lowered  }
0xa1: {  	s22 =	simm.s32 $0x1BFF;
	s21 =	sshll.u32 s6, $0x1;
	s3 =	sadd.s32 s19, s18  }
0xa2: {  	s7 =	simm.s32 $0x0;
	s20 =	sshll.u32 s5, $0x1;
	s5 =	sadd.s32 s21, s3  }
0xa3: {  	[timem:s7], [sflag:s22] =	dma.local [hbm:s5], s20  }
0xa4: {  	_ =	swait.ge [sflag:s22], s20  }
0xa5: {  	s4 =	ssub.s32 $0x0, s20;
	[sflag:s22] =	ssyncset.done $0x0  }
0xa6: {  	[sflag:s22] =	ssyncadd.s32 s4;
	_ =	sdelay $0x1  }
0xa7: {  	s23 =	simm.s32 $0x1B8B  }
0xa8: {  	_ =	swait.ge [sflag:s23], $0x1  }
0xa9: {  	[sflag:s23] =	ssyncset.done $0x0  }
0xaa: {  	s25 =	simm.s32 $0x1B8E;
	s24 =	sld [smem:$0x3FFE];
	[sflag:s23] =	ssyncadd.s32 $0xFFFFFFFF  }
0xab: {  	s26 =	simm.s32 $execute0_lowered;
	[smem:$0x3FD2] =	sst s25  }
0xac: {  	s5 =	sshll.u32 s26, $0x1;
	_ =	strace $0x80000046;
	[dreg:$0x1] =	wrdreg $0xFFFFFFFF  }
0xad: {  	s28 =	simm.s32 $_size_execute0_lowered;
	s3 =	sadd.s32 s3, s5;
	[dreg:$0x0] =	wrdreg $0x0  }
0xae: {  	s5 =	sshll.u32 s28, $0x1;
	[dreg:$0x2] =	wrdreg s3  }
0xaf: {  	[dreg:$0x3] =	wrdreg s5  }
0xb0: {  	[dreg:$0x4] =	wrdreg $0xC0  }
0xb1: {  	_ =	task [dreg:s7], $0x5FFFF  }
0xb2: {  	[dreg:$0x1] =	wrdreg $0xFFFFFFFF  }
0xb3: {  	[dreg:$0x0] =	wrdreg $0x60  }
0xb4: {  	[dreg:$0x2] =	wrdreg s24  }
0xb5: {  	[dreg:$0x3] =	wrdreg s16  }
0xb6: {  	[dreg:$0x4] =	wrdreg $0x2B000  }
0xb7: {  	[dreg:$0x5] =	wrdreg $0x9  }
0xb8: {  	_ =	task.clear_ibuf [dreg:s7], $0x6FFFF;
	_ =	strace $0x90000046  }
0xb9: {  	s29 =	simm.s32 $0x9;
	_ =	strace $0x80000048  }
0xba: {  	_ =	swait.ge [sflag:s29], $0x1  }
0xbb: {  	[sflag:s29] =	ssyncadd.s32 $0xFFFFFFFF  }
0xbc: {  	_ =	strace $0x90000048  }
0xbd: {  	_ =	sfence  }
0xbe: {  	s30 =	sld [smem:$0x0];
	_ =	sdelay $0x2  }
0xbf: {  	s31 =	sshll.u32 s1, $0xD;
	s1 =	sshrl.u32 s1, $0x2  }
0xc0: {  	s3 =	sand.u32 $0x4000, s31;
	s1 =	sadd.s32 s1, s30  }
0xc1: {  	s0 =	sor.u32 s3, s0;
	s1 =	sshll.u32 s1, $0x11  }
0xc2: {  	s0 =	sor.u32 s1, s0  }
0xc3: {  	s0 =	sadd.s32 $0x8F2B, s0  }
0xc4: {  	[sflag:s0] =	ssyncadd.remote.s32 $0x1  }
0xc5: {  	_ =	sfence.sel $0xFFFF  }
0xc6: {  	[dreg:$0x0] =	wrdreg $0xFFFFFFFF;
	(pc) =	sbr.abs _section_cstart, $3  }
0xc7: {  	[dreg:$0x1] =	wrdreg $0xFFFFFFFF  }
0xc8: {  	_ =	task.clear_ibuf [dreg:s7], $0x2FFFF;
	_ =	strace $0x9FFFFFFF  }
0xc9: {  	(tm) =	ssettm $0x7FFFFFFF  }
tec
execute0_lowered:
.L_overlay_start_1:
0x0: {  	(tag) =	ssettag $0x1  }
0x1: {  	s5 =	rddreg [dreg:$0x0]  }
0x2: {  	s2 =	rddreg [dreg:$0x1]  }
0x3: {  	s3 =	rddreg [dreg:$0x2]  }
0x4: {  	s0 =	rddreg [dreg:$0x3]  }
0x5: {  	s4 =	srdreg.scid;
	s1 =	stileid.u32  }
0x6: {  	s11 =	simm.s32 $0x2880;
	s12 =	simm.s32 $0x7D;
	s13 =	simm.s32 $0x1  }
0x7: {  	s16 =	simm.s32 $0x0;
	s6 =	sand.u32 $0x1, s4;
	s7 =	smul.u32 $0x280, s1  }
0x8: {  	s8 =	sshll.u32 s1, $0x1;
	s4 =	simm.s32 $0x0;
	s14 =	sshll.u32 s1, $0x6  }
0x9: {  	s9 =	smul.u32 $0x2800, s6;
	s8 =	sor.u32 s6, s8;
	[smem:$0x7FF] =	sst s4  }
0xa: {  	s6 =	ssub.s32 $0x2, s6;
	s14 =	sor.u32 $0x1C02, s14;
	s8 =	smul.u32 $0x2800, s8  }
0xb: {  	_ =	strace $0x80000047;
	s10 =	sshrl.u32 s6, $0x1;
	s9 =	sadd.s32 s7, s9  }
0xc: {  	s10 =	ssub.s32 s6, s10;
	s8 =	sshrl.u32 s8, $0x3;
	s9 =	sshrl.u32 s9, $0x3  }
0xd: {  	s6 =	sadd.s32 s7, s3;
	s8 =	sadd.s32 s5, s8;
	s9 =	sadd.s32 s9, s5  }
0xe: {  	s15 =	sshrl.u32 s6, $0x3;
	s5 =	sadd.s32 $0xD200, s8;
	s7 =	sadd.s32 $0x17200, s9  }
0xf: {  	v0 =	vimm.f32 $0.0e+00;
	s8 =	smax.u32 s10, $0x1;
	s9 =	simm.s32 $0x2;
	s10 =	simm.s32 $0x2800  }
.LBB2_1:
0x10: {  	[tilespmem:s4], [sflag:$0x2] =	stream.linear.gather [hbm4b:s5+s4], $0x2800, $0x38;
	[tilespmem:$0x2D80] =	vst v63  }
0x11: {  	_ =	swait.ge [sflag:s9], $0x2800  }
0x12: {  	[sflag:s9] =	ssyncset.done $0x0  }
0x13: {  	[sflag:s9] =	ssyncadd.s32 $0xFFFFD800  }
0x14: {  	[tilespmem:s10], [sflag:$0x2] =	stream.linear.gather [hbm4b:s2+s4], $0x80, $0x38;
	[tilespmem:$0x2D80] =	vst v63  }
0x15: {  	_ =	swait.ge [sflag:s9], $0x80  }
0x16: {  	[sflag:s9] =	ssyncset.done $0x0  }
0x17: {  	[sflag:s9] =	ssyncadd.s32 $0xFFFFFF80  }
0x18: {  	[tilespmem:$0x2880] =	vst v0  }
0x19: {  	[tilespmem:$0x2890] =	vst v0  }
0x1a: {  	[tilespmem:$0x28A0] =	vst v0  }
0x1b: {  	[tilespmem:$0x28B0] =	vst v0  }
0x1c: {  	[tilespmem:$0x28C0] =	vst v0  }
0x1d: {  	[tilespmem:$0x28D0] =	vst v0  }
0x1e: {  	[tilespmem:$0x28E0] =	vst v0  }
0x1f: {  	[tilespmem:$0x28F0] =	vst v0  }
0x20: {  	[tilespmem:$0x2900] =	vst v0  }
0x21: {  	[tilespmem:$0x2910] =	vst v0  }
0x22: {  	[tilespmem:$0x2920] =	vst v0  }
0x23: {  	[tilespmem:$0x2930] =	vst v0  }
0x24: {  	[tilespmem:$0x2940] =	vst v0  }
0x25: {  	[tilespmem:$0x2950] =	vst v0  }
0x26: {  	[tilespmem:$0x2960] =	vst v0  }
0x27: {  	[tilespmem:$0x2970] =	vst v0  }
0x28: {  	[tilespmem:$0x2980] =	vst v0  }
0x29: {  	[tilespmem:$0x2990] =	vst v0  }
0x2a: {  	[tilespmem:$0x29A0] =	vst v0  }
0x2b: {  	[tilespmem:$0x29B0] =	vst v0  }
0x2c: {  	[tilespmem:$0x29C0] =	vst v0  }
0x2d: {  	[tilespmem:$0x29D0] =	vst v0  }
0x2e: {  	[tilespmem:$0x29E0] =	vst v0  }
0x2f: {  	[tilespmem:$0x29F0] =	vst v0  }
0x30: {  	[tilespmem:$0x2A00] =	vst v0  }
0x31: {  	[tilespmem:$0x2A10] =	vst v0  }
0x32: {  	[tilespmem:$0x2A20] =	vst v0  }
0x33: {  	[tilespmem:$0x2A30] =	vst v0  }
0x34: {  	[tilespmem:$0x2A40] =	vst v0  }
0x35: {  	[tilespmem:$0x2A50] =	vst v0  }
0x36: {  	[tilespmem:$0x2A60] =	vst v0  }
0x37: {  	[tilespmem:$0x2A70] =	vst v0  }
0x38: {  	[tilespmem:$0x2A80] =	vst v0  }
0x39: {  	[tilespmem:$0x2A90] =	vst v0  }
0x3a: {  	[tilespmem:$0x2AA0] =	vst v0  }
0x3b: {  	[tilespmem:$0x2AB0] =	vst v0  }
0x3c: {  	[tilespmem:$0x2AC0] =	vst v0  }
0x3d: {  	[tilespmem:$0x2AD0] =	vst v0  }
0x3e: {  	[tilespmem:$0x2AE0] =	vst v0  }
0x3f: {  	[tilespmem:$0x2AF0] =	vst v0  }
0x40: {  	[spmem:s6] =	stream.linear.scatter [tilespmem:s11], [sflag:$0x2], $0x280, $0x38;
	[tilespmem:$0x2D80] =	vst v63  }
0x41: {  	_ =	swait.ge [sflag:s9], $0x280  }
0x42: {  	[sflag:s9] =	ssyncset.done $0x0  }
0x43: {  	[sflag:s9] =	ssyncadd.s32 $0xFFFFFD80  }
0x44: {  	s17 =	simm.s32 $0x0;
	[bflag:$0x0] =	sbarrier.arrive $0xFFFF  }
.LBB2_2:
0x45: {  	p0 =	sne.s32 s17, $0x9E00  }
.Ltmp0:
0x46: {  	_ = 	snop;
	(pc) =	sbr.rel @p0 .LBB2_2-.Ltmp0, $3  }
0x47: {  	_ =	sdelay $0x1  }
0x48: {  	s18 =	sshra.s32 s17, $0x2;
	s17 =	sadd.s32 $0x200, s17  }
0x49: {  	[spmem:s3] =	stream.indirect.scatter.add.f32 [tilespmem:s10], [sflag:$0x1], $0x1, s18, s12, $0xb8;
	[tilespmem:$0x2D80] =	vst v63  }
0x4a: {  	_ =	swait.ge [sflag:s13], $0x7D  }
0x4b: {  	s17 =	simm.s32 $0x4F;
	[sflag:s13] =	ssyncset.done $0x0  }
.LBB2_4:
0x4c: {  	p0 =	sne.s32 s17, $0x1;
	s17 =	sadd.s32 $0xFFFFFFFF, s17;
	[sflag:s13] =	ssyncadd.s32 $0xFFFFFF83  }
.Ltmp1:
0x4d: {  	(pc) =	sbr.rel @p0 .LBB2_4-.Ltmp1, $3  }
0x4e: {  	_ =	sdelay $0x1  }
0x4f: {  	_ =	swait.ge [sflag:s13], $0x7D  }
0x50: {  	[sflag:s13] =	ssyncset.done $0x0  }
0x51: {  	s16 =	sadd.s32 $0x1, s16  }
0x52: {  	[sflag:s13] =	ssyncadd.s32 $0xFFFFFF83;
	p0 =	sne.s32 s16, s8  }
.Ltmp2:
0x53: {  	[bflag:$0x0] =	sbarrier.arrive $0xFFFF;
	(pc) =	sbr.rel @p0 .LBB2_1-.Ltmp2, $4  }
0x54: {  	[hbm:s7], [sflag:s14] =	dma.local [spmem:s15], $0x50  }
0x55: {  	_ =	swait.ge [sflag:s9], $0x50  }
0x56: {  	[sflag:s9] =	ssyncset.done $0x0  }
0x57: {  	[sflag:s9] =	ssyncadd.s32 $0xFFFFFFB0  }
0x58: {  	_ =	sfence.sel $0x180000  }
0x59: {  	[bflag:$0x0] =	sbarrier.arrive $0xFFFF  }
0x5a: {  	p0 =	sne.s32 s1, $0x0;
	_ =	strace $0x90000047  }
0x5b: {  	s0 =	sadd.s32 @!p0 $0x100000, s0;
	[bflag:$0x2] =	sbarrier.arrive $0xFFFF  }
0x5c: {  	[sflag:s0] =	ssyncadd.tile.s32 @!p0 $0x1;
	_ =	shalt  }
.Lfunc_end2:
_tile_overlayer_lowered:
.L_overlay_start_2:
0x5d: {  	(tag) =	ssettag $0x2  }
0x5e: {  	s0 =	rddreg [dreg:$0x0];
	s2 =	stileid.u32  }
0x5f: {  	s1 =	rddreg [dreg:$0x1];
	p0 =	sne.s32 s2, $0x0  }
0x60: {  	s3 =	rddreg [dreg:$0x2];
	[bflag:$0x3] =	sbarrier.arrive $0xFFFF;
	s2 =	simm.s32 @!p0 $0x1C02  }
0x61: {  	[timem:s3], [sflag:s2] =	dma.local @!p0 [hbm:s0], s1  }
0x62: {  	s0 =	simm.s32 @!p0 $0x2  }
0x63: {  	_ =	swait.ge @!p0 [sflag:s0], s1  }
0x64: {  	s1 =	ssub.s32 @!p0 $0x0, s1;
	[sflag:s0] =	ssyncset.done @!p0 $0x0  }
0x65: {  	[sflag:s0] =	ssyncadd.s32 @!p0 s1  }
0x66: {  	[bflag:$0x3] =	sbarrier.arrive $0xFFFF  }
0x67: {  	_ =	shalt  }

</sc_bundles>
